<compile_context>
chip_gen: v7x
topology: tpu7x:2x2x1
jax: 0.10.2.dev20260603
libtpu: 0.0.44.dev20260713+nightly
codegen_flags: <defaults>
</compile_context>

<pallas_src>
import functools

import jax
import jax.numpy as jnp
from jax import lax
from jax.experimental import pallas as pl
from jax.experimental.pallas import tpu as pltpu
from jax.experimental.pallas import tpu_sc as plsc

D = 64
S = 200
NC = 2
NS = 16
NW = NC * NS
BB = 128
L = 16
PR = 2 * D
PRS = PR


def _body(x_ref, tok_ref, pos_ref, out_ref,
          idx_v, pos_v,
          gbuf0, gbuf1, sbuf0, sbuf1, idxd0, idxd1,
          gsem0, gsem1, ssem0, ssem1):
  w = lax.axis_index("s") * NC + lax.axis_index("c")
  b0 = w * BB

  pltpu.sync_copy(x_ref.at[:, pl.ds(b0, BB)], idx_v)
  pltpu.sync_copy(pos_ref, pos_v)

  gbufs = (gbuf0, gbuf1)
  sbufs = (sbuf0, sbuf1)
  idxds = (idxd0, idxd1)
  gsems = (gsem0, gsem1)
  ssems = (ssem0, ssem1)

  rows = [lax.iota(jnp.int32, L) + bc * L for bc in range(BB // L)]

  def build_idx(s, idxd):
    for j in range(BB // L):
      t = idx_v[s, pl.ds(j * L, L)]
      idxd[pl.ds(j * L, L)] = lax.shift_left(
          lax.shift_right_logical(t, 8), 7) | (t & 127)

  def step(s, gb, sb, idxd, gsem, ssem):
    pltpu.make_async_copy(tok_ref.at[idxd], gb.at[:, pl.ds(0, PR)], gsem).wait()

    hvs = [lax.shift_left(
               lax.shift_right_logical(idx_v[s, pl.ds(j * L, L)], 7) & 1, 6)
           for j in range(BB // L)]

    @pl.when(s >= 2)
    def _():
      pltpu.make_async_copy(
          sb, out_ref.at[0, :, pl.ds(b0, BB)], ssem).wait()

    sD = s * D

    @plsc.parallel_loop(0, D, unroll=16)
    def _(d):
      pd = plsc.load_gather(pos_v, [jnp.broadcast_to(sD + d, (L,))])
      for bc in range(BB // L):
        val = plsc.load_gather(gb, [rows[bc], hvs[bc] + d])
        sb[d, pl.ds(bc * L, L)] = val + pd

    pltpu.async_copy(sb, out_ref.at[s, :, pl.ds(b0, BB)], ssem)

    @pl.when(s + 2 < S)
    def _():
      build_idx(s + 2, idxd)
      pltpu.async_copy(tok_ref.at[idxd], gb.at[:, pl.ds(0, PR)], gsem)

  for b in range(2):
    build_idx(b, idxds[b])
    pltpu.async_copy(tok_ref.at[idxds[b]], gbufs[b].at[:, pl.ds(0, PR)], gsems[b])

  @pl.loop(0, S, step=2)
  def _(s0):
    for b in range(2):
      step(s0 + b, gbufs[b], sbufs[b], idxds[b], gsems[b], ssems[b])

  for b in range(2):
    pltpu.make_async_copy(
        sbufs[b], out_ref.at[0, :, pl.ds(b0, BB)], ssems[b]).wait()


PC = 16384


def _pack_body(src_ref, out_ref):
  a = src_ref[...]
  parts = []
  for p in range(PC // 256):
    parts.append(jnp.concatenate(
        [a[:, 256 * p:256 * p + 128].T, a[:, 256 * p + 128:256 * p + 256].T],
        axis=1))
  out_ref[...] = jnp.concatenate(parts, axis=0)


def _pack_table(tokT):
  v = tokT.shape[1]
  grid = (v + PC - 1) // PC
  return pl.pallas_call(
      _pack_body,
      grid=(grid,),
      in_specs=[pl.BlockSpec((D, PC), lambda i: (0, i))],
      out_specs=pl.BlockSpec((PC // 2, PR), lambda i: (i, 0)),
      out_shape=jax.ShapeDtypeStruct((grid * PC // 2, PR), jnp.float32),
  )(tokT)


@jax.jit
def kernel(x, token_table, pos_table):
  bs, seq_len = x.shape
  xT = x.T
  tok2 = _pack_table(token_table.T)
  posf = pos_table.reshape(-1)

  fn = pl.kernel(
      _body,
      out_type=jax.ShapeDtypeStruct((S, D, bs), jnp.float32),
      mesh=plsc.VectorSubcoreMesh(core_axis_name="c", subcore_axis_name="s"),
      compiler_params=pltpu.CompilerParams(needs_layout_passes=False),
      scratch_types=[
          pltpu.VMEM((S, BB), jnp.int32),
          pltpu.VMEM((S * D,), jnp.float32),
          pltpu.VMEM((BB, PRS), jnp.float32),
          pltpu.VMEM((BB, PRS), jnp.float32),
          pltpu.VMEM((D, BB), jnp.float32),
          pltpu.VMEM((D, BB), jnp.float32),
          pltpu.VMEM((BB,), jnp.int32),
          pltpu.VMEM((BB,), jnp.int32),
          pltpu.SemaphoreType.DMA,
          pltpu.SemaphoreType.DMA,
          pltpu.SemaphoreType.DMA,
          pltpu.SemaphoreType.DMA,
      ],
  )
  out3 = fn(xT, tok2, posf)
  return out3.transpose(2, 0, 1)

# --- scband reference (transcript-rebuilt; emitter-appended) ---
"""Pipeline reference for scband-embedding-55336358642890 (READ-ONLY COPY).

The authoritative reference and input builder live on the scoring server;
editing this copy changes nothing except your own understanding.
"""

import jax, jax.numpy as jnp
import numpy as np

VOCAB = 1000000
EMBED_DIM = 64
MAX_LENGTH = 200
BATCH = 4096
SEQ_LEN = 200


def setup_inputs(seed: int = 0) -> dict:
    key = jax.random.key(seed)
    k1, k2, k3 = jax.random.split(key, 3)
    x = jax.random.randint(k1, (BATCH, SEQ_LEN), 0, VOCAB, dtype=jnp.int64 if jax.config.jax_enable_x64 else jnp.int32).astype(jnp.int32)
    token_table = jax.random.normal(k2, (VOCAB, EMBED_DIM), dtype=jnp.float32)
    pos_table = jax.random.normal(k3, (MAX_LENGTH, EMBED_DIM), dtype=jnp.float32)
    return {"x": x, "token_table": token_table, "pos_table": pos_table}


def reference(x, token_table, pos_table):
    bs, seq_len = x.shape
    positions = jnp.arange(0, seq_len)[None, :]  # [1, seq_len]
    pos_embeddings = jnp.take(pos_table, positions, axis=0)  # [1, seq_len, d]
    token_embeddings = jnp.take(token_table, x, axis=0)  # [bs, seq_len, d]
    return token_embeddings + pos_embeddings

if __name__ == "__main__":
    import jax
    _d = setup_inputs()
    print(jax.jit(kernel)(*tuple(_d.values())))

</pallas_src>

<mosaic_0001>
#map = affine_map<(d0, d1) -> (0, 0)>
#map1 = affine_map<(d0, d1) -> (0)>
#map2 = affine_map<(d0, d1) -> (0, 0, 0)>
module attributes {stable_mosaic.version = 14 : i64} {
  func.func @_body(%arg0: i32, %arg1: i32, %arg2: memref<200x4096xi32, #tpu.memory_space<hbm>>, %arg3: memref<507904x128xf32, #tpu.memory_space<hbm>>, %arg4: memref<12800xf32, #tpu.memory_space<hbm>>, %arg5: memref<200x64x4096xf32, #tpu.memory_space<hbm>>, %arg6: memref<200x128xi32, #tpu.memory_space<vmem>>, %arg7: memref<12800xf32, #tpu.memory_space<vmem>>, %arg8: memref<128x128xf32, #tpu.memory_space<vmem>>, %arg9: memref<128x128xf32, #tpu.memory_space<vmem>>, %arg10: memref<64x128xf32, #tpu.memory_space<vmem>>, %arg11: memref<64x128xf32, #tpu.memory_space<vmem>>, %arg12: memref<128xi32, #tpu.memory_space<vmem>>, %arg13: memref<128xi32, #tpu.memory_space<vmem>>, %arg14: memref<!tpu.dma_semaphore, #tpu.memory_space<semaphore_mem>>, %arg15: memref<!tpu.dma_semaphore, #tpu.memory_space<semaphore_mem>>, %arg16: memref<!tpu.dma_semaphore, #tpu.memory_space<semaphore_mem>>, %arg17: memref<!tpu.dma_semaphore, #tpu.memory_space<semaphore_mem>>) attributes {dimension_semantics = [#tpu.dimension_semantics<core_parallel>, #tpu.dimension_semantics<subcore_parallel>], iteration_bounds = array<i64: 2, 16>, scalar_prefetch = 0 : i64, scratch_operands = 12 : i64, tpu.core_type = #tpu.core_type<sc_vector_subcore>, window_params = [{transform_indices = #map}, {transform_indices = #map}, {transform_indices = #map1}, {transform_indices = #map2}]} {
    %mul3A = arith.constant 2 : i32
    %mul3A_0 = arith.muli %arg1, %mul3A : i32
    %add3A = arith.addi %mul3A_0, %arg0 : i32
    %mul3A_1 = arith.constant 128 : i32
    %mul3A_2 = arith.muli %add3A, %mul3A_1 : i32
    "tpu.region"() ({
      %run_scoped3A = tpu.sem_alloc : memref<!tpu.dma_semaphore, #tpu.memory_space<semaphore_mem>>
      %dma_start3A_312 = arith.constant 0 : i32
      %dma_start3A_313 = tpu.memref_slice %arg2[%dma_start3A_312, %mul3A_2] : memref<200x4096xi32, #tpu.memory_space<hbm>> -> memref<200x128xi32, #tpu.memory_space<hbm>>
      %dma_start3A_314 = arith.constant 0 : i32
      %dma_start3A_315 = tpu.memref_slice %arg2[%dma_start3A_314, %mul3A_2] : memref<200x4096xi32, #tpu.memory_space<hbm>> -> memref<200x128xi32, #tpu.memory_space<hbm>>
      tpu.enqueue_dma source(%dma_start3A_315 : memref<200x128xi32, #tpu.memory_space<hbm>>) target(%arg6 : memref<200x128xi32, #tpu.memory_space<vmem>>) target_semaphore(%run_scoped3A : memref<!tpu.dma_semaphore, #tpu.memory_space<semaphore_mem>>)
      %dma_wait3A_316 = arith.constant 0 : i32
      %dma_wait3A_317 = tpu.memref_slice %arg2[%dma_wait3A_316, %mul3A_2] : memref<200x4096xi32, #tpu.memory_space<hbm>> -> memref<200x128xi32, #tpu.memory_space<hbm>>
      %dma_wait3A_318 = arith.constant 0 : i32
      %dma_wait3A_319 = tpu.memref_slice %arg2[%dma_wait3A_318, %mul3A_2] : memref<200x4096xi32, #tpu.memory_space<hbm>> -> memref<200x128xi32, #tpu.memory_space<hbm>>
      tpu.wait_dma2 semaphore(%run_scoped3A : memref<!tpu.dma_semaphore, #tpu.memory_space<semaphore_mem>>) src(%dma_wait3A_319 : memref<200x128xi32, #tpu.memory_space<hbm>>) dst(%arg6 : memref<200x128xi32, #tpu.memory_space<vmem>>)
      tpu.yield
    }) : () -> ()
    "tpu.region"() ({
      %run_scoped3A = tpu.sem_alloc : memref<!tpu.dma_semaphore, #tpu.memory_space<semaphore_mem>>
      tpu.enqueue_dma source(%arg4 : memref<12800xf32, #tpu.memory_space<hbm>>) target(%arg7 : memref<12800xf32, #tpu.memory_space<vmem>>) target_semaphore(%run_scoped3A : memref<!tpu.dma_semaphore, #tpu.memory_space<semaphore_mem>>)
      tpu.wait_dma2 semaphore(%run_scoped3A : memref<!tpu.dma_semaphore, #tpu.memory_space<semaphore_mem>>) src(%arg4 : memref<12800xf32, #tpu.memory_space<hbm>>) dst(%arg7 : memref<12800xf32, #tpu.memory_space<vmem>>)
      tpu.yield
    }) : () -> ()
    %iota3A = tpu.iota {dimensions = array<i32: 0>} : vector<16xi32>
    %add3A_3 = arith.constant 0 : i32
    %add3A_4 = vector.broadcast %add3A_3 : i32 to vector<16xi32>
    %add3A_5 = arith.addi %iota3A, %add3A_4 : vector<16xi32>
    %iota3A_6 = tpu.iota {dimensions = array<i32: 0>} : vector<16xi32>
    %add3A_7 = arith.constant 16 : i32
    %add3A_8 = vector.broadcast %add3A_7 : i32 to vector<16xi32>
    %add3A_9 = arith.addi %iota3A_6, %add3A_8 : vector<16xi32>
    %iota3A_10 = tpu.iota {dimensions = array<i32: 0>} : vector<16xi32>
    %add3A_11 = arith.constant 32 : i32
    %add3A_12 = vector.broadcast %add3A_11 : i32 to vector<16xi32>
    %add3A_13 = arith.addi %iota3A_10, %add3A_12 : vector<16xi32>
    %iota3A_14 = tpu.iota {dimensions = array<i32: 0>} : vector<16xi32>
    %add3A_15 = arith.constant 48 : i32
    %add3A_16 = vector.broadcast %add3A_15 : i32 to vector<16xi32>
    %add3A_17 = arith.addi %iota3A_14, %add3A_16 : vector<16xi32>
    %iota3A_18 = tpu.iota {dimensions = array<i32: 0>} : vector<16xi32>
    %add3A_19 = arith.constant 64 : i32
    %add3A_20 = vector.broadcast %add3A_19 : i32 to vector<16xi32>
    %add3A_21 = arith.addi %iota3A_18, %add3A_20 : vector<16xi32>
    %iota3A_22 = tpu.iota {dimensions = array<i32: 0>} : vector<16xi32>
    %add3A_23 = arith.constant 80 : i32
    %add3A_24 = vector.broadcast %add3A_23 : i32 to vector<16xi32>
    %add3A_25 = arith.addi %iota3A_22, %add3A_24 : vector<16xi32>
    %iota3A_26 = tpu.iota {dimensions = array<i32: 0>} : vector<16xi32>
    %add3A_27 = arith.constant 96 : i32
    %add3A_28 = vector.broadcast %add3A_27 : i32 to vector<16xi32>
    %add3A_29 = arith.addi %iota3A_26, %add3A_28 : vector<16xi32>
    %iota3A_30 = tpu.iota {dimensions = array<i32: 0>} : vector<16xi32>
    %add3A_31 = arith.constant 112 : i32
    %add3A_32 = vector.broadcast %add3A_31 : i32 to vector<16xi32>
    %add3A_33 = arith.addi %iota3A_30, %add3A_32 : vector<16xi32>
    %get3A = arith.constant 0 : i32
    %get3A_34 = arith.index_cast %get3A : i32 to index
    %get3A_35 = arith.constant 0 : index
    %get3A_36 = tpu.vector_load %arg6[%get3A_34, %get3A_35] {strides = array<i32>} : memref<200x128xi32, #tpu.memory_space<vmem>>, vector<16xi32>,
    %shift_right_logical3A = arith.constant 8 : i32
    %shift_right_logical3A_37 = vector.broadcast %shift_right_logical3A : i32 to vector<16xi32>
    %shift_right_logical3A_38 = arith.shrui %get3A_36, %shift_right_logical3A_37 : vector<16xi32>
    %shift_left3A = arith.constant 7 : i32
    %shift_left3A_39 = vector.broadcast %shift_left3A : i32 to vector<16xi32>
    %shift_left3A_40 = arith.shli %shift_right_logical3A_38, %shift_left3A_39 : vector<16xi32>
    %and3A = arith.constant 127 : i32
    %and3A_41 = vector.broadcast %and3A : i32 to vector<16xi32>
    %and3A_42 = arith.andi %get3A_36, %and3A_41 : vector<16xi32>
    %or3A = arith.ori %shift_left3A_40, %and3A_42 : vector<16xi32>
    %swap3A = arith.constant 0 : index
    %swap3A_43 = tpu.vector_load %arg12[%swap3A] {strides = array<i32>} : memref<128xi32, #tpu.memory_space<vmem>>, vector<16xi32>,
    tpu.vector_store %arg12[%swap3A], %or3A {strides = array<i32>} : memref<128xi32, #tpu.memory_space<vmem>>, vector<16xi32>,
    %get3A_44 = arith.constant 0 : i32
    %get3A_45 = arith.index_cast %get3A_44 : i32 to index
    %get3A_46 = arith.constant 16 : index
    %get3A_47 = tpu.vector_load %arg6[%get3A_45, %get3A_46] {strides = array<i32>} : memref<200x128xi32, #tpu.memory_space<vmem>>, vector<16xi32>,
    %shift_right_logical3A_48 = arith.constant 8 : i32
    %shift_right_logical3A_49 = vector.broadcast %shift_right_logical3A_48 : i32 to vector<16xi32>
    %shift_right_logical3A_50 = arith.shrui %get3A_47, %shift_right_logical3A_49 : vector<16xi32>
    %shift_left3A_51 = arith.constant 7 : i32
    %shift_left3A_52 = vector.broadcast %shift_left3A_51 : i32 to vector<16xi32>
    %shift_left3A_53 = arith.shli %shift_right_logical3A_50, %shift_left3A_52 : vector<16xi32>
    %and3A_54 = arith.constant 127 : i32
    %and3A_55 = vector.broadcast %and3A_54 : i32 to vector<16xi32>
    %and3A_56 = arith.andi %get3A_47, %and3A_55 : vector<16xi32>
    %or3A_57 = arith.ori %shift_left3A_53, %and3A_56 : vector<16xi32>
    %swap3A_58 = arith.constant 16 : index
    %swap3A_59 = tpu.vector_load %arg12[%swap3A_58] {strides = array<i32>} : memref<128xi32, #tpu.memory_space<vmem>>, vector<16xi32>,
    tpu.vector_store %arg12[%swap3A_58], %or3A_57 {strides = array<i32>} : memref<128xi32, #tpu.memory_space<vmem>>, vector<16xi32>,
    %get3A_60 = arith.constant 0 : i32
    %get3A_61 = arith.index_cast %get3A_60 : i32 to index
    %get3A_62 = arith.constant 32 : index
    %get3A_63 = tpu.vector_load %arg6[%get3A_61, %get3A_62] {strides = array<i32>} : memref<200x128xi32, #tpu.memory_space<vmem>>, vector<16xi32>,
    %shift_right_logical3A_64 = arith.constant 8 : i32
    %shift_right_logical3A_65 = vector.broadcast %shift_right_logical3A_64 : i32 to vector<16xi32>
    %shift_right_logical3A_66 = arith.shrui %get3A_63, %shift_right_logical3A_65 : vector<16xi32>
    %shift_left3A_67 = arith.constant 7 : i32
    %shift_left3A_68 = vector.broadcast %shift_left3A_67 : i32 to vector<16xi32>
    %shift_left3A_69 = arith.shli %shift_right_logical3A_66, %shift_left3A_68 : vector<16xi32>
    %and3A_70 = arith.constant 127 : i32
    %and3A_71 = vector.broadcast %and3A_70 : i32 to vector<16xi32>
    %and3A_72 = arith.andi %get3A_63, %and3A_71 : vector<16xi32>
    %or3A_73 = arith.ori %shift_left3A_69, %and3A_72 : vector<16xi32>
    %swap3A_74 = arith.constant 32 : index
    %swap3A_75 = tpu.vector_load %arg12[%swap3A_74] {strides = array<i32>} : memref<128xi32, #tpu.memory_space<vmem>>, vector<16xi32>,
    tpu.vector_store %arg12[%swap3A_74], %or3A_73 {strides = array<i32>} : memref<128xi32, #tpu.memory_space<vmem>>, vector<16xi32>,
    %get3A_76 = arith.constant 0 : i32
    %get3A_77 = arith.index_cast %get3A_76 : i32 to index
    %get3A_78 = arith.constant 48 : index
    %get3A_79 = tpu.vector_load %arg6[%get3A_77, %get3A_78] {strides = array<i32>} : memref<200x128xi32, #tpu.memory_space<vmem>>, vector<16xi32>,
    %shift_right_logical3A_80 = arith.constant 8 : i32
    %shift_right_logical3A_81 = vector.broadcast %shift_right_logical3A_80 : i32 to vector<16xi32>
    %shift_right_logical3A_82 = arith.shrui %get3A_79, %shift_right_logical3A_81 : vector<16xi32>
    %shift_left3A_83 = arith.constant 7 : i32
    %shift_left3A_84 = vector.broadcast %shift_left3A_83 : i32 to vector<16xi32>
    %shift_left3A_85 = arith.shli %shift_right_logical3A_82, %shift_left3A_84 : vector<16xi32>
    %and3A_86 = arith.constant 127 : i32
    %and3A_87 = vector.broadcast %and3A_86 : i32 to vector<16xi32>
    %and3A_88 = arith.andi %get3A_79, %and3A_87 : vector<16xi32>
    %or3A_89 = arith.ori %shift_left3A_85, %and3A_88 : vector<16xi32>
    %swap3A_90 = arith.constant 48 : index
    %swap3A_91 = tpu.vector_load %arg12[%swap3A_90] {strides = array<i32>} : memref<128xi32, #tpu.memory_space<vmem>>, vector<16xi32>,
    tpu.vector_store %arg12[%swap3A_90], %or3A_89 {strides = array<i32>} : memref<128xi32, #tpu.memory_space<vmem>>, vector<16xi32>,
    %get3A_92 = arith.constant 0 : i32
    %get3A_93 = arith.index_cast %get3A_92 : i32 to index
    %get3A_94 = arith.constant 64 : index
    %get3A_95 = tpu.vector_load %arg6[%get3A_93, %get3A_94] {strides = array<i32>} : memref<200x128xi32, #tpu.memory_space<vmem>>, vector<16xi32>,
    %shift_right_logical3A_96 = arith.constant 8 : i32
    %shift_right_logical3A_97 = vector.broadcast %shift_right_logical3A_96 : i32 to vector<16xi32>
    %shift_right_logical3A_98 = arith.shrui %get3A_95, %shift_right_logical3A_97 : vector<16xi32>
    %shift_left3A_99 = arith.constant 7 : i32
    %shift_left3A_100 = vector.broadcast %shift_left3A_99 : i32 to vector<16xi32>
    %shift_left3A_101 = arith.shli %shift_right_logical3A_98, %shift_left3A_100 : vector<16xi32>
    %and3A_102 = arith.constant 127 : i32
    %and3A_103 = vector.broadcast %and3A_102 : i32 to vector<16xi32>
    %and3A_104 = arith.andi %get3A_95, %and3A_103 : vector<16xi32>
    %or3A_105 = arith.ori %shift_left3A_101, %and3A_104 : vector<16xi32>
    %swap3A_106 = arith.constant 64 : index
    %swap3A_107 = tpu.vector_load %arg12[%swap3A_106] {strides = array<i32>} : memref<128xi32, #tpu.memory_space<vmem>>, vector<16xi32>,
    tpu.vector_store %arg12[%swap3A_106], %or3A_105 {strides = array<i32>} : memref<128xi32, #tpu.memory_space<vmem>>, vector<16xi32>,
    %get3A_108 = arith.constant 0 : i32
    %get3A_109 = arith.index_cast %get3A_108 : i32 to index
    %get3A_110 = arith.constant 80 : index
    %get3A_111 = tpu.vector_load %arg6[%get3A_109, %get3A_110] {strides = array<i32>} : memref<200x128xi32, #tpu.memory_space<vmem>>, vector<16xi32>,
    %shift_right_logical3A_112 = arith.constant 8 : i32
    %shift_right_logical3A_113 = vector.broadcast %shift_right_logical3A_112 : i32 to vector<16xi32>
    %shift_right_logical3A_114 = arith.shrui %get3A_111, %shift_right_logical3A_113 : vector<16xi32>
    %shift_left3A_115 = arith.constant 7 : i32
    %shift_left3A_116 = vector.broadcast %shift_left3A_115 : i32 to vector<16xi32>
    %shift_left3A_117 = arith.shli %shift_right_logical3A_114, %shift_left3A_116 : vector<16xi32>
    %and3A_118 = arith.constant 127 : i32
    %and3A_119 = vector.broadcast %and3A_118 : i32 to vector<16xi32>
    %and3A_120 = arith.andi %get3A_111, %and3A_119 : vector<16xi32>
    %or3A_121 = arith.ori %shift_left3A_117, %and3A_120 : vector<16xi32>
    %swap3A_122 = arith.constant 80 : index
    %swap3A_123 = tpu.vector_load %arg12[%swap3A_122] {strides = array<i32>} : memref<128xi32, #tpu.memory_space<vmem>>, vector<16xi32>,
    tpu.vector_store %arg12[%swap3A_122], %or3A_121 {strides = array<i32>} : memref<128xi32, #tpu.memory_space<vmem>>, vector<16xi32>,
    %get3A_124 = arith.constant 0 : i32
    %get3A_125 = arith.index_cast %get3A_124 : i32 to index
    %get3A_126 = arith.constant 96 : index
    %get3A_127 = tpu.vector_load %arg6[%get3A_125, %get3A_126] {strides = array<i32>} : memref<200x128xi32, #tpu.memory_space<vmem>>, vector<16xi32>,
    %shift_right_logical3A_128 = arith.constant 8 : i32
    %shift_right_logical3A_129 = vector.broadcast %shift_right_logical3A_128 : i32 to vector<16xi32>
    %shift_right_logical3A_130 = arith.shrui %get3A_127, %shift_right_logical3A_129 : vector<16xi32>
    %shift_left3A_131 = arith.constant 7 : i32
    %shift_left3A_132 = vector.broadcast %shift_left3A_131 : i32 to vector<16xi32>
    %shift_left3A_133 = arith.shli %shift_right_logical3A_130, %shift_left3A_132 : vector<16xi32>
    %and3A_134 = arith.constant 127 : i32
    %and3A_135 = vector.broadcast %and3A_134 : i32 to vector<16xi32>
    %and3A_136 = arith.andi %get3A_127, %and3A_135 : vector<16xi32>
    %or3A_137 = arith.ori %shift_left3A_133, %and3A_136 : vector<16xi32>
    %swap3A_138 = arith.constant 96 : index
    %swap3A_139 = tpu.vector_load %arg12[%swap3A_138] {strides = array<i32>} : memref<128xi32, #tpu.memory_space<vmem>>, vector<16xi32>,
    tpu.vector_store %arg12[%swap3A_138], %or3A_137 {strides = array<i32>} : memref<128xi32, #tpu.memory_space<vmem>>, vector<16xi32>,
    %get3A_140 = arith.constant 0 : i32
    %get3A_141 = arith.index_cast %get3A_140 : i32 to index
    %get3A_142 = arith.constant 112 : index
    %get3A_143 = tpu.vector_load %arg6[%get3A_141, %get3A_142] {strides = array<i32>} : memref<200x128xi32, #tpu.memory_space<vmem>>, vector<16xi32>,
    %shift_right_logical3A_144 = arith.constant 8 : i32
    %shift_right_logical3A_145 = vector.broadcast %shift_right_logical3A_144 : i32 to vector<16xi32>
    %shift_right_logical3A_146 = arith.shrui %get3A_143, %shift_right_logical3A_145 : vector<16xi32>
    %shift_left3A_147 = arith.constant 7 : i32
    %shift_left3A_148 = vector.broadcast %shift_left3A_147 : i32 to vector<16xi32>
    %shift_left3A_149 = arith.shli %shift_right_logical3A_146, %shift_left3A_148 : vector<16xi32>
    %and3A_150 = arith.constant 127 : i32
    %and3A_151 = vector.broadcast %and3A_150 : i32 to vector<16xi32>
    %and3A_152 = arith.andi %get3A_143, %and3A_151 : vector<16xi32>
    %or3A_153 = arith.ori %shift_left3A_149, %and3A_152 : vector<16xi32>
    %swap3A_154 = arith.constant 112 : index
    %swap3A_155 = tpu.vector_load %arg12[%swap3A_154] {strides = array<i32>} : memref<128xi32, #tpu.memory_space<vmem>>, vector<16xi32>,
    tpu.vector_store %arg12[%swap3A_154], %or3A_153 {strides = array<i32>} : memref<128xi32, #tpu.memory_space<vmem>>, vector<16xi32>,
    %dma_start3A = arith.constant 0 : i32
    %dma_start3A_156 = arith.constant 0 : i32
    %dma_start3A_157 = tpu.memref_slice %arg8[%dma_start3A, %dma_start3A_156] : memref<128x128xf32, #tpu.memory_space<vmem>> -> memref<128x128xf32, #tpu.memory_space<vmem>>
    %dma_start3A_158 = arith.constant 0 : i32
    %dma_start3A_159 = arith.constant 0 : i32
    %dma_start3A_160 = tpu.memref_slice %arg3[%dma_start3A_158, %dma_start3A_159] : memref<507904x128xf32, #tpu.memory_space<hbm>> -> memref<507904x128xf32, #tpu.memory_space<hbm>>
    tpu.enqueue_indirect_dma source(%dma_start3A_160 : memref<507904x128xf32, #tpu.memory_space<hbm>>) target(%dma_start3A_157 : memref<128x128xf32, #tpu.memory_space<vmem>>) offsets(%arg12 : memref<128xi32, #tpu.memory_space<vmem>>) semaphore(%arg14 : memref<!tpu.dma_semaphore, #tpu.memory_space<semaphore_mem>>)
    %get3A_161 = arith.constant 1 : i32
    %get3A_162 = arith.index_cast %get3A_161 : i32 to index
    %get3A_163 = arith.constant 0 : index
    %get3A_164 = tpu.vector_load %arg6[%get3A_162, %get3A_163] {strides = array<i32>} : memref<200x128xi32, #tpu.memory_space<vmem>>, vector<16xi32>,
    %shift_right_logical3A_165 = arith.constant 8 : i32
    %shift_right_logical3A_166 = vector.broadcast %shift_right_logical3A_165 : i32 to vector<16xi32>
    %shift_right_logical3A_167 = arith.shrui %get3A_164, %shift_right_logical3A_166 : vector<16xi32>
    %shift_left3A_168 = arith.constant 7 : i32
    %shift_left3A_169 = vector.broadcast %shift_left3A_168 : i32 to vector<16xi32>
    %shift_left3A_170 = arith.shli %shift_right_logical3A_167, %shift_left3A_169 : vector<16xi32>
    %and3A_171 = arith.constant 127 : i32
    %and3A_172 = vector.broadcast %and3A_171 : i32 to vector<16xi32>
    %and3A_173 = arith.andi %get3A_164, %and3A_172 : vector<16xi32>
    %or3A_174 = arith.ori %shift_left3A_170, %and3A_173 : vector<16xi32>
    %swap3A_175 = arith.constant 0 : index
    %swap3A_176 = tpu.vector_load %arg13[%swap3A_175] {strides = array<i32>} : memref<128xi32, #tpu.memory_space<vmem>>, vector<16xi32>,
    tpu.vector_store %arg13[%swap3A_175], %or3A_174 {strides = array<i32>} : memref<128xi32, #tpu.memory_space<vmem>>, vector<16xi32>,
    %get3A_177 = arith.constant 1 : i32
    %get3A_178 = arith.index_cast %get3A_177 : i32 to index
    %get3A_179 = arith.constant 16 : index
    %get3A_180 = tpu.vector_load %arg6[%get3A_178, %get3A_179] {strides = array<i32>} : memref<200x128xi32, #tpu.memory_space<vmem>>, vector<16xi32>,
    %shift_right_logical3A_181 = arith.constant 8 : i32
    %shift_right_logical3A_182 = vector.broadcast %shift_right_logical3A_181 : i32 to vector<16xi32>
    %shift_right_logical3A_183 = arith.shrui %get3A_180, %shift_right_logical3A_182 : vector<16xi32>
    %shift_left3A_184 = arith.constant 7 : i32
    %shift_left3A_185 = vector.broadcast %shift_left3A_184 : i32 to vector<16xi32>
    %shift_left3A_186 = arith.shli %shift_right_logical3A_183, %shift_left3A_185 : vector<16xi32>
    %and3A_187 = arith.constant 127 : i32
    %and3A_188 = vector.broadcast %and3A_187 : i32 to vector<16xi32>
    %and3A_189 = arith.andi %get3A_180, %and3A_188 : vector<16xi32>
    %or3A_190 = arith.ori %shift_left3A_186, %and3A_189 : vector<16xi32>
    %swap3A_191 = arith.constant 16 : index
    %swap3A_192 = tpu.vector_load %arg13[%swap3A_191] {strides = array<i32>} : memref<128xi32, #tpu.memory_space<vmem>>, vector<16xi32>,
    tpu.vector_store %arg13[%swap3A_191], %or3A_190 {strides = array<i32>} : memref<128xi32, #tpu.memory_space<vmem>>, vector<16xi32>,
    %get3A_193 = arith.constant 1 : i32
    %get3A_194 = arith.index_cast %get3A_193 : i32 to index
    %get3A_195 = arith.constant 32 : index
    %get3A_196 = tpu.vector_load %arg6[%get3A_194, %get3A_195] {strides = array<i32>} : memref<200x128xi32, #tpu.memory_space<vmem>>, vector<16xi32>,
    %shift_right_logical3A_197 = arith.constant 8 : i32
    %shift_right_logical3A_198 = vector.broadcast %shift_right_logical3A_197 : i32 to vector<16xi32>
    %shift_right_logical3A_199 = arith.shrui %get3A_196, %shift_right_logical3A_198 : vector<16xi32>
    %shift_left3A_200 = arith.constant 7 : i32
    %shift_left3A_201 = vector.broadcast %shift_left3A_200 : i32 to vector<16xi32>
    %shift_left3A_202 = arith.shli %shift_right_logical3A_199, %shift_left3A_201 : vector<16xi32>
    %and3A_203 = arith.constant 127 : i32
    %and3A_204 = vector.broadcast %and3A_203 : i32 to vector<16xi32>
    %and3A_205 = arith.andi %get3A_196, %and3A_204 : vector<16xi32>
    %or3A_206 = arith.ori %shift_left3A_202, %and3A_205 : vector<16xi32>
    %swap3A_207 = arith.constant 32 : index
    %swap3A_208 = tpu.vector_load %arg13[%swap3A_207] {strides = array<i32>} : memref<128xi32, #tpu.memory_space<vmem>>, vector<16xi32>,
    tpu.vector_store %arg13[%swap3A_207], %or3A_206 {strides = array<i32>} : memref<128xi32, #tpu.memory_space<vmem>>, vector<16xi32>,
    %get3A_209 = arith.constant 1 : i32
    %get3A_210 = arith.index_cast %get3A_209 : i32 to index
    %get3A_211 = arith.constant 48 : index
    %get3A_212 = tpu.vector_load %arg6[%get3A_210, %get3A_211] {strides = array<i32>} : memref<200x128xi32, #tpu.memory_space<vmem>>, vector<16xi32>,
    %shift_right_logical3A_213 = arith.constant 8 : i32
    %shift_right_logical3A_214 = vector.broadcast %shift_right_logical3A_213 : i32 to vector<16xi32>
    %shift_right_logical3A_215 = arith.shrui %get3A_212, %shift_right_logical3A_214 : vector<16xi32>
    %shift_left3A_216 = arith.constant 7 : i32
    %shift_left3A_217 = vector.broadcast %shift_left3A_216 : i32 to vector<16xi32>
    %shift_left3A_218 = arith.shli %shift_right_logical3A_215, %shift_left3A_217 : vector<16xi32>
    %and3A_219 = arith.constant 127 : i32
    %and3A_220 = vector.broadcast %and3A_219 : i32 to vector<16xi32>
    %and3A_221 = arith.andi %get3A_212, %and3A_220 : vector<16xi32>
    %or3A_222 = arith.ori %shift_left3A_218, %and3A_221 : vector<16xi32>
    %swap3A_223 = arith.constant 48 : index
    %swap3A_224 = tpu.vector_load %arg13[%swap3A_223] {strides = array<i32>} : memref<128xi32, #tpu.memory_space<vmem>>, vector<16xi32>,
    tpu.vector_store %arg13[%swap3A_223], %or3A_222 {strides = array<i32>} : memref<128xi32, #tpu.memory_space<vmem>>, vector<16xi32>,
    %get3A_225 = arith.constant 1 : i32
    %get3A_226 = arith.index_cast %get3A_225 : i32 to index
    %get3A_227 = arith.constant 64 : index
    %get3A_228 = tpu.vector_load %arg6[%get3A_226, %get3A_227] {strides = array<i32>} : memref<200x128xi32, #tpu.memory_space<vmem>>, vector<16xi32>,
    %shift_right_logical3A_229 = arith.constant 8 : i32
    %shift_right_logical3A_230 = vector.broadcast %shift_right_logical3A_229 : i32 to vector<16xi32>
    %shift_right_logical3A_231 = arith.shrui %get3A_228, %shift_right_logical3A_230 : vector<16xi32>
    %shift_left3A_232 = arith.constant 7 : i32
    %shift_left3A_233 = vector.broadcast %shift_left3A_232 : i32 to vector<16xi32>
    %shift_left3A_234 = arith.shli %shift_right_logical3A_231, %shift_left3A_233 : vector<16xi32>
    %and3A_235 = arith.constant 127 : i32
    %and3A_236 = vector.broadcast %and3A_235 : i32 to vector<16xi32>
    %and3A_237 = arith.andi %get3A_228, %and3A_236 : vector<16xi32>
    %or3A_238 = arith.ori %shift_left3A_234, %and3A_237 : vector<16xi32>
    %swap3A_239 = arith.constant 64 : index
    %swap3A_240 = tpu.vector_load %arg13[%swap3A_239] {strides = array<i32>} : memref<128xi32, #tpu.memory_space<vmem>>, vector<16xi32>,
    tpu.vector_store %arg13[%swap3A_239], %or3A_238 {strides = array<i32>} : memref<128xi32, #tpu.memory_space<vmem>>, vector<16xi32>,
    %get3A_241 = arith.constant 1 : i32
    %get3A_242 = arith.index_cast %get3A_241 : i32 to index
    %get3A_243 = arith.constant 80 : index
    %get3A_244 = tpu.vector_load %arg6[%get3A_242, %get3A_243] {strides = array<i32>} : memref<200x128xi32, #tpu.memory_space<vmem>>, vector<16xi32>,
    %shift_right_logical3A_245 = arith.constant 8 : i32
    %shift_right_logical3A_246 = vector.broadcast %shift_right_logical3A_245 : i32 to vector<16xi32>
    %shift_right_logical3A_247 = arith.shrui %get3A_244, %shift_right_logical3A_246 : vector<16xi32>
    %shift_left3A_248 = arith.constant 7 : i32
    %shift_left3A_249 = vector.broadcast %shift_left3A_248 : i32 to vector<16xi32>
    %shift_left3A_250 = arith.shli %shift_right_logical3A_247, %shift_left3A_249 : vector<16xi32>
    %and3A_251 = arith.constant 127 : i32
    %and3A_252 = vector.broadcast %and3A_251 : i32 to vector<16xi32>
    %and3A_253 = arith.andi %get3A_244, %and3A_252 : vector<16xi32>
    %or3A_254 = arith.ori %shift_left3A_250, %and3A_253 : vector<16xi32>
    %swap3A_255 = arith.constant 80 : index
    %swap3A_256 = tpu.vector_load %arg13[%swap3A_255] {strides = array<i32>} : memref<128xi32, #tpu.memory_space<vmem>>, vector<16xi32>,
    tpu.vector_store %arg13[%swap3A_255], %or3A_254 {strides = array<i32>} : memref<128xi32, #tpu.memory_space<vmem>>, vector<16xi32>,
    %get3A_257 = arith.constant 1 : i32
    %get3A_258 = arith.index_cast %get3A_257 : i32 to index
    %get3A_259 = arith.constant 96 : index
    %get3A_260 = tpu.vector_load %arg6[%get3A_258, %get3A_259] {strides = array<i32>} : memref<200x128xi32, #tpu.memory_space<vmem>>, vector<16xi32>,
    %shift_right_logical3A_261 = arith.constant 8 : i32
    %shift_right_logical3A_262 = vector.broadcast %shift_right_logical3A_261 : i32 to vector<16xi32>
    %shift_right_logical3A_263 = arith.shrui %get3A_260, %shift_right_logical3A_262 : vector<16xi32>
    %shift_left3A_264 = arith.constant 7 : i32
    %shift_left3A_265 = vector.broadcast %shift_left3A_264 : i32 to vector<16xi32>
    %shift_left3A_266 = arith.shli %shift_right_logical3A_263, %shift_left3A_265 : vector<16xi32>
    %and3A_267 = arith.constant 127 : i32
    %and3A_268 = vector.broadcast %and3A_267 : i32 to vector<16xi32>
    %and3A_269 = arith.andi %get3A_260, %and3A_268 : vector<16xi32>
    %or3A_270 = arith.ori %shift_left3A_266, %and3A_269 : vector<16xi32>
    %swap3A_271 = arith.constant 96 : index
    %swap3A_272 = tpu.vector_load %arg13[%swap3A_271] {strides = array<i32>} : memref<128xi32, #tpu.memory_space<vmem>>, vector<16xi32>,
    tpu.vector_store %arg13[%swap3A_271], %or3A_270 {strides = array<i32>} : memref<128xi32, #tpu.memory_space<vmem>>, vector<16xi32>,
    %get3A_273 = arith.constant 1 : i32
    %get3A_274 = arith.index_cast %get3A_273 : i32 to index
    %get3A_275 = arith.constant 112 : index
    %get3A_276 = tpu.vector_load %arg6[%get3A_274, %get3A_275] {strides = array<i32>} : memref<200x128xi32, #tpu.memory_space<vmem>>, vector<16xi32>,
    %shift_right_logical3A_277 = arith.constant 8 : i32
    %shift_right_logical3A_278 = vector.broadcast %shift_right_logical3A_277 : i32 to vector<16xi32>
    %shift_right_logical3A_279 = arith.shrui %get3A_276, %shift_right_logical3A_278 : vector<16xi32>
    %shift_left3A_280 = arith.constant 7 : i32
    %shift_left3A_281 = vector.broadcast %shift_left3A_280 : i32 to vector<16xi32>
    %shift_left3A_282 = arith.shli %shift_right_logical3A_279, %shift_left3A_281 : vector<16xi32>
    %and3A_283 = arith.constant 127 : i32
    %and3A_284 = vector.broadcast %and3A_283 : i32 to vector<16xi32>
    %and3A_285 = arith.andi %get3A_276, %and3A_284 : vector<16xi32>
    %or3A_286 = arith.ori %shift_left3A_282, %and3A_285 : vector<16xi32>
    %swap3A_287 = arith.constant 112 : index
    %swap3A_288 = tpu.vector_load %arg13[%swap3A_287] {strides = array<i32>} : memref<128xi32, #tpu.memory_space<vmem>>, vector<16xi32>,
    tpu.vector_store %arg13[%swap3A_287], %or3A_286 {strides = array<i32>} : memref<128xi32, #tpu.memory_space<vmem>>, vector<16xi32>,
    %dma_start3A_289 = arith.constant 0 : i32
    %dma_start3A_290 = arith.constant 0 : i32
    %dma_start3A_291 = tpu.memref_slice %arg9[%dma_start3A_289, %dma_start3A_290] : memref<128x128xf32, #tpu.memory_space<vmem>> -> memref<128x128xf32, #tpu.memory_space<vmem>>
    %dma_start3A_292 = arith.constant 0 : i32
    %dma_start3A_293 = arith.constant 0 : i32
    %dma_start3A_294 = tpu.memref_slice %arg3[%dma_start3A_292, %dma_start3A_293] : memref<507904x128xf32, #tpu.memory_space<hbm>> -> memref<507904x128xf32, #tpu.memory_space<hbm>>
    tpu.enqueue_indirect_dma source(%dma_start3A_294 : memref<507904x128xf32, #tpu.memory_space<hbm>>) target(%dma_start3A_291 : memref<128x128xf32, #tpu.memory_space<vmem>>) offsets(%arg13 : memref<128xi32, #tpu.memory_space<vmem>>) semaphore(%arg15 : memref<!tpu.dma_semaphore, #tpu.memory_space<semaphore_mem>>)
    %scan3A = arith.constant 0 : i32
    %scan3A_295 = arith.constant 100 : i32
    %scan3A_296 = arith.addi %scan3A, %scan3A_295 : i32
    %scan3A_297 = arith.constant 1 : i32
    scf.for %scan3A_312 = %scan3A to %scan3A_296 step %scan3A_297  : i32 {
      %mul3A_313 = arith.constant 2 : i32
      %mul3A_314 = arith.muli %scan3A_312, %mul3A_313 : i32
      %add3A_315 = arith.constant 0 : i32
      %add3A_316 = arith.addi %add3A_315, %mul3A_314 : i32
      %add3A_317 = arith.constant 0 : i32
      %add3A_318 = arith.addi %add3A_316, %add3A_317 : i32
      %dma_wait3A_319 = arith.constant 0 : i32
      %dma_wait3A_320 = arith.constant 0 : i32
      %dma_wait3A_321 = tpu.memref_slice %arg8[%dma_wait3A_319, %dma_wait3A_320] : memref<128x128xf32, #tpu.memory_space<vmem>> -> memref<128x128xf32, #tpu.memory_space<vmem>>
      %dma_wait3A_322 = arith.constant 0 : i32
      %dma_wait3A_323 = arith.constant 0 : i32
      %dma_wait3A_324 = tpu.memref_slice %arg3[%dma_wait3A_322, %dma_wait3A_323] : memref<507904x128xf32, #tpu.memory_space<hbm>> -> memref<507904x128xf32, #tpu.memory_space<hbm>>
      tpu.wait_indirect_dma semaphore(%arg14 : memref<!tpu.dma_semaphore, #tpu.memory_space<semaphore_mem>>) src(%dma_wait3A_324 : memref<507904x128xf32, #tpu.memory_space<hbm>>) dst(%dma_wait3A_321 : memref<128x128xf32, #tpu.memory_space<vmem>>)
      %get3A_325 = arith.index_cast %add3A_318 : i32 to index
      %get3A_326 = arith.constant 0 : index
      %get3A_327 = tpu.vector_load %arg6[%get3A_325, %get3A_326] {strides = array<i32>} : memref<200x128xi32, #tpu.memory_space<vmem>>, vector<16xi32>,
      %shift_right_logical3A_328 = arith.constant 7 : i32
      %shift_right_logical3A_329 = vector.broadcast %shift_right_logical3A_328 : i32 to vector<16xi32>
      %shift_right_logical3A_330 = arith.shrui %get3A_327, %shift_right_logical3A_329 : vector<16xi32>
      %and3A_331 = arith.constant 1 : i32
      %and3A_332 = vector.broadcast %and3A_331 : i32 to vector<16xi32>
      %and3A_333 = arith.andi %shift_right_logical3A_330, %and3A_332 : vector<16xi32>
      %shift_left3A_334 = arith.constant 6 : i32
      %shift_left3A_335 = vector.broadcast %shift_left3A_334 : i32 to vector<16xi32>
      %shift_left3A_336 = arith.shli %and3A_333, %shift_left3A_335 : vector<16xi32>
      %get3A_337 = arith.index_cast %add3A_318 : i32 to index
      %get3A_338 = arith.constant 16 : index
      %get3A_339 = tpu.vector_load %arg6[%get3A_337, %get3A_338] {strides = array<i32>} : memref<200x128xi32, #tpu.memory_space<vmem>>, vector<16xi32>,
      %shift_right_logical3A_340 = arith.constant 7 : i32
      %shift_right_logical3A_341 = vector.broadcast %shift_right_logical3A_340 : i32 to vector<16xi32>
      %shift_right_logical3A_342 = arith.shrui %get3A_339, %shift_right_logical3A_341 : vector<16xi32>
      %and3A_343 = arith.constant 1 : i32
      %and3A_344 = vector.broadcast %and3A_343 : i32 to vector<16xi32>
      %and3A_345 = arith.andi %shift_right_logical3A_342, %and3A_344 : vector<16xi32>
      %shift_left3A_346 = arith.constant 6 : i32
      %shift_left3A_347 = vector.broadcast %shift_left3A_346 : i32 to vector<16xi32>
      %shift_left3A_348 = arith.shli %and3A_345, %shift_left3A_347 : vector<16xi32>
      %get3A_349 = arith.index_cast %add3A_318 : i32 to index
      %get3A_350 = arith.constant 32 : index
      %get3A_351 = tpu.vector_load %arg6[%get3A_349, %get3A_350] {strides = array<i32>} : memref<200x128xi32, #tpu.memory_space<vmem>>, vector<16xi32>,
      %shift_right_logical3A_352 = arith.constant 7 : i32
      %shift_right_logical3A_353 = vector.broadcast %shift_right_logical3A_352 : i32 to vector<16xi32>
      %shift_right_logical3A_354 = arith.shrui %get3A_351, %shift_right_logical3A_353 : vector<16xi32>
      %and3A_355 = arith.constant 1 : i32
      %and3A_356 = vector.broadcast %and3A_355 : i32 to vector<16xi32>
      %and3A_357 = arith.andi %shift_right_logical3A_354, %and3A_356 : vector<16xi32>
      %shift_left3A_358 = arith.constant 6 : i32
      %shift_left3A_359 = vector.broadcast %shift_left3A_358 : i32 to vector<16xi32>
      %shift_left3A_360 = arith.shli %and3A_357, %shift_left3A_359 : vector<16xi32>
      %get3A_361 = arith.index_cast %add3A_318 : i32 to index
      %get3A_362 = arith.constant 48 : index
      %get3A_363 = tpu.vector_load %arg6[%get3A_361, %get3A_362] {strides = array<i32>} : memref<200x128xi32, #tpu.memory_space<vmem>>, vector<16xi32>,
      %shift_right_logical3A_364 = arith.constant 7 : i32
      %shift_right_logical3A_365 = vector.broadcast %shift_right_logical3A_364 : i32 to vector<16xi32>
      %shift_right_logical3A_366 = arith.shrui %get3A_363, %shift_right_logical3A_365 : vector<16xi32>
      %and3A_367 = arith.constant 1 : i32
      %and3A_368 = vector.broadcast %and3A_367 : i32 to vector<16xi32>
      %and3A_369 = arith.andi %shift_right_logical3A_366, %and3A_368 : vector<16xi32>
      %shift_left3A_370 = arith.constant 6 : i32
      %shift_left3A_371 = vector.broadcast %shift_left3A_370 : i32 to vector<16xi32>
      %shift_left3A_372 = arith.shli %and3A_369, %shift_left3A_371 : vector<16xi32>
      %get3A_373 = arith.index_cast %add3A_318 : i32 to index
      %get3A_374 = arith.constant 64 : index
      %get3A_375 = tpu.vector_load %arg6[%get3A_373, %get3A_374] {strides = array<i32>} : memref<200x128xi32, #tpu.memory_space<vmem>>, vector<16xi32>,
      %shift_right_logical3A_376 = arith.constant 7 : i32
      %shift_right_logical3A_377 = vector.broadcast %shift_right_logical3A_376 : i32 to vector<16xi32>
      %shift_right_logical3A_378 = arith.shrui %get3A_375, %shift_right_logical3A_377 : vector<16xi32>
      %and3A_379 = arith.constant 1 : i32
      %and3A_380 = vector.broadcast %and3A_379 : i32 to vector<16xi32>
      %and3A_381 = arith.andi %shift_right_logical3A_378, %and3A_380 : vector<16xi32>
      %shift_left3A_382 = arith.constant 6 : i32
      %shift_left3A_383 = vector.broadcast %shift_left3A_382 : i32 to vector<16xi32>
      %shift_left3A_384 = arith.shli %and3A_381, %shift_left3A_383 : vector<16xi32>
      %get3A_385 = arith.index_cast %add3A_318 : i32 to index
      %get3A_386 = arith.constant 80 : index
      %get3A_387 = tpu.vector_load %arg6[%get3A_385, %get3A_386] {strides = array<i32>} : memref<200x128xi32, #tpu.memory_space<vmem>>, vector<16xi32>,
      %shift_right_logical3A_388 = arith.constant 7 : i32
      %shift_right_logical3A_389 = vector.broadcast %shift_right_logical3A_388 : i32 to vector<16xi32>
      %shift_right_logical3A_390 = arith.shrui %get3A_387, %shift_right_logical3A_389 : vector<16xi32>
      %and3A_391 = arith.constant 1 : i32
      %and3A_392 = vector.broadcast %and3A_391 : i32 to vector<16xi32>
      %and3A_393 = arith.andi %shift_right_logical3A_390, %and3A_392 : vector<16xi32>
      %shift_left3A_394 = arith.constant 6 : i32
      %shift_left3A_395 = vector.broadcast %shift_left3A_394 : i32 to vector<16xi32>
      %shift_left3A_396 = arith.shli %and3A_393, %shift_left3A_395 : vector<16xi32>
      %get3A_397 = arith.index_cast %add3A_318 : i32 to index
      %get3A_398 = arith.constant 96 : index
      %get3A_399 = tpu.vector_load %arg6[%get3A_397, %get3A_398] {strides = array<i32>} : memref<200x128xi32, #tpu.memory_space<vmem>>, vector<16xi32>,
      %shift_right_logical3A_400 = arith.constant 7 : i32
      %shift_right_logical3A_401 = vector.broadcast %shift_right_logical3A_400 : i32 to vector<16xi32>
      %shift_right_logical3A_402 = arith.shrui %get3A_399, %shift_right_logical3A_401 : vector<16xi32>
      %and3A_403 = arith.constant 1 : i32
      %and3A_404 = vector.broadcast %and3A_403 : i32 to vector<16xi32>
      %and3A_405 = arith.andi %shift_right_logical3A_402, %and3A_404 : vector<16xi32>
      %shift_left3A_406 = arith.constant 6 : i32
      %shift_left3A_407 = vector.broadcast %shift_left3A_406 : i32 to vector<16xi32>
      %shift_left3A_408 = arith.shli %and3A_405, %shift_left3A_407 : vector<16xi32>
      %get3A_409 = arith.index_cast %add3A_318 : i32 to index
      %get3A_410 = arith.constant 112 : index
      %get3A_411 = tpu.vector_load %arg6[%get3A_409, %get3A_410] {strides = array<i32>} : memref<200x128xi32, #tpu.memory_space<vmem>>, vector<16xi32>,
      %shift_right_logical3A_412 = arith.constant 7 : i32
      %shift_right_logical3A_413 = vector.broadcast %shift_right_logical3A_412 : i32 to vector<16xi32>
      %shift_right_logical3A_414 = arith.shrui %get3A_411, %shift_right_logical3A_413 : vector<16xi32>
      %and3A_415 = arith.constant 1 : i32
      %and3A_416 = vector.broadcast %and3A_415 : i32 to vector<16xi32>
      %and3A_417 = arith.andi %shift_right_logical3A_414, %and3A_416 : vector<16xi32>
      %shift_left3A_418 = arith.constant 6 : i32
      %shift_left3A_419 = vector.broadcast %shift_left3A_418 : i32 to vector<16xi32>
      %shift_left3A_420 = arith.shli %and3A_417, %shift_left3A_419 : vector<16xi32>
      %ge3A = arith.constant 2 : i32
      %ge3A_421 = arith.cmpi sge, %add3A_318, %ge3A : i32
      %convert_element_type3A = arith.extui %ge3A_421 : i1 to i32
      %cond3A = arith.constant 0 : i32
      %cond3A_422 = arith.cmpi ne, %convert_element_type3A, %cond3A : i32
      scf.if %cond3A_422 {
        %dma_wait3A_566 = arith.constant 0 : i32
        %dma_wait3A_567 = arith.constant 0 : i32
        %dma_wait3A_568 = tpu.memref_slice %arg5[%dma_wait3A_566, %dma_wait3A_567, %mul3A_2] : memref<200x64x4096xf32, #tpu.memory_space<hbm>> -> memref<1x64x128xf32, #tpu.memory_space<hbm>>
        %dma_wait3A_569 = tpu.memref_squeeze %dma_wait3A_568 : memref<1x64x128xf32, #tpu.memory_space<hbm>> -> memref<64x128xf32, #tpu.memory_space<hbm>>
        %dma_wait3A_570 = arith.constant 0 : i32
        %dma_wait3A_571 = tpu.memref_slice %arg5[%dma_wait3A_566, %dma_wait3A_570, %mul3A_2] : memref<200x64x4096xf32, #tpu.memory_space<hbm>> -> memref<1x64x128xf32, #tpu.memory_space<hbm>>
        %dma_wait3A_572 = tpu.memref_squeeze %dma_wait3A_571 : memref<1x64x128xf32, #tpu.memory_space<hbm>> -> memref<64x128xf32, #tpu.memory_space<hbm>>
        tpu.wait_dma2 semaphore(%arg16 : memref<!tpu.dma_semaphore, #tpu.memory_space<semaphore_mem>>) src(%arg10 : memref<64x128xf32, #tpu.memory_space<vmem>>) dst(%dma_wait3A_572 : memref<64x128xf32, #tpu.memory_space<hbm>>)
      } else {
      }
      %mul3A_423 = arith.constant 64 : i32
      %mul3A_424 = arith.muli %add3A_318, %mul3A_423 : i32
      %parallel_loop3A = arith.constant 0 : i32
      %parallel_loop3A_425 = arith.constant 64 : i32
      %parallel_loop3A_426 = arith.constant 1 : i32
      scf.for %parallel_loop3A_566 = %parallel_loop3A to %parallel_loop3A_425 step %parallel_loop3A_426  : i32 {
        %parallel_loop3A_567 = arith.addi %mul3A_424, %parallel_loop3A_566 : i32
        %parallel_loop3A_568 = vector.broadcast %parallel_loop3A_567 : i32 to vector<16xi32>
        %parallel_loop3A_569 = tpu.vector_load_idx %arg7[%parallel_loop3A_568] : memref<12800xf32, #tpu.memory_space<vmem>>[vector<16xi32>], vector<16xf32>,
        %parallel_loop3A_570 = vector.broadcast %parallel_loop3A_566 : i32 to vector<16xi32>
        %parallel_loop3A_571 = arith.addi %shift_left3A_336, %parallel_loop3A_570 : vector<16xi32>
        %parallel_loop3A_572 = tpu.vector_load_idx %arg8[%add3A_5, %parallel_loop3A_571] : memref<128x128xf32, #tpu.memory_space<vmem>>[vector<16xi32>, vector<16xi32>], vector<16xf32>,
        %parallel_loop3A_573 = arith.addf %parallel_loop3A_572, %parallel_loop3A_569 : vector<16xf32>
        %parallel_loop3A_574 = arith.index_cast %parallel_loop3A_566 : i32 to index
        %parallel_loop3A_575 = arith.constant 0 : index
        %parallel_loop3A_576 = tpu.vector_load %arg10[%parallel_loop3A_574, %parallel_loop3A_575] {strides = array<i32>} : memref<64x128xf32, #tpu.memory_space<vmem>>, vector<16xf32>,
        tpu.vector_store %arg10[%parallel_loop3A_574, %parallel_loop3A_575], %parallel_loop3A_573 {strides = array<i32>} : memref<64x128xf32, #tpu.memory_space<vmem>>, vector<16xf32>,
        %parallel_loop3A_577 = vector.broadcast %parallel_loop3A_566 : i32 to vector<16xi32>
        %parallel_loop3A_578 = arith.addi %shift_left3A_348, %parallel_loop3A_577 : vector<16xi32>
        %parallel_loop3A_579 = tpu.vector_load_idx %arg8[%add3A_9, %parallel_loop3A_578] : memref<128x128xf32, #tpu.memory_space<vmem>>[vector<16xi32>, vector<16xi32>], vector<16xf32>,
        %parallel_loop3A_580 = arith.addf %parallel_loop3A_579, %parallel_loop3A_569 : vector<16xf32>
        %parallel_loop3A_581 = arith.index_cast %parallel_loop3A_566 : i32 to index
        %parallel_loop3A_582 = arith.constant 16 : index
        %parallel_loop3A_583 = tpu.vector_load %arg10[%parallel_loop3A_581, %parallel_loop3A_582] {strides = array<i32>} : memref<64x128xf32, #tpu.memory_space<vmem>>, vector<16xf32>,
        tpu.vector_store %arg10[%parallel_loop3A_581, %parallel_loop3A_582], %parallel_loop3A_580 {strides = array<i32>} : memref<64x128xf32, #tpu.memory_space<vmem>>, vector<16xf32>,
        %parallel_loop3A_584 = vector.broadcast %parallel_loop3A_566 : i32 to vector<16xi32>
        %parallel_loop3A_585 = arith.addi %shift_left3A_360, %parallel_loop3A_584 : vector<16xi32>
        %parallel_loop3A_586 = tpu.vector_load_idx %arg8[%add3A_13, %parallel_loop3A_585] : memref<128x128xf32, #tpu.memory_space<vmem>>[vector<16xi32>, vector<16xi32>], vector<16xf32>,
        %parallel_loop3A_587 = arith.addf %parallel_loop3A_586, %parallel_loop3A_569 : vector<16xf32>
        %parallel_loop3A_588 = arith.index_cast %parallel_loop3A_566 : i32 to index
        %parallel_loop3A_589 = arith.constant 32 : index
        %parallel_loop3A_590 = tpu.vector_load %arg10[%parallel_loop3A_588, %parallel_loop3A_589] {strides = array<i32>} : memref<64x128xf32, #tpu.memory_space<vmem>>, vector<16xf32>,
        tpu.vector_store %arg10[%parallel_loop3A_588, %parallel_loop3A_589], %parallel_loop3A_587 {strides = array<i32>} : memref<64x128xf32, #tpu.memory_space<vmem>>, vector<16xf32>,
        %parallel_loop3A_591 = vector.broadcast %parallel_loop3A_566 : i32 to vector<16xi32>
        %parallel_loop3A_592 = arith.addi %shift_left3A_372, %parallel_loop3A_591 : vector<16xi32>
        %parallel_loop3A_593 = tpu.vector_load_idx %arg8[%add3A_17, %parallel_loop3A_592] : memref<128x128xf32, #tpu.memory_space<vmem>>[vector<16xi32>, vector<16xi32>], vector<16xf32>,
        %parallel_loop3A_594 = arith.addf %parallel_loop3A_593, %parallel_loop3A_569 : vector<16xf32>
        %parallel_loop3A_595 = arith.index_cast %parallel_loop3A_566 : i32 to index
        %parallel_loop3A_596 = arith.constant 48 : index
        %parallel_loop3A_597 = tpu.vector_load %arg10[%parallel_loop3A_595, %parallel_loop3A_596] {strides = array<i32>} : memref<64x128xf32, #tpu.memory_space<vmem>>, vector<16xf32>,
        tpu.vector_store %arg10[%parallel_loop3A_595, %parallel_loop3A_596], %parallel_loop3A_594 {strides = array<i32>} : memref<64x128xf32, #tpu.memory_space<vmem>>, vector<16xf32>,
        %parallel_loop3A_598 = vector.broadcast %parallel_loop3A_566 : i32 to vector<16xi32>
        %parallel_loop3A_599 = arith.addi %shift_left3A_384, %parallel_loop3A_598 : vector<16xi32>
        %parallel_loop3A_600 = tpu.vector_load_idx %arg8[%add3A_21, %parallel_loop3A_599] : memref<128x128xf32, #tpu.memory_space<vmem>>[vector<16xi32>, vector<16xi32>], vector<16xf32>,
        %parallel_loop3A_601 = arith.addf %parallel_loop3A_600, %parallel_loop3A_569 : vector<16xf32>
        %parallel_loop3A_602 = arith.index_cast %parallel_loop3A_566 : i32 to index
        %parallel_loop3A_603 = arith.constant 64 : index
        %parallel_loop3A_604 = tpu.vector_load %arg10[%parallel_loop3A_602, %parallel_loop3A_603] {strides = array<i32>} : memref<64x128xf32, #tpu.memory_space<vmem>>, vector<16xf32>,
        tpu.vector_store %arg10[%parallel_loop3A_602, %parallel_loop3A_603], %parallel_loop3A_601 {strides = array<i32>} : memref<64x128xf32, #tpu.memory_space<vmem>>, vector<16xf32>,
        %parallel_loop3A_605 = vector.broadcast %parallel_loop3A_566 : i32 to vector<16xi32>
        %parallel_loop3A_606 = arith.addi %shift_left3A_396, %parallel_loop3A_605 : vector<16xi32>
        %parallel_loop3A_607 = tpu.vector_load_idx %arg8[%add3A_25, %parallel_loop3A_606] : memref<128x128xf32, #tpu.memory_space<vmem>>[vector<16xi32>, vector<16xi32>], vector<16xf32>,
        %parallel_loop3A_608 = arith.addf %parallel_loop3A_607, %parallel_loop3A_569 : vector<16xf32>
        %parallel_loop3A_609 = arith.index_cast %parallel_loop3A_566 : i32 to index
        %parallel_loop3A_610 = arith.constant 80 : index
        %parallel_loop3A_611 = tpu.vector_load %arg10[%parallel_loop3A_609, %parallel_loop3A_610] {strides = array<i32>} : memref<64x128xf32, #tpu.memory_space<vmem>>, vector<16xf32>,
        tpu.vector_store %arg10[%parallel_loop3A_609, %parallel_loop3A_610], %parallel_loop3A_608 {strides = array<i32>} : memref<64x128xf32, #tpu.memory_space<vmem>>, vector<16xf32>,
        %parallel_loop3A_612 = vector.broadcast %parallel_loop3A_566 : i32 to vector<16xi32>
        %parallel_loop3A_613 = arith.addi %shift_left3A_408, %parallel_loop3A_612 : vector<16xi32>
        %parallel_loop3A_614 = tpu.vector_load_idx %arg8[%add3A_29, %parallel_loop3A_613] : memref<128x128xf32, #tpu.memory_space<vmem>>[vector<16xi32>, vector<16xi32>], vector<16xf32>,
        %parallel_loop3A_615 = arith.addf %parallel_loop3A_614, %parallel_loop3A_569 : vector<16xf32>
        %parallel_loop3A_616 = arith.index_cast %parallel_loop3A_566 : i32 to index
        %parallel_loop3A_617 = arith.constant 96 : index
        %parallel_loop3A_618 = tpu.vector_load %arg10[%parallel_loop3A_616, %parallel_loop3A_617] {strides = array<i32>} : memref<64x128xf32, #tpu.memory_space<vmem>>, vector<16xf32>,
        tpu.vector_store %arg10[%parallel_loop3A_616, %parallel_loop3A_617], %parallel_loop3A_615 {strides = array<i32>} : memref<64x128xf32, #tpu.memory_space<vmem>>, vector<16xf32>,
        %parallel_loop3A_619 = vector.broadcast %parallel_loop3A_566 : i32 to vector<16xi32>
        %parallel_loop3A_620 = arith.addi %shift_left3A_420, %parallel_loop3A_619 : vector<16xi32>
        %parallel_loop3A_621 = tpu.vector_load_idx %arg8[%add3A_33, %parallel_loop3A_620] : memref<128x128xf32, #tpu.memory_space<vmem>>[vector<16xi32>, vector<16xi32>], vector<16xf32>,
        %parallel_loop3A_622 = arith.addf %parallel_loop3A_621, %parallel_loop3A_569 : vector<16xf32>
        %parallel_loop3A_623 = arith.index_cast %parallel_loop3A_566 : i32 to index
        %parallel_loop3A_624 = arith.constant 112 : index
        %parallel_loop3A_625 = tpu.vector_load %arg10[%parallel_loop3A_623, %parallel_loop3A_624] {strides = array<i32>} : memref<64x128xf32, #tpu.memory_space<vmem>>, vector<16xf32>,
        tpu.vector_store %arg10[%parallel_loop3A_623, %parallel_loop3A_624], %parallel_loop3A_622 {strides = array<i32>} : memref<64x128xf32, #tpu.memory_space<vmem>>, vector<16xf32>,
      } {sc.loop_unroll_factor = 16 : i64, sc.parallel_access}
      %dma_start3A_427 = arith.constant 0 : i32
      %dma_start3A_428 = tpu.memref_slice %arg5[%add3A_318, %dma_start3A_427, %mul3A_2] : memref<200x64x4096xf32, #tpu.memory_space<hbm>> -> memref<1x64x128xf32, #tpu.memory_space<hbm>>
      %dma_start3A_429 = tpu.memref_squeeze %dma_start3A_428 : memref<1x64x128xf32, #tpu.memory_space<hbm>> -> memref<64x128xf32, #tpu.memory_space<hbm>>
      %dma_start3A_430 = arith.constant 0 : i32
      %dma_start3A_431 = tpu.memref_slice %arg5[%add3A_318, %dma_start3A_430, %mul3A_2] : memref<200x64x4096xf32, #tpu.memory_space<hbm>> -> memref<1x64x128xf32, #tpu.memory_space<hbm>>
      %dma_start3A_432 = tpu.memref_squeeze %dma_start3A_431 : memref<1x64x128xf32, #tpu.memory_space<hbm>> -> memref<64x128xf32, #tpu.memory_space<hbm>>
      tpu.enqueue_dma source(%arg10 : memref<64x128xf32, #tpu.memory_space<vmem>>) target(%dma_start3A_432 : memref<64x128xf32, #tpu.memory_space<hbm>>) target_semaphore(%arg16 : memref<!tpu.dma_semaphore, #tpu.memory_space<semaphore_mem>>)
      %add3A_433 = arith.constant 2 : i32
      %add3A_434 = arith.addi %add3A_318, %add3A_433 : i32
      %lt3A = arith.constant 200 : i32
      %lt3A_435 = arith.cmpi slt, %add3A_434, %lt3A : i32
      %convert_element_type3A_436 = arith.extui %lt3A_435 : i1 to i32
      %cond3A_437 = arith.constant 0 : i32
      %cond3A_438 = arith.cmpi ne, %convert_element_type3A_436, %cond3A_437 : i32
      scf.if %cond3A_438 {
        %add3A_566 = arith.constant 2 : i32
        %add3A_567 = arith.addi %add3A_318, %add3A_566 : i32
        %get3A_568 = arith.index_cast %add3A_567 : i32 to index
        %get3A_569 = arith.constant 0 : index
        %get3A_570 = tpu.vector_load %arg6[%get3A_568, %get3A_569] {strides = array<i32>} : memref<200x128xi32, #tpu.memory_space<vmem>>, vector<16xi32>,
        %shift_right_logical3A_571 = arith.constant 8 : i32
        %shift_right_logical3A_572 = vector.broadcast %shift_right_logical3A_571 : i32 to vector<16xi32>
        %shift_right_logical3A_573 = arith.shrui %get3A_570, %shift_right_logical3A_572 : vector<16xi32>
        %shift_left3A_574 = arith.constant 7 : i32
        %shift_left3A_575 = vector.broadcast %shift_left3A_574 : i32 to vector<16xi32>
        %shift_left3A_576 = arith.shli %shift_right_logical3A_573, %shift_left3A_575 : vector<16xi32>
        %and3A_577 = arith.constant 127 : i32
        %and3A_578 = vector.broadcast %and3A_577 : i32 to vector<16xi32>
        %and3A_579 = arith.andi %get3A_570, %and3A_578 : vector<16xi32>
        %or3A_580 = arith.ori %shift_left3A_576, %and3A_579 : vector<16xi32>
        %swap3A_581 = arith.constant 0 : index
        %swap3A_582 = tpu.vector_load %arg12[%swap3A_581] {strides = array<i32>} : memref<128xi32, #tpu.memory_space<vmem>>, vector<16xi32>,
        tpu.vector_store %arg12[%swap3A_581], %or3A_580 {strides = array<i32>} : memref<128xi32, #tpu.memory_space<vmem>>, vector<16xi32>,
        %get3A_583 = arith.index_cast %add3A_567 : i32 to index
        %get3A_584 = arith.constant 16 : index
        %get3A_585 = tpu.vector_load %arg6[%get3A_583, %get3A_584] {strides = array<i32>} : memref<200x128xi32, #tpu.memory_space<vmem>>, vector<16xi32>,
        %shift_right_logical3A_586 = arith.constant 8 : i32
        %shift_right_logical3A_587 = vector.broadcast %shift_right_logical3A_586 : i32 to vector<16xi32>
        %shift_right_logical3A_588 = arith.shrui %get3A_585, %shift_right_logical3A_587 : vector<16xi32>
        %shift_left3A_589 = arith.constant 7 : i32
        %shift_left3A_590 = vector.broadcast %shift_left3A_589 : i32 to vector<16xi32>
        %shift_left3A_591 = arith.shli %shift_right_logical3A_588, %shift_left3A_590 : vector<16xi32>
        %and3A_592 = arith.constant 127 : i32
        %and3A_593 = vector.broadcast %and3A_592 : i32 to vector<16xi32>
        %and3A_594 = arith.andi %get3A_585, %and3A_593 : vector<16xi32>
        %or3A_595 = arith.ori %shift_left3A_591, %and3A_594 : vector<16xi32>
        %swap3A_596 = arith.constant 16 : index
        %swap3A_597 = tpu.vector_load %arg12[%swap3A_596] {strides = array<i32>} : memref<128xi32, #tpu.memory_space<vmem>>, vector<16xi32>,
        tpu.vector_store %arg12[%swap3A_596], %or3A_595 {strides = array<i32>} : memref<128xi32, #tpu.memory_space<vmem>>, vector<16xi32>,
        %get3A_598 = arith.index_cast %add3A_567 : i32 to index
        %get3A_599 = arith.constant 32 : index
        %get3A_600 = tpu.vector_load %arg6[%get3A_598, %get3A_599] {strides = array<i32>} : memref<200x128xi32, #tpu.memory_space<vmem>>, vector<16xi32>,
        %shift_right_logical3A_601 = arith.constant 8 : i32
        %shift_right_logical3A_602 = vector.broadcast %shift_right_logical3A_601 : i32 to vector<16xi32>
        %shift_right_logical3A_603 = arith.shrui %get3A_600, %shift_right_logical3A_602 : vector<16xi32>
        %shift_left3A_604 = arith.constant 7 : i32
        %shift_left3A_605 = vector.broadcast %shift_left3A_604 : i32 to vector<16xi32>
        %shift_left3A_606 = arith.shli %shift_right_logical3A_603, %shift_left3A_605 : vector<16xi32>
        %and3A_607 = arith.constant 127 : i32
        %and3A_608 = vector.broadcast %and3A_607 : i32 to vector<16xi32>
        %and3A_609 = arith.andi %get3A_600, %and3A_608 : vector<16xi32>
        %or3A_610 = arith.ori %shift_left3A_606, %and3A_609 : vector<16xi32>
        %swap3A_611 = arith.constant 32 : index
        %swap3A_612 = tpu.vector_load %arg12[%swap3A_611] {strides = array<i32>} : memref<128xi32, #tpu.memory_space<vmem>>, vector<16xi32>,
        tpu.vector_store %arg12[%swap3A_611], %or3A_610 {strides = array<i32>} : memref<128xi32, #tpu.memory_space<vmem>>, vector<16xi32>,
        %get3A_613 = arith.index_cast %add3A_567 : i32 to index
        %get3A_614 = arith.constant 48 : index
        %get3A_615 = tpu.vector_load %arg6[%get3A_613, %get3A_614] {strides = array<i32>} : memref<200x128xi32, #tpu.memory_space<vmem>>, vector<16xi32>,
        %shift_right_logical3A_616 = arith.constant 8 : i32
        %shift_right_logical3A_617 = vector.broadcast %shift_right_logical3A_616 : i32 to vector<16xi32>
        %shift_right_logical3A_618 = arith.shrui %get3A_615, %shift_right_logical3A_617 : vector<16xi32>
        %shift_left3A_619 = arith.constant 7 : i32
        %shift_left3A_620 = vector.broadcast %shift_left3A_619 : i32 to vector<16xi32>
        %shift_left3A_621 = arith.shli %shift_right_logical3A_618, %shift_left3A_620 : vector<16xi32>
        %and3A_622 = arith.constant 127 : i32
        %and3A_623 = vector.broadcast %and3A_622 : i32 to vector<16xi32>
        %and3A_624 = arith.andi %get3A_615, %and3A_623 : vector<16xi32>
        %or3A_625 = arith.ori %shift_left3A_621, %and3A_624 : vector<16xi32>
        %swap3A_626 = arith.constant 48 : index
        %swap3A_627 = tpu.vector_load %arg12[%swap3A_626] {strides = array<i32>} : memref<128xi32, #tpu.memory_space<vmem>>, vector<16xi32>,
        tpu.vector_store %arg12[%swap3A_626], %or3A_625 {strides = array<i32>} : memref<128xi32, #tpu.memory_space<vmem>>, vector<16xi32>,
        %get3A_628 = arith.index_cast %add3A_567 : i32 to index
        %get3A_629 = arith.constant 64 : index
        %get3A_630 = tpu.vector_load %arg6[%get3A_628, %get3A_629] {strides = array<i32>} : memref<200x128xi32, #tpu.memory_space<vmem>>, vector<16xi32>,
        %shift_right_logical3A_631 = arith.constant 8 : i32
        %shift_right_logical3A_632 = vector.broadcast %shift_right_logical3A_631 : i32 to vector<16xi32>
        %shift_right_logical3A_633 = arith.shrui %get3A_630, %shift_right_logical3A_632 : vector<16xi32>
        %shift_left3A_634 = arith.constant 7 : i32
        %shift_left3A_635 = vector.broadcast %shift_left3A_634 : i32 to vector<16xi32>
        %shift_left3A_636 = arith.shli %shift_right_logical3A_633, %shift_left3A_635 : vector<16xi32>
        %and3A_637 = arith.constant 127 : i32
        %and3A_638 = vector.broadcast %and3A_637 : i32 to vector<16xi32>
        %and3A_639 = arith.andi %get3A_630, %and3A_638 : vector<16xi32>
        %or3A_640 = arith.ori %shift_left3A_636, %and3A_639 : vector<16xi32>
        %swap3A_641 = arith.constant 64 : index
        %swap3A_642 = tpu.vector_load %arg12[%swap3A_641] {strides = array<i32>} : memref<128xi32, #tpu.memory_space<vmem>>, vector<16xi32>,
        tpu.vector_store %arg12[%swap3A_641], %or3A_640 {strides = array<i32>} : memref<128xi32, #tpu.memory_space<vmem>>, vector<16xi32>,
        %get3A_643 = arith.index_cast %add3A_567 : i32 to index
        %get3A_644 = arith.constant 80 : index
        %get3A_645 = tpu.vector_load %arg6[%get3A_643, %get3A_644] {strides = array<i32>} : memref<200x128xi32, #tpu.memory_space<vmem>>, vector<16xi32>,
        %shift_right_logical3A_646 = arith.constant 8 : i32
        %shift_right_logical3A_647 = vector.broadcast %shift_right_logical3A_646 : i32 to vector<16xi32>
        %shift_right_logical3A_648 = arith.shrui %get3A_645, %shift_right_logical3A_647 : vector<16xi32>
        %shift_left3A_649 = arith.constant 7 : i32
        %shift_left3A_650 = vector.broadcast %shift_left3A_649 : i32 to vector<16xi32>
        %shift_left3A_651 = arith.shli %shift_right_logical3A_648, %shift_left3A_650 : vector<16xi32>
        %and3A_652 = arith.constant 127 : i32
        %and3A_653 = vector.broadcast %and3A_652 : i32 to vector<16xi32>
        %and3A_654 = arith.andi %get3A_645, %and3A_653 : vector<16xi32>
        %or3A_655 = arith.ori %shift_left3A_651, %and3A_654 : vector<16xi32>
        %swap3A_656 = arith.constant 80 : index
        %swap3A_657 = tpu.vector_load %arg12[%swap3A_656] {strides = array<i32>} : memref<128xi32, #tpu.memory_space<vmem>>, vector<16xi32>,
        tpu.vector_store %arg12[%swap3A_656], %or3A_655 {strides = array<i32>} : memref<128xi32, #tpu.memory_space<vmem>>, vector<16xi32>,
        %get3A_658 = arith.index_cast %add3A_567 : i32 to index
        %get3A_659 = arith.constant 96 : index
        %get3A_660 = tpu.vector_load %arg6[%get3A_658, %get3A_659] {strides = array<i32>} : memref<200x128xi32, #tpu.memory_space<vmem>>, vector<16xi32>,
        %shift_right_logical3A_661 = arith.constant 8 : i32
        %shift_right_logical3A_662 = vector.broadcast %shift_right_logical3A_661 : i32 to vector<16xi32>
        %shift_right_logical3A_663 = arith.shrui %get3A_660, %shift_right_logical3A_662 : vector<16xi32>
        %shift_left3A_664 = arith.constant 7 : i32
        %shift_left3A_665 = vector.broadcast %shift_left3A_664 : i32 to vector<16xi32>
        %shift_left3A_666 = arith.shli %shift_right_logical3A_663, %shift_left3A_665 : vector<16xi32>
        %and3A_667 = arith.constant 127 : i32
        %and3A_668 = vector.broadcast %and3A_667 : i32 to vector<16xi32>
        %and3A_669 = arith.andi %get3A_660, %and3A_668 : vector<16xi32>
        %or3A_670 = arith.ori %shift_left3A_666, %and3A_669 : vector<16xi32>
        %swap3A_671 = arith.constant 96 : index
        %swap3A_672 = tpu.vector_load %arg12[%swap3A_671] {strides = array<i32>} : memref<128xi32, #tpu.memory_space<vmem>>, vector<16xi32>,
        tpu.vector_store %arg12[%swap3A_671], %or3A_670 {strides = array<i32>} : memref<128xi32, #tpu.memory_space<vmem>>, vector<16xi32>,
        %get3A_673 = arith.index_cast %add3A_567 : i32 to index
        %get3A_674 = arith.constant 112 : index
        %get3A_675 = tpu.vector_load %arg6[%get3A_673, %get3A_674] {strides = array<i32>} : memref<200x128xi32, #tpu.memory_space<vmem>>, vector<16xi32>,
        %shift_right_logical3A_676 = arith.constant 8 : i32
        %shift_right_logical3A_677 = vector.broadcast %shift_right_logical3A_676 : i32 to vector<16xi32>
        %shift_right_logical3A_678 = arith.shrui %get3A_675, %shift_right_logical3A_677 : vector<16xi32>
        %shift_left3A_679 = arith.constant 7 : i32
        %shift_left3A_680 = vector.broadcast %shift_left3A_679 : i32 to vector<16xi32>
        %shift_left3A_681 = arith.shli %shift_right_logical3A_678, %shift_left3A_680 : vector<16xi32>
        %and3A_682 = arith.constant 127 : i32
        %and3A_683 = vector.broadcast %and3A_682 : i32 to vector<16xi32>
        %and3A_684 = arith.andi %get3A_675, %and3A_683 : vector<16xi32>
        %or3A_685 = arith.ori %shift_left3A_681, %and3A_684 : vector<16xi32>
        %swap3A_686 = arith.constant 112 : index
        %swap3A_687 = tpu.vector_load %arg12[%swap3A_686] {strides = array<i32>} : memref<128xi32, #tpu.memory_space<vmem>>, vector<16xi32>,
        tpu.vector_store %arg12[%swap3A_686], %or3A_685 {strides = array<i32>} : memref<128xi32, #tpu.memory_space<vmem>>, vector<16xi32>,
        %dma_start3A_688 = arith.constant 0 : i32
        %dma_start3A_689 = arith.constant 0 : i32
        %dma_start3A_690 = tpu.memref_slice %arg8[%dma_start3A_688, %dma_start3A_689] : memref<128x128xf32, #tpu.memory_space<vmem>> -> memref<128x128xf32, #tpu.memory_space<vmem>>
        %dma_start3A_691 = arith.constant 0 : i32
        %dma_start3A_692 = arith.constant 0 : i32
        %dma_start3A_693 = tpu.memref_slice %arg3[%dma_start3A_691, %dma_start3A_692] : memref<507904x128xf32, #tpu.memory_space<hbm>> -> memref<507904x128xf32, #tpu.memory_space<hbm>>
        tpu.enqueue_indirect_dma source(%dma_start3A_693 : memref<507904x128xf32, #tpu.memory_space<hbm>>) target(%dma_start3A_690 : memref<128x128xf32, #tpu.memory_space<vmem>>) offsets(%arg12 : memref<128xi32, #tpu.memory_space<vmem>>) semaphore(%arg14 : memref<!tpu.dma_semaphore, #tpu.memory_space<semaphore_mem>>)
      } else {
      }
      %add3A_439 = arith.constant 1 : i32
      %add3A_440 = arith.addi %add3A_316, %add3A_439 : i32
      %dma_wait3A_441 = arith.constant 0 : i32
      %dma_wait3A_442 = arith.constant 0 : i32
      %dma_wait3A_443 = tpu.memref_slice %arg9[%dma_wait3A_441, %dma_wait3A_442] : memref<128x128xf32, #tpu.memory_space<vmem>> -> memref<128x128xf32, #tpu.memory_space<vmem>>
      %dma_wait3A_444 = arith.constant 0 : i32
      %dma_wait3A_445 = arith.constant 0 : i32
      %dma_wait3A_446 = tpu.memref_slice %arg3[%dma_wait3A_444, %dma_wait3A_445] : memref<507904x128xf32, #tpu.memory_space<hbm>> -> memref<507904x128xf32, #tpu.memory_space<hbm>>
      tpu.wait_indirect_dma semaphore(%arg15 : memref<!tpu.dma_semaphore, #tpu.memory_space<semaphore_mem>>) src(%dma_wait3A_446 : memref<507904x128xf32, #tpu.memory_space<hbm>>) dst(%dma_wait3A_443 : memref<128x128xf32, #tpu.memory_space<vmem>>)
      %get3A_447 = arith.index_cast %add3A_440 : i32 to index
      %get3A_448 = arith.constant 0 : index
      %get3A_449 = tpu.vector_load %arg6[%get3A_447, %get3A_448] {strides = array<i32>} : memref<200x128xi32, #tpu.memory_space<vmem>>, vector<16xi32>,
      %shift_right_logical3A_450 = arith.constant 7 : i32
      %shift_right_logical3A_451 = vector.broadcast %shift_right_logical3A_450 : i32 to vector<16xi32>
      %shift_right_logical3A_452 = arith.shrui %get3A_449, %shift_right_logical3A_451 : vector<16xi32>
      %and3A_453 = arith.constant 1 : i32
      %and3A_454 = vector.broadcast %and3A_453 : i32 to vector<16xi32>
      %and3A_455 = arith.andi %shift_right_logical3A_452, %and3A_454 : vector<16xi32>
      %shift_left3A_456 = arith.constant 6 : i32
      %shift_left3A_457 = vector.broadcast %shift_left3A_456 : i32 to vector<16xi32>
      %shift_left3A_458 = arith.shli %and3A_455, %shift_left3A_457 : vector<16xi32>
      %get3A_459 = arith.index_cast %add3A_440 : i32 to index
      %get3A_460 = arith.constant 16 : index
      %get3A_461 = tpu.vector_load %arg6[%get3A_459, %get3A_460] {strides = array<i32>} : memref<200x128xi32, #tpu.memory_space<vmem>>, vector<16xi32>,
      %shift_right_logical3A_462 = arith.constant 7 : i32
      %shift_right_logical3A_463 = vector.broadcast %shift_right_logical3A_462 : i32 to vector<16xi32>
      %shift_right_logical3A_464 = arith.shrui %get3A_461, %shift_right_logical3A_463 : vector<16xi32>
      %and3A_465 = arith.constant 1 : i32
      %and3A_466 = vector.broadcast %and3A_465 : i32 to vector<16xi32>
      %and3A_467 = arith.andi %shift_right_logical3A_464, %and3A_466 : vector<16xi32>
      %shift_left3A_468 = arith.constant 6 : i32
      %shift_left3A_469 = vector.broadcast %shift_left3A_468 : i32 to vector<16xi32>
      %shift_left3A_470 = arith.shli %and3A_467, %shift_left3A_469 : vector<16xi32>
      %get3A_471 = arith.index_cast %add3A_440 : i32 to index
      %get3A_472 = arith.constant 32 : index
      %get3A_473 = tpu.vector_load %arg6[%get3A_471, %get3A_472] {strides = array<i32>} : memref<200x128xi32, #tpu.memory_space<vmem>>, vector<16xi32>,
      %shift_right_logical3A_474 = arith.constant 7 : i32
      %shift_right_logical3A_475 = vector.broadcast %shift_right_logical3A_474 : i32 to vector<16xi32>
      %shift_right_logical3A_476 = arith.shrui %get3A_473, %shift_right_logical3A_475 : vector<16xi32>
      %and3A_477 = arith.constant 1 : i32
      %and3A_478 = vector.broadcast %and3A_477 : i32 to vector<16xi32>
      %and3A_479 = arith.andi %shift_right_logical3A_476, %and3A_478 : vector<16xi32>
      %shift_left3A_480 = arith.constant 6 : i32
      %shift_left3A_481 = vector.broadcast %shift_left3A_480 : i32 to vector<16xi32>
      %shift_left3A_482 = arith.shli %and3A_479, %shift_left3A_481 : vector<16xi32>
      %get3A_483 = arith.index_cast %add3A_440 : i32 to index
      %get3A_484 = arith.constant 48 : index
      %get3A_485 = tpu.vector_load %arg6[%get3A_483, %get3A_484] {strides = array<i32>} : memref<200x128xi32, #tpu.memory_space<vmem>>, vector<16xi32>,
      %shift_right_logical3A_486 = arith.constant 7 : i32
      %shift_right_logical3A_487 = vector.broadcast %shift_right_logical3A_486 : i32 to vector<16xi32>
      %shift_right_logical3A_488 = arith.shrui %get3A_485, %shift_right_logical3A_487 : vector<16xi32>
      %and3A_489 = arith.constant 1 : i32
      %and3A_490 = vector.broadcast %and3A_489 : i32 to vector<16xi32>
      %and3A_491 = arith.andi %shift_right_logical3A_488, %and3A_490 : vector<16xi32>
      %shift_left3A_492 = arith.constant 6 : i32
      %shift_left3A_493 = vector.broadcast %shift_left3A_492 : i32 to vector<16xi32>
      %shift_left3A_494 = arith.shli %and3A_491, %shift_left3A_493 : vector<16xi32>
      %get3A_495 = arith.index_cast %add3A_440 : i32 to index
      %get3A_496 = arith.constant 64 : index
      %get3A_497 = tpu.vector_load %arg6[%get3A_495, %get3A_496] {strides = array<i32>} : memref<200x128xi32, #tpu.memory_space<vmem>>, vector<16xi32>,
      %shift_right_logical3A_498 = arith.constant 7 : i32
      %shift_right_logical3A_499 = vector.broadcast %shift_right_logical3A_498 : i32 to vector<16xi32>
      %shift_right_logical3A_500 = arith.shrui %get3A_497, %shift_right_logical3A_499 : vector<16xi32>
      %and3A_501 = arith.constant 1 : i32
      %and3A_502 = vector.broadcast %and3A_501 : i32 to vector<16xi32>
      %and3A_503 = arith.andi %shift_right_logical3A_500, %and3A_502 : vector<16xi32>
      %shift_left3A_504 = arith.constant 6 : i32
      %shift_left3A_505 = vector.broadcast %shift_left3A_504 : i32 to vector<16xi32>
      %shift_left3A_506 = arith.shli %and3A_503, %shift_left3A_505 : vector<16xi32>
      %get3A_507 = arith.index_cast %add3A_440 : i32 to index
      %get3A_508 = arith.constant 80 : index
      %get3A_509 = tpu.vector_load %arg6[%get3A_507, %get3A_508] {strides = array<i32>} : memref<200x128xi32, #tpu.memory_space<vmem>>, vector<16xi32>,
      %shift_right_logical3A_510 = arith.constant 7 : i32
      %shift_right_logical3A_511 = vector.broadcast %shift_right_logical3A_510 : i32 to vector<16xi32>
      %shift_right_logical3A_512 = arith.shrui %get3A_509, %shift_right_logical3A_511 : vector<16xi32>
      %and3A_513 = arith.constant 1 : i32
      %and3A_514 = vector.broadcast %and3A_513 : i32 to vector<16xi32>
      %and3A_515 = arith.andi %shift_right_logical3A_512, %and3A_514 : vector<16xi32>
      %shift_left3A_516 = arith.constant 6 : i32
      %shift_left3A_517 = vector.broadcast %shift_left3A_516 : i32 to vector<16xi32>
      %shift_left3A_518 = arith.shli %and3A_515, %shift_left3A_517 : vector<16xi32>
      %get3A_519 = arith.index_cast %add3A_440 : i32 to index
      %get3A_520 = arith.constant 96 : index
      %get3A_521 = tpu.vector_load %arg6[%get3A_519, %get3A_520] {strides = array<i32>} : memref<200x128xi32, #tpu.memory_space<vmem>>, vector<16xi32>,
      %shift_right_logical3A_522 = arith.constant 7 : i32
      %shift_right_logical3A_523 = vector.broadcast %shift_right_logical3A_522 : i32 to vector<16xi32>
      %shift_right_logical3A_524 = arith.shrui %get3A_521, %shift_right_logical3A_523 : vector<16xi32>
      %and3A_525 = arith.constant 1 : i32
      %and3A_526 = vector.broadcast %and3A_525 : i32 to vector<16xi32>
      %and3A_527 = arith.andi %shift_right_logical3A_524, %and3A_526 : vector<16xi32>
      %shift_left3A_528 = arith.constant 6 : i32
      %shift_left3A_529 = vector.broadcast %shift_left3A_528 : i32 to vector<16xi32>
      %shift_left3A_530 = arith.shli %and3A_527, %shift_left3A_529 : vector<16xi32>
      %get3A_531 = arith.index_cast %add3A_440 : i32 to index
      %get3A_532 = arith.constant 112 : index
      %get3A_533 = tpu.vector_load %arg6[%get3A_531, %get3A_532] {strides = array<i32>} : memref<200x128xi32, #tpu.memory_space<vmem>>, vector<16xi32>,
      %shift_right_logical3A_534 = arith.constant 7 : i32
      %shift_right_logical3A_535 = vector.broadcast %shift_right_logical3A_534 : i32 to vector<16xi32>
      %shift_right_logical3A_536 = arith.shrui %get3A_533, %shift_right_logical3A_535 : vector<16xi32>
      %and3A_537 = arith.constant 1 : i32
      %and3A_538 = vector.broadcast %and3A_537 : i32 to vector<16xi32>
      %and3A_539 = arith.andi %shift_right_logical3A_536, %and3A_538 : vector<16xi32>
      %shift_left3A_540 = arith.constant 6 : i32
      %shift_left3A_541 = vector.broadcast %shift_left3A_540 : i32 to vector<16xi32>
      %shift_left3A_542 = arith.shli %and3A_539, %shift_left3A_541 : vector<16xi32>
      %ge3A_543 = arith.constant 2 : i32
      %ge3A_544 = arith.cmpi sge, %add3A_440, %ge3A_543 : i32
      %convert_element_type3A_545 = arith.extui %ge3A_544 : i1 to i32
      %cond3A_546 = arith.constant 0 : i32
      %cond3A_547 = arith.cmpi ne, %convert_element_type3A_545, %cond3A_546 : i32
      scf.if %cond3A_547 {
        %dma_wait3A_566 = arith.constant 0 : i32
        %dma_wait3A_567 = arith.constant 0 : i32
        %dma_wait3A_568 = tpu.memref_slice %arg5[%dma_wait3A_566, %dma_wait3A_567, %mul3A_2] : memref<200x64x4096xf32, #tpu.memory_space<hbm>> -> memref<1x64x128xf32, #tpu.memory_space<hbm>>
        %dma_wait3A_569 = tpu.memref_squeeze %dma_wait3A_568 : memref<1x64x128xf32, #tpu.memory_space<hbm>> -> memref<64x128xf32, #tpu.memory_space<hbm>>
        %dma_wait3A_570 = arith.constant 0 : i32
        %dma_wait3A_571 = tpu.memref_slice %arg5[%dma_wait3A_566, %dma_wait3A_570, %mul3A_2] : memref<200x64x4096xf32, #tpu.memory_space<hbm>> -> memref<1x64x128xf32, #tpu.memory_space<hbm>>
        %dma_wait3A_572 = tpu.memref_squeeze %dma_wait3A_571 : memref<1x64x128xf32, #tpu.memory_space<hbm>> -> memref<64x128xf32, #tpu.memory_space<hbm>>
        tpu.wait_dma2 semaphore(%arg17 : memref<!tpu.dma_semaphore, #tpu.memory_space<semaphore_mem>>) src(%arg11 : memref<64x128xf32, #tpu.memory_space<vmem>>) dst(%dma_wait3A_572 : memref<64x128xf32, #tpu.memory_space<hbm>>)
      } else {
      }
      %mul3A_548 = arith.constant 64 : i32
      %mul3A_549 = arith.muli %add3A_440, %mul3A_548 : i32
      %parallel_loop3A_550 = arith.constant 0 : i32
      %parallel_loop3A_551 = arith.constant 64 : i32
      %parallel_loop3A_552 = arith.constant 1 : i32
      scf.for %parallel_loop3A_566 = %parallel_loop3A_550 to %parallel_loop3A_551 step %parallel_loop3A_552  : i32 {
        %parallel_loop3A_567 = arith.addi %mul3A_549, %parallel_loop3A_566 : i32
        %parallel_loop3A_568 = vector.broadcast %parallel_loop3A_567 : i32 to vector<16xi32>
        %parallel_loop3A_569 = tpu.vector_load_idx %arg7[%parallel_loop3A_568] : memref<12800xf32, #tpu.memory_space<vmem>>[vector<16xi32>], vector<16xf32>,
        %parallel_loop3A_570 = vector.broadcast %parallel_loop3A_566 : i32 to vector<16xi32>
        %parallel_loop3A_571 = arith.addi %shift_left3A_458, %parallel_loop3A_570 : vector<16xi32>
        %parallel_loop3A_572 = tpu.vector_load_idx %arg9[%add3A_5, %parallel_loop3A_571] : memref<128x128xf32, #tpu.memory_space<vmem>>[vector<16xi32>, vector<16xi32>], vector<16xf32>,
        %parallel_loop3A_573 = arith.addf %parallel_loop3A_572, %parallel_loop3A_569 : vector<16xf32>
        %parallel_loop3A_574 = arith.index_cast %parallel_loop3A_566 : i32 to index
        %parallel_loop3A_575 = arith.constant 0 : index
        %parallel_loop3A_576 = tpu.vector_load %arg11[%parallel_loop3A_574, %parallel_loop3A_575] {strides = array<i32>} : memref<64x128xf32, #tpu.memory_space<vmem>>, vector<16xf32>,
        tpu.vector_store %arg11[%parallel_loop3A_574, %parallel_loop3A_575], %parallel_loop3A_573 {strides = array<i32>} : memref<64x128xf32, #tpu.memory_space<vmem>>, vector<16xf32>,
        %parallel_loop3A_577 = vector.broadcast %parallel_loop3A_566 : i32 to vector<16xi32>
        %parallel_loop3A_578 = arith.addi %shift_left3A_470, %parallel_loop3A_577 : vector<16xi32>
        %parallel_loop3A_579 = tpu.vector_load_idx %arg9[%add3A_9, %parallel_loop3A_578] : memref<128x128xf32, #tpu.memory_space<vmem>>[vector<16xi32>, vector<16xi32>], vector<16xf32>,
        %parallel_loop3A_580 = arith.addf %parallel_loop3A_579, %parallel_loop3A_569 : vector<16xf32>
        %parallel_loop3A_581 = arith.index_cast %parallel_loop3A_566 : i32 to index
        %parallel_loop3A_582 = arith.constant 16 : index
        %parallel_loop3A_583 = tpu.vector_load %arg11[%parallel_loop3A_581, %parallel_loop3A_582] {strides = array<i32>} : memref<64x128xf32, #tpu.memory_space<vmem>>, vector<16xf32>,
        tpu.vector_store %arg11[%parallel_loop3A_581, %parallel_loop3A_582], %parallel_loop3A_580 {strides = array<i32>} : memref<64x128xf32, #tpu.memory_space<vmem>>, vector<16xf32>,
        %parallel_loop3A_584 = vector.broadcast %parallel_loop3A_566 : i32 to vector<16xi32>
        %parallel_loop3A_585 = arith.addi %shift_left3A_482, %parallel_loop3A_584 : vector<16xi32>
        %parallel_loop3A_586 = tpu.vector_load_idx %arg9[%add3A_13, %parallel_loop3A_585] : memref<128x128xf32, #tpu.memory_space<vmem>>[vector<16xi32>, vector<16xi32>], vector<16xf32>,
        %parallel_loop3A_587 = arith.addf %parallel_loop3A_586, %parallel_loop3A_569 : vector<16xf32>
        %parallel_loop3A_588 = arith.index_cast %parallel_loop3A_566 : i32 to index
        %parallel_loop3A_589 = arith.constant 32 : index
        %parallel_loop3A_590 = tpu.vector_load %arg11[%parallel_loop3A_588, %parallel_loop3A_589] {strides = array<i32>} : memref<64x128xf32, #tpu.memory_space<vmem>>, vector<16xf32>,
        tpu.vector_store %arg11[%parallel_loop3A_588, %parallel_loop3A_589], %parallel_loop3A_587 {strides = array<i32>} : memref<64x128xf32, #tpu.memory_space<vmem>>, vector<16xf32>,
        %parallel_loop3A_591 = vector.broadcast %parallel_loop3A_566 : i32 to vector<16xi32>
        %parallel_loop3A_592 = arith.addi %shift_left3A_494, %parallel_loop3A_591 : vector<16xi32>
        %parallel_loop3A_593 = tpu.vector_load_idx %arg9[%add3A_17, %parallel_loop3A_592] : memref<128x128xf32, #tpu.memory_space<vmem>>[vector<16xi32>, vector<16xi32>], vector<16xf32>,
        %parallel_loop3A_594 = arith.addf %parallel_loop3A_593, %parallel_loop3A_569 : vector<16xf32>
        %parallel_loop3A_595 = arith.index_cast %parallel_loop3A_566 : i32 to index
        %parallel_loop3A_596 = arith.constant 48 : index
        %parallel_loop3A_597 = tpu.vector_load %arg11[%parallel_loop3A_595, %parallel_loop3A_596] {strides = array<i32>} : memref<64x128xf32, #tpu.memory_space<vmem>>, vector<16xf32>,
        tpu.vector_store %arg11[%parallel_loop3A_595, %parallel_loop3A_596], %parallel_loop3A_594 {strides = array<i32>} : memref<64x128xf32, #tpu.memory_space<vmem>>, vector<16xf32>,
        %parallel_loop3A_598 = vector.broadcast %parallel_loop3A_566 : i32 to vector<16xi32>
        %parallel_loop3A_599 = arith.addi %shift_left3A_506, %parallel_loop3A_598 : vector<16xi32>
        %parallel_loop3A_600 = tpu.vector_load_idx %arg9[%add3A_21, %parallel_loop3A_599] : memref<128x128xf32, #tpu.memory_space<vmem>>[vector<16xi32>, vector<16xi32>], vector<16xf32>,
        %parallel_loop3A_601 = arith.addf %parallel_loop3A_600, %parallel_loop3A_569 : vector<16xf32>
        %parallel_loop3A_602 = arith.index_cast %parallel_loop3A_566 : i32 to index
        %parallel_loop3A_603 = arith.constant 64 : index
        %parallel_loop3A_604 = tpu.vector_load %arg11[%parallel_loop3A_602, %parallel_loop3A_603] {strides = array<i32>} : memref<64x128xf32, #tpu.memory_space<vmem>>, vector<16xf32>,
        tpu.vector_store %arg11[%parallel_loop3A_602, %parallel_loop3A_603], %parallel_loop3A_601 {strides = array<i32>} : memref<64x128xf32, #tpu.memory_space<vmem>>, vector<16xf32>,
        %parallel_loop3A_605 = vector.broadcast %parallel_loop3A_566 : i32 to vector<16xi32>
        %parallel_loop3A_606 = arith.addi %shift_left3A_518, %parallel_loop3A_605 : vector<16xi32>
        %parallel_loop3A_607 = tpu.vector_load_idx %arg9[%add3A_25, %parallel_loop3A_606] : memref<128x128xf32, #tpu.memory_space<vmem>>[vector<16xi32>, vector<16xi32>], vector<16xf32>,
        %parallel_loop3A_608 = arith.addf %parallel_loop3A_607, %parallel_loop3A_569 : vector<16xf32>
        %parallel_loop3A_609 = arith.index_cast %parallel_loop3A_566 : i32 to index
        %parallel_loop3A_610 = arith.constant 80 : index
        %parallel_loop3A_611 = tpu.vector_load %arg11[%parallel_loop3A_609, %parallel_loop3A_610] {strides = array<i32>} : memref<64x128xf32, #tpu.memory_space<vmem>>, vector<16xf32>,
        tpu.vector_store %arg11[%parallel_loop3A_609, %parallel_loop3A_610], %parallel_loop3A_608 {strides = array<i32>} : memref<64x128xf32, #tpu.memory_space<vmem>>, vector<16xf32>,
        %parallel_loop3A_612 = vector.broadcast %parallel_loop3A_566 : i32 to vector<16xi32>
        %parallel_loop3A_613 = arith.addi %shift_left3A_530, %parallel_loop3A_612 : vector<16xi32>
        %parallel_loop3A_614 = tpu.vector_load_idx %arg9[%add3A_29, %parallel_loop3A_613] : memref<128x128xf32, #tpu.memory_space<vmem>>[vector<16xi32>, vector<16xi32>], vector<16xf32>,
        %parallel_loop3A_615 = arith.addf %parallel_loop3A_614, %parallel_loop3A_569 : vector<16xf32>
        %parallel_loop3A_616 = arith.index_cast %parallel_loop3A_566 : i32 to index
        %parallel_loop3A_617 = arith.constant 96 : index
        %parallel_loop3A_618 = tpu.vector_load %arg11[%parallel_loop3A_616, %parallel_loop3A_617] {strides = array<i32>} : memref<64x128xf32, #tpu.memory_space<vmem>>, vector<16xf32>,
        tpu.vector_store %arg11[%parallel_loop3A_616, %parallel_loop3A_617], %parallel_loop3A_615 {strides = array<i32>} : memref<64x128xf32, #tpu.memory_space<vmem>>, vector<16xf32>,
        %parallel_loop3A_619 = vector.broadcast %parallel_loop3A_566 : i32 to vector<16xi32>
        %parallel_loop3A_620 = arith.addi %shift_left3A_542, %parallel_loop3A_619 : vector<16xi32>
        %parallel_loop3A_621 = tpu.vector_load_idx %arg9[%add3A_33, %parallel_loop3A_620] : memref<128x128xf32, #tpu.memory_space<vmem>>[vector<16xi32>, vector<16xi32>], vector<16xf32>,
        %parallel_loop3A_622 = arith.addf %parallel_loop3A_621, %parallel_loop3A_569 : vector<16xf32>
        %parallel_loop3A_623 = arith.index_cast %parallel_loop3A_566 : i32 to index
        %parallel_loop3A_624 = arith.constant 112 : index
        %parallel_loop3A_625 = tpu.vector_load %arg11[%parallel_loop3A_623, %parallel_loop3A_624] {strides = array<i32>} : memref<64x128xf32, #tpu.memory_space<vmem>>, vector<16xf32>,
        tpu.vector_store %arg11[%parallel_loop3A_623, %parallel_loop3A_624], %parallel_loop3A_622 {strides = array<i32>} : memref<64x128xf32, #tpu.memory_space<vmem>>, vector<16xf32>,
      } {sc.loop_unroll_factor = 16 : i64, sc.parallel_access}
      %dma_start3A_553 = arith.constant 0 : i32
      %dma_start3A_554 = tpu.memref_slice %arg5[%add3A_440, %dma_start3A_553, %mul3A_2] : memref<200x64x4096xf32, #tpu.memory_space<hbm>> -> memref<1x64x128xf32, #tpu.memory_space<hbm>>
      %dma_start3A_555 = tpu.memref_squeeze %dma_start3A_554 : memref<1x64x128xf32, #tpu.memory_space<hbm>> -> memref<64x128xf32, #tpu.memory_space<hbm>>
      %dma_start3A_556 = arith.constant 0 : i32
      %dma_start3A_557 = tpu.memref_slice %arg5[%add3A_440, %dma_start3A_556, %mul3A_2] : memref<200x64x4096xf32, #tpu.memory_space<hbm>> -> memref<1x64x128xf32, #tpu.memory_space<hbm>>
      %dma_start3A_558 = tpu.memref_squeeze %dma_start3A_557 : memref<1x64x128xf32, #tpu.memory_space<hbm>> -> memref<64x128xf32, #tpu.memory_space<hbm>>
      tpu.enqueue_dma source(%arg11 : memref<64x128xf32, #tpu.memory_space<vmem>>) target(%dma_start3A_558 : memref<64x128xf32, #tpu.memory_space<hbm>>) target_semaphore(%arg17 : memref<!tpu.dma_semaphore, #tpu.memory_space<semaphore_mem>>)
      %add3A_559 = arith.constant 2 : i32
      %add3A_560 = arith.addi %add3A_440, %add3A_559 : i32
      %lt3A_561 = arith.constant 200 : i32
      %lt3A_562 = arith.cmpi slt, %add3A_560, %lt3A_561 : i32
      %convert_element_type3A_563 = arith.extui %lt3A_562 : i1 to i32
      %cond3A_564 = arith.constant 0 : i32
      %cond3A_565 = arith.cmpi ne, %convert_element_type3A_563, %cond3A_564 : i32
      scf.if %cond3A_565 {
        %add3A_566 = arith.constant 2 : i32
        %add3A_567 = arith.addi %add3A_440, %add3A_566 : i32
        %get3A_568 = arith.index_cast %add3A_567 : i32 to index
        %get3A_569 = arith.constant 0 : index
        %get3A_570 = tpu.vector_load %arg6[%get3A_568, %get3A_569] {strides = array<i32>} : memref<200x128xi32, #tpu.memory_space<vmem>>, vector<16xi32>,
        %shift_right_logical3A_571 = arith.constant 8 : i32
        %shift_right_logical3A_572 = vector.broadcast %shift_right_logical3A_571 : i32 to vector<16xi32>
        %shift_right_logical3A_573 = arith.shrui %get3A_570, %shift_right_logical3A_572 : vector<16xi32>
        %shift_left3A_574 = arith.constant 7 : i32
        %shift_left3A_575 = vector.broadcast %shift_left3A_574 : i32 to vector<16xi32>
        %shift_left3A_576 = arith.shli %shift_right_logical3A_573, %shift_left3A_575 : vector<16xi32>
        %and3A_577 = arith.constant 127 : i32
        %and3A_578 = vector.broadcast %and3A_577 : i32 to vector<16xi32>
        %and3A_579 = arith.andi %get3A_570, %and3A_578 : vector<16xi32>
        %or3A_580 = arith.ori %shift_left3A_576, %and3A_579 : vector<16xi32>
        %swap3A_581 = arith.constant 0 : index
        %swap3A_582 = tpu.vector_load %arg13[%swap3A_581] {strides = array<i32>} : memref<128xi32, #tpu.memory_space<vmem>>, vector<16xi32>,
        tpu.vector_store %arg13[%swap3A_581], %or3A_580 {strides = array<i32>} : memref<128xi32, #tpu.memory_space<vmem>>, vector<16xi32>,
        %get3A_583 = arith.index_cast %add3A_567 : i32 to index
        %get3A_584 = arith.constant 16 : index
        %get3A_585 = tpu.vector_load %arg6[%get3A_583, %get3A_584] {strides = array<i32>} : memref<200x128xi32, #tpu.memory_space<vmem>>, vector<16xi32>,
        %shift_right_logical3A_586 = arith.constant 8 : i32
        %shift_right_logical3A_587 = vector.broadcast %shift_right_logical3A_586 : i32 to vector<16xi32>
        %shift_right_logical3A_588 = arith.shrui %get3A_585, %shift_right_logical3A_587 : vector<16xi32>
        %shift_left3A_589 = arith.constant 7 : i32
        %shift_left3A_590 = vector.broadcast %shift_left3A_589 : i32 to vector<16xi32>
        %shift_left3A_591 = arith.shli %shift_right_logical3A_588, %shift_left3A_590 : vector<16xi32>
        %and3A_592 = arith.constant 127 : i32
        %and3A_593 = vector.broadcast %and3A_592 : i32 to vector<16xi32>
        %and3A_594 = arith.andi %get3A_585, %and3A_593 : vector<16xi32>
        %or3A_595 = arith.ori %shift_left3A_591, %and3A_594 : vector<16xi32>
        %swap3A_596 = arith.constant 16 : index
        %swap3A_597 = tpu.vector_load %arg13[%swap3A_596] {strides = array<i32>} : memref<128xi32, #tpu.memory_space<vmem>>, vector<16xi32>,
        tpu.vector_store %arg13[%swap3A_596], %or3A_595 {strides = array<i32>} : memref<128xi32, #tpu.memory_space<vmem>>, vector<16xi32>,
        %get3A_598 = arith.index_cast %add3A_567 : i32 to index
        %get3A_599 = arith.constant 32 : index
        %get3A_600 = tpu.vector_load %arg6[%get3A_598, %get3A_599] {strides = array<i32>} : memref<200x128xi32, #tpu.memory_space<vmem>>, vector<16xi32>,
        %shift_right_logical3A_601 = arith.constant 8 : i32
        %shift_right_logical3A_602 = vector.broadcast %shift_right_logical3A_601 : i32 to vector<16xi32>
        %shift_right_logical3A_603 = arith.shrui %get3A_600, %shift_right_logical3A_602 : vector<16xi32>
        %shift_left3A_604 = arith.constant 7 : i32
        %shift_left3A_605 = vector.broadcast %shift_left3A_604 : i32 to vector<16xi32>
        %shift_left3A_606 = arith.shli %shift_right_logical3A_603, %shift_left3A_605 : vector<16xi32>
        %and3A_607 = arith.constant 127 : i32
        %and3A_608 = vector.broadcast %and3A_607 : i32 to vector<16xi32>
        %and3A_609 = arith.andi %get3A_600, %and3A_608 : vector<16xi32>
        %or3A_610 = arith.ori %shift_left3A_606, %and3A_609 : vector<16xi32>
        %swap3A_611 = arith.constant 32 : index
        %swap3A_612 = tpu.vector_load %arg13[%swap3A_611] {strides = array<i32>} : memref<128xi32, #tpu.memory_space<vmem>>, vector<16xi32>,
        tpu.vector_store %arg13[%swap3A_611], %or3A_610 {strides = array<i32>} : memref<128xi32, #tpu.memory_space<vmem>>, vector<16xi32>,
        %get3A_613 = arith.index_cast %add3A_567 : i32 to index
        %get3A_614 = arith.constant 48 : index
        %get3A_615 = tpu.vector_load %arg6[%get3A_613, %get3A_614] {strides = array<i32>} : memref<200x128xi32, #tpu.memory_space<vmem>>, vector<16xi32>,
        %shift_right_logical3A_616 = arith.constant 8 : i32
        %shift_right_logical3A_617 = vector.broadcast %shift_right_logical3A_616 : i32 to vector<16xi32>
        %shift_right_logical3A_618 = arith.shrui %get3A_615, %shift_right_logical3A_617 : vector<16xi32>
        %shift_left3A_619 = arith.constant 7 : i32
        %shift_left3A_620 = vector.broadcast %shift_left3A_619 : i32 to vector<16xi32>
        %shift_left3A_621 = arith.shli %shift_right_logical3A_618, %shift_left3A_620 : vector<16xi32>
        %and3A_622 = arith.constant 127 : i32
        %and3A_623 = vector.broadcast %and3A_622 : i32 to vector<16xi32>
        %and3A_624 = arith.andi %get3A_615, %and3A_623 : vector<16xi32>
        %or3A_625 = arith.ori %shift_left3A_621, %and3A_624 : vector<16xi32>
        %swap3A_626 = arith.constant 48 : index
        %swap3A_627 = tpu.vector_load %arg13[%swap3A_626] {strides = array<i32>} : memref<128xi32, #tpu.memory_space<vmem>>, vector<16xi32>,
        tpu.vector_store %arg13[%swap3A_626], %or3A_625 {strides = array<i32>} : memref<128xi32, #tpu.memory_space<vmem>>, vector<16xi32>,
        %get3A_628 = arith.index_cast %add3A_567 : i32 to index
        %get3A_629 = arith.constant 64 : index
        %get3A_630 = tpu.vector_load %arg6[%get3A_628, %get3A_629] {strides = array<i32>} : memref<200x128xi32, #tpu.memory_space<vmem>>, vector<16xi32>,
        %shift_right_logical3A_631 = arith.constant 8 : i32
        %shift_right_logical3A_632 = vector.broadcast %shift_right_logical3A_631 : i32 to vector<16xi32>
        %shift_right_logical3A_633 = arith.shrui %get3A_630, %shift_right_logical3A_632 : vector<16xi32>
        %shift_left3A_634 = arith.constant 7 : i32
        %shift_left3A_635 = vector.broadcast %shift_left3A_634 : i32 to vector<16xi32>
        %shift_left3A_636 = arith.shli %shift_right_logical3A_633, %shift_left3A_635 : vector<16xi32>
        %and3A_637 = arith.constant 127 : i32
        %and3A_638 = vector.broadcast %and3A_637 : i32 to vector<16xi32>
        %and3A_639 = arith.andi %get3A_630, %and3A_638 : vector<16xi32>
        %or3A_640 = arith.ori %shift_left3A_636, %and3A_639 : vector<16xi32>
        %swap3A_641 = arith.constant 64 : index
        %swap3A_642 = tpu.vector_load %arg13[%swap3A_641] {strides = array<i32>} : memref<128xi32, #tpu.memory_space<vmem>>, vector<16xi32>,
        tpu.vector_store %arg13[%swap3A_641], %or3A_640 {strides = array<i32>} : memref<128xi32, #tpu.memory_space<vmem>>, vector<16xi32>,
        %get3A_643 = arith.index_cast %add3A_567 : i32 to index
        %get3A_644 = arith.constant 80 : index
        %get3A_645 = tpu.vector_load %arg6[%get3A_643, %get3A_644] {strides = array<i32>} : memref<200x128xi32, #tpu.memory_space<vmem>>, vector<16xi32>,
        %shift_right_logical3A_646 = arith.constant 8 : i32
        %shift_right_logical3A_647 = vector.broadcast %shift_right_logical3A_646 : i32 to vector<16xi32>
        %shift_right_logical3A_648 = arith.shrui %get3A_645, %shift_right_logical3A_647 : vector<16xi32>
        %shift_left3A_649 = arith.constant 7 : i32
        %shift_left3A_650 = vector.broadcast %shift_left3A_649 : i32 to vector<16xi32>
        %shift_left3A_651 = arith.shli %shift_right_logical3A_648, %shift_left3A_650 : vector<16xi32>
        %and3A_652 = arith.constant 127 : i32
        %and3A_653 = vector.broadcast %and3A_652 : i32 to vector<16xi32>
        %and3A_654 = arith.andi %get3A_645, %and3A_653 : vector<16xi32>
        %or3A_655 = arith.ori %shift_left3A_651, %and3A_654 : vector<16xi32>
        %swap3A_656 = arith.constant 80 : index
        %swap3A_657 = tpu.vector_load %arg13[%swap3A_656] {strides = array<i32>} : memref<128xi32, #tpu.memory_space<vmem>>, vector<16xi32>,
        tpu.vector_store %arg13[%swap3A_656], %or3A_655 {strides = array<i32>} : memref<128xi32, #tpu.memory_space<vmem>>, vector<16xi32>,
        %get3A_658 = arith.index_cast %add3A_567 : i32 to index
        %get3A_659 = arith.constant 96 : index
        %get3A_660 = tpu.vector_load %arg6[%get3A_658, %get3A_659] {strides = array<i32>} : memref<200x128xi32, #tpu.memory_space<vmem>>, vector<16xi32>,
        %shift_right_logical3A_661 = arith.constant 8 : i32
        %shift_right_logical3A_662 = vector.broadcast %shift_right_logical3A_661 : i32 to vector<16xi32>
        %shift_right_logical3A_663 = arith.shrui %get3A_660, %shift_right_logical3A_662 : vector<16xi32>
        %shift_left3A_664 = arith.constant 7 : i32
        %shift_left3A_665 = vector.broadcast %shift_left3A_664 : i32 to vector<16xi32>
        %shift_left3A_666 = arith.shli %shift_right_logical3A_663, %shift_left3A_665 : vector<16xi32>
        %and3A_667 = arith.constant 127 : i32
        %and3A_668 = vector.broadcast %and3A_667 : i32 to vector<16xi32>
        %and3A_669 = arith.andi %get3A_660, %and3A_668 : vector<16xi32>
        %or3A_670 = arith.ori %shift_left3A_666, %and3A_669 : vector<16xi32>
        %swap3A_671 = arith.constant 96 : index
        %swap3A_672 = tpu.vector_load %arg13[%swap3A_671] {strides = array<i32>} : memref<128xi32, #tpu.memory_space<vmem>>, vector<16xi32>,
        tpu.vector_store %arg13[%swap3A_671], %or3A_670 {strides = array<i32>} : memref<128xi32, #tpu.memory_space<vmem>>, vector<16xi32>,
        %get3A_673 = arith.index_cast %add3A_567 : i32 to index
        %get3A_674 = arith.constant 112 : index
        %get3A_675 = tpu.vector_load %arg6[%get3A_673, %get3A_674] {strides = array<i32>} : memref<200x128xi32, #tpu.memory_space<vmem>>, vector<16xi32>,
        %shift_right_logical3A_676 = arith.constant 8 : i32
        %shift_right_logical3A_677 = vector.broadcast %shift_right_logical3A_676 : i32 to vector<16xi32>
        %shift_right_logical3A_678 = arith.shrui %get3A_675, %shift_right_logical3A_677 : vector<16xi32>
        %shift_left3A_679 = arith.constant 7 : i32
        %shift_left3A_680 = vector.broadcast %shift_left3A_679 : i32 to vector<16xi32>
        %shift_left3A_681 = arith.shli %shift_right_logical3A_678, %shift_left3A_680 : vector<16xi32>
        %and3A_682 = arith.constant 127 : i32
        %and3A_683 = vector.broadcast %and3A_682 : i32 to vector<16xi32>
        %and3A_684 = arith.andi %get3A_675, %and3A_683 : vector<16xi32>
        %or3A_685 = arith.ori %shift_left3A_681, %and3A_684 : vector<16xi32>
        %swap3A_686 = arith.constant 112 : index
        %swap3A_687 = tpu.vector_load %arg13[%swap3A_686] {strides = array<i32>} : memref<128xi32, #tpu.memory_space<vmem>>, vector<16xi32>,
        tpu.vector_store %arg13[%swap3A_686], %or3A_685 {strides = array<i32>} : memref<128xi32, #tpu.memory_space<vmem>>, vector<16xi32>,
        %dma_start3A_688 = arith.constant 0 : i32
        %dma_start3A_689 = arith.constant 0 : i32
        %dma_start3A_690 = tpu.memref_slice %arg9[%dma_start3A_688, %dma_start3A_689] : memref<128x128xf32, #tpu.memory_space<vmem>> -> memref<128x128xf32, #tpu.memory_space<vmem>>
        %dma_start3A_691 = arith.constant 0 : i32
        %dma_start3A_692 = arith.constant 0 : i32
        %dma_start3A_693 = tpu.memref_slice %arg3[%dma_start3A_691, %dma_start3A_692] : memref<507904x128xf32, #tpu.memory_space<hbm>> -> memref<507904x128xf32, #tpu.memory_space<hbm>>
        tpu.enqueue_indirect_dma source(%dma_start3A_693 : memref<507904x128xf32, #tpu.memory_space<hbm>>) target(%dma_start3A_690 : memref<128x128xf32, #tpu.memory_space<vmem>>) offsets(%arg13 : memref<128xi32, #tpu.memory_space<vmem>>) semaphore(%arg15 : memref<!tpu.dma_semaphore, #tpu.memory_space<semaphore_mem>>)
      } else {
      }
    }
    %scan3A_298 = arith.constant 100 : i32
    %dma_wait3A = arith.constant 0 : i32
    %dma_wait3A_299 = arith.constant 0 : i32
    %dma_wait3A_300 = tpu.memref_slice %arg5[%dma_wait3A, %dma_wait3A_299, %mul3A_2] : memref<200x64x4096xf32, #tpu.memory_space<hbm>> -> memref<1x64x128xf32, #tpu.memory_space<hbm>>
    %dma_wait3A_301 = tpu.memref_squeeze %dma_wait3A_300 : memref<1x64x128xf32, #tpu.memory_space<hbm>> -> memref<64x128xf32, #tpu.memory_space<hbm>>
    %dma_wait3A_302 = arith.constant 0 : i32
    %dma_wait3A_303 = tpu.memref_slice %arg5[%dma_wait3A, %dma_wait3A_302, %mul3A_2] : memref<200x64x4096xf32, #tpu.memory_space<hbm>> -> memref<1x64x128xf32, #tpu.memory_space<hbm>>
    %dma_wait3A_304 = tpu.memref_squeeze %dma_wait3A_303 : memref<1x64x128xf32, #tpu.memory_space<hbm>> -> memref<64x128xf32, #tpu.memory_space<hbm>>
    tpu.wait_dma2 semaphore(%arg16 : memref<!tpu.dma_semaphore, #tpu.memory_space<semaphore_mem>>) src(%arg10 : memref<64x128xf32, #tpu.memory_space<vmem>>) dst(%dma_wait3A_304 : memref<64x128xf32, #tpu.memory_space<hbm>>)
    %dma_wait3A_305 = arith.constant 0 : i32
    %dma_wait3A_306 = arith.constant 0 : i32
    %dma_wait3A_307 = tpu.memref_slice %arg5[%dma_wait3A_305, %dma_wait3A_306, %mul3A_2] : memref<200x64x4096xf32, #tpu.memory_space<hbm>> -> memref<1x64x128xf32, #tpu.memory_space<hbm>>
    %dma_wait3A_308 = tpu.memref_squeeze %dma_wait3A_307 : memref<1x64x128xf32, #tpu.memory_space<hbm>> -> memref<64x128xf32, #tpu.memory_space<hbm>>
    %dma_wait3A_309 = arith.constant 0 : i32
    %dma_wait3A_310 = tpu.memref_slice %arg5[%dma_wait3A_305, %dma_wait3A_309, %mul3A_2] : memref<200x64x4096xf32, #tpu.memory_space<hbm>> -> memref<1x64x128xf32, #tpu.memory_space<hbm>>
    %dma_wait3A_311 = tpu.memref_squeeze %dma_wait3A_310 : memref<1x64x128xf32, #tpu.memory_space<hbm>> -> memref<64x128xf32, #tpu.memory_space<hbm>>
    tpu.wait_dma2 semaphore(%arg17 : memref<!tpu.dma_semaphore, #tpu.memory_space<semaphore_mem>>) src(%arg11 : memref<64x128xf32, #tpu.memory_space<vmem>>) dst(%dma_wait3A_311 : memref<64x128xf32, #tpu.memory_space<hbm>>)
    return
  }
}

module attributes {stable_mosaic.version = 14 : i64} {
  func.func @_pack_body(%arg0: i32, %arg1: memref<64x16384xf32, #tpu.memory_space<vmem>>, %arg2: memref<8192x128xf32, #tpu.memory_space<vmem>>) attributes {dimension_semantics = [#tpu.dimension_semantics<arbitrary>], iteration_bounds = array<i64: 62>, scalar_prefetch = 0 : i64, scratch_operands = 0 : i64, tpu.core_type = #tpu.core_type<tc>, window_params = [{transform_indices = @transform_0, window_bounds = array<i64: 64, 16384>}, {transform_indices = @transform_1, window_bounds = array<i64: 8192, 128>}]} {
    %get3A = arith.constant 0 : index
    %get3A_0 = arith.constant 0 : index
    %get3A_1 = vector.load %arg1[%get3A, %get3A_0] : memref<64x16384xf32, #tpu.memory_space<vmem>>, vector<64x16384xf32>
    %slice3A = vector.extract_strided_slice %get3A_1 {offsets = [0, 0], sizes = [64, 128], strides = [1, 1]} : vector<64x16384xf32> to vector<64x128xf32>
    %transpose3A = tpu.transpose %slice3A, [1, 0] : vector<64x128xf32> -> vector<128x64xf32>
    %slice3A_2 = vector.extract_strided_slice %get3A_1 {offsets = [0, 128], sizes = [64, 128], strides = [1, 1]} : vector<64x16384xf32> to vector<64x128xf32>
    %transpose3A_3 = tpu.transpose %slice3A_2, [1, 0] : vector<64x128xf32> -> vector<128x64xf32>
    %concatenate3A = tpu.concatenate %transpose3A, %transpose3A_3 in 1 : vector<128x64xf32>, vector<128x64xf32> -> vector<128x128xf32>
    %slice3A_4 = vector.extract_strided_slice %get3A_1 {offsets = [0, 256], sizes = [64, 128], strides = [1, 1]} : vector<64x16384xf32> to vector<64x128xf32>
    %transpose3A_5 = tpu.transpose %slice3A_4, [1, 0] : vector<64x128xf32> -> vector<128x64xf32>
    %slice3A_6 = vector.extract_strided_slice %get3A_1 {offsets = [0, 384], sizes = [64, 128], strides = [1, 1]} : vector<64x16384xf32> to vector<64x128xf32>
    %transpose3A_7 = tpu.transpose %slice3A_6, [1, 0] : vector<64x128xf32> -> vector<128x64xf32>
    %concatenate3A_8 = tpu.concatenate %transpose3A_5, %transpose3A_7 in 1 : vector<128x64xf32>, vector<128x64xf32> -> vector<128x128xf32>
    %slice3A_9 = vector.extract_strided_slice %get3A_1 {offsets = [0, 512], sizes = [64, 128], strides = [1, 1]} : vector<64x16384xf32> to vector<64x128xf32>
    %transpose3A_10 = tpu.transpose %slice3A_9, [1, 0] : vector<64x128xf32> -> vector<128x64xf32>
    %slice3A_11 = vector.extract_strided_slice %get3A_1 {offsets = [0, 640], sizes = [64, 128], strides = [1, 1]} : vector<64x16384xf32> to vector<64x128xf32>
    %transpose3A_12 = tpu.transpose %slice3A_11, [1, 0] : vector<64x128xf32> -> vector<128x64xf32>
    %concatenate3A_13 = tpu.concatenate %transpose3A_10, %transpose3A_12 in 1 : vector<128x64xf32>, vector<128x64xf32> -> vector<128x128xf32>
    %slice3A_14 = vector.extract_strided_slice %get3A_1 {offsets = [0, 768], sizes = [64, 128], strides = [1, 1]} : vector<64x16384xf32> to vector<64x128xf32>
    %transpose3A_15 = tpu.transpose %slice3A_14, [1, 0] : vector<64x128xf32> -> vector<128x64xf32>
    %slice3A_16 = vector.extract_strided_slice %get3A_1 {offsets = [0, 896], sizes = [64, 128], strides = [1, 1]} : vector<64x16384xf32> to vector<64x128xf32>
    %transpose3A_17 = tpu.transpose %slice3A_16, [1, 0] : vector<64x128xf32> -> vector<128x64xf32>
    %concatenate3A_18 = tpu.concatenate %transpose3A_15, %transpose3A_17 in 1 : vector<128x64xf32>, vector<128x64xf32> -> vector<128x128xf32>
    %slice3A_19 = vector.extract_strided_slice %get3A_1 {offsets = [0, 1024], sizes = [64, 128], strides = [1, 1]} : vector<64x16384xf32> to vector<64x128xf32>
    %transpose3A_20 = tpu.transpose %slice3A_19, [1, 0] : vector<64x128xf32> -> vector<128x64xf32>
    %slice3A_21 = vector.extract_strided_slice %get3A_1 {offsets = [0, 1152], sizes = [64, 128], strides = [1, 1]} : vector<64x16384xf32> to vector<64x128xf32>
    %transpose3A_22 = tpu.transpose %slice3A_21, [1, 0] : vector<64x128xf32> -> vector<128x64xf32>
    %concatenate3A_23 = tpu.concatenate %transpose3A_20, %transpose3A_22 in 1 : vector<128x64xf32>, vector<128x64xf32> -> vector<128x128xf32>
    %slice3A_24 = vector.extract_strided_slice %get3A_1 {offsets = [0, 1280], sizes = [64, 128], strides = [1, 1]} : vector<64x16384xf32> to vector<64x128xf32>
    %transpose3A_25 = tpu.transpose %slice3A_24, [1, 0] : vector<64x128xf32> -> vector<128x64xf32>
    %slice3A_26 = vector.extract_strided_slice %get3A_1 {offsets = [0, 1408], sizes = [64, 128], strides = [1, 1]} : vector<64x16384xf32> to vector<64x128xf32>
    %transpose3A_27 = tpu.transpose %slice3A_26, [1, 0] : vector<64x128xf32> -> vector<128x64xf32>
    %concatenate3A_28 = tpu.concatenate %transpose3A_25, %transpose3A_27 in 1 : vector<128x64xf32>, vector<128x64xf32> -> vector<128x128xf32>
    %slice3A_29 = vector.extract_strided_slice %get3A_1 {offsets = [0, 1536], sizes = [64, 128], strides = [1, 1]} : vector<64x16384xf32> to vector<64x128xf32>
    %transpose3A_30 = tpu.transpose %slice3A_29, [1, 0] : vector<64x128xf32> -> vector<128x64xf32>
    %slice3A_31 = vector.extract_strided_slice %get3A_1 {offsets = [0, 1664], sizes = [64, 128], strides = [1, 1]} : vector<64x16384xf32> to vector<64x128xf32>
    %transpose3A_32 = tpu.transpose %slice3A_31, [1, 0] : vector<64x128xf32> -> vector<128x64xf32>
    %concatenate3A_33 = tpu.concatenate %transpose3A_30, %transpose3A_32 in 1 : vector<128x64xf32>, vector<128x64xf32> -> vector<128x128xf32>
    %slice3A_34 = vector.extract_strided_slice %get3A_1 {offsets = [0, 1792], sizes = [64, 128], strides = [1, 1]} : vector<64x16384xf32> to vector<64x128xf32>
    %transpose3A_35 = tpu.transpose %slice3A_34, [1, 0] : vector<64x128xf32> -> vector<128x64xf32>
    %slice3A_36 = vector.extract_strided_slice %get3A_1 {offsets = [0, 1920], sizes = [64, 128], strides = [1, 1]} : vector<64x16384xf32> to vector<64x128xf32>
    %transpose3A_37 = tpu.transpose %slice3A_36, [1, 0] : vector<64x128xf32> -> vector<128x64xf32>
    %concatenate3A_38 = tpu.concatenate %transpose3A_35, %transpose3A_37 in 1 : vector<128x64xf32>, vector<128x64xf32> -> vector<128x128xf32>
    %slice3A_39 = vector.extract_strided_slice %get3A_1 {offsets = [0, 2048], sizes = [64, 128], strides = [1, 1]} : vector<64x16384xf32> to vector<64x128xf32>
    %transpose3A_40 = tpu.transpose %slice3A_39, [1, 0] : vector<64x128xf32> -> vector<128x64xf32>
    %slice3A_41 = vector.extract_strided_slice %get3A_1 {offsets = [0, 2176], sizes = [64, 128], strides = [1, 1]} : vector<64x16384xf32> to vector<64x128xf32>
    %transpose3A_42 = tpu.transpose %slice3A_41, [1, 0] : vector<64x128xf32> -> vector<128x64xf32>
    %concatenate3A_43 = tpu.concatenate %transpose3A_40, %transpose3A_42 in 1 : vector<128x64xf32>, vector<128x64xf32> -> vector<128x128xf32>
    %slice3A_44 = vector.extract_strided_slice %get3A_1 {offsets = [0, 2304], sizes = [64, 128], strides = [1, 1]} : vector<64x16384xf32> to vector<64x128xf32>
    %transpose3A_45 = tpu.transpose %slice3A_44, [1, 0] : vector<64x128xf32> -> vector<128x64xf32>
    %slice3A_46 = vector.extract_strided_slice %get3A_1 {offsets = [0, 2432], sizes = [64, 128], strides = [1, 1]} : vector<64x16384xf32> to vector<64x128xf32>
    %transpose3A_47 = tpu.transpose %slice3A_46, [1, 0] : vector<64x128xf32> -> vector<128x64xf32>
    %concatenate3A_48 = tpu.concatenate %transpose3A_45, %transpose3A_47 in 1 : vector<128x64xf32>, vector<128x64xf32> -> vector<128x128xf32>
    %slice3A_49 = vector.extract_strided_slice %get3A_1 {offsets = [0, 2560], sizes = [64, 128], strides = [1, 1]} : vector<64x16384xf32> to vector<64x128xf32>
    %transpose3A_50 = tpu.transpose %slice3A_49, [1, 0] : vector<64x128xf32> -> vector<128x64xf32>
    %slice3A_51 = vector.extract_strided_slice %get3A_1 {offsets = [0, 2688], sizes = [64, 128], strides = [1, 1]} : vector<64x16384xf32> to vector<64x128xf32>
    %transpose3A_52 = tpu.transpose %slice3A_51, [1, 0] : vector<64x128xf32> -> vector<128x64xf32>
    %concatenate3A_53 = tpu.concatenate %transpose3A_50, %transpose3A_52 in 1 : vector<128x64xf32>, vector<128x64xf32> -> vector<128x128xf32>
    %slice3A_54 = vector.extract_strided_slice %get3A_1 {offsets = [0, 2816], sizes = [64, 128], strides = [1, 1]} : vector<64x16384xf32> to vector<64x128xf32>
    %transpose3A_55 = tpu.transpose %slice3A_54, [1, 0] : vector<64x128xf32> -> vector<128x64xf32>
    %slice3A_56 = vector.extract_strided_slice %get3A_1 {offsets = [0, 2944], sizes = [64, 128], strides = [1, 1]} : vector<64x16384xf32> to vector<64x128xf32>
    %transpose3A_57 = tpu.transpose %slice3A_56, [1, 0] : vector<64x128xf32> -> vector<128x64xf32>
    %concatenate3A_58 = tpu.concatenate %transpose3A_55, %transpose3A_57 in 1 : vector<128x64xf32>, vector<128x64xf32> -> vector<128x128xf32>
    %slice3A_59 = vector.extract_strided_slice %get3A_1 {offsets = [0, 3072], sizes = [64, 128], strides = [1, 1]} : vector<64x16384xf32> to vector<64x128xf32>
    %transpose3A_60 = tpu.transpose %slice3A_59, [1, 0] : vector<64x128xf32> -> vector<128x64xf32>
    %slice3A_61 = vector.extract_strided_slice %get3A_1 {offsets = [0, 3200], sizes = [64, 128], strides = [1, 1]} : vector<64x16384xf32> to vector<64x128xf32>
    %transpose3A_62 = tpu.transpose %slice3A_61, [1, 0] : vector<64x128xf32> -> vector<128x64xf32>
    %concatenate3A_63 = tpu.concatenate %transpose3A_60, %transpose3A_62 in 1 : vector<128x64xf32>, vector<128x64xf32> -> vector<128x128xf32>
    %slice3A_64 = vector.extract_strided_slice %get3A_1 {offsets = [0, 3328], sizes = [64, 128], strides = [1, 1]} : vector<64x16384xf32> to vector<64x128xf32>
    %transpose3A_65 = tpu.transpose %slice3A_64, [1, 0] : vector<64x128xf32> -> vector<128x64xf32>
    %slice3A_66 = vector.extract_strided_slice %get3A_1 {offsets = [0, 3456], sizes = [64, 128], strides = [1, 1]} : vector<64x16384xf32> to vector<64x128xf32>
    %transpose3A_67 = tpu.transpose %slice3A_66, [1, 0] : vector<64x128xf32> -> vector<128x64xf32>
    %concatenate3A_68 = tpu.concatenate %transpose3A_65, %transpose3A_67 in 1 : vector<128x64xf32>, vector<128x64xf32> -> vector<128x128xf32>
    %slice3A_69 = vector.extract_strided_slice %get3A_1 {offsets = [0, 3584], sizes = [64, 128], strides = [1, 1]} : vector<64x16384xf32> to vector<64x128xf32>
    %transpose3A_70 = tpu.transpose %slice3A_69, [1, 0] : vector<64x128xf32> -> vector<128x64xf32>
    %slice3A_71 = vector.extract_strided_slice %get3A_1 {offsets = [0, 3712], sizes = [64, 128], strides = [1, 1]} : vector<64x16384xf32> to vector<64x128xf32>
    %transpose3A_72 = tpu.transpose %slice3A_71, [1, 0] : vector<64x128xf32> -> vector<128x64xf32>
    %concatenate3A_73 = tpu.concatenate %transpose3A_70, %transpose3A_72 in 1 : vector<128x64xf32>, vector<128x64xf32> -> vector<128x128xf32>
    %slice3A_74 = vector.extract_strided_slice %get3A_1 {offsets = [0, 3840], sizes = [64, 128], strides = [1, 1]} : vector<64x16384xf32> to vector<64x128xf32>
    %transpose3A_75 = tpu.transpose %slice3A_74, [1, 0] : vector<64x128xf32> -> vector<128x64xf32>
    %slice3A_76 = vector.extract_strided_slice %get3A_1 {offsets = [0, 3968], sizes = [64, 128], strides = [1, 1]} : vector<64x16384xf32> to vector<64x128xf32>
    %transpose3A_77 = tpu.transpose %slice3A_76, [1, 0] : vector<64x128xf32> -> vector<128x64xf32>
    %concatenate3A_78 = tpu.concatenate %transpose3A_75, %transpose3A_77 in 1 : vector<128x64xf32>, vector<128x64xf32> -> vector<128x128xf32>
    %slice3A_79 = vector.extract_strided_slice %get3A_1 {offsets = [0, 4096], sizes = [64, 128], strides = [1, 1]} : vector<64x16384xf32> to vector<64x128xf32>
    %transpose3A_80 = tpu.transpose %slice3A_79, [1, 0] : vector<64x128xf32> -> vector<128x64xf32>
    %slice3A_81 = vector.extract_strided_slice %get3A_1 {offsets = [0, 4224], sizes = [64, 128], strides = [1, 1]} : vector<64x16384xf32> to vector<64x128xf32>
    %transpose3A_82 = tpu.transpose %slice3A_81, [1, 0] : vector<64x128xf32> -> vector<128x64xf32>
    %concatenate3A_83 = tpu.concatenate %transpose3A_80, %transpose3A_82 in 1 : vector<128x64xf32>, vector<128x64xf32> -> vector<128x128xf32>
    %slice3A_84 = vector.extract_strided_slice %get3A_1 {offsets = [0, 4352], sizes = [64, 128], strides = [1, 1]} : vector<64x16384xf32> to vector<64x128xf32>
    %transpose3A_85 = tpu.transpose %slice3A_84, [1, 0] : vector<64x128xf32> -> vector<128x64xf32>
    %slice3A_86 = vector.extract_strided_slice %get3A_1 {offsets = [0, 4480], sizes = [64, 128], strides = [1, 1]} : vector<64x16384xf32> to vector<64x128xf32>
    %transpose3A_87 = tpu.transpose %slice3A_86, [1, 0] : vector<64x128xf32> -> vector<128x64xf32>
    %concatenate3A_88 = tpu.concatenate %transpose3A_85, %transpose3A_87 in 1 : vector<128x64xf32>, vector<128x64xf32> -> vector<128x128xf32>
    %slice3A_89 = vector.extract_strided_slice %get3A_1 {offsets = [0, 4608], sizes = [64, 128], strides = [1, 1]} : vector<64x16384xf32> to vector<64x128xf32>
    %transpose3A_90 = tpu.transpose %slice3A_89, [1, 0] : vector<64x128xf32> -> vector<128x64xf32>
    %slice3A_91 = vector.extract_strided_slice %get3A_1 {offsets = [0, 4736], sizes = [64, 128], strides = [1, 1]} : vector<64x16384xf32> to vector<64x128xf32>
    %transpose3A_92 = tpu.transpose %slice3A_91, [1, 0] : vector<64x128xf32> -> vector<128x64xf32>
    %concatenate3A_93 = tpu.concatenate %transpose3A_90, %transpose3A_92 in 1 : vector<128x64xf32>, vector<128x64xf32> -> vector<128x128xf32>
    %slice3A_94 = vector.extract_strided_slice %get3A_1 {offsets = [0, 4864], sizes = [64, 128], strides = [1, 1]} : vector<64x16384xf32> to vector<64x128xf32>
    %transpose3A_95 = tpu.transpose %slice3A_94, [1, 0] : vector<64x128xf32> -> vector<128x64xf32>
    %slice3A_96 = vector.extract_strided_slice %get3A_1 {offsets = [0, 4992], sizes = [64, 128], strides = [1, 1]} : vector<64x16384xf32> to vector<64x128xf32>
    %transpose3A_97 = tpu.transpose %slice3A_96, [1, 0] : vector<64x128xf32> -> vector<128x64xf32>
    %concatenate3A_98 = tpu.concatenate %transpose3A_95, %transpose3A_97 in 1 : vector<128x64xf32>, vector<128x64xf32> -> vector<128x128xf32>
    %slice3A_99 = vector.extract_strided_slice %get3A_1 {offsets = [0, 5120], sizes = [64, 128], strides = [1, 1]} : vector<64x16384xf32> to vector<64x128xf32>
    %transpose3A_100 = tpu.transpose %slice3A_99, [1, 0] : vector<64x128xf32> -> vector<128x64xf32>
    %slice3A_101 = vector.extract_strided_slice %get3A_1 {offsets = [0, 5248], sizes = [64, 128], strides = [1, 1]} : vector<64x16384xf32> to vector<64x128xf32>
    %transpose3A_102 = tpu.transpose %slice3A_101, [1, 0] : vector<64x128xf32> -> vector<128x64xf32>
    %concatenate3A_103 = tpu.concatenate %transpose3A_100, %transpose3A_102 in 1 : vector<128x64xf32>, vector<128x64xf32> -> vector<128x128xf32>
    %slice3A_104 = vector.extract_strided_slice %get3A_1 {offsets = [0, 5376], sizes = [64, 128], strides = [1, 1]} : vector<64x16384xf32> to vector<64x128xf32>
    %transpose3A_105 = tpu.transpose %slice3A_104, [1, 0] : vector<64x128xf32> -> vector<128x64xf32>
    %slice3A_106 = vector.extract_strided_slice %get3A_1 {offsets = [0, 5504], sizes = [64, 128], strides = [1, 1]} : vector<64x16384xf32> to vector<64x128xf32>
    %transpose3A_107 = tpu.transpose %slice3A_106, [1, 0] : vector<64x128xf32> -> vector<128x64xf32>
    %concatenate3A_108 = tpu.concatenate %transpose3A_105, %transpose3A_107 in 1 : vector<128x64xf32>, vector<128x64xf32> -> vector<128x128xf32>
    %slice3A_109 = vector.extract_strided_slice %get3A_1 {offsets = [0, 5632], sizes = [64, 128], strides = [1, 1]} : vector<64x16384xf32> to vector<64x128xf32>
    %transpose3A_110 = tpu.transpose %slice3A_109, [1, 0] : vector<64x128xf32> -> vector<128x64xf32>
    %slice3A_111 = vector.extract_strided_slice %get3A_1 {offsets = [0, 5760], sizes = [64, 128], strides = [1, 1]} : vector<64x16384xf32> to vector<64x128xf32>
    %transpose3A_112 = tpu.transpose %slice3A_111, [1, 0] : vector<64x128xf32> -> vector<128x64xf32>
    %concatenate3A_113 = tpu.concatenate %transpose3A_110, %transpose3A_112 in 1 : vector<128x64xf32>, vector<128x64xf32> -> vector<128x128xf32>
    %slice3A_114 = vector.extract_strided_slice %get3A_1 {offsets = [0, 5888], sizes = [64, 128], strides = [1, 1]} : vector<64x16384xf32> to vector<64x128xf32>
    %transpose3A_115 = tpu.transpose %slice3A_114, [1, 0] : vector<64x128xf32> -> vector<128x64xf32>
    %slice3A_116 = vector.extract_strided_slice %get3A_1 {offsets = [0, 6016], sizes = [64, 128], strides = [1, 1]} : vector<64x16384xf32> to vector<64x128xf32>
    %transpose3A_117 = tpu.transpose %slice3A_116, [1, 0] : vector<64x128xf32> -> vector<128x64xf32>
    %concatenate3A_118 = tpu.concatenate %transpose3A_115, %transpose3A_117 in 1 : vector<128x64xf32>, vector<128x64xf32> -> vector<128x128xf32>
    %slice3A_119 = vector.extract_strided_slice %get3A_1 {offsets = [0, 6144], sizes = [64, 128], strides = [1, 1]} : vector<64x16384xf32> to vector<64x128xf32>
    %transpose3A_120 = tpu.transpose %slice3A_119, [1, 0] : vector<64x128xf32> -> vector<128x64xf32>
    %slice3A_121 = vector.extract_strided_slice %get3A_1 {offsets = [0, 6272], sizes = [64, 128], strides = [1, 1]} : vector<64x16384xf32> to vector<64x128xf32>
    %transpose3A_122 = tpu.transpose %slice3A_121, [1, 0] : vector<64x128xf32> -> vector<128x64xf32>
    %concatenate3A_123 = tpu.concatenate %transpose3A_120, %transpose3A_122 in 1 : vector<128x64xf32>, vector<128x64xf32> -> vector<128x128xf32>
    %slice3A_124 = vector.extract_strided_slice %get3A_1 {offsets = [0, 6400], sizes = [64, 128], strides = [1, 1]} : vector<64x16384xf32> to vector<64x128xf32>
    %transpose3A_125 = tpu.transpose %slice3A_124, [1, 0] : vector<64x128xf32> -> vector<128x64xf32>
    %slice3A_126 = vector.extract_strided_slice %get3A_1 {offsets = [0, 6528], sizes = [64, 128], strides = [1, 1]} : vector<64x16384xf32> to vector<64x128xf32>
    %transpose3A_127 = tpu.transpose %slice3A_126, [1, 0] : vector<64x128xf32> -> vector<128x64xf32>
    %concatenate3A_128 = tpu.concatenate %transpose3A_125, %transpose3A_127 in 1 : vector<128x64xf32>, vector<128x64xf32> -> vector<128x128xf32>
    %slice3A_129 = vector.extract_strided_slice %get3A_1 {offsets = [0, 6656], sizes = [64, 128], strides = [1, 1]} : vector<64x16384xf32> to vector<64x128xf32>
    %transpose3A_130 = tpu.transpose %slice3A_129, [1, 0] : vector<64x128xf32> -> vector<128x64xf32>
    %slice3A_131 = vector.extract_strided_slice %get3A_1 {offsets = [0, 6784], sizes = [64, 128], strides = [1, 1]} : vector<64x16384xf32> to vector<64x128xf32>
    %transpose3A_132 = tpu.transpose %slice3A_131, [1, 0] : vector<64x128xf32> -> vector<128x64xf32>
    %concatenate3A_133 = tpu.concatenate %transpose3A_130, %transpose3A_132 in 1 : vector<128x64xf32>, vector<128x64xf32> -> vector<128x128xf32>
    %slice3A_134 = vector.extract_strided_slice %get3A_1 {offsets = [0, 6912], sizes = [64, 128], strides = [1, 1]} : vector<64x16384xf32> to vector<64x128xf32>
    %transpose3A_135 = tpu.transpose %slice3A_134, [1, 0] : vector<64x128xf32> -> vector<128x64xf32>
    %slice3A_136 = vector.extract_strided_slice %get3A_1 {offsets = [0, 7040], sizes = [64, 128], strides = [1, 1]} : vector<64x16384xf32> to vector<64x128xf32>
    %transpose3A_137 = tpu.transpose %slice3A_136, [1, 0] : vector<64x128xf32> -> vector<128x64xf32>
    %concatenate3A_138 = tpu.concatenate %transpose3A_135, %transpose3A_137 in 1 : vector<128x64xf32>, vector<128x64xf32> -> vector<128x128xf32>
    %slice3A_139 = vector.extract_strided_slice %get3A_1 {offsets = [0, 7168], sizes = [64, 128], strides = [1, 1]} : vector<64x16384xf32> to vector<64x128xf32>
    %transpose3A_140 = tpu.transpose %slice3A_139, [1, 0] : vector<64x128xf32> -> vector<128x64xf32>
    %slice3A_141 = vector.extract_strided_slice %get3A_1 {offsets = [0, 7296], sizes = [64, 128], strides = [1, 1]} : vector<64x16384xf32> to vector<64x128xf32>
    %transpose3A_142 = tpu.transpose %slice3A_141, [1, 0] : vector<64x128xf32> -> vector<128x64xf32>
    %concatenate3A_143 = tpu.concatenate %transpose3A_140, %transpose3A_142 in 1 : vector<128x64xf32>, vector<128x64xf32> -> vector<128x128xf32>
    %slice3A_144 = vector.extract_strided_slice %get3A_1 {offsets = [0, 7424], sizes = [64, 128], strides = [1, 1]} : vector<64x16384xf32> to vector<64x128xf32>
    %transpose3A_145 = tpu.transpose %slice3A_144, [1, 0] : vector<64x128xf32> -> vector<128x64xf32>
    %slice3A_146 = vector.extract_strided_slice %get3A_1 {offsets = [0, 7552], sizes = [64, 128], strides = [1, 1]} : vector<64x16384xf32> to vector<64x128xf32>
    %transpose3A_147 = tpu.transpose %slice3A_146, [1, 0] : vector<64x128xf32> -> vector<128x64xf32>
    %concatenate3A_148 = tpu.concatenate %transpose3A_145, %transpose3A_147 in 1 : vector<128x64xf32>, vector<128x64xf32> -> vector<128x128xf32>
    %slice3A_149 = vector.extract_strided_slice %get3A_1 {offsets = [0, 7680], sizes = [64, 128], strides = [1, 1]} : vector<64x16384xf32> to vector<64x128xf32>
    %transpose3A_150 = tpu.transpose %slice3A_149, [1, 0] : vector<64x128xf32> -> vector<128x64xf32>
    %slice3A_151 = vector.extract_strided_slice %get3A_1 {offsets = [0, 7808], sizes = [64, 128], strides = [1, 1]} : vector<64x16384xf32> to vector<64x128xf32>
    %transpose3A_152 = tpu.transpose %slice3A_151, [1, 0] : vector<64x128xf32> -> vector<128x64xf32>
    %concatenate3A_153 = tpu.concatenate %transpose3A_150, %transpose3A_152 in 1 : vector<128x64xf32>, vector<128x64xf32> -> vector<128x128xf32>
    %slice3A_154 = vector.extract_strided_slice %get3A_1 {offsets = [0, 7936], sizes = [64, 128], strides = [1, 1]} : vector<64x16384xf32> to vector<64x128xf32>
    %transpose3A_155 = tpu.transpose %slice3A_154, [1, 0] : vector<64x128xf32> -> vector<128x64xf32>
    %slice3A_156 = vector.extract_strided_slice %get3A_1 {offsets = [0, 8064], sizes = [64, 128], strides = [1, 1]} : vector<64x16384xf32> to vector<64x128xf32>
    %transpose3A_157 = tpu.transpose %slice3A_156, [1, 0] : vector<64x128xf32> -> vector<128x64xf32>
    %concatenate3A_158 = tpu.concatenate %transpose3A_155, %transpose3A_157 in 1 : vector<128x64xf32>, vector<128x64xf32> -> vector<128x128xf32>
    %slice3A_159 = vector.extract_strided_slice %get3A_1 {offsets = [0, 8192], sizes = [64, 128], strides = [1, 1]} : vector<64x16384xf32> to vector<64x128xf32>
    %transpose3A_160 = tpu.transpose %slice3A_159, [1, 0] : vector<64x128xf32> -> vector<128x64xf32>
    %slice3A_161 = vector.extract_strided_slice %get3A_1 {offsets = [0, 8320], sizes = [64, 128], strides = [1, 1]} : vector<64x16384xf32> to vector<64x128xf32>
    %transpose3A_162 = tpu.transpose %slice3A_161, [1, 0] : vector<64x128xf32> -> vector<128x64xf32>
    %concatenate3A_163 = tpu.concatenate %transpose3A_160, %transpose3A_162 in 1 : vector<128x64xf32>, vector<128x64xf32> -> vector<128x128xf32>
    %slice3A_164 = vector.extract_strided_slice %get3A_1 {offsets = [0, 8448], sizes = [64, 128], strides = [1, 1]} : vector<64x16384xf32> to vector<64x128xf32>
    %transpose3A_165 = tpu.transpose %slice3A_164, [1, 0] : vector<64x128xf32> -> vector<128x64xf32>
    %slice3A_166 = vector.extract_strided_slice %get3A_1 {offsets = [0, 8576], sizes = [64, 128], strides = [1, 1]} : vector<64x16384xf32> to vector<64x128xf32>
    %transpose3A_167 = tpu.transpose %slice3A_166, [1, 0] : vector<64x128xf32> -> vector<128x64xf32>
    %concatenate3A_168 = tpu.concatenate %transpose3A_165, %transpose3A_167 in 1 : vector<128x64xf32>, vector<128x64xf32> -> vector<128x128xf32>
    %slice3A_169 = vector.extract_strided_slice %get3A_1 {offsets = [0, 8704], sizes = [64, 128], strides = [1, 1]} : vector<64x16384xf32> to vector<64x128xf32>
    %transpose3A_170 = tpu.transpose %slice3A_169, [1, 0] : vector<64x128xf32> -> vector<128x64xf32>
    %slice3A_171 = vector.extract_strided_slice %get3A_1 {offsets = [0, 8832], sizes = [64, 128], strides = [1, 1]} : vector<64x16384xf32> to vector<64x128xf32>
    %transpose3A_172 = tpu.transpose %slice3A_171, [1, 0] : vector<64x128xf32> -> vector<128x64xf32>
    %concatenate3A_173 = tpu.concatenate %transpose3A_170, %transpose3A_172 in 1 : vector<128x64xf32>, vector<128x64xf32> -> vector<128x128xf32>
    %slice3A_174 = vector.extract_strided_slice %get3A_1 {offsets = [0, 8960], sizes = [64, 128], strides = [1, 1]} : vector<64x16384xf32> to vector<64x128xf32>
    %transpose3A_175 = tpu.transpose %slice3A_174, [1, 0] : vector<64x128xf32> -> vector<128x64xf32>
    %slice3A_176 = vector.extract_strided_slice %get3A_1 {offsets = [0, 9088], sizes = [64, 128], strides = [1, 1]} : vector<64x16384xf32> to vector<64x128xf32>
    %transpose3A_177 = tpu.transpose %slice3A_176, [1, 0] : vector<64x128xf32> -> vector<128x64xf32>
    %concatenate3A_178 = tpu.concatenate %transpose3A_175, %transpose3A_177 in 1 : vector<128x64xf32>, vector<128x64xf32> -> vector<128x128xf32>
    %slice3A_179 = vector.extract_strided_slice %get3A_1 {offsets = [0, 9216], sizes = [64, 128], strides = [1, 1]} : vector<64x16384xf32> to vector<64x128xf32>
    %transpose3A_180 = tpu.transpose %slice3A_179, [1, 0] : vector<64x128xf32> -> vector<128x64xf32>
    %slice3A_181 = vector.extract_strided_slice %get3A_1 {offsets = [0, 9344], sizes = [64, 128], strides = [1, 1]} : vector<64x16384xf32> to vector<64x128xf32>
    %transpose3A_182 = tpu.transpose %slice3A_181, [1, 0] : vector<64x128xf32> -> vector<128x64xf32>
    %concatenate3A_183 = tpu.concatenate %transpose3A_180, %transpose3A_182 in 1 : vector<128x64xf32>, vector<128x64xf32> -> vector<128x128xf32>
    %slice3A_184 = vector.extract_strided_slice %get3A_1 {offsets = [0, 9472], sizes = [64, 128], strides = [1, 1]} : vector<64x16384xf32> to vector<64x128xf32>
    %transpose3A_185 = tpu.transpose %slice3A_184, [1, 0] : vector<64x128xf32> -> vector<128x64xf32>
    %slice3A_186 = vector.extract_strided_slice %get3A_1 {offsets = [0, 9600], sizes = [64, 128], strides = [1, 1]} : vector<64x16384xf32> to vector<64x128xf32>
    %transpose3A_187 = tpu.transpose %slice3A_186, [1, 0] : vector<64x128xf32> -> vector<128x64xf32>
    %concatenate3A_188 = tpu.concatenate %transpose3A_185, %transpose3A_187 in 1 : vector<128x64xf32>, vector<128x64xf32> -> vector<128x128xf32>
    %slice3A_189 = vector.extract_strided_slice %get3A_1 {offsets = [0, 9728], sizes = [64, 128], strides = [1, 1]} : vector<64x16384xf32> to vector<64x128xf32>
    %transpose3A_190 = tpu.transpose %slice3A_189, [1, 0] : vector<64x128xf32> -> vector<128x64xf32>
    %slice3A_191 = vector.extract_strided_slice %get3A_1 {offsets = [0, 9856], sizes = [64, 128], strides = [1, 1]} : vector<64x16384xf32> to vector<64x128xf32>
    %transpose3A_192 = tpu.transpose %slice3A_191, [1, 0] : vector<64x128xf32> -> vector<128x64xf32>
    %concatenate3A_193 = tpu.concatenate %transpose3A_190, %transpose3A_192 in 1 : vector<128x64xf32>, vector<128x64xf32> -> vector<128x128xf32>
    %slice3A_194 = vector.extract_strided_slice %get3A_1 {offsets = [0, 9984], sizes = [64, 128], strides = [1, 1]} : vector<64x16384xf32> to vector<64x128xf32>
    %transpose3A_195 = tpu.transpose %slice3A_194, [1, 0] : vector<64x128xf32> -> vector<128x64xf32>
    %slice3A_196 = vector.extract_strided_slice %get3A_1 {offsets = [0, 10112], sizes = [64, 128], strides = [1, 1]} : vector<64x16384xf32> to vector<64x128xf32>
    %transpose3A_197 = tpu.transpose %slice3A_196, [1, 0] : vector<64x128xf32> -> vector<128x64xf32>
    %concatenate3A_198 = tpu.concatenate %transpose3A_195, %transpose3A_197 in 1 : vector<128x64xf32>, vector<128x64xf32> -> vector<128x128xf32>
    %slice3A_199 = vector.extract_strided_slice %get3A_1 {offsets = [0, 10240], sizes = [64, 128], strides = [1, 1]} : vector<64x16384xf32> to vector<64x128xf32>
    %transpose3A_200 = tpu.transpose %slice3A_199, [1, 0] : vector<64x128xf32> -> vector<128x64xf32>
    %slice3A_201 = vector.extract_strided_slice %get3A_1 {offsets = [0, 10368], sizes = [64, 128], strides = [1, 1]} : vector<64x16384xf32> to vector<64x128xf32>
    %transpose3A_202 = tpu.transpose %slice3A_201, [1, 0] : vector<64x128xf32> -> vector<128x64xf32>
    %concatenate3A_203 = tpu.concatenate %transpose3A_200, %transpose3A_202 in 1 : vector<128x64xf32>, vector<128x64xf32> -> vector<128x128xf32>
    %slice3A_204 = vector.extract_strided_slice %get3A_1 {offsets = [0, 10496], sizes = [64, 128], strides = [1, 1]} : vector<64x16384xf32> to vector<64x128xf32>
    %transpose3A_205 = tpu.transpose %slice3A_204, [1, 0] : vector<64x128xf32> -> vector<128x64xf32>
    %slice3A_206 = vector.extract_strided_slice %get3A_1 {offsets = [0, 10624], sizes = [64, 128], strides = [1, 1]} : vector<64x16384xf32> to vector<64x128xf32>
    %transpose3A_207 = tpu.transpose %slice3A_206, [1, 0] : vector<64x128xf32> -> vector<128x64xf32>
    %concatenate3A_208 = tpu.concatenate %transpose3A_205, %transpose3A_207 in 1 : vector<128x64xf32>, vector<128x64xf32> -> vector<128x128xf32>
    %slice3A_209 = vector.extract_strided_slice %get3A_1 {offsets = [0, 10752], sizes = [64, 128], strides = [1, 1]} : vector<64x16384xf32> to vector<64x128xf32>
    %transpose3A_210 = tpu.transpose %slice3A_209, [1, 0] : vector<64x128xf32> -> vector<128x64xf32>
    %slice3A_211 = vector.extract_strided_slice %get3A_1 {offsets = [0, 10880], sizes = [64, 128], strides = [1, 1]} : vector<64x16384xf32> to vector<64x128xf32>
    %transpose3A_212 = tpu.transpose %slice3A_211, [1, 0] : vector<64x128xf32> -> vector<128x64xf32>
    %concatenate3A_213 = tpu.concatenate %transpose3A_210, %transpose3A_212 in 1 : vector<128x64xf32>, vector<128x64xf32> -> vector<128x128xf32>
    %slice3A_214 = vector.extract_strided_slice %get3A_1 {offsets = [0, 11008], sizes = [64, 128], strides = [1, 1]} : vector<64x16384xf32> to vector<64x128xf32>
    %transpose3A_215 = tpu.transpose %slice3A_214, [1, 0] : vector<64x128xf32> -> vector<128x64xf32>
    %slice3A_216 = vector.extract_strided_slice %get3A_1 {offsets = [0, 11136], sizes = [64, 128], strides = [1, 1]} : vector<64x16384xf32> to vector<64x128xf32>
    %transpose3A_217 = tpu.transpose %slice3A_216, [1, 0] : vector<64x128xf32> -> vector<128x64xf32>
    %concatenate3A_218 = tpu.concatenate %transpose3A_215, %transpose3A_217 in 1 : vector<128x64xf32>, vector<128x64xf32> -> vector<128x128xf32>
    %slice3A_219 = vector.extract_strided_slice %get3A_1 {offsets = [0, 11264], sizes = [64, 128], strides = [1, 1]} : vector<64x16384xf32> to vector<64x128xf32>
    %transpose3A_220 = tpu.transpose %slice3A_219, [1, 0] : vector<64x128xf32> -> vector<128x64xf32>
    %slice3A_221 = vector.extract_strided_slice %get3A_1 {offsets = [0, 11392], sizes = [64, 128], strides = [1, 1]} : vector<64x16384xf32> to vector<64x128xf32>
    %transpose3A_222 = tpu.transpose %slice3A_221, [1, 0] : vector<64x128xf32> -> vector<128x64xf32>
    %concatenate3A_223 = tpu.concatenate %transpose3A_220, %transpose3A_222 in 1 : vector<128x64xf32>, vector<128x64xf32> -> vector<128x128xf32>
    %slice3A_224 = vector.extract_strided_slice %get3A_1 {offsets = [0, 11520], sizes = [64, 128], strides = [1, 1]} : vector<64x16384xf32> to vector<64x128xf32>
    %transpose3A_225 = tpu.transpose %slice3A_224, [1, 0] : vector<64x128xf32> -> vector<128x64xf32>
    %slice3A_226 = vector.extract_strided_slice %get3A_1 {offsets = [0, 11648], sizes = [64, 128], strides = [1, 1]} : vector<64x16384xf32> to vector<64x128xf32>
    %transpose3A_227 = tpu.transpose %slice3A_226, [1, 0] : vector<64x128xf32> -> vector<128x64xf32>
    %concatenate3A_228 = tpu.concatenate %transpose3A_225, %transpose3A_227 in 1 : vector<128x64xf32>, vector<128x64xf32> -> vector<128x128xf32>
    %slice3A_229 = vector.extract_strided_slice %get3A_1 {offsets = [0, 11776], sizes = [64, 128], strides = [1, 1]} : vector<64x16384xf32> to vector<64x128xf32>
    %transpose3A_230 = tpu.transpose %slice3A_229, [1, 0] : vector<64x128xf32> -> vector<128x64xf32>
    %slice3A_231 = vector.extract_strided_slice %get3A_1 {offsets = [0, 11904], sizes = [64, 128], strides = [1, 1]} : vector<64x16384xf32> to vector<64x128xf32>
    %transpose3A_232 = tpu.transpose %slice3A_231, [1, 0] : vector<64x128xf32> -> vector<128x64xf32>
    %concatenate3A_233 = tpu.concatenate %transpose3A_230, %transpose3A_232 in 1 : vector<128x64xf32>, vector<128x64xf32> -> vector<128x128xf32>
    %slice3A_234 = vector.extract_strided_slice %get3A_1 {offsets = [0, 12032], sizes = [64, 128], strides = [1, 1]} : vector<64x16384xf32> to vector<64x128xf32>
    %transpose3A_235 = tpu.transpose %slice3A_234, [1, 0] : vector<64x128xf32> -> vector<128x64xf32>
    %slice3A_236 = vector.extract_strided_slice %get3A_1 {offsets = [0, 12160], sizes = [64, 128], strides = [1, 1]} : vector<64x16384xf32> to vector<64x128xf32>
    %transpose3A_237 = tpu.transpose %slice3A_236, [1, 0] : vector<64x128xf32> -> vector<128x64xf32>
    %concatenate3A_238 = tpu.concatenate %transpose3A_235, %transpose3A_237 in 1 : vector<128x64xf32>, vector<128x64xf32> -> vector<128x128xf32>
    %slice3A_239 = vector.extract_strided_slice %get3A_1 {offsets = [0, 12288], sizes = [64, 128], strides = [1, 1]} : vector<64x16384xf32> to vector<64x128xf32>
    %transpose3A_240 = tpu.transpose %slice3A_239, [1, 0] : vector<64x128xf32> -> vector<128x64xf32>
    %slice3A_241 = vector.extract_strided_slice %get3A_1 {offsets = [0, 12416], sizes = [64, 128], strides = [1, 1]} : vector<64x16384xf32> to vector<64x128xf32>
    %transpose3A_242 = tpu.transpose %slice3A_241, [1, 0] : vector<64x128xf32> -> vector<128x64xf32>
    %concatenate3A_243 = tpu.concatenate %transpose3A_240, %transpose3A_242 in 1 : vector<128x64xf32>, vector<128x64xf32> -> vector<128x128xf32>
    %slice3A_244 = vector.extract_strided_slice %get3A_1 {offsets = [0, 12544], sizes = [64, 128], strides = [1, 1]} : vector<64x16384xf32> to vector<64x128xf32>
    %transpose3A_245 = tpu.transpose %slice3A_244, [1, 0] : vector<64x128xf32> -> vector<128x64xf32>
    %slice3A_246 = vector.extract_strided_slice %get3A_1 {offsets = [0, 12672], sizes = [64, 128], strides = [1, 1]} : vector<64x16384xf32> to vector<64x128xf32>
    %transpose3A_247 = tpu.transpose %slice3A_246, [1, 0] : vector<64x128xf32> -> vector<128x64xf32>
    %concatenate3A_248 = tpu.concatenate %transpose3A_245, %transpose3A_247 in 1 : vector<128x64xf32>, vector<128x64xf32> -> vector<128x128xf32>
    %slice3A_249 = vector.extract_strided_slice %get3A_1 {offsets = [0, 12800], sizes = [64, 128], strides = [1, 1]} : vector<64x16384xf32> to vector<64x128xf32>
    %transpose3A_250 = tpu.transpose %slice3A_249, [1, 0] : vector<64x128xf32> -> vector<128x64xf32>
    %slice3A_251 = vector.extract_strided_slice %get3A_1 {offsets = [0, 12928], sizes = [64, 128], strides = [1, 1]} : vector<64x16384xf32> to vector<64x128xf32>
    %transpose3A_252 = tpu.transpose %slice3A_251, [1, 0] : vector<64x128xf32> -> vector<128x64xf32>
    %concatenate3A_253 = tpu.concatenate %transpose3A_250, %transpose3A_252 in 1 : vector<128x64xf32>, vector<128x64xf32> -> vector<128x128xf32>
    %slice3A_254 = vector.extract_strided_slice %get3A_1 {offsets = [0, 13056], sizes = [64, 128], strides = [1, 1]} : vector<64x16384xf32> to vector<64x128xf32>
    %transpose3A_255 = tpu.transpose %slice3A_254, [1, 0] : vector<64x128xf32> -> vector<128x64xf32>
    %slice3A_256 = vector.extract_strided_slice %get3A_1 {offsets = [0, 13184], sizes = [64, 128], strides = [1, 1]} : vector<64x16384xf32> to vector<64x128xf32>
    %transpose3A_257 = tpu.transpose %slice3A_256, [1, 0] : vector<64x128xf32> -> vector<128x64xf32>
    %concatenate3A_258 = tpu.concatenate %transpose3A_255, %transpose3A_257 in 1 : vector<128x64xf32>, vector<128x64xf32> -> vector<128x128xf32>
    %slice3A_259 = vector.extract_strided_slice %get3A_1 {offsets = [0, 13312], sizes = [64, 128], strides = [1, 1]} : vector<64x16384xf32> to vector<64x128xf32>
    %transpose3A_260 = tpu.transpose %slice3A_259, [1, 0] : vector<64x128xf32> -> vector<128x64xf32>
    %slice3A_261 = vector.extract_strided_slice %get3A_1 {offsets = [0, 13440], sizes = [64, 128], strides = [1, 1]} : vector<64x16384xf32> to vector<64x128xf32>
    %transpose3A_262 = tpu.transpose %slice3A_261, [1, 0] : vector<64x128xf32> -> vector<128x64xf32>
    %concatenate3A_263 = tpu.concatenate %transpose3A_260, %transpose3A_262 in 1 : vector<128x64xf32>, vector<128x64xf32> -> vector<128x128xf32>
    %slice3A_264 = vector.extract_strided_slice %get3A_1 {offsets = [0, 13568], sizes = [64, 128], strides = [1, 1]} : vector<64x16384xf32> to vector<64x128xf32>
    %transpose3A_265 = tpu.transpose %slice3A_264, [1, 0] : vector<64x128xf32> -> vector<128x64xf32>
    %slice3A_266 = vector.extract_strided_slice %get3A_1 {offsets = [0, 13696], sizes = [64, 128], strides = [1, 1]} : vector<64x16384xf32> to vector<64x128xf32>
    %transpose3A_267 = tpu.transpose %slice3A_266, [1, 0] : vector<64x128xf32> -> vector<128x64xf32>
    %concatenate3A_268 = tpu.concatenate %transpose3A_265, %transpose3A_267 in 1 : vector<128x64xf32>, vector<128x64xf32> -> vector<128x128xf32>
    %slice3A_269 = vector.extract_strided_slice %get3A_1 {offsets = [0, 13824], sizes = [64, 128], strides = [1, 1]} : vector<64x16384xf32> to vector<64x128xf32>
    %transpose3A_270 = tpu.transpose %slice3A_269, [1, 0] : vector<64x128xf32> -> vector<128x64xf32>
    %slice3A_271 = vector.extract_strided_slice %get3A_1 {offsets = [0, 13952], sizes = [64, 128], strides = [1, 1]} : vector<64x16384xf32> to vector<64x128xf32>
    %transpose3A_272 = tpu.transpose %slice3A_271, [1, 0] : vector<64x128xf32> -> vector<128x64xf32>
    %concatenate3A_273 = tpu.concatenate %transpose3A_270, %transpose3A_272 in 1 : vector<128x64xf32>, vector<128x64xf32> -> vector<128x128xf32>
    %slice3A_274 = vector.extract_strided_slice %get3A_1 {offsets = [0, 14080], sizes = [64, 128], strides = [1, 1]} : vector<64x16384xf32> to vector<64x128xf32>
    %transpose3A_275 = tpu.transpose %slice3A_274, [1, 0] : vector<64x128xf32> -> vector<128x64xf32>
    %slice3A_276 = vector.extract_strided_slice %get3A_1 {offsets = [0, 14208], sizes = [64, 128], strides = [1, 1]} : vector<64x16384xf32> to vector<64x128xf32>
    %transpose3A_277 = tpu.transpose %slice3A_276, [1, 0] : vector<64x128xf32> -> vector<128x64xf32>
    %concatenate3A_278 = tpu.concatenate %transpose3A_275, %transpose3A_277 in 1 : vector<128x64xf32>, vector<128x64xf32> -> vector<128x128xf32>
    %slice3A_279 = vector.extract_strided_slice %get3A_1 {offsets = [0, 14336], sizes = [64, 128], strides = [1, 1]} : vector<64x16384xf32> to vector<64x128xf32>
    %transpose3A_280 = tpu.transpose %slice3A_279, [1, 0] : vector<64x128xf32> -> vector<128x64xf32>
    %slice3A_281 = vector.extract_strided_slice %get3A_1 {offsets = [0, 14464], sizes = [64, 128], strides = [1, 1]} : vector<64x16384xf32> to vector<64x128xf32>
    %transpose3A_282 = tpu.transpose %slice3A_281, [1, 0] : vector<64x128xf32> -> vector<128x64xf32>
    %concatenate3A_283 = tpu.concatenate %transpose3A_280, %transpose3A_282 in 1 : vector<128x64xf32>, vector<128x64xf32> -> vector<128x128xf32>
    %slice3A_284 = vector.extract_strided_slice %get3A_1 {offsets = [0, 14592], sizes = [64, 128], strides = [1, 1]} : vector<64x16384xf32> to vector<64x128xf32>
    %transpose3A_285 = tpu.transpose %slice3A_284, [1, 0] : vector<64x128xf32> -> vector<128x64xf32>
    %slice3A_286 = vector.extract_strided_slice %get3A_1 {offsets = [0, 14720], sizes = [64, 128], strides = [1, 1]} : vector<64x16384xf32> to vector<64x128xf32>
    %transpose3A_287 = tpu.transpose %slice3A_286, [1, 0] : vector<64x128xf32> -> vector<128x64xf32>
    %concatenate3A_288 = tpu.concatenate %transpose3A_285, %transpose3A_287 in 1 : vector<128x64xf32>, vector<128x64xf32> -> vector<128x128xf32>
    %slice3A_289 = vector.extract_strided_slice %get3A_1 {offsets = [0, 14848], sizes = [64, 128], strides = [1, 1]} : vector<64x16384xf32> to vector<64x128xf32>
    %transpose3A_290 = tpu.transpose %slice3A_289, [1, 0] : vector<64x128xf32> -> vector<128x64xf32>
    %slice3A_291 = vector.extract_strided_slice %get3A_1 {offsets = [0, 14976], sizes = [64, 128], strides = [1, 1]} : vector<64x16384xf32> to vector<64x128xf32>
    %transpose3A_292 = tpu.transpose %slice3A_291, [1, 0] : vector<64x128xf32> -> vector<128x64xf32>
    %concatenate3A_293 = tpu.concatenate %transpose3A_290, %transpose3A_292 in 1 : vector<128x64xf32>, vector<128x64xf32> -> vector<128x128xf32>
    %slice3A_294 = vector.extract_strided_slice %get3A_1 {offsets = [0, 15104], sizes = [64, 128], strides = [1, 1]} : vector<64x16384xf32> to vector<64x128xf32>
    %transpose3A_295 = tpu.transpose %slice3A_294, [1, 0] : vector<64x128xf32> -> vector<128x64xf32>
    %slice3A_296 = vector.extract_strided_slice %get3A_1 {offsets = [0, 15232], sizes = [64, 128], strides = [1, 1]} : vector<64x16384xf32> to vector<64x128xf32>
    %transpose3A_297 = tpu.transpose %slice3A_296, [1, 0] : vector<64x128xf32> -> vector<128x64xf32>
    %concatenate3A_298 = tpu.concatenate %transpose3A_295, %transpose3A_297 in 1 : vector<128x64xf32>, vector<128x64xf32> -> vector<128x128xf32>
    %slice3A_299 = vector.extract_strided_slice %get3A_1 {offsets = [0, 15360], sizes = [64, 128], strides = [1, 1]} : vector<64x16384xf32> to vector<64x128xf32>
    %transpose3A_300 = tpu.transpose %slice3A_299, [1, 0] : vector<64x128xf32> -> vector<128x64xf32>
    %slice3A_301 = vector.extract_strided_slice %get3A_1 {offsets = [0, 15488], sizes = [64, 128], strides = [1, 1]} : vector<64x16384xf32> to vector<64x128xf32>
    %transpose3A_302 = tpu.transpose %slice3A_301, [1, 0] : vector<64x128xf32> -> vector<128x64xf32>
    %concatenate3A_303 = tpu.concatenate %transpose3A_300, %transpose3A_302 in 1 : vector<128x64xf32>, vector<128x64xf32> -> vector<128x128xf32>
    %slice3A_304 = vector.extract_strided_slice %get3A_1 {offsets = [0, 15616], sizes = [64, 128], strides = [1, 1]} : vector<64x16384xf32> to vector<64x128xf32>
    %transpose3A_305 = tpu.transpose %slice3A_304, [1, 0] : vector<64x128xf32> -> vector<128x64xf32>
    %slice3A_306 = vector.extract_strided_slice %get3A_1 {offsets = [0, 15744], sizes = [64, 128], strides = [1, 1]} : vector<64x16384xf32> to vector<64x128xf32>
    %transpose3A_307 = tpu.transpose %slice3A_306, [1, 0] : vector<64x128xf32> -> vector<128x64xf32>
    %concatenate3A_308 = tpu.concatenate %transpose3A_305, %transpose3A_307 in 1 : vector<128x64xf32>, vector<128x64xf32> -> vector<128x128xf32>
    %slice3A_309 = vector.extract_strided_slice %get3A_1 {offsets = [0, 15872], sizes = [64, 128], strides = [1, 1]} : vector<64x16384xf32> to vector<64x128xf32>
    %transpose3A_310 = tpu.transpose %slice3A_309, [1, 0] : vector<64x128xf32> -> vector<128x64xf32>
    %slice3A_311 = vector.extract_strided_slice %get3A_1 {offsets = [0, 16000], sizes = [64, 128], strides = [1, 1]} : vector<64x16384xf32> to vector<64x128xf32>
    %transpose3A_312 = tpu.transpose %slice3A_311, [1, 0] : vector<64x128xf32> -> vector<128x64xf32>
    %concatenate3A_313 = tpu.concatenate %transpose3A_310, %transpose3A_312 in 1 : vector<128x64xf32>, vector<128x64xf32> -> vector<128x128xf32>
    %slice3A_314 = vector.extract_strided_slice %get3A_1 {offsets = [0, 16128], sizes = [64, 128], strides = [1, 1]} : vector<64x16384xf32> to vector<64x128xf32>
    %transpose3A_315 = tpu.transpose %slice3A_314, [1, 0] : vector<64x128xf32> -> vector<128x64xf32>
    %slice3A_316 = vector.extract_strided_slice %get3A_1 {offsets = [0, 16256], sizes = [64, 128], strides = [1, 1]} : vector<64x16384xf32> to vector<64x128xf32>
    %transpose3A_317 = tpu.transpose %slice3A_316, [1, 0] : vector<64x128xf32> -> vector<128x64xf32>
    %concatenate3A_318 = tpu.concatenate %transpose3A_315, %transpose3A_317 in 1 : vector<128x64xf32>, vector<128x64xf32> -> vector<128x128xf32>
    %concatenate3A_319 = tpu.concatenate %concatenate3A, %concatenate3A_8, %concatenate3A_13, %concatenate3A_18, %concatenate3A_23, %concatenate3A_28, %concatenate3A_33, %concatenate3A_38, %concatenate3A_43, %concatenate3A_48, %concatenate3A_53, %concatenate3A_58, %concatenate3A_63, %concatenate3A_68, %concatenate3A_73, %concatenate3A_78, %concatenate3A_83, %concatenate3A_88, %concatenate3A_93, %concatenate3A_98, %concatenate3A_103, %concatenate3A_108, %concatenate3A_113, %concatenate3A_118, %concatenate3A_123, %concatenate3A_128, %concatenate3A_133, %concatenate3A_138, %concatenate3A_143, %concatenate3A_148, %concatenate3A_153, %concatenate3A_158, %concatenate3A_163, %concatenate3A_168, %concatenate3A_173, %concatenate3A_178, %concatenate3A_183, %concatenate3A_188, %concatenate3A_193, %concatenate3A_198, %concatenate3A_203, %concatenate3A_208, %concatenate3A_213, %concatenate3A_218, %concatenate3A_223, %concatenate3A_228, %concatenate3A_233, %concatenate3A_238, %concatenate3A_243, %concatenate3A_248, %concatenate3A_253, %concatenate3A_258, %concatenate3A_263, %concatenate3A_268, %concatenate3A_273, %concatenate3A_278, %concatenate3A_283, %concatenate3A_288, %concatenate3A_293, %concatenate3A_298, %concatenate3A_303, %concatenate3A_308, %concatenate3A_313, %concatenate3A_318 in 0 : vector<128x128xf32>, vector<128x128xf32>, vector<128x128xf32>, vector<128x128xf32>, vector<128x128xf32>, vector<128x128xf32>, vector<128x128xf32>, vector<128x128xf32>, vector<128x128xf32>, vector<128x128xf32>, vector<128x128xf32>, vector<128x128xf32>, vector<128x128xf32>, vector<128x128xf32>, vector<128x128xf32>, vector<128x128xf32>, vector<128x128xf32>, vector<128x128xf32>, vector<128x128xf32>, vector<128x128xf32>, vector<128x128xf32>, vector<128x128xf32>, vector<128x128xf32>, vector<128x128xf32>, vector<128x128xf32>, vector<128x128xf32>, vector<128x128xf32>, vector<128x128xf32>, vector<128x128xf32>, vector<128x128xf32>, vector<128x128xf32>, vector<128x128xf32>, vector<128x128xf32>, vector<128x128xf32>, vector<128x128xf32>, vector<128x128xf32>, vector<128x128xf32>, vector<128x128xf32>, vector<128x128xf32>, vector<128x128xf32>, vector<128x128xf32>, vector<128x128xf32>, vector<128x128xf32>, vector<128x128xf32>, vector<128x128xf32>, vector<128x128xf32>, vector<128x128xf32>, vector<128x128xf32>, vector<128x128xf32>, vector<128x128xf32>, vector<128x128xf32>, vector<128x128xf32>, vector<128x128xf32>, vector<128x128xf32>, vector<128x128xf32>, vector<128x128xf32>, vector<128x128xf32>, vector<128x128xf32>, vector<128x128xf32>, vector<128x128xf32>, vector<128x128xf32>, vector<128x128xf32>, vector<128x128xf32>, vector<128x128xf32> -> vector<8192x128xf32>
    %swap3A = arith.constant 0 : index
    %swap3A_320 = arith.constant 0 : index
    %swap3A_321 = vector.load %arg2[%swap3A, %swap3A_320] : memref<8192x128xf32, #tpu.memory_space<vmem>>, vector<8192x128xf32>
    tpu.vector_store %arg2[%swap3A, %swap3A_320], %concatenate3A_319 {strides = array<i32>} : memref<8192x128xf32, #tpu.memory_space<vmem>>, vector<8192x128xf32>,
    return
  }
  func.func @transform_0(%arg0: i32) -> (i32, i32) {
    %c0_i32 = arith.constant 0 : i32
    %c0_i32_0 = arith.constant 0 : i32
    return %c0_i32, %arg0 : i32, i32
  }
  func.func @transform_1(%arg0: i32) -> (i32, i32) {
    %c0_i32 = arith.constant 0 : i32
    %c0_i32_0 = arith.constant 0 : i32
    return %arg0, %c0_i32 : i32, i32
  }
}

</mosaic_0001>

<sc_bundles>
// kernel: kernel.4.cloned.1.call-start
scs
__scs_entry_jumppad:
0x0: {  	(pc) =	sbr.rel $0x88, $3  }
0x1: {  	(tag) =	ssettag $0x0;
	lr =	simm.s32 $0x1  }
0x2: {  	[smem:$0x3F9E] =	sst lr;
	_ =	strace $0xD0000000  }
0x3: {  	_ = 	snop  }
0x4: {  	_ = 	snop  }
0x5: {  	_ = 	snop  }
0x6: {  	_ = 	snop  }
0x7: {  	_ = 	snop  }
__scs_overlays_trampoline_lowered:
0x8: {  	[smem:$0x3FAD] =	sst s0  }
0x9: {  	[smem:$0x3FAE] =	sst s1  }
0xa: {  	[smem:$0x3FAF] =	sst s2  }
0xb: {  	[smem:$0x3FB0] =	sst s3  }
0xc: {  	[smem:$0x3FB1] =	sst s4  }
0xd: {  	[smem:$0x3FB2] =	sst s5  }
0xe: {  	[smem:$0x3FB3] =	sst s6  }
0xf: {  	[smem:$0x3FB4] =	sst s7  }
0x10: {  	[smem:$0x3FB5] =	sst s8  }
0x11: {  	[smem:$0x3FB6] =	sst s9;
	s0 =	simm.s32 @!p0 $0x0  }
0x12: {  	s1 =	sld [smem:$0x3F9C];
	s0 =	simm.s32 @p0 $0x1  }
0x13: {  	[smem:$0x3FB7] =	sst s0;
	s0 =	simm.s32 @!p1 $0x0  }
0x14: {  	s2 =	sld [smem:$0x3F9B];
	s0 =	simm.s32 @p1 $0x1  }
0x15: {  	[smem:$0x3FB8] =	sst s0;
	s0 =	simm.s32 @!p2 $0x0  }
0x16: {  	s3 =	sld [smem:$0x3FDB];
	s0 =	simm.s32 @p2 $0x1  }
0x17: {  	s4 =	simm.s32 $0x1BF5;
	[smem:$0x3FBA] =	sst s0  }
0x18: {  	s0 =	sld [smem:$0x3F9D];
	_ =	swait.ge [sflag:s4], $0x0  }
0x19: {  	s7 =	sld [smem:$0x3F9E]  }
0x1a: {  	s8 =	sadd.s32 $0xFFFFE003, lr  }
0x1b: {  	s9 =	sadd.s32 $0xFFFFFEF7, lr;
	s5 =	simm.s32 $0xFFFFFFFF;
	p2 =	slt.u32 s8, $0xFFFFF086  }
0x1c: {  	p1 =	slt.u32 s9, $0xF7A;
	s5 =	simm.s32 @!p2 $0x0  }
0x1d: {  	s5 =	simm.s32 @p1 $0x1;
	p0 =	seq.s32 s7, s2  }
0x1e: {  	s7 =	smul.u32 @!p0 $0xF7A, s2;
	p2 =	seq.s32 @!p0 s5, $0x0  }
0x1f: {  	s9 =	smul.u32 $0xF7A, s1;
	s8 =	simm.s32 @!p0 $0x1BF5;
	p2 =	por !p2, p0  }
0x20: {  	[sflag:s8] =	ssyncset.s32 @!p0 $0xFFFFF086;
	s6 =	sadd.s32 @!p0 s3, s7;
	s7 =	simm.s32 @!p0 $0x108  }
0x21: {  	s3 =	sadd.s32 s3, s9;
	s6 =	sadd.s32 @!p0 $0x88, s6;
	s7 =	simm.s32 @p2 $0x1082  }
0x22: {  	[simem:s7], [sflag:s8] =	dma.local @!p0 [hbm:s6], $0xF7A  }
0x23: {  	s9 =	sor.u32 $0xD0000000, s2;
	s6 =	simm.s32 $0x108;
	_ =	swait.ge @!p0 [sflag:s8], $0x0  }
0x24: {  	s3 =	sadd.s32 $0x88, s3;
	s6 =	simm.s32 @!p1 $0x1082;
	[sflag:s4] =	ssyncset.s32 $0xFFFFF086  }
0x25: {  	[simem:s6], [sflag:s4] =	dma.local [hbm:s3], $0xF7A  }
0x26: {  	[smem:$0x3F9E] =	sst s1;
	(tag) =	ssettag s2;
	_ =	strace s9  }
0x27: {  	s1 =	sld [smem:$0x3FAE]  }
0x28: {  	s2 =	sld [smem:$0x3FAF]  }
0x29: {  	s4 =	sld [smem:$0x3FB1]  }
0x2a: {  	p0 =	seq.s32 s5, $0x0;
	s5 =	sld [smem:$0x3FB2]  }
0x2b: {  	s6 =	sld [smem:$0x3FB3]  }
0x2c: {  	s7 =	sld [smem:$0x3FB4]  }
0x2d: {  	s3 =	simm.s32 $0x108;
	s8 =	sld [smem:$0x3FB5]  }
0x2e: {  	s3 =	simm.s32 @!p0 $0x1082;
	s9 =	sld [smem:$0x3FB6]  }
0x2f: {  	lr =	sadd.s32 s0, s3;
	s0 =	sld [smem:$0x3FAD]  }
0x30: {  	s3 =	sld [smem:$0x3FB0]  }
0x31: {  	[smem:$0x3FB9] =	sst s10  }
0x32: {  	s10 =	sld [smem:$0x3FB7];
	_ =	sdelay $0x3  }
0x33: {  	p0 =	seq.s32 s10, $0x1;
	s10 =	sld [smem:$0x3FB9];
	_ =	sdelay $0x3  }
0x34: {  	[smem:$0x3FB9] =	sst s10  }
0x35: {  	s10 =	sld [smem:$0x3FB8];
	_ =	sdelay $0x3  }
0x36: {  	p1 =	seq.s32 s10, $0x1;
	s10 =	sld [smem:$0x3FB9];
	_ =	sdelay $0x3  }
0x37: {  	[smem:$0x3FB9] =	sst s10  }
0x38: {  	s10 =	sld [smem:$0x3FBA]  }
0x39: {  	_ = 	snop;
	(pc) =	sbr.ind lr, $3  }
0x3a: {  	_ = 	snop  }
0x3b: {  	_ = 	snop  }
0x3c: {  	p2 =	seq.s32 s10, $0x1;
	s10 =	sld [smem:$0x3FB9]  }
0x3d: {  	_ =	shalt  }
0x3e: {  	_ =	shalt  }
0x3f: {  	_ =	shalt  }
0x40: {  	_ =	shalt  }
0x41: {  	_ =	shalt  }
0x42: {  	_ =	shalt  }
0x43: {  	_ =	shalt  }
0x44: {  	_ =	shalt  }
0x45: {  	_ =	shalt  }
0x46: {  	_ =	shalt  }
0x47: {  	_ =	shalt  }
0x48: {  	_ =	shalt  }
0x49: {  	_ =	shalt  }
0x4a: {  	_ =	shalt  }
0x4b: {  	_ =	shalt  }
0x4c: {  	_ =	shalt  }
0x4d: {  	_ =	shalt  }
0x4e: {  	_ =	shalt  }
0x4f: {  	_ =	shalt  }
0x50: {  	_ =	shalt  }
0x51: {  	_ =	shalt  }
0x52: {  	_ =	shalt  }
0x53: {  	_ =	shalt  }
0x54: {  	_ =	shalt  }
0x55: {  	_ =	shalt  }
0x56: {  	_ =	shalt  }
0x57: {  	_ =	shalt  }
0x58: {  	_ =	shalt  }
0x59: {  	_ =	shalt  }
0x5a: {  	_ =	shalt  }
0x5b: {  	_ =	shalt  }
0x5c: {  	_ =	shalt  }
0x5d: {  	_ =	shalt  }
0x5e: {  	_ =	shalt  }
0x5f: {  	_ =	shalt  }
0x60: {  	_ =	shalt  }
0x61: {  	_ =	shalt  }
0x62: {  	_ =	shalt  }
0x63: {  	_ =	shalt  }
0x64: {  	_ =	shalt  }
0x65: {  	_ =	shalt  }
0x66: {  	_ =	shalt  }
0x67: {  	_ =	shalt  }
0x68: {  	_ =	shalt  }
0x69: {  	_ =	shalt  }
0x6a: {  	_ =	shalt  }
0x6b: {  	_ =	shalt  }
0x6c: {  	_ =	shalt  }
0x6d: {  	_ =	shalt  }
0x6e: {  	_ =	shalt  }
0x6f: {  	_ =	shalt  }
0x70: {  	_ =	shalt  }
0x71: {  	_ =	shalt  }
0x72: {  	_ =	shalt  }
0x73: {  	_ =	shalt  }
0x74: {  	_ =	shalt  }
0x75: {  	_ =	shalt  }
0x76: {  	_ =	shalt  }
0x77: {  	_ =	shalt  }
0x78: {  	_ =	shalt  }
0x79: {  	_ =	shalt  }
0x7a: {  	_ =	shalt  }
0x7b: {  	_ =	shalt  }
0x7c: {  	_ =	shalt  }
0x7d: {  	_ =	shalt  }
0x7e: {  	_ =	shalt  }
0x7f: {  	_ =	shalt  }
0x80: {  	_ =	shalt  }
0x81: {  	_ =	shalt  }
0x82: {  	_ =	shalt  }
0x83: {  	_ =	shalt  }
0x84: {  	_ =	shalt  }
0x85: {  	_ =	shalt  }
0x86: {  	_ =	shalt  }
0x87: {  	_ =	shalt  }
.Lfunc_end0:
.L_simem_size_0:
called_computation_lowered:
.L_overlay_start_0:
0x88: {  	s2 =	sld [smem:$0x3FD9]  }
0x89: {  	s3 =	sld [smem:$0x3FFE];
	_ =	sdelay $0x1  }
0x8a: {  	s1 =	srdreg.scid  }
0x8b: {  	s0 =	sand.u32 $0x1, s1  }
0x8c: {  	s17 =	sshll.u32 s0, $0xA;
	s2 =	sadd.s32 s3, s2  }
0x8d: {  	s2 =	sadd.s32 s2, s17  }
0x8e: {  	[smem:$0x3FC5] =	sst s2  }
0x8f: {  	_ = 	snop  }
0x90: {  	s2 =	sld [smem:$0x3FC9]  }
0x91: {  	s18 =	sld [smem:$0x3FD0];
	(tm) =	ssettm $0x1  }
0x92: {  	s4 =	sld [smem:$0x3FFB];
	_ =	sdelay $0x3  }
0x93: {  	_ =	strace s4  }
0x94: {  	s4 =	sld [smem:$0x3FFC];
	_ =	sdelay $0x3  }
0x95: {  	_ =	strace s4  }
0x96: {  	s4 =	sld [smem:$0x3FFD];
	_ =	sdelay $0x3  }
0x97: {  	_ =	strace s4  }
0x98: {  	_ =	strace $0x8FFFFFFF  }
0x99: {  	s19 =	sld [smem:$0x3FDB];
	_ =	sdelay $0x1  }
0x9a: {  	s5 =	simm.s32 $_scs_section_size  }
0x9b: {  	s6 =	simm.s32 $_size__tile_overlayer_lowered;
	s7 =	simm.s32 $_tile_overlayer_lowered  }
0x9c: {  	s22 =	simm.s32 $0x1BFF;
	s21 =	sshll.u32 s7, $0x1;
	s4 =	sadd.s32 s5, s19  }
0x9d: {  	s8 =	simm.s32 $0x0;
	s20 =	sshll.u32 s6, $0x1;
	s6 =	sadd.s32 s21, s4  }
0x9e: {  	[timem:s8], [sflag:s22] =	dma.local [hbm:s6], s20  }
0x9f: {  	_ =	swait.ge [sflag:s22], s20  }
0xa0: {  	s5 =	ssub.s32 $0x0, s20;
	[sflag:s22] =	ssyncset.done $0x0  }
0xa1: {  	[sflag:s22] =	ssyncadd.s32 s5;
	_ =	sdelay $0x1  }
0xa2: {  	s23 =	simm.s32 $0x1B8B  }
0xa3: {  	_ =	swait.ge [sflag:s23], $0x1  }
0xa4: {  	[sflag:s23] =	ssyncset.done $0x0  }
0xa5: {  	s25 =	simm.s32 $0x1B8E;
	s24 =	sld [smem:$0x3FFE];
	[sflag:s23] =	ssyncadd.s32 $0xFFFFFFFF  }
0xa6: {  	s26 =	simm.s32 $execute0_lowered;
	[smem:$0x3FD2] =	sst s25  }
0xa7: {  	s6 =	sshll.u32 s26, $0x1;
	_ =	strace $0x80000046;
	[dreg:$0x1] =	wrdreg $0xFFFFFFFF  }
0xa8: {  	s28 =	simm.s32 $_size_execute0_lowered;
	s4 =	sadd.s32 s4, s6;
	[dreg:$0x0] =	wrdreg $0x0  }
0xa9: {  	s6 =	sshll.u32 s28, $0x1;
	[dreg:$0x2] =	wrdreg s4  }
0xaa: {  	[dreg:$0x3] =	wrdreg s6  }
0xab: {  	[dreg:$0x4] =	wrdreg $0xC0  }
0xac: {  	_ =	task [dreg:s8], $0x5FFFF  }
0xad: {  	[dreg:$0x1] =	wrdreg $0xFFFFFFFF  }
0xae: {  	[dreg:$0x0] =	wrdreg $0x60  }
0xaf: {  	[dreg:$0x2] =	wrdreg s2  }
0xb0: {  	[dreg:$0x3] =	wrdreg s24  }
0xb1: {  	[dreg:$0x4] =	wrdreg s18  }
0xb2: {  	[dreg:$0x5] =	wrdreg $0x9  }
0xb3: {  	_ =	task.clear_ibuf [dreg:s8], $0x6FFFF;
	_ =	strace $0x90000046  }
0xb4: {  	s29 =	simm.s32 $0x9;
	_ =	strace $0x80000048  }
0xb5: {  	_ =	swait.ge [sflag:s29], $0x1  }
0xb6: {  	[sflag:s29] =	ssyncadd.s32 $0xFFFFFFFF  }
0xb7: {  	_ =	strace $0x90000048  }
0xb8: {  	_ =	sfence  }
0xb9: {  	s30 =	sld [smem:$0x0];
	_ =	sdelay $0x2  }
0xba: {  	s31 =	sshll.u32 s1, $0xD;
	s1 =	sshrl.u32 s1, $0x2  }
0xbb: {  	s3 =	sand.u32 $0x4000, s31;
	s1 =	sadd.s32 s1, s30  }
0xbc: {  	s0 =	sor.u32 s3, s0;
	s1 =	sshll.u32 s1, $0x11  }
0xbd: {  	s0 =	sor.u32 s1, s0  }
0xbe: {  	s0 =	sadd.s32 $0x8F2B, s0  }
0xbf: {  	[sflag:s0] =	ssyncadd.remote.s32 $0x1  }
0xc0: {  	_ =	sfence.sel $0xFFFF  }
0xc1: {  	[dreg:$0x0] =	wrdreg $0xFFFFFFFF;
	(pc) =	sbr.abs _section_cstart, $3  }
0xc2: {  	[dreg:$0x1] =	wrdreg $0xFFFFFFFF  }
0xc3: {  	_ =	task.clear_ibuf [dreg:s8], $0x2FFFF;
	_ =	strace $0x9FFFFFFF  }
0xc4: {  	(tm) =	ssettm $0x7FFFFFFF  }
0xc5: {  	_ =	shalt  }
tec
execute0_lowered:
.L_overlay_start_1:
0x0: {  	(tag) =	ssettag $0x1  }
0x1: {  	s0 =	rddreg [dreg:$0x0]  }
0x2: {  	s1 =	rddreg [dreg:$0x1]  }
0x3: {  	s2 =	simm.s32 $0x0;
	s28 =	srdreg.scid;
	s4 =	stileid.u32  }
0x4: {  	s12 =	simm.s32 $0x6400;
	[smem:$0x7FF] =	sst s2;
	s2 =	sand.u32 $0x1, s28  }
0x5: {  	s5 =	sshll.u32 s4, $0xB;
	s29 =	sadd.s32 $0xC00, s1;
	s1 =	sadd.s32 $0x400, s1  }
0x6: {  	v0 =	vlaneseq.u32;
	_ =	strace $0x80000047;
	s3 =	ssub.s32 $0x2, s2;
	s2 =	sshll.u32 s2, $0xA  }
.Ltmp0:
0x7: {  	v0 =	vmul.u32 $0x80, v0;
	[dreg:$0x4] =	wrdreg s29;
	s2 =	sor.u32 s2, s5;
	(pc) =	sbr.rel .LBB2_1-.Ltmp0, $4  }
0x8: {  	s6 =	sshrl.u32 s3, $0x1;
	[dreg:$0x5] =	wrdreg s2;
	s2 =	sshrl.u32 s2, $0x3  }
0x9: {  	[dreg:$0x6] =	wrdreg s1;
	v1 =	vor.u32 $0x800, v0;
	s30 =	ssub.s32 s3, s6;
	s0 =	sadd.s32 s0, s2  }
0xa: {  	s15 =	simm.s32 $0x9600;
	v2 =	vor.u32 $0x1000, v0;
	v3 =	vor.u32 $0x1800, v0;
	v4 =	vor.u32 $0x2000, v0;
	s31 =	smax.u32 s30, $0x1;
	[dreg:$0x7] =	wrdreg s0  }
0xb: {  	s17 =	simm.s32 $0xD600;
	v5 =	vor.u32 $0x2800, v0;
	v6 =	vor.u32 $0x3000, v0;
	v7 =	vor.u32 $0x3800, v0;
	s2 =	simm.s32 $0x0;
	[dreg:$0x8] =	wrdreg s31  }
.LBB2_8:
0xc: {  	s0 =	simm.s32 $0x3  }
0xd: {  	_ =	swait.ge [sflag:s0], $0x2000  }
0xe: {  	[sflag:s0] =	ssyncset.done $0x0  }
0xf: {  	s1 =	simm.s32 $0x4;
	[sflag:s0] =	ssyncadd.s32 $0xFFFFE000  }
0x10: {  	_ =	swait.ge [sflag:s1], $0x2000  }
0x11: {  	s2 =	rddreg [dreg:$0x9]  }
0x12: {  	s31 =	rddreg [dreg:$0x8];
	s2 =	sadd.s32 $0x1, s2  }
0x13: {  	p0 =	sne.s32 s2, s31  }
.Ltmp1:
0x14: {  	_ = 	snop;
	(pc) =	sbr.rel @!p0 .LBB2_9-.Ltmp1, $3  }
0x15: {  	_ =	sdelay $0x1  }
0x16: {  	[sflag:s1] =	ssyncset.done $0x0  }
0x17: {  	[sflag:s1] =	ssyncadd.s32 $0xFFFFE000  }
.LBB2_1:
0x18: {  	[dreg:$0x9] =	wrdreg s2  }
0x19: {  	s0 =	simm.s32 $0x0;
	s1 =	rddreg [dreg:$0x7]  }
0x1a: {  	s24 =	simm.s32 $0x400;
	s3 =	simm.s32 $0x8000;
	s25 =	simm.s32 $0x5  }
0x1b: {  	[tilespmem:s0], [sflag:$0x5] =	stream.strided.gather [hbm4b:s1+s24], $0x6400, s3, s24, $0x38;
	[tilespmem:$0x15700] =	vst v63  }
0x1c: {  	_ =	swait.ge [sflag:s25], $0x6400  }
0x1d: {  	[sflag:s25] =	ssyncset.done $0x0  }
0x1e: {  	s26 =	rddreg [dreg:$0x6];
	[sflag:s25] =	ssyncadd.s32 $0xFFFF9C00  }
0x1f: {  	[tilespmem:s12], [sflag:$0x5] =	stream.linear.gather [hbm4b:s26+s0], $0x3200, $0x38;
	[tilespmem:$0x15700] =	vst v63  }
0x20: {  	_ =	swait.ge [sflag:s25], $0x3200  }
0x21: {  	[sflag:s25] =	ssyncset.done $0x0  }
0x22: {  	[sflag:s25] =	ssyncadd.s32 $0xFFFFCE00  }
0x23: {  	v8 =	vld [tilespmem:$0x0]  }
0x24: {  	v9 =	vld [tilespmem:$0x10]  }
0x25: {  	v10 =	vld [tilespmem:$0x20]  }
0x26: {  	v11 =	vld [tilespmem:$0x30]  }
0x27: {  	v13 =	vld [tilespmem:$0x40]  }
0x28: {  	v15 =	vld [tilespmem:$0x50]  }
0x29: {  	v12 =	vshrl.u32 v8, $0x1  }
0x2a: {  	v8 =	vand.u32 $0x7F, v8;
	v14 =	vshrl.u32 v9, $0x1;
	v27 =	vshrl.u32 v10, $0x1  }
0x2b: {  	v16 =	vld [tilespmem:$0x60];
	v9 =	vand.u32 $0x7F, v9;
	v10 =	vand.u32 $0x7F, v10;
	v28 =	vshrl.u32 v11, $0x1  }
0x2c: {  	v11 =	vand.u32 $0x7F, v11;
	v30 =	vshrl.u32 v13, $0x1;
	v12 =	vand.u32 $0x7FFFFF80, v12  }
0x2d: {  	v29 =	vld [tilespmem:$0x70];
	v32 =	vshrl.u32 v15, $0x1;
	v26 =	vand.u32 $0x7FFFFF80, v14;
	v8 =	vor.u32 v8, v12  }
0x2e: {  	v33 =	vand.u32 $0x7F, v13;
	v14 =	vand.u32 $0x7FFFFF80, v27;
	v9 =	vor.u32 v9, v26;
	[tilespmem:$0x15600] =	vst v8  }
0x2f: {  	v34 =	vand.u32 $0x7F, v15;
	v10 =	vor.u32 v10, v14;
	v8 =	vand.u32 $0x7FFFFF80, v28;
	[tilespmem:$0x15610] =	vst v9  }
0x30: {  	v36 =	vshrl.u32 v16, $0x1;
	v31 =	vand.u32 $0x7FFFFF80, v30;
	[tilespmem:$0x15620] =	vst v10;
	v8 =	vor.u32 v11, v8  }
0x31: {  	v37 =	vand.u32 $0x7F, v16;
	v11 =	vand.u32 $0x7FFFFF80, v32;
	[tilespmem:$0x15630] =	vst v8;
	v8 =	vor.u32 v33, v31  }
0x32: {  	v38 =	vshrl.u32 v29, $0x1;
	v35 =	vor.u32 v34, v11;
	[tilespmem:$0x15640] =	vst v8;
	v8 =	vand.u32 $0x7FFFFF80, v36  }
0x33: {  	v40 =	vand.u32 $0x7F, v29;
	v39 =	vand.u32 $0x7FFFFF80, v38;
	[tilespmem:$0x15650] =	vst v35;
	v8 =	vor.u32 v37, v8  }
0x34: {  	[tilespmem:$0x15660] =	vst v8;
	v8 =	vor.u32 v40, v39  }
0x35: {  	s29 =	simm.s32 $0x80;
	s30 =	simm.s32 $0x15600;
	s28 =	rddreg [dreg:$0x4];
	[tilespmem:$0x15670] =	vst v8  }
0x36: {  	[tilespmem:s15], [sflag:$0x1] =	stream.indirect.gather [hbm4b:s28+s29], $0x80, s30, s29, $0xb8;
	[tilespmem:$0x15700] =	vst v63  }
0x37: {  	v8 =	vld [tilespmem:$0x80]  }
0x38: {  	v41 =	vld [tilespmem:$0x90]  }
0x39: {  	v42 =	vld [tilespmem:$0xA0]  }
0x3a: {  	v43 =	vld [tilespmem:$0xB0]  }
0x3b: {  	v45 =	vld [tilespmem:$0xC0]  }
0x3c: {  	v47 =	vld [tilespmem:$0xD0]  }
0x3d: {  	v44 =	vshrl.u32 v8, $0x1  }
0x3e: {  	v8 =	vand.u32 $0x7F, v8;
	v46 =	vshrl.u32 v41, $0x1;
	v49 =	vshrl.u32 v42, $0x1  }
0x3f: {  	v50 =	vld [tilespmem:$0xE0];
	v9 =	vand.u32 $0x7F, v41;
	v10 =	vand.u32 $0x7F, v42;
	v51 =	vshrl.u32 v43, $0x1  }
0x40: {  	v11 =	vand.u32 $0x7F, v43;
	v53 =	vshrl.u32 v45, $0x1;
	v12 =	vand.u32 $0x7FFFFF80, v44  }
0x41: {  	v52 =	vld [tilespmem:$0xF0];
	v55 =	vshrl.u32 v47, $0x1;
	v48 =	vand.u32 $0x7FFFFF80, v46;
	v8 =	vor.u32 v8, v12  }
0x42: {  	v56 =	vand.u32 $0x7F, v45;
	v14 =	vand.u32 $0x7FFFFF80, v49;
	v9 =	vor.u32 v9, v48;
	[tilespmem:$0x15680] =	vst v8  }
0x43: {  	v57 =	vand.u32 $0x7F, v47;
	v10 =	vor.u32 v10, v14;
	v8 =	vand.u32 $0x7FFFFF80, v51;
	[tilespmem:$0x15690] =	vst v9  }
0x44: {  	v59 =	vshrl.u32 v50, $0x1;
	v54 =	vand.u32 $0x7FFFFF80, v53;
	[tilespmem:$0x156A0] =	vst v10;
	v8 =	vor.u32 v11, v8  }
0x45: {  	v60 =	vand.u32 $0x7F, v50;
	v11 =	vand.u32 $0x7FFFFF80, v55;
	[tilespmem:$0x156B0] =	vst v8;
	v8 =	vor.u32 v56, v54  }
0x46: {  	v61 =	vshrl.u32 v52, $0x1;
	v58 =	vor.u32 v57, v11;
	[tilespmem:$0x156C0] =	vst v8;
	v8 =	vand.u32 $0x7FFFFF80, v59  }
0x47: {  	v63 =	vand.u32 $0x7F, v52;
	v62 =	vand.u32 $0x7FFFFF80, v61;
	[tilespmem:$0x156D0] =	vst v58;
	v8 =	vor.u32 v60, v8  }
0x48: {  	[tilespmem:$0x156E0] =	vst v8;
	v8 =	vor.u32 v63, v62  }
0x49: {  	s31 =	simm.s32 $0x15680;
	s26 =	simm.s32 $0x0;
	s25 =	simm.s32 $0x0;
	[tilespmem:$0x156F0] =	vst v8  }
0x4a: {  	[tilespmem:s17], [sflag:$0x2] =	stream.indirect.gather [hbm4b:s28+s29], $0x80, s31, s29, $0xb8;
	[tilespmem:$0x15700] =	vst v63  }
.LBB2_2:
0x4b: {  	s1 =	simm.s32 $0x1  }
0x4c: {  	_ =	swait.ge [sflag:s1], $0x4000  }
0x4d: {  	s0 =	sshll.u32 s26, $0xA;
	[sflag:s1] =	ssyncset.done $0x0  }
0x4e: {  	s28 =	sshra.s32 s0, $0x2;
	[sflag:s1] =	ssyncadd.s32 $0xFFFFC000  }
0x4f: {  	v8 =	vld [tilespmem:s28+$0x0];
	_ =	sdelay $0x1  }
0x50: {  	s10 =	sadd.s32 $0x0, s25  }
0x51: {  	s18 =	sadd.s32 $0xE, s10;
	v11 =	vld [tilespmem:s28+$0x10]  }
0x52: {  	v22 =	vmov s18;
	v14 =	vld [tilespmem:s28+$0x20]  }
0x53: {  	v22 =	vand.u32 $0xFFFFFFFE, v22;
	v13 =	vld [tilespmem:s28+$0x30];
	v8 =	vshrl.u32 v8, $0x1  }
0x54: {  	v12 =	vld [tilespmem:s28+$0x40];
	v22 =	vbroadcast v22, $0x0;
	v8 =	vand.u32 $0x40, v8  }
0x55: {  	p0 =	seq.s32 s26, $0x0;
	s0 =	simm.s32 $0x0;
	v10 =	vld [tilespmem:s28+$0x50];
	v15 =	vor.u32 v0, v8  }
0x56: {  	s19 =	simm.s32 $0x1;
	s1 =	simm.s32 @!p0 $0x3;
	v9 =	vld [tilespmem:s28+$0x60];
	v16 =	vor.u32 s0, v15  }
0x57: {  	s21 =	simm.s32 $0x2;
	v8 =	vld [tilespmem:s28+$0x70];
	_ =	swait.ge @!p0 [sflag:s1], $0x2000;
	v17 =	vor.u32 s19, v15  }
0x58: {  	s11 =	simm.s32 $0x3;
	v18 =	vor.u32 s21, v15;
	[sflag:s1] =	ssyncset.done @!p0 $0x0  }
0x59: {  	s7 =	simm.s32 $0x4;
	v19 =	vor.u32 s11, v15;
	[sflag:s1] =	ssyncadd.s32 @!p0 $0xFFFFE000  }
0x5a: {  	s6 =	simm.s32 $0x5;
	v20 =	vor.u32 s7, v15;
	v31 =	vld.idx.msk [tilespmem:v22+s12+$0x0], $0xffff  }
0x5b: {  	s2 =	simm.s32 $0x7;
	v21 =	vor.u32 s6, v15;
	v32 =	vld.idx.msk [tilespmem:v16+s15+$0x0], $0xffff  }
0x5c: {  	s9 =	simm.s32 $0xE;
	v23 =	vor.u32 s2, v15;
	v17 =	vld.idx.msk [tilespmem:v17+s15+$0x0], $0xffff  }
0x5d: {  	s23 =	simm.s32 $0x8;
	v24 =	vor.u32 s9, v15;
	v18 =	vld.idx.msk [tilespmem:v18+s15+$0x0], $0xffff  }
0x5e: {  	s14 =	simm.s32 $0x9;
	s24 =	sadd.s32 $0x1, s10;
	v25 =	vor.u32 s23, v15;
	v19 =	vld.idx.msk [tilespmem:v19+s15+$0x0], $0xffff  }
0x5f: {  	s16 =	simm.s32 $0xA;
	v29 =	vmov s24;
	v26 =	vor.u32 s14, v15;
	v20 =	vld.idx.msk [tilespmem:v20+s15+$0x0], $0xffff  }
0x60: {  	s22 =	simm.s32 $0xB;
	s29 =	sadd.s32 $0x3, s10;
	v44 =	vmov s10;
	v29 =	vand.u32 $0xFFFFFFF1, v29;
	v27 =	vor.u32 s16, v15;
	v21 =	vld.idx.msk [tilespmem:v21+s15+$0x0], $0xffff  }
0x61: {  	v35 =	vmov s29;
	v29 =	vbroadcast v29, $0x0;
	v28 =	vor.u32 s22, v15;
	s1 =	simm.s32 $0xF;
	v33 =	vld.idx.msk [tilespmem:v23+s15+$0x0], $0xffff  }
0x62: {  	s4 =	sadd.s32 $0x6, s10;
	v11 =	vshrl.u32 v11, $0x1;
	v14 =	vshrl.u32 v14, $0x1;
	v30 =	vor.u32 s1, v15;
	v24 =	vld.idx.msk [tilespmem:v24+s15+$0x0], $0xffff  }
0x63: {  	s13 =	simm.s32 $0xC;
	v39 =	vmov s4;
	v11 =	vand.u32 $0x40, v11;
	v23 =	vand.u32 $0x40, v14;
	v34 =	vld.idx.msk [tilespmem:v25+s15+$0x0], $0xffff  }
0x64: {  	s8 =	simm.s32 $0xD;
	s20 =	sadd.s32 $0x2, s10;
	v14 =	vor.u32 v1, v11;
	v36 =	vld.idx.msk [tilespmem:v26+s15+$0x0], $0xffff;
	v11 =	vor.u32 v2, v23;
	v23 =	vor.u32 s13, v15  }
0x65: {  	s3 =	simm.s32 $0x6;
	v22 =	vor.u32 s8, v15;
	v25 =	vmov s20;
	v38 =	vld.idx.msk [tilespmem:v27+s15+$0x0], $0xffff;
	v27 =	vand.u32 $0xFFFFFFF3, v35  }
0x66: {  	s30 =	sadd.s32 $0x4, s10;
	v16 =	vor.u32 s3, v15;
	v35 =	vld.idx.msk [tilespmem:v28+s15+$0x0], $0xffff;
	v25 =	vand.u32 $0xFFFFFFF2, v25;
	v40 =	vbroadcast v27, $0x0  }
0x67: {  	s29 =	sadd.s32 $0x5, s10;
	v26 =	vmov s30;
	v27 =	vand.u32 $0xFFFFFFF6, v39;
	v25 =	vbroadcast v25, $0x0;
	v39 =	vld.idx.msk [tilespmem:v30+s15+$0x0], $0xffff  }
0x68: {  	s18 =	sadd.s32 $0x8, s10;
	v37 =	vmov s29;
	v26 =	vand.u32 $0xFFFFFFF4, v26;
	v42 =	vbroadcast v27, $0x0;
	v27 =	vld.idx.msk [tilespmem:v29+s12+$0x0], $0xffff  }
0x69: {  	s5 =	sadd.s32 $0x7, s10;
	v28 =	vor.u32 s9, v14;
	v26 =	vbroadcast v26, $0x0;
	v30 =	vmov s18;
	v41 =	vld.idx.msk [tilespmem:v23+s15+$0x0], $0xffff  }
0x6a: {  	v23 =	vand.u32 $0xFFFFFFF5, v37;
	v37 =	vld.idx.msk [tilespmem:v22+s15+$0x0], $0xffff;
	v22 =	vadd.f32 v24, v31;
	v24 =	vmov s5  }
0x6b: {  	v29 =	vand.u32 $0xFFFFFFF8, v30;
	v16 =	vld.idx.msk [tilespmem:v16+s15+$0x0], $0xffff;
	s5 =	sadd.s32 $0xB, s10;
	v23 =	vbroadcast v23, $0x0;
	v24 =	vand.u32 $0xFFFFFFF7, v24  }
0x6c: {  	s30 =	simm.s32 $0x11A00;
	s20 =	sadd.s32 $0x9, s10;
	v45 =	vbroadcast v29, $0x0;
	v46 =	vmov s5;
	v29 =	vld.idx.msk [tilespmem:v40+s12+$0x0], $0xffff;
	v24 =	vbroadcast v24, $0x0  }
0x6d: {  	s4 =	sadd.s32 $0xA, s10;
	v44 =	vand.u32 $0xFFFFFFF0, v44;
	[tilespmem:s30+$0x300] =	vst v22;
	v22 =	vmov s20;
	v30 =	vld.idx.msk [tilespmem:v25+s12+$0x0], $0xffff;
	v46 =	vand.u32 $0xFFFFFFFB, v46  }
0x6e: {  	v25 =	vmov s4;
	v43 =	vld.idx.msk [tilespmem:v28+s15+$0x0], $0xffff;
	v22 =	vand.u32 $0xFFFFFFF9, v22;
	v60 =	vbroadcast v46, $0x0  }
0x6f: {  	v50 =	vor.u32 s21, v14;
	s20 =	sadd.s32 $0xD, s10;
	v25 =	vand.u32 $0xFFFFFFFA, v25;
	v28 =	vld.idx.msk [tilespmem:v26+s12+$0x0], $0xffff;
	v22 =	vbroadcast v22, $0x0  }
0x70: {  	s18 =	sadd.s32 $0xC, s10;
	v17 =	vadd.f32 v17, v27;
	v47 =	vmov s20;
	v48 =	vbroadcast v25, $0x0;
	v25 =	vld.idx.msk [tilespmem:v42+s12+$0x0], $0xffff  }
0x71: {  	v49 =	vor.u32 s9, v11;
	v59 =	vmov s18;
	v61 =	vand.u32 $0xFFFFFFFD, v47;
	v26 =	vld.idx.msk [tilespmem:v23+s12+$0x0], $0xffff  }
0x72: {  	[tilespmem:s30+$0xFFFFFC80] =	vst v17;
	v42 =	vbroadcast v61, $0x0;
	v23 =	vand.u32 $0xFFFFFFFC, v59;
	v17 =	vadd.f32 v18, v30;
	v24 =	vld.idx.msk [tilespmem:v24+s12+$0x0], $0xffff  }
0x73: {  	v44 =	vbroadcast v44, $0x0;
	v62 =	vbroadcast v23, $0x0;
	v23 =	vld.idx.msk [tilespmem:v45+s12+$0x0], $0xffff  }
0x74: {  	v43 =	vadd.f32 v43, v31;
	[tilespmem:s30+$0xFFFFFD00] =	vst v17;
	v17 =	vadd.f32 v20, v28;
	v20 =	vld.idx.msk [tilespmem:v60+s12+$0x0], $0xffff  }
0x75: {  	v18 =	vadd.f32 v19, v29;
	v22 =	vld.idx.msk [tilespmem:v22+s12+$0x0], $0xffff  }
0x76: {  	v52 =	vor.u32 s11, v14;
	[tilespmem:s30+$0x310] =	vst v43;
	v59 =	vld.idx.msk [tilespmem:v50+s15+$0x0], $0xffff  }
0x77: {  	[tilespmem:s30+$0xFFFFFD80] =	vst v18;
	v16 =	vadd.f32 v16, v25;
	v19 =	vld.idx.msk [tilespmem:v49+s15+$0x0], $0xffff  }
0x78: {  	v54 =	vor.u32 s7, v14;
	[tilespmem:s30+$0xFFFFFE00] =	vst v17;
	v17 =	vld.idx.msk [tilespmem:v42+s12+$0x0], $0xffff  }
0x79: {  	v13 =	vshrl.u32 v13, $0x1;
	v49 =	vor.u32 s19, v14;
	[tilespmem:s30+$0xFFFFFF00] =	vst v16;
	v16 =	vld.idx.msk [tilespmem:v44+s12+$0x0], $0xffff;
	v18 =	vadd.f32 v21, v26  }
0x7a: {  	v13 =	vand.u32 $0x40, v13;
	v57 =	vor.u32 s6, v14;
	s10 =	sadd.s32 $0xF, s10;
	v21 =	vld.idx.msk [tilespmem:v48+s12+$0x0], $0xffff;
	v33 =	vadd.f32 v33, v24  }
0x7b: {  	v13 =	vor.u32 v3, v13;
	v63 =	vmov s10;
	v48 =	vld.idx.msk [tilespmem:v52+s15+$0x0], $0xffff;
	v34 =	vadd.f32 v34, v23;
	[tilespmem:s30+$0xFFFFFE80] =	vst v18  }
0x7c: {  	v51 =	vor.u32 s9, v13;
	v18 =	vld.idx.msk [tilespmem:v62+s12+$0x0], $0xffff;
	v35 =	vadd.f32 v35, v20;
	[tilespmem:s30+$0xFFFFFF80] =	vst v33  }
0x7d: {  	v61 =	vor.u32 s2, v14;
	v53 =	vadd.f32 v36, v22;
	[tilespmem:s30+$0x0] =	vst v34;
	v36 =	vld.idx.msk [tilespmem:v54+s15+$0x0], $0xffff  }
0x7e: {  	v60 =	vor.u32 s3, v14;
	v55 =	vadd.f32 v19, v31;
	v56 =	vld.idx.msk [tilespmem:v49+s15+$0x0], $0xffff;
	[tilespmem:s30+$0x180] =	vst v35  }
0x7f: {  	v52 =	vld.idx.msk [tilespmem:v57+s15+$0x0], $0xffff;
	v49 =	vor.u32 s23, v14;
	v50 =	vadd.f32 v37, v17;
	[tilespmem:s30+$0x80] =	vst v53  }
0x80: {  	v19 =	vld.idx.msk [tilespmem:v63+s12+$0x0], $0xffff;
	v58 =	vadd.f32 v38, v21;
	v53 =	vor.u32 s16, v14;
	[tilespmem:s30+$0x320] =	vst v55  }
0x81: {  	v32 =	vadd.f32 v32, v16;
	[tilespmem:s30+$0x280] =	vst v50;
	v63 =	vld.idx.msk [tilespmem:v51+s15+$0x0], $0xffff;
	v51 =	vor.u32 s14, v14  }
0x82: {  	v12 =	vshrl.u32 v12, $0x1;
	v34 =	vld.idx.msk [tilespmem:v61+s15+$0x0], $0xffff;
	v38 =	vadd.f32 v59, v30;
	[tilespmem:s30+$0x100] =	vst v58;
	v58 =	vor.u32 s22, v14  }
0x83: {  	v61 =	vadd.f32 v48, v29;
	[tilespmem:s30+$0xFFFFFC00] =	vst v32;
	v55 =	vadd.f32 v56, v27;
	v56 =	vld.idx.msk [tilespmem:v60+s15+$0x0], $0xffff;
	v60 =	vor.u32 s13, v14  }
0x84: {  	v12 =	vand.u32 $0x40, v12;
	v62 =	vadd.f32 v41, v18;
	[tilespmem:s30+$0xFFFFFD10] =	vst v38;
	v59 =	vld.idx.msk [tilespmem:v49+s15+$0x0], $0xffff;
	v49 =	vor.u32 s1, v14  }
0x85: {  	v12 =	vor.u32 v4, v12;
	v50 =	vor.u32 s19, v11;
	[tilespmem:s30+$0xFFFFFD90] =	vst v61;
	v54 =	vadd.f32 v39, v19;
	v45 =	vld.idx.msk [tilespmem:v53+s15+$0x0], $0xffff  }
0x86: {  	v57 =	vor.u32 s9, v12;
	[tilespmem:s30+$0x200] =	vst v62;
	v37 =	vld.idx.msk [tilespmem:v51+s15+$0x0], $0xffff  }
0x87: {  	v36 =	vadd.f32 v36, v28;
	v33 =	vadd.f32 v52, v26;
	v62 =	vor.u32 s8, v14;
	[tilespmem:s30+$0x380] =	vst v54;
	v52 =	vld.idx.msk [tilespmem:v58+s15+$0x0], $0xffff  }
0x88: {  	[tilespmem:s30+$0xFFFFFC90] =	vst v55;
	v41 =	vadd.f32 v63, v31;
	v63 =	vor.u32 s0, v14;
	v55 =	vld.idx.msk [tilespmem:v60+s15+$0x0], $0xffff  }
0x89: {  	[tilespmem:s30+$0xFFFFFE10] =	vst v36;
	v51 =	vadd.f32 v56, v25;
	v56 =	vor.u32 s11, v11;
	v40 =	vld.idx.msk [tilespmem:v49+s15+$0x0], $0xffff  }
0x8a: {  	v61 =	vor.u32 s7, v11;
	v54 =	vadd.f32 v34, v24;
	[tilespmem:s30+$0x330] =	vst v41;
	v41 =	vld.idx.msk [tilespmem:v50+s15+$0x0], $0xffff  }
0x8b: {  	[tilespmem:s30+$0xFFFFFE90] =	vst v33;
	v49 =	vor.u32 s3, v11;
	v48 =	vld.idx.msk [tilespmem:v57+s15+$0x0], $0xffff  }
0x8c: {  	v10 =	vshrl.u32 v10, $0x1;
	v53 =	vor.u32 s21, v11;
	[tilespmem:s30+$0xFFFFFF90] =	vst v54;
	v32 =	vadd.f32 v59, v23;
	v57 =	vld.idx.msk [tilespmem:v62+s15+$0x0], $0xffff  }
0x8d: {  	v10 =	vand.u32 $0x40, v10;
	v62 =	vadd.f32 v45, v21;
	[tilespmem:s30+$0xFFFFFF10] =	vst v51;
	v51 =	vor.u32 s2, v11;
	v58 =	vld.idx.msk [tilespmem:v63+s15+$0x0], $0xffff  }
0x8e: {  	v10 =	vor.u32 v5, v10;
	[tilespmem:s30+$0x10] =	vst v32;
	v59 =	vadd.f32 v37, v22;
	v63 =	vor.u32 s6, v11;
	v35 =	vld.idx.msk [tilespmem:v56+s15+$0x0], $0xffff  }
0x8f: {  	v60 =	vor.u32 s9, v10;
	[tilespmem:s30+$0x110] =	vst v62;
	v50 =	vadd.f32 v52, v20;
	v56 =	vld.idx.msk [tilespmem:v61+s15+$0x0], $0xffff  }
0x90: {  	v52 =	vor.u32 s23, v11;
	[tilespmem:s30+$0x90] =	vst v59;
	v34 =	vadd.f32 v55, v18;
	v62 =	vld.idx.msk [tilespmem:v49+s15+$0x0], $0xffff  }
0x91: {  	[tilespmem:s30+$0x190] =	vst v50;
	v47 =	vadd.f32 v48, v31;
	v48 =	vld.idx.msk [tilespmem:v53+s15+$0x0], $0xffff;
	v53 =	vadd.f32 v57, v17;
	v57 =	vor.u32 s14, v11  }
0x92: {  	v59 =	vor.u32 s16, v11;
	v61 =	vadd.f32 v41, v27;
	[tilespmem:s30+$0x210] =	vst v34;
	v39 =	vld.idx.msk [tilespmem:v51+s15+$0x0], $0xffff  }
0x93: {  	v50 =	vor.u32 s13, v11;
	[tilespmem:s30+$0x340] =	vst v47;
	v55 =	vadd.f32 v58, v16;
	v58 =	vld.idx.msk [tilespmem:v63+s15+$0x0], $0xffff  }
0x94: {  	[tilespmem:s30+$0xFFFFFCA0] =	vst v61;
	v63 =	vor.u32 s22, v11;
	v54 =	vld.idx.msk [tilespmem:v60+s15+$0x0], $0xffff  }
0x95: {  	v9 =	vshrl.u32 v9, $0x1;
	[tilespmem:s30+$0x290] =	vst v53;
	v33 =	vld.idx.msk [tilespmem:v52+s15+$0x0], $0xffff;
	v53 =	vor.u32 s0, v11;
	v60 =	vadd.f32 v40, v19  }
0x96: {  	v9 =	vand.u32 $0x40, v9;
	[tilespmem:s30+$0xFFFFFC10] =	vst v55;
	v49 =	vadd.f32 v35, v29;
	v51 =	vld.idx.msk [tilespmem:v57+s15+$0x0], $0xffff;
	v57 =	vor.u32 s19, v13  }
0x97: {  	v9 =	vor.u32 v6, v9;
	v55 =	vld.idx.msk [tilespmem:v59+s15+$0x0], $0xffff;
	v38 =	vadd.f32 v48, v30;
	[tilespmem:s30+$0x390] =	vst v60;
	v60 =	vor.u32 s21, v13  }
0x98: {  	v35 =	vld.idx.msk [tilespmem:v50+s15+$0x0], $0xffff;
	v48 =	vor.u32 s9, v9;
	[tilespmem:s30+$0xFFFFFDA0] =	vst v49;
	v61 =	vadd.f32 v39, v24  }
0x99: {  	v52 =	vor.u32 s8, v11;
	[tilespmem:s30+$0xFFFFFD20] =	vst v38;
	v41 =	vld.idx.msk [tilespmem:v63+s15+$0x0], $0xffff;
	v36 =	vadd.f32 v54, v31;
	v54 =	vadd.f32 v56, v28  }
0x9a: {  	v34 =	vadd.f32 v58, v26;
	v58 =	vadd.f32 v62, v25;
	v62 =	vor.u32 s11, v13;
	v49 =	vld.idx.msk [tilespmem:v53+s15+$0x0], $0xffff;
	[tilespmem:s30+$0xFFFFFFA0] =	vst v61  }
0x9b: {  	v50 =	vor.u32 s7, v13;
	[tilespmem:s30+$0xFFFFFE20] =	vst v54;
	v54 =	vld.idx.msk [tilespmem:v57+s15+$0x0], $0xffff  }
0x9c: {  	v56 =	vor.u32 s1, v11;
	[tilespmem:s30+$0x350] =	vst v36;
	v57 =	vld.idx.msk [tilespmem:v60+s15+$0x0], $0xffff  }
0x9d: {  	v63 =	vadd.f32 v33, v23;
	[tilespmem:s30+$0xFFFFFEA0] =	vst v34;
	v60 =	vor.u32 s2, v13;
	v59 =	vld.idx.msk [tilespmem:v48+s15+$0x0], $0xffff  }
0x9e: {  	[tilespmem:s30+$0xFFFFFF20] =	vst v58;
	v61 =	vadd.f32 v35, v18;
	v48 =	vld.idx.msk [tilespmem:v52+s15+$0x0], $0xffff;
	v52 =	vadd.f32 v55, v21;
	v55 =	vor.u32 s6, v13  }
0x9f: {  	v8 =	vshrl.u32 v8, $0x1;
	[tilespmem:s30+$0x20] =	vst v63;
	v58 =	vor.u32 s3, v13;
	v39 =	vld.idx.msk [tilespmem:v62+s15+$0x0], $0xffff  }
0xa0: {  	v8 =	vand.u32 $0x40, v8;
	v63 =	vor.u32 s23, v13;
	v51 =	vadd.f32 v51, v22;
	[tilespmem:s30+$0x220] =	vst v61;
	v62 =	vld.idx.msk [tilespmem:v50+s15+$0x0], $0xffff  }
0xa1: {  	v8 =	vor.u32 v7, v8;
	v36 =	vld.idx.msk [tilespmem:v56+s15+$0x0], $0xffff;
	v56 =	vadd.f32 v41, v20;
	[tilespmem:s30+$0x120] =	vst v52;
	v52 =	vor.u32 s16, v13  }
0xa2: {  	v53 =	vor.u32 s9, v8;
	[tilespmem:s30+$0xA0] =	vst v51;
	v54 =	vadd.f32 v54, v27;
	v40 =	vld.idx.msk [tilespmem:v60+s15+$0x0], $0xffff  }
0xa3: {  	[tilespmem:s30+$0x1A0] =	vst v56;
	v41 =	vadd.f32 v57, v30;
	v57 =	vor.u32 s13, v13;
	v59 =	vadd.f32 v59, v31;
	v51 =	vld.idx.msk [tilespmem:v55+s15+$0x0], $0xffff  }
0xa4: {  	v60 =	vor.u32 s8, v13;
	v55 =	vld.idx.msk [tilespmem:v58+s15+$0x0], $0xffff;
	[tilespmem:s30+$0xFFFFFCB0] =	vst v54  }
0xa5: {  	v33 =	vadd.f32 v48, v17;
	v48 =	vadd.f32 v49, v16;
	v49 =	vor.u32 s14, v13;
	[tilespmem:s30+$0x360] =	vst v59;
	v59 =	vld.idx.msk [tilespmem:v63+s15+$0x0], $0xffff  }
0xa6: {  	v61 =	vor.u32 s0, v13;
	[tilespmem:s30+$0xFFFFFD30] =	vst v41;
	v35 =	vadd.f32 v62, v28;
	v62 =	vld.idx.msk [tilespmem:v52+s15+$0x0], $0xffff  }
0xa7: {  	v58 =	vadd.f32 v39, v29;
	[tilespmem:s30+$0x2A0] =	vst v33;
	v63 =	vor.u32 s1, v13;
	v50 =	vld.idx.msk [tilespmem:v53+s15+$0x0], $0xffff  }
0xa8: {  	[tilespmem:s30+$0xFFFFFC20] =	vst v48;
	v48 =	vor.u32 s19, v12;
	v43 =	vld.idx.msk [tilespmem:v57+s15+$0x0], $0xffff  }
0xa9: {  	v54 =	vor.u32 s7, v12;
	v53 =	vadd.f32 v36, v19;
	[tilespmem:s30+$0xFFFFFDB0] =	vst v58;
	v39 =	vld.idx.msk [tilespmem:v60+s15+$0x0], $0xffff  }
0xaa: {  	v56 =	vor.u32 s22, v13;
	[tilespmem:s30+$0xFFFFFE30] =	vst v35;
	v52 =	vadd.f32 v40, v24;
	v38 =	vld.idx.msk [tilespmem:v49+s15+$0x0], $0xffff  }
0xab: {  	[tilespmem:s30+$0x3A0] =	vst v53;
	v49 =	vadd.f32 v51, v26;
	v51 =	vor.u32 s21, v12;
	v53 =	vld.idx.msk [tilespmem:v61+s15+$0x0], $0xffff  }
0xac: {  	v36 =	vadd.f32 v55, v25;
	v55 =	vor.u32 s6, v12;
	[tilespmem:s30+$0xFFFFFFB0] =	vst v52;
	v34 =	vld.idx.msk [tilespmem:v63+s15+$0x0], $0xffff  }
0xad: {  	v58 =	vor.u32 s3, v12;
	[tilespmem:s30+$0xFFFFFEB0] =	vst v49;
	v57 =	vld.idx.msk [tilespmem:v48+s15+$0x0], $0xffff;
	v31 =	vadd.f32 v50, v31  }
0xae: {  	v52 =	vor.u32 s16, v12;
	[tilespmem:s30+$0xFFFFFF30] =	vst v36;
	v33 =	vadd.f32 v59, v23;
	v48 =	vld.idx.msk [tilespmem:v54+s15+$0x0], $0xffff  }
0xaf: {  	v32 =	vadd.f32 v62, v21;
	v50 =	vld.idx.msk [tilespmem:v56+s15+$0x0], $0xffff;
	[tilespmem:s30+$0x370] =	vst v31;
	v31 =	vor.u32 s11, v12  }
0xb0: {  	v60 =	vor.u32 s2, v12;
	[tilespmem:s30+$0x30] =	vst v33;
	v63 =	vadd.f32 v43, v18;
	v59 =	vld.idx.msk [tilespmem:v51+s15+$0x0], $0xffff  }
0xb1: {  	v62 =	vor.u32 s23, v12;
	[tilespmem:s30+$0x130] =	vst v32;
	v56 =	vadd.f32 v38, v22;
	v36 =	vld.idx.msk [tilespmem:v55+s15+$0x0], $0xffff  }
0xb2: {  	v49 =	vor.u32 s14, v12;
	v51 =	vadd.f32 v53, v16;
	v53 =	vld.idx.msk [tilespmem:v58+s15+$0x0], $0xffff;
	[tilespmem:s30+$0x230] =	vst v63  }
0xb3: {  	v54 =	vor.u32 s22, v12;
	v40 =	vld.idx.msk [tilespmem:v52+s15+$0x0], $0xffff;
	[tilespmem:s30+$0xB0] =	vst v56;
	v34 =	vadd.f32 v34, v19  }
0xb4: {  	[tilespmem:s30+$0xFFFFFC30] =	vst v51;
	v55 =	vadd.f32 v57, v27;
	v57 =	vor.u32 s13, v12;
	v31 =	vld.idx.msk [tilespmem:v31+s15+$0x0], $0xffff  }
0xb5: {  	v63 =	vor.u32 s19, v10;
	v56 =	vld.idx.msk [tilespmem:v60+s15+$0x0], $0xffff;
	v61 =	vadd.f32 v50, v20;
	[tilespmem:s30+$0x3B0] =	vst v34  }
0xb6: {  	v58 =	vor.u32 s8, v12;
	v37 =	vld.idx.msk [tilespmem:v62+s15+$0x0], $0xffff;
	v50 =	vadd.f32 v39, v17;
	[tilespmem:s30+$0xFFFFFCC0] =	vst v55  }
0xb7: {  	v60 =	vld.idx.msk [tilespmem:v49+s15+$0x0], $0xffff;
	[tilespmem:s30+$0x1B0] =	vst v61;
	v33 =	vadd.f32 v59, v30;
	v59 =	vor.u32 s0, v12  }
0xb8: {  	v62 =	vor.u32 s1, v12;
	[tilespmem:s30+$0x2B0] =	vst v50;
	v61 =	vadd.f32 v48, v28;
	v48 =	vld.idx.msk [tilespmem:v54+s15+$0x0], $0xffff  }
0xb9: {  	v51 =	vor.u32 s11, v10;
	[tilespmem:s30+$0xFFFFFD40] =	vst v33;
	v50 =	vld.idx.msk [tilespmem:v57+s15+$0x0], $0xffff;
	v31 =	vadd.f32 v31, v29  }
0xba: {  	v55 =	vor.u32 s6, v10;
	v32 =	vadd.f32 v53, v25;
	[tilespmem:s30+$0xFFFFFE40] =	vst v61;
	v57 =	vld.idx.msk [tilespmem:v63+s15+$0x0], $0xffff  }
0xbb: {  	v49 =	vor.u32 s21, v10;
	v52 =	vld.idx.msk [tilespmem:v58+s15+$0x0], $0xffff;
	[tilespmem:s30+$0xFFFFFDC0] =	vst v31;
	v31 =	vadd.f32 v36, v26  }
0xbc: {  	v53 =	vor.u32 s7, v10;
	[tilespmem:s30+$0xFFFFFF40] =	vst v32;
	v54 =	vadd.f32 v37, v23;
	v34 =	vld.idx.msk [tilespmem:v59+s15+$0x0], $0xffff  }
0xbd: {  	v59 =	vadd.f32 v40, v21;
	[tilespmem:s30+$0xFFFFFEC0] =	vst v31;
	v31 =	vadd.f32 v56, v24;
	v56 =	vld.idx.msk [tilespmem:v62+s15+$0x0], $0xffff  }
0xbe: {  	v63 =	vor.u32 s23, v10;
	[tilespmem:s30+$0x40] =	vst v54;
	v62 =	vld.idx.msk [tilespmem:v51+s15+$0x0], $0xffff  }
0xbf: {  	v61 =	vor.u32 s2, v10;
	[tilespmem:s30+$0x140] =	vst v59;
	v54 =	vadd.f32 v57, v27;
	v37 =	vld.idx.msk [tilespmem:v55+s15+$0x0], $0xffff  }
0xc0: {  	v58 =	vor.u32 s3, v10;
	[tilespmem:s30+$0xFFFFFFC0] =	vst v31;
	v31 =	vadd.f32 v60, v22;
	v60 =	vld.idx.msk [tilespmem:v49+s15+$0x0], $0xffff  }
0xc1: {  	v51 =	vor.u32 s16, v10;
	[tilespmem:s30+$0xFFFFFCD0] =	vst v54;
	v34 =	vadd.f32 v34, v16;
	v49 =	vld.idx.msk [tilespmem:v53+s15+$0x0], $0xffff  }
0xc2: {  	v53 =	vor.u32 s22, v10;
	[tilespmem:s30+$0xC0] =	vst v31;
	v31 =	vadd.f32 v48, v20  }
0xc3: {  	v39 =	vld.idx.msk [tilespmem:v63+s15+$0x0], $0xffff;
	[tilespmem:s30+$0xFFFFFC40] =	vst v34;
	v48 =	vadd.f32 v50, v18;
	v50 =	vor.u32 s14, v10  }
0xc4: {  	v57 =	vor.u32 s8, v10;
	v55 =	vld.idx.msk [tilespmem:v61+s15+$0x0], $0xffff;
	[tilespmem:s30+$0x1C0] =	vst v31;
	v31 =	vadd.f32 v52, v17  }
0xc5: {  	[tilespmem:s30+$0x240] =	vst v48;
	v52 =	vld.idx.msk [tilespmem:v58+s15+$0x0], $0xffff;
	v58 =	vadd.f32 v62, v29;
	v40 =	vadd.f32 v60, v30;
	v60 =	vor.u32 s1, v10  }
0xc6: {  	v38 =	vld.idx.msk [tilespmem:v51+s15+$0x0], $0xffff;
	v62 =	vadd.f32 v37, v26;
	v33 =	vadd.f32 v49, v28;
	v49 =	vor.u32 s21, v9;
	[tilespmem:s30+$0x2C0] =	vst v31  }
0xc7: {  	v51 =	vor.u32 s11, v9;
	v63 =	vld.idx.msk [tilespmem:v53+s15+$0x0], $0xffff;
	v31 =	vadd.f32 v56, v19;
	[tilespmem:s30+$0xFFFFFDD0] =	vst v58  }
0xc8: {  	v54 =	vor.u32 s7, v9;
	[tilespmem:s30+$0xFFFFFED0] =	vst v62;
	v59 =	vld.idx.msk [tilespmem:v50+s15+$0x0], $0xffff  }
0xc9: {  	v56 =	vor.u32 s13, v10;
	v53 =	vld.idx.msk [tilespmem:v57+s15+$0x0], $0xffff;
	[tilespmem:s30+$0x3C0] =	vst v31  }
0xca: {  	[tilespmem:s30+$0xFFFFFD50] =	vst v40;
	v31 =	vor.u32 s0, v10;
	v32 =	vadd.f32 v52, v25;
	v58 =	vld.idx.msk [tilespmem:v60+s15+$0x0], $0xffff  }
0xcb: {  	v61 =	vor.u32 s19, v9;
	[tilespmem:s30+$0xFFFFFE50] =	vst v33;
	v52 =	vadd.f32 v55, v24;
	v55 =	vadd.f32 v39, v23;
	v48 =	vld.idx.msk [tilespmem:v49+s15+$0x0], $0xffff  }
0xcc: {  	v62 =	vadd.f32 v63, v20;
	v63 =	vld.idx.msk [tilespmem:v51+s15+$0x0], $0xffff;
	v49 =	vor.u32 s23, v9;
	[tilespmem:s30+$0xFFFFFF50] =	vst v32  }
0xcd: {  	v60 =	vadd.f32 v38, v21;
	v51 =	vld.idx.msk [tilespmem:v54+s15+$0x0], $0xffff;
	[tilespmem:s30+$0x50] =	vst v55;
	v55 =	vor.u32 s16, v9  }
0xce: {  	v50 =	vld.idx.msk [tilespmem:v56+s15+$0x0], $0xffff;
	v56 =	vor.u32 s6, v9;
	[tilespmem:s30+$0xFFFFFFD0] =	vst v52  }
0xcf: {  	v57 =	vadd.f32 v59, v22;
	v59 =	vor.u32 s3, v9;
	[tilespmem:s30+$0x150] =	vst v60;
	v31 =	vld.idx.msk [tilespmem:v31+s15+$0x0], $0xffff  }
0xd0: {  	v40 =	vld.idx.msk [tilespmem:v61+s15+$0x0], $0xffff;
	[tilespmem:s30+$0x1D0] =	vst v62;
	v53 =	vadd.f32 v53, v17  }
0xd1: {  	v60 =	vor.u32 s13, v9;
	[tilespmem:s30+$0xD0] =	vst v57;
	v58 =	vadd.f32 v58, v19;
	v41 =	vld.idx.msk [tilespmem:v49+s15+$0x0], $0xffff  }
0xd2: {  	[tilespmem:s30+$0x2D0] =	vst v53;
	v38 =	vadd.f32 v48, v30;
	v49 =	vor.u32 s0, v9;
	v33 =	vadd.f32 v51, v28;
	v51 =	vld.idx.msk [tilespmem:v55+s15+$0x0], $0xffff  }
0xd3: {  	v61 =	vor.u32 s2, v9;
	v50 =	vadd.f32 v50, v18;
	v54 =	vld.idx.msk [tilespmem:v56+s15+$0x0], $0xffff;
	[tilespmem:s30+$0x3D0] =	vst v58  }
0xd4: {  	v52 =	vor.u32 s14, v9;
	v56 =	vld.idx.msk [tilespmem:v59+s15+$0x0], $0xffff;
	[tilespmem:s30+$0xFFFFFD60] =	vst v38;
	v31 =	vadd.f32 v31, v16  }
0xd5: {  	v57 =	vor.u32 s22, v9;
	[tilespmem:s30+$0x250] =	vst v50  }
0xd6: {  	v62 =	vor.u32 s19, v8;
	v53 =	vld.idx.msk [tilespmem:v60+s15+$0x0], $0xffff;
	[tilespmem:s30+$0xFFFFFC50] =	vst v31;
	v31 =	vadd.f32 v40, v27  }
0xd7: {  	v48 =	vor.u32 s8, v9;
	[tilespmem:s30+$0xFFFFFE60] =	vst v33;
	v34 =	vld.idx.msk [tilespmem:v49+s15+$0x0], $0xffff;
	v49 =	vadd.f32 v51, v21  }
0xd8: {  	v59 =	vld.idx.msk [tilespmem:v61+s15+$0x0], $0xffff;
	v61 =	vor.u32 s1, v9;
	[tilespmem:s30+$0xFFFFFCE0] =	vst v31;
	v31 =	vadd.f32 v63, v29  }
0xd9: {  	v50 =	vld.idx.msk [tilespmem:v52+s15+$0x0], $0xffff;
	v32 =	vadd.f32 v56, v25;
	[tilespmem:s30+$0x160] =	vst v49  }
0xda: {  	v52 =	vor.u32 s21, v8;
	v63 =	vld.idx.msk [tilespmem:v57+s15+$0x0], $0xffff;
	v57 =	vadd.f32 v41, v23;
	[tilespmem:s30+$0xFFFFFDE0] =	vst v31  }
0xdb: {  	v60 =	vld.idx.msk [tilespmem:v62+s15+$0x0], $0xffff;
	v31 =	vadd.f32 v54, v26;
	v54 =	vor.u32 s11, v8;
	[tilespmem:s30+$0xFFFFFF60] =	vst v32  }
0xdc: {  	v55 =	vld.idx.msk [tilespmem:v48+s15+$0x0], $0xffff;
	v56 =	vor.u32 s7, v8;
	[tilespmem:s30+$0x60] =	vst v57;
	v62 =	vadd.f32 v53, v18  }
0xdd: {  	v48 =	vor.u32 s3, v8;
	[tilespmem:s30+$0xFFFFFEE0] =	vst v31;
	v31 =	vadd.f32 v59, v24;
	v59 =	vld.idx.msk [tilespmem:v61+s15+$0x0], $0xffff  }
0xde: {  	v58 =	vor.u32 s6, v8;
	v34 =	vadd.f32 v34, v16;
	[tilespmem:s30+$0x260] =	vst v62  }
0xdf: {  	v51 =	vor.u32 s2, v8;
	[tilespmem:s30+$0xFFFFFFE0] =	vst v31;
	v31 =	vadd.f32 v50, v22;
	v50 =	vld.idx.msk [tilespmem:v52+s15+$0x0], $0xffff  }
0xe0: {  	v61 =	vor.u32 s23, v8;
	[tilespmem:s30+$0xFFFFFC60] =	vst v34;
	v27 =	vadd.f32 v60, v27;
	v52 =	vld.idx.msk [tilespmem:v54+s15+$0x0], $0xffff  }
0xe1: {  	v53 =	vor.u32 s14, v8;
	[tilespmem:s30+$0xE0] =	vst v31;
	v31 =	vadd.f32 v63, v20;
	v63 =	vld.idx.msk [tilespmem:v56+s15+$0x0], $0xffff  }
0xe2: {  	v60 =	vor.u32 s13, v8;
	v56 =	vld.idx.msk [tilespmem:v48+s15+$0x0], $0xffff;
	[tilespmem:s30+$0xFFFFFCF0] =	vst v27;
	v37 =	vadd.f32 v59, v19  }
0xe3: {  	v54 =	vld.idx.msk [tilespmem:v58+s15+$0x0], $0xffff;
	[tilespmem:s30+$0x1E0] =	vst v31;
	v31 =	vadd.f32 v55, v17;
	v55 =	vor.u32 s16, v8  }
0xe4: {  	s24 =	simm.s32 $0x12;
	v57 =	vor.u32 s22, v8;
	v59 =	vld.idx.msk [tilespmem:v51+s15+$0x0], $0xffff;
	v30 =	vadd.f32 v50, v30;
	[tilespmem:s30+$0x3E0] =	vst v37  }
0xe5: {  	v42 =	vor.u32 s24, v15;
	s19 =	simm.s32 $0x13;
	v62 =	vor.u32 s8, v8;
	v61 =	vld.idx.msk [tilespmem:v61+s15+$0x0], $0xffff;
	[tilespmem:s30+$0x2E0] =	vst v31;
	v27 =	vadd.f32 v52, v29  }
0xe6: {  	v38 =	vor.u32 s19, v15;
	s6 =	simm.s32 $0x1C;
	v58 =	vor.u32 s0, v8;
	v50 =	vld.idx.msk [tilespmem:v53+s15+$0x0], $0xffff;
	[tilespmem:s30+$0xFFFFFD70] =	vst v30;
	v28 =	vadd.f32 v63, v28  }
0xe7: {  	s31 =	simm.s32 $0x10;
	s29 =	sshll.u32 s26, $0x1;
	s21 =	simm.s32 $0x16;
	v33 =	vor.u32 s6, v15;
	v51 =	vor.u32 s1, v8;
	v32 =	vadd.f32 v56, v25;
	v25 =	vld.idx.msk [tilespmem:v60+s15+$0x0], $0xffff;
	[tilespmem:s30+$0xFFFFFDF0] =	vst v27  }
0xe8: {  	v39 =	vor.u32 s21, v15;
	s22 =	simm.s32 $0x11;
	s14 =	simm.s32 $0x18;
	s23 =	simm.s32 $0x14;
	v31 =	vor.u32 s31, v15;
	v27 =	vadd.f32 v54, v26;
	v35 =	vld.idx.msk [tilespmem:v55+s15+$0x0], $0xffff;
	[tilespmem:s30+$0xFFFFFE70] =	vst v28  }
0xe9: {  	s11 =	simm.s32 $0x1A;
	v41 =	vor.u32 s22, v15;
	v36 =	vor.u32 s14, v15;
	v40 =	vor.u32 s23, v15;
	s16 =	simm.s32 $0x15;
	v26 =	vld.idx.msk [tilespmem:v57+s15+$0x0], $0xffff;
	[dreg:$0xb] =	wrdreg s29  }
0xea: {  	s7 =	simm.s32 $0x19;
	s8 =	simm.s32 $0x17;
	v34 =	vor.u32 s11, v15;
	v37 =	vor.u32 s16, v15;
	v63 =	vadd.f32 v59, v24;
	[tilespmem:s30+$0xFFFFFEF0] =	vst v27;
	v24 =	vld.idx.msk [tilespmem:v62+s15+$0x0], $0xffff  }
0xeb: {  	s10 =	sadd.s32 $0x10, s25;
	s3 =	simm.s32 $0x1B;
	s2 =	simm.s32 $0x1D;
	v29 =	vor.u32 s7, v15;
	v30 =	vor.u32 s8, v15;
	v44 =	vadd.f32 v61, v23;
	v27 =	vld.idx.msk [tilespmem:v58+s15+$0x0], $0xffff;
	[tilespmem:s30+$0xFFFFFF70] =	vst v32  }
0xec: {  	s13 =	simm.s32 $0x11A00;
	s0 =	simm.s32 $0x1F;
	s1 =	simm.s32 $0x20;
	v23 =	vor.u32 s2, v15;
	v28 =	vor.u32 s3, v15;
	v43 =	vadd.f32 v50, v22;
	[tilespmem:s30+$0xFFFFFFF0] =	vst v63;
	v22 =	vld.idx.msk [tilespmem:v51+s15+$0x0], $0xffff  }
.LBB2_3:
0xed: {  	p1 =	slt.u32 s1, $0x30;
	v45 =	vmov s10;
	v32 =	vld.idx.msk [tilespmem:v31+s15+$0x0], $0xffff;
	s9 =	sadd.s32 $0x1, s10;
	s18 =	sadd.s32 $0xE, s10;
	v46 =	vor.u32 s0, v15;
	[tilespmem:s30+$0x70] =	vst v44;
	v21 =	vadd.f32 v35, v21  }
0xee: {  	s20 =	sadd.s32 $0x3, s10;
	s5 =	sadd.s32 $0x4, s10;
	v35 =	vand.u32 $0xFFFFFFF0, v45;
	v31 =	vmov s9;
	v41 =	vld.idx.msk [tilespmem:v41+s15+$0x0], $0xffff;
	s9 =	sadd.s32 $0x2, s10;
	v44 =	vmov s18;
	[tilespmem:s30+$0xF0] =	vst v43  }
0xef: {  	v45 =	vmov s20;
	s18 =	sadd.s32 $0x5, s10;
	s20 =	sadd.s32 $0x6, s10;
	v43 =	vmov s9;
	v42 =	vld.idx.msk [tilespmem:v42+s15+$0x0], $0xffff;
	v44 =	vand.u32 $0xFFFFFFFE, v44;
	s9 =	sadd.s32 $0xE, s31;
	[tilespmem:s30+$0x170] =	vst v21  }
0xf0: {  	s4 =	sadd.s32 $0x8, s10;
	s29 =	sadd.s32 $0x9, s10;
	v21 =	vld.idx.msk [tilespmem:v38+s15+$0x0], $0xffff;
	v38 =	vmov s5;
	s5 =	sadd.s32 $0x7, s10;
	v44 =	vbroadcast v44, $0x0;
	v47 =	vor.u32 s9, v15  }
0xf1: {  	v48 =	vmov s18;
	v49 =	vmov s20;
	s18 =	sadd.s32 $0xB, s10;
	s20 =	sadd.s32 $0xC, s10;
	v40 =	vld.idx.msk [tilespmem:v40+s15+$0x0], $0xffff;
	v50 =	vmov s5;
	s5 =	sadd.s32 $0xA, s10  }
0xf2: {  	v51 =	vmov s4;
	v52 =	vmov s29;
	s4 =	sadd.s32 $0xD, s10;
	v37 =	vld.idx.msk [tilespmem:v37+s15+$0x0], $0xffff;
	v53 =	vmov s5;
	s5 =	sadd.s32 $0xF, s10  }
0xf3: {  	v56 =	vmov s4;
	v54 =	vmov s18;
	v55 =	vmov s20;
	v39 =	vld.idx.msk [tilespmem:v39+s15+$0x0], $0xffff  }
0xf4: {  	v57 =	vand.u32 $0xFFFFFFF1, v31;
	v45 =	vand.u32 $0xFFFFFFF3, v45;
	v43 =	vand.u32 $0xFFFFFFF2, v43;
	v58 =	vld.idx.msk [tilespmem:v30+s15+$0x0], $0xffff  }
0xf5: {  	v30 =	vand.u32 $0xFFFFFFF4, v38;
	v38 =	vand.u32 $0xFFFFFFF5, v48;
	v48 =	vand.u32 $0xFFFFFFF6, v49;
	v47 =	vld.idx.msk [tilespmem:v47+s15+$0x0], $0xffff  }
0xf6: {  	v49 =	vand.u32 $0xFFFFFFF7, v50;
	v50 =	vand.u32 $0xFFFFFFF8, v51;
	v51 =	vand.u32 $0xFFFFFFF9, v52;
	v31 =	vld.idx.msk [tilespmem:v44+s12+$0x0], $0xffff  }
0xf7: {  	v52 =	vand.u32 $0xFFFFFFFB, v54;
	v44 =	vand.u32 $0xFFFFFFFA, v53;
	v53 =	vand.u32 $0xFFFFFFFC, v55;
	v36 =	vld.idx.msk [tilespmem:v36+s15+$0x0], $0xffff  }
0xf8: {  	v56 =	vand.u32 $0xFFFFFFFD, v56;
	v43 =	vbroadcast v43, $0x0;
	v54 =	vbroadcast v57, $0x0;
	v55 =	vld.idx.msk [tilespmem:v29+s15+$0x0], $0xffff  }
0xf9: {  	v45 =	vbroadcast v45, $0x0;
	v59 =	vmov s5;
	v57 =	vbroadcast v30, $0x0;
	v34 =	vld.idx.msk [tilespmem:v34+s15+$0x0], $0xffff  }
0xfa: {  	v38 =	vbroadcast v38, $0x0;
	v48 =	vbroadcast v48, $0x0;
	v60 =	vld.idx.msk [tilespmem:v28+s15+$0x0], $0xffff;
	v28 =	vor.u32 s9, v14  }
0xfb: {  	v20 =	vadd.f32 v26, v20;
	v49 =	vbroadcast v49, $0x0;
	v50 =	vbroadcast v50, $0x0;
	v33 =	vld.idx.msk [tilespmem:v33+s15+$0x0], $0xffff  }
0xfc: {  	v51 =	vbroadcast v51, $0x0;
	v44 =	vbroadcast v44, $0x0;
	v61 =	vld.idx.msk [tilespmem:v23+s15+$0x0], $0xffff;
	v23 =	vadd.f32 v47, v31  }
0xfd: {  	v18 =	vadd.f32 v25, v18;
	s30 =	sadd.s32 $0x800, s30;
	v47 =	vbroadcast v52, $0x0;
	v52 =	vbroadcast v53, $0x0;
	v46 =	vld.idx.msk [tilespmem:v46+s15+$0x0], $0xffff;
	[tilespmem:s13+$0x1F0] =	vst v20  }
0xfe: {  	v35 =	vbroadcast v35, $0x0;
	v17 =	vadd.f32 v24, v17;
	v53 =	vbroadcast v56, $0x0;
	v29 =	vld.idx.msk [tilespmem:v54+s12+$0x0], $0xffff;
	[tilespmem:s30+$0x300] =	vst v23  }
0xff: {  	v16 =	vadd.f32 v27, v16;
	v20 =	vld.idx.msk [tilespmem:v28+s15+$0x0], $0xffff;
	[tilespmem:s13+$0x270] =	vst v18;
	v18 =	vadd.f32 v22, v19  }
0x100: {  	v30 =	vld.idx.msk [tilespmem:v43+s12+$0x0], $0xffff;
	[tilespmem:s13+$0x2F0] =	vst v17  }
0x101: {  	v28 =	vld.idx.msk [tilespmem:v45+s12+$0x0], $0xffff;
	[tilespmem:s13+$0xFFFFFC70] =	vst v16  }
0x102: {  	v27 =	vld.idx.msk [tilespmem:v57+s12+$0x0], $0xffff;
	[tilespmem:s13+$0x3F0] =	vst v18;
	s13 =	smov.u32 s30  }
0x103: {  	v16 =	vor.u32 s9, v11;
	v26 =	vld.idx.msk [tilespmem:v38+s12+$0x0], $0xffff  }
0x104: {  	v17 =	vadd.f32 v41, v29;
	v25 =	vld.idx.msk [tilespmem:v48+s12+$0x0], $0xffff  }
0x105: {  	v18 =	vadd.f32 v20, v31;
	v24 =	vld.idx.msk [tilespmem:v49+s12+$0x0], $0xffff  }
0x106: {  	[tilespmem:s30+$0xFFFFFC80] =	vst v17;
	v17 =	vadd.f32 v42, v30;
	v23 =	vld.idx.msk [tilespmem:v50+s12+$0x0], $0xffff  }
0x107: {  	v19 =	vadd.f32 v21, v28;
	v22 =	vld.idx.msk [tilespmem:v51+s12+$0x0], $0xffff;
	[tilespmem:s30+$0x310] =	vst v18  }
0x108: {  	[tilespmem:s30+$0xFFFFFD00] =	vst v17;
	v17 =	vadd.f32 v40, v27;
	v38 =	vld.idx.msk [tilespmem:v16+s15+$0x0], $0xffff  }
0x109: {  	v16 =	vadd.f32 v37, v26;
	[tilespmem:s30+$0xFFFFFD80] =	vst v19;
	v21 =	vld.idx.msk [tilespmem:v44+s12+$0x0], $0xffff  }
0x10a: {  	v37 =	vor.u32 s22, v14;
	[tilespmem:s30+$0xFFFFFE00] =	vst v17;
	v17 =	vadd.f32 v39, v25;
	v20 =	vld.idx.msk [tilespmem:v47+s12+$0x0], $0xffff  }
0x10b: {  	v39 =	vor.u32 s24, v14;
	v19 =	vadd.f32 v58, v24;
	[tilespmem:s30+$0xFFFFFE80] =	vst v16;
	v18 =	vld.idx.msk [tilespmem:v52+s12+$0x0], $0xffff  }
0x10c: {  	v40 =	vor.u32 s9, v13;
	v36 =	vadd.f32 v36, v23;
	[tilespmem:s30+$0xFFFFFF00] =	vst v17;
	v17 =	vld.idx.msk [tilespmem:v53+s12+$0x0], $0xffff  }
0x10d: {  	v41 =	vadd.f32 v55, v22;
	v16 =	vld.idx.msk [tilespmem:v35+s12+$0x0], $0xffff;
	v35 =	vor.u32 s19, v14;
	[tilespmem:s30+$0xFFFFFF80] =	vst v19  }
0x10e: {  	v42 =	vor.u32 s23, v14;
	[tilespmem:s30+$0x0] =	vst v36;
	v36 =	vadd.f32 v38, v31;
	v19 =	vld.idx.msk [tilespmem:v59+s12+$0x0], $0xffff  }
0x10f: {  	v38 =	vor.u32 s16, v14;
	v34 =	vadd.f32 v34, v21;
	v37 =	vld.idx.msk [tilespmem:v37+s15+$0x0], $0xffff;
	[tilespmem:s30+$0x80] =	vst v41  }
0x110: {  	v41 =	vor.u32 s21, v14;
	v43 =	vadd.f32 v60, v20;
	v39 =	vld.idx.msk [tilespmem:v39+s15+$0x0], $0xffff;
	[tilespmem:s30+$0x320] =	vst v36  }
0x111: {  	v36 =	vor.u32 s8, v14;
	v33 =	vadd.f32 v33, v18;
	[tilespmem:s30+$0x100] =	vst v34;
	v34 =	vld.idx.msk [tilespmem:v40+s15+$0x0], $0xffff  }
0x112: {  	v40 =	vor.u32 s14, v14;
	v35 =	vld.idx.msk [tilespmem:v35+s15+$0x0], $0xffff;
	[tilespmem:s30+$0x180] =	vst v43;
	v43 =	vadd.f32 v61, v17  }
0x113: {  	v44 =	vor.u32 s7, v14;
	v32 =	vadd.f32 v32, v16;
	v42 =	vld.idx.msk [tilespmem:v42+s15+$0x0], $0xffff;
	[tilespmem:s30+$0x200] =	vst v33  }
0x114: {  	v33 =	vld.idx.msk [tilespmem:v38+s15+$0x0], $0xffff;
	v38 =	vor.u32 s11, v14;
	[tilespmem:s30+$0x280] =	vst v43;
	v43 =	vadd.f32 v46, v19  }
0x115: {  	[tilespmem:s30+$0xFFFFFC00] =	vst v32;
	v32 =	vadd.f32 v37, v29;
	v37 =	vld.idx.msk [tilespmem:v41+s15+$0x0], $0xffff;
	v41 =	vor.u32 s9, v12  }
0x116: {  	v45 =	vor.u32 s3, v14;
	v39 =	vadd.f32 v39, v30;
	v36 =	vld.idx.msk [tilespmem:v36+s15+$0x0], $0xffff;
	[tilespmem:s30+$0x380] =	vst v43  }
0x117: {  	v34 =	vadd.f32 v34, v31;
	[tilespmem:s30+$0xFFFFFC90] =	vst v32;
	v32 =	vld.idx.msk [tilespmem:v40+s15+$0x0], $0xffff;
	v40 =	vor.u32 s6, v14  }
0x118: {  	v43 =	vor.u32 s2, v14;
	v35 =	vadd.f32 v35, v28;
	[tilespmem:s30+$0xFFFFFD10] =	vst v39;
	v39 =	vld.idx.msk [tilespmem:v44+s15+$0x0], $0xffff  }
0x119: {  	v44 =	vor.u32 s31, v14;
	v42 =	vadd.f32 v42, v27;
	v38 =	vld.idx.msk [tilespmem:v38+s15+$0x0], $0xffff;
	[tilespmem:s30+$0x330] =	vst v34  }
0x11a: {  	v33 =	vadd.f32 v33, v26;
	[tilespmem:s30+$0xFFFFFD90] =	vst v35;
	v34 =	vld.idx.msk [tilespmem:v41+s15+$0x0], $0xffff;
	v35 =	vor.u32 s0, v14  }
0x11b: {  	v41 =	vor.u32 s22, v11;
	v37 =	vadd.f32 v37, v25;
	[tilespmem:s30+$0xFFFFFE10] =	vst v42;
	v42 =	vld.idx.msk [tilespmem:v45+s15+$0x0], $0xffff  }
0x11c: {  	v45 =	vor.u32 s24, v11;
	[tilespmem:s30+$0xFFFFFE90] =	vst v33;
	v33 =	vadd.f32 v36, v24;
	v36 =	vld.idx.msk [tilespmem:v40+s15+$0x0], $0xffff  }
0x11d: {  	v40 =	vor.u32 s19, v11;
	v32 =	vadd.f32 v32, v23;
	[tilespmem:s30+$0xFFFFFF10] =	vst v37;
	v37 =	vld.idx.msk [tilespmem:v43+s15+$0x0], $0xffff  }
0x11e: {  	v43 =	vld.idx.msk [tilespmem:v44+s15+$0x0], $0xffff;
	[tilespmem:s30+$0xFFFFFF90] =	vst v33;
	v33 =	vadd.f32 v39, v22;
	v39 =	vor.u32 s9, v10  }
0x11f: {  	v44 =	vor.u32 s23, v11;
	[tilespmem:s30+$0x10] =	vst v32;
	v32 =	vadd.f32 v38, v21;
	v35 =	vld.idx.msk [tilespmem:v35+s15+$0x0], $0xffff  }
0x120: {  	v38 =	vld.idx.msk [tilespmem:v41+s15+$0x0], $0xffff;
	v41 =	vor.u32 s16, v11;
	[tilespmem:s30+$0x90] =	vst v33;
	v33 =	vadd.f32 v34, v31  }
0x121: {  	v34 =	vld.idx.msk [tilespmem:v45+s15+$0x0], $0xffff;
	v45 =	vor.u32 s21, v11;
	[tilespmem:s30+$0x110] =	vst v32;
	v32 =	vadd.f32 v42, v20  }
0x122: {  	v42 =	vor.u32 s8, v11;
	v36 =	vadd.f32 v36, v18;
	v40 =	vld.idx.msk [tilespmem:v40+s15+$0x0], $0xffff;
	[tilespmem:s30+$0x340] =	vst v33  }
0x123: {  	v33 =	vor.u32 s14, v11;
	[tilespmem:s30+$0x190] =	vst v32;
	v32 =	vadd.f32 v37, v17;
	v37 =	vld.idx.msk [tilespmem:v39+s15+$0x0], $0xffff  }
0x124: {  	v39 =	vadd.f32 v43, v16;
	v43 =	vld.idx.msk [tilespmem:v44+s15+$0x0], $0xffff;
	v44 =	vor.u32 s7, v11;
	[tilespmem:s30+$0x210] =	vst v36  }
0x125: {  	v36 =	vld.idx.msk [tilespmem:v41+s15+$0x0], $0xffff;
	v41 =	vor.u32 s11, v11;
	[tilespmem:s30+$0x290] =	vst v32;
	v32 =	vadd.f32 v35, v19  }
0x126: {  	v35 =	vadd.f32 v38, v29;
	[tilespmem:s30+$0xFFFFFC10] =	vst v39;
	v38 =	vld.idx.msk [tilespmem:v45+s15+$0x0], $0xffff;
	v39 =	vor.u32 s3, v11  }
0x127: {  	v34 =	vadd.f32 v34, v30;
	v45 =	vor.u32 s9, v9;
	v42 =	vld.idx.msk [tilespmem:v42+s15+$0x0], $0xffff;
	[tilespmem:s30+$0x390] =	vst v32  }
0x128: {  	v32 =	vadd.f32 v40, v28;
	[tilespmem:s30+$0xFFFFFCA0] =	vst v35;
	v33 =	vld.idx.msk [tilespmem:v33+s15+$0x0], $0xffff;
	v35 =	vor.u32 s6, v11  }
0x129: {  	v40 =	vor.u32 s2, v11;
	v37 =	vadd.f32 v37, v31;
	[tilespmem:s30+$0xFFFFFD20] =	vst v34;
	v34 =	vld.idx.msk [tilespmem:v44+s15+$0x0], $0xffff  }
0x12a: {  	v44 =	vor.u32 s31, v11;
	[tilespmem:s30+$0xFFFFFDA0] =	vst v32;
	v32 =	vadd.f32 v43, v27;
	v41 =	vld.idx.msk [tilespmem:v41+s15+$0x0], $0xffff  }
0x12b: {  	v36 =	vadd.f32 v36, v26;
	v39 =	vld.idx.msk [tilespmem:v39+s15+$0x0], $0xffff;
	[tilespmem:s30+$0x350] =	vst v37;
	v37 =	vor.u32 s0, v11  }
0x12c: {  	v43 =	vor.u32 s22, v13;
	[tilespmem:s30+$0xFFFFFE20] =	vst v32;
	v32 =	vadd.f32 v38, v25;
	v38 =	vld.idx.msk [tilespmem:v45+s15+$0x0], $0xffff  }
0x12d: {  	v45 =	vor.u32 s24, v13;
	[tilespmem:s30+$0xFFFFFEA0] =	vst v36;
	v36 =	vadd.f32 v42, v24;
	v35 =	vld.idx.msk [tilespmem:v35+s15+$0x0], $0xffff  }
0x12e: {  	v42 =	vor.u32 s19, v13;
	[tilespmem:s30+$0xFFFFFF20] =	vst v32;
	v32 =	vadd.f32 v33, v23;
	v33 =	vld.idx.msk [tilespmem:v40+s15+$0x0], $0xffff  }
0x12f: {  	v34 =	vadd.f32 v34, v22;
	v40 =	vld.idx.msk [tilespmem:v44+s15+$0x0], $0xffff;
	v44 =	vor.u32 s23, v13;
	[tilespmem:s30+$0xFFFFFFA0] =	vst v36  }
0x130: {  	v36 =	vor.u32 s9, v8;
	[tilespmem:s30+$0x20] =	vst v32;
	v32 =	vadd.f32 v41, v21;
	v37 =	vld.idx.msk [tilespmem:v37+s15+$0x0], $0xffff  }
0x131: {  	v41 =	vld.idx.msk [tilespmem:v43+s15+$0x0], $0xffff;
	v43 =	vor.u32 s16, v13;
	[tilespmem:s30+$0xA0] =	vst v34;
	v34 =	vadd.f32 v39, v20  }
0x132: {  	v39 =	vld.idx.msk [tilespmem:v45+s15+$0x0], $0xffff;
	v45 =	vor.u32 s21, v13;
	[tilespmem:s30+$0x120] =	vst v32;
	v32 =	vadd.f32 v38, v31  }
0x133: {  	v38 =	vld.idx.msk [tilespmem:v42+s15+$0x0], $0xffff;
	v42 =	vor.u32 s8, v13;
	[tilespmem:s30+$0x1A0] =	vst v34;
	v34 =	vadd.f32 v35, v18  }
0x134: {  	v33 =	vadd.f32 v33, v17;
	v35 =	vld.idx.msk [tilespmem:v44+s15+$0x0], $0xffff;
	v44 =	vor.u32 s14, v13;
	[tilespmem:s30+$0x360] =	vst v32  }
0x135: {  	v32 =	vadd.f32 v40, v16;
	v40 =	vor.u32 s7, v13;
	[tilespmem:s30+$0x220] =	vst v34;
	v34 =	vld.idx.msk [tilespmem:v36+s15+$0x0], $0xffff  }
0x136: {  	v36 =	vld.idx.msk [tilespmem:v43+s15+$0x0], $0xffff;
	v43 =	vor.u32 s11, v13;
	[tilespmem:s30+$0x2A0] =	vst v33;
	v33 =	vadd.f32 v37, v19  }
0x137: {  	[tilespmem:s30+$0xFFFFFC20] =	vst v32;
	v32 =	vadd.f32 v41, v29;
	v37 =	vld.idx.msk [tilespmem:v45+s15+$0x0], $0xffff;
	v41 =	vor.u32 s3, v13  }
0x138: {  	v39 =	vadd.f32 v39, v30;
	v45 =	vor.u32 s6, v13;
	v42 =	vld.idx.msk [tilespmem:v42+s15+$0x0], $0xffff;
	[tilespmem:s30+$0x3A0] =	vst v33  }
0x139: {  	[tilespmem:s30+$0xFFFFFCB0] =	vst v32;
	v32 =	vadd.f32 v38, v28;
	v33 =	vld.idx.msk [tilespmem:v44+s15+$0x0], $0xffff;
	v38 =	vor.u32 s2, v13  }
0x13a: {  	v44 =	vor.u32 s31, v13;
	v35 =	vadd.f32 v35, v27;
	[tilespmem:s30+$0xFFFFFD30] =	vst v39;
	v39 =	vld.idx.msk [tilespmem:v40+s15+$0x0], $0xffff  }
0x13b: {  	v31 =	vadd.f32 v34, v31;
	v34 =	vor.u32 s0, v13;
	[tilespmem:s30+$0xFFFFFDB0] =	vst v32;
	v32 =	vld.idx.msk [tilespmem:v43+s15+$0x0], $0xffff  }
0x13c: {  	v40 =	vor.u32 s22, v12;
	[tilespmem:s30+$0xFFFFFE30] =	vst v35;
	v35 =	vadd.f32 v36, v26;
	v36 =	vld.idx.msk [tilespmem:v41+s15+$0x0], $0xffff  }
0x13d: {  	v41 =	vor.u32 s24, v12;
	v37 =	vadd.f32 v37, v25;
	v43 =	vld.idx.msk [tilespmem:v45+s15+$0x0], $0xffff;
	[tilespmem:s30+$0x370] =	vst v31  }
0x13e: {  	v31 =	vor.u32 s19, v12;
	[tilespmem:s30+$0xFFFFFEB0] =	vst v35;
	v35 =	vadd.f32 v42, v24;
	v38 =	vld.idx.msk [tilespmem:v38+s15+$0x0], $0xffff  }
0x13f: {  	v33 =	vadd.f32 v33, v23;
	v42 =	vld.idx.msk [tilespmem:v44+s15+$0x0], $0xffff;
	v44 =	vor.u32 s23, v12;
	[tilespmem:s30+$0xFFFFFF30] =	vst v37  }
0x140: {  	v37 =	vor.u32 s16, v12;
	[tilespmem:s30+$0xFFFFFFB0] =	vst v35;
	v35 =	vadd.f32 v39, v22;
	v34 =	vld.idx.msk [tilespmem:v34+s15+$0x0], $0xffff  }
0x141: {  	v32 =	vadd.f32 v32, v21;
	v39 =	vld.idx.msk [tilespmem:v40+s15+$0x0], $0xffff;
	v40 =	vor.u32 s21, v12;
	[tilespmem:s30+$0x30] =	vst v33  }
0x142: {  	v33 =	vld.idx.msk [tilespmem:v41+s15+$0x0], $0xffff;
	v41 =	vor.u32 s8, v12;
	[tilespmem:s30+$0xB0] =	vst v35;
	v35 =	vadd.f32 v36, v20  }
0x143: {  	v36 =	vor.u32 s14, v12;
	v31 =	vld.idx.msk [tilespmem:v31+s15+$0x0], $0xffff;
	[tilespmem:s30+$0x130] =	vst v32;
	v32 =	vadd.f32 v43, v18  }
0x144: {  	v43 =	vld.idx.msk [tilespmem:v44+s15+$0x0], $0xffff;
	v44 =	vor.u32 s7, v12;
	[tilespmem:s30+$0x1B0] =	vst v35;
	v35 =	vadd.f32 v38, v17  }
0x145: {  	v38 =	vadd.f32 v42, v16;
	v42 =	vor.u32 s11, v12;
	v37 =	vld.idx.msk [tilespmem:v37+s15+$0x0], $0xffff;
	[tilespmem:s30+$0x230] =	vst v32  }
0x146: {  	v34 =	vadd.f32 v34, v19;
	v32 =	vld.idx.msk [tilespmem:v40+s15+$0x0], $0xffff;
	v40 =	vor.u32 s3, v12;
	[tilespmem:s30+$0x2B0] =	vst v35  }
0x147: {  	v35 =	vadd.f32 v39, v29;
	v39 =	vor.u32 s6, v12;
	[tilespmem:s30+$0xFFFFFC30] =	vst v38;
	v38 =	vld.idx.msk [tilespmem:v41+s15+$0x0], $0xffff  }
0x148: {  	v33 =	vadd.f32 v33, v30;
	v41 =	vor.u32 s2, v12;
	v36 =	vld.idx.msk [tilespmem:v36+s15+$0x0], $0xffff;
	[tilespmem:s30+$0x3B0] =	vst v34  }
0x149: {  	v34 =	vor.u32 s31, v12;
	v31 =	vadd.f32 v31, v28;
	[tilespmem:s30+$0xFFFFFCC0] =	vst v35;
	v35 =	vld.idx.msk [tilespmem:v44+s15+$0x0], $0xffff  }
0x14a: {  	[tilespmem:s30+$0xFFFFFD40] =	vst v33;
	v33 =	vadd.f32 v43, v27;
	v42 =	vld.idx.msk [tilespmem:v42+s15+$0x0], $0xffff;
	v43 =	vor.u32 s0, v12  }
0x14b: {  	v44 =	vor.u32 s22, v10;
	[tilespmem:s30+$0xFFFFFDC0] =	vst v31;
	v31 =	vadd.f32 v37, v26;
	v37 =	vld.idx.msk [tilespmem:v40+s15+$0x0], $0xffff  }
0x14c: {  	v40 =	vor.u32 s24, v10;
	v32 =	vadd.f32 v32, v25;
	[tilespmem:s30+$0xFFFFFE40] =	vst v33;
	v33 =	vld.idx.msk [tilespmem:v39+s15+$0x0], $0xffff  }
0x14d: {  	v39 =	vor.u32 s19, v10;
	[tilespmem:s30+$0xFFFFFEC0] =	vst v31;
	v31 =	vadd.f32 v38, v24;
	v38 =	vld.idx.msk [tilespmem:v41+s15+$0x0], $0xffff  }
0x14e: {  	v41 =	vor.u32 s23, v10;
	v34 =	vld.idx.msk [tilespmem:v34+s15+$0x0], $0xffff;
	[tilespmem:s30+$0xFFFFFF40] =	vst v32;
	v32 =	vadd.f32 v36, v23  }
0x14f: {  	v36 =	vor.u32 s16, v10;
	[tilespmem:s30+$0xFFFFFFC0] =	vst v31;
	v31 =	vadd.f32 v35, v22;
	v35 =	vld.idx.msk [tilespmem:v43+s15+$0x0], $0xffff  }
0x150: {  	v43 =	vld.idx.msk [tilespmem:v44+s15+$0x0], $0xffff;
	v44 =	vor.u32 s21, v10;
	[tilespmem:s30+$0x40] =	vst v32;
	v32 =	vadd.f32 v42, v21  }
0x151: {  	v42 =	vor.u32 s8, v10;
	v40 =	vld.idx.msk [tilespmem:v40+s15+$0x0], $0xffff;
	[tilespmem:s30+$0xC0] =	vst v31;
	v31 =	vadd.f32 v37, v20  }
0x152: {  	v37 =	vld.idx.msk [tilespmem:v39+s15+$0x0], $0xffff;
	v39 =	vor.u32 s14, v10;
	[tilespmem:s30+$0x140] =	vst v32;
	v32 =	vadd.f32 v33, v18  }
0x153: {  	v33 =	vld.idx.msk [tilespmem:v41+s15+$0x0], $0xffff;
	v41 =	vor.u32 s7, v10;
	[tilespmem:s30+$0x1C0] =	vst v31;
	v31 =	vadd.f32 v38, v17  }
0x154: {  	v34 =	vadd.f32 v34, v16;
	v38 =	vor.u32 s11, v10;
	v36 =	vld.idx.msk [tilespmem:v36+s15+$0x0], $0xffff;
	[tilespmem:s30+$0x240] =	vst v32  }
0x155: {  	v32 =	vld.idx.msk [tilespmem:v44+s15+$0x0], $0xffff;
	v44 =	vor.u32 s3, v10;
	[tilespmem:s30+$0x2C0] =	vst v31;
	v31 =	vadd.f32 v35, v19  }
0x156: {  	[tilespmem:s30+$0xFFFFFC40] =	vst v34;
	v34 =	vadd.f32 v43, v29;
	v35 =	vld.idx.msk [tilespmem:v42+s15+$0x0], $0xffff;
	v42 =	vor.u32 s6, v10  }
0x157: {  	v40 =	vadd.f32 v40, v30;
	v43 =	vor.u32 s2, v10;
	v39 =	vld.idx.msk [tilespmem:v39+s15+$0x0], $0xffff;
	[tilespmem:s30+$0x3C0] =	vst v31  }
0x158: {  	v31 =	vor.u32 s31, v10;
	[tilespmem:s30+$0xFFFFFCD0] =	vst v34;
	v34 =	vadd.f32 v37, v28;
	v37 =	vld.idx.msk [tilespmem:v41+s15+$0x0], $0xffff  }
0x159: {  	v33 =	vadd.f32 v33, v27;
	[tilespmem:s30+$0xFFFFFD50] =	vst v40;
	v38 =	vld.idx.msk [tilespmem:v38+s15+$0x0], $0xffff;
	v40 =	vor.u32 s0, v10  }
0x15a: {  	v41 =	vor.u32 s22, v9;
	[tilespmem:s30+$0xFFFFFDD0] =	vst v34;
	v34 =	vadd.f32 v36, v26;
	v36 =	vld.idx.msk [tilespmem:v44+s15+$0x0], $0xffff  }
0x15b: {  	v44 =	vor.u32 s24, v9;
	v32 =	vadd.f32 v32, v25;
	[tilespmem:s30+$0xFFFFFE50] =	vst v33;
	v33 =	vld.idx.msk [tilespmem:v42+s15+$0x0], $0xffff  }
0x15c: {  	v42 =	vor.u32 s19, v9;
	[tilespmem:s30+$0xFFFFFED0] =	vst v34;
	v34 =	vadd.f32 v35, v24;
	v35 =	vld.idx.msk [tilespmem:v43+s15+$0x0], $0xffff  }
0x15d: {  	v43 =	vor.u32 s23, v9;
	v31 =	vld.idx.msk [tilespmem:v31+s15+$0x0], $0xffff;
	[tilespmem:s30+$0xFFFFFF50] =	vst v32;
	v32 =	vadd.f32 v39, v23  }
0x15e: {  	v39 =	vor.u32 s16, v9;
	[tilespmem:s30+$0xFFFFFFD0] =	vst v34;
	v34 =	vadd.f32 v37, v22;
	v37 =	vld.idx.msk [tilespmem:v40+s15+$0x0], $0xffff  }
0x15f: {  	v40 =	vld.idx.msk [tilespmem:v41+s15+$0x0], $0xffff;
	v41 =	vor.u32 s21, v9;
	[tilespmem:s30+$0x50] =	vst v32;
	v32 =	vadd.f32 v38, v21  }
0x160: {  	v38 =	vld.idx.msk [tilespmem:v44+s15+$0x0], $0xffff;
	v44 =	vor.u32 s8, v9;
	[tilespmem:s30+$0xD0] =	vst v34;
	v34 =	vadd.f32 v36, v20  }
0x161: {  	v36 =	vld.idx.msk [tilespmem:v42+s15+$0x0], $0xffff;
	v42 =	vor.u32 s14, v9;
	[tilespmem:s30+$0x150] =	vst v32;
	v32 =	vadd.f32 v33, v18  }
0x162: {  	v33 =	vld.idx.msk [tilespmem:v43+s15+$0x0], $0xffff;
	v43 =	vor.u32 s7, v9;
	[tilespmem:s30+$0x1D0] =	vst v34;
	v34 =	vadd.f32 v35, v17  }
0x163: {  	v31 =	vadd.f32 v31, v16;
	v35 =	vld.idx.msk [tilespmem:v39+s15+$0x0], $0xffff;
	v39 =	vor.u32 s11, v9;
	[tilespmem:s30+$0x250] =	vst v32  }
0x164: {  	v32 =	vld.idx.msk [tilespmem:v41+s15+$0x0], $0xffff;
	v41 =	vor.u32 s3, v9;
	[tilespmem:s30+$0x2D0] =	vst v34;
	v34 =	vadd.f32 v37, v19  }
0x165: {  	[tilespmem:s30+$0xFFFFFC50] =	vst v31;
	v31 =	vadd.f32 v40, v29;
	v37 =	vld.idx.msk [tilespmem:v44+s15+$0x0], $0xffff;
	v40 =	vor.u32 s6, v9  }
0x166: {  	v38 =	vadd.f32 v38, v30;
	v44 =	vor.u32 s2, v9;
	v42 =	vld.idx.msk [tilespmem:v42+s15+$0x0], $0xffff;
	[tilespmem:s30+$0x3D0] =	vst v34  }
0x167: {  	v34 =	vor.u32 s31, v9;
	[tilespmem:s30+$0xFFFFFCE0] =	vst v31;
	v31 =	vadd.f32 v36, v28;
	v36 =	vld.idx.msk [tilespmem:v43+s15+$0x0], $0xffff  }
0x168: {  	v33 =	vadd.f32 v33, v27;
	[tilespmem:s30+$0xFFFFFD60] =	vst v38;
	v38 =	vld.idx.msk [tilespmem:v39+s15+$0x0], $0xffff;
	v39 =	vor.u32 s0, v9  }
0x169: {  	v43 =	vor.u32 s22, v8;
	[tilespmem:s30+$0xFFFFFDE0] =	vst v31;
	v31 =	vadd.f32 v35, v26;
	v35 =	vld.idx.msk [tilespmem:v41+s15+$0x0], $0xffff  }
0x16a: {  	v41 =	vor.u32 s24, v8;
	v32 =	vadd.f32 v32, v25;
	[tilespmem:s30+$0xFFFFFE60] =	vst v33;
	v33 =	vld.idx.msk [tilespmem:v40+s15+$0x0], $0xffff  }
0x16b: {  	v40 =	vor.u32 s19, v8;
	[tilespmem:s30+$0xFFFFFEE0] =	vst v31;
	v31 =	vadd.f32 v37, v24;
	v37 =	vld.idx.msk [tilespmem:v44+s15+$0x0], $0xffff  }
0x16c: {  	v44 =	vor.u32 s23, v8;
	v34 =	vld.idx.msk [tilespmem:v34+s15+$0x0], $0xffff;
	[tilespmem:s30+$0xFFFFFF60] =	vst v32;
	v32 =	vadd.f32 v42, v23  }
0x16d: {  	v42 =	vor.u32 s16, v8;
	[tilespmem:s30+$0xFFFFFFE0] =	vst v31;
	v31 =	vadd.f32 v36, v22;
	v36 =	vld.idx.msk [tilespmem:v39+s15+$0x0], $0xffff  }
0x16e: {  	v39 =	vld.idx.msk [tilespmem:v43+s15+$0x0], $0xffff;
	v43 =	vor.u32 s21, v8;
	[tilespmem:s30+$0x60] =	vst v32;
	v32 =	vadd.f32 v38, v21  }
0x16f: {  	v38 =	vld.idx.msk [tilespmem:v41+s15+$0x0], $0xffff;
	v41 =	vor.u32 s8, v8;
	[tilespmem:s30+$0xE0] =	vst v31;
	v31 =	vadd.f32 v35, v20  }
0x170: {  	v35 =	vld.idx.msk [tilespmem:v40+s15+$0x0], $0xffff;
	v40 =	vor.u32 s14, v8;
	[tilespmem:s30+$0x160] =	vst v32;
	v32 =	vadd.f32 v33, v18  }
0x171: {  	v33 =	vld.idx.msk [tilespmem:v44+s15+$0x0], $0xffff;
	v44 =	vor.u32 s7, v8;
	[tilespmem:s30+$0x1E0] =	vst v31;
	v31 =	vadd.f32 v37, v17  }
0x172: {  	v34 =	vadd.f32 v34, v16;
	v37 =	vor.u32 s11, v8;
	v45 =	vld.idx.msk [tilespmem:v42+s15+$0x0], $0xffff;
	[tilespmem:s30+$0x260] =	vst v32  }
0x173: {  	v36 =	vadd.f32 v36, v19;
	v32 =	vld.idx.msk [tilespmem:v43+s15+$0x0], $0xffff;
	v43 =	vor.u32 s3, v8;
	[tilespmem:s30+$0x2E0] =	vst v31  }
0x174: {  	v47 =	vor.u32 s6, v8;
	v46 =	vor.u32 s31, v8;
	s31 =	smov.u32 s1;
	v29 =	vadd.f32 v39, v29;
	[tilespmem:s30+$0xFFFFFC60] =	vst v34;
	v34 =	vld.idx.msk [tilespmem:v41+s15+$0x0], $0xffff  }
0x175: {  	v49 =	vor.u32 s2, v8;
	s22 =	sadd.s32 $0x1, s1;
	v31 =	vor.u32 s1, v15;
	v30 =	vadd.f32 v38, v30;
	v48 =	vld.idx.msk [tilespmem:v40+s15+$0x0], $0xffff;
	[tilespmem:s30+$0x3E0] =	vst v36  }
0x176: {  	v51 =	vor.u32 s0, v8;
	s24 =	sadd.s32 $0x2, s1;
	s19 =	sadd.s32 $0x3, s1;
	v41 =	vor.u32 s22, v15;
	v28 =	vadd.f32 v35, v28;
	[tilespmem:s30+$0xFFFFFCF0] =	vst v29;
	v50 =	vld.idx.msk [tilespmem:v44+s15+$0x0], $0xffff  }
0x177: {  	s23 =	sadd.s32 $0x4, s1;
	s16 =	sadd.s32 $0x5, s1;
	v42 =	vor.u32 s24, v15;
	v38 =	vor.u32 s19, v15;
	v27 =	vadd.f32 v33, v27;
	[tilespmem:s30+$0xFFFFFD70] =	vst v30;
	v35 =	vld.idx.msk [tilespmem:v37+s15+$0x0], $0xffff  }
.Ltmp2:
0x178: {  	s21 =	sadd.s32 $0x6, s1;
	s8 =	sadd.s32 $0x7, s1;
	v40 =	vor.u32 s23, v15;
	v37 =	vor.u32 s16, v15;
	[tilespmem:s30+$0xFFFFFDF0] =	vst v28;
	v28 =	vadd.f32 v45, v26;
	v26 =	vld.idx.msk [tilespmem:v43+s15+$0x0], $0xffff;
	(pc) =	sbr.rel @p1 .LBB2_3-.Ltmp2, $4  }
0x179: {  	s14 =	sadd.s32 $0x8, s1;
	s7 =	sadd.s32 $0x9, s1;
	v39 =	vor.u32 s21, v15;
	v30 =	vor.u32 s8, v15;
	v32 =	vadd.f32 v32, v25;
	[tilespmem:s30+$0xFFFFFE70] =	vst v27;
	v25 =	vld.idx.msk [tilespmem:v47+s15+$0x0], $0xffff  }
0x17a: {  	s11 =	sadd.s32 $0xA, s1;
	s3 =	sadd.s32 $0xB, s1;
	v36 =	vor.u32 s14, v15;
	v29 =	vor.u32 s7, v15;
	v43 =	vadd.f32 v34, v24;
	[tilespmem:s30+$0xFFFFFEF0] =	vst v28;
	v24 =	vld.idx.msk [tilespmem:v49+s15+$0x0], $0xffff  }
0x17b: {  	s6 =	sadd.s32 $0xC, s1;
	s2 =	sadd.s32 $0xD, s1;
	v34 =	vor.u32 s11, v15;
	v28 =	vor.u32 s3, v15;
	v44 =	vadd.f32 v48, v23;
	v27 =	vld.idx.msk [tilespmem:v46+s15+$0x0], $0xffff;
	[tilespmem:s30+$0xFFFFFF70] =	vst v32  }
0x17c: {  	s10 =	sadd.s32 s31, s25;
	s0 =	sadd.s32 $0xF, s31;
	s1 =	sadd.s32 $0x10, s1;
	v33 =	vor.u32 s6, v15;
	v23 =	vor.u32 s2, v15;
	[tilespmem:s30+$0xFFFFFFF0] =	vst v43;
	v43 =	vadd.f32 v50, v22;
	v22 =	vld.idx.msk [tilespmem:v51+s15+$0x0], $0xffff  }
0x17d: {  	_ =	sdelay $0x3  }
0x17e: {  	v31 =	vld.idx.msk [tilespmem:v31+s15+$0x0], $0xffff  }
0x17f: {  	v32 =	vld.idx.msk [tilespmem:v41+s15+$0x0], $0xffff  }
0x180: {  	v42 =	vld.idx.msk [tilespmem:v42+s15+$0x0], $0xffff  }
0x181: {  	v38 =	vld.idx.msk [tilespmem:v38+s15+$0x0], $0xffff  }
0x182: {  	v40 =	vld.idx.msk [tilespmem:v40+s15+$0x0], $0xffff  }
0x183: {  	s1 =	sadd.s32 $0xE, s10;
	s9 =	sadd.s32 $0xE, s31;
	v37 =	vld.idx.msk [tilespmem:v37+s15+$0x0], $0xffff;
	v21 =	vadd.f32 v35, v21  }
0x184: {  	v39 =	vld.idx.msk [tilespmem:v39+s15+$0x0], $0xffff;
	s29 =	sadd.s32 $0x1, s10;
	s4 =	sadd.s32 $0x2, s10;
	s5 =	sadd.s32 $0x3, s10;
	v20 =	vadd.f32 v26, v20;
	v59 =	vmov s1;
	v45 =	vor.u32 s9, v15  }
0x185: {  	v46 =	vld.idx.msk [tilespmem:v30+s15+$0x0], $0xffff;
	s18 =	sadd.s32 $0x6, s10;
	v47 =	vmov s29;
	v48 =	vmov s4;
	v49 =	vmov s5  }
0x186: {  	s20 =	sadd.s32 $0x7, s10;
	v36 =	vld.idx.msk [tilespmem:v36+s15+$0x0], $0xffff;
	v15 =	vor.u32 s0, v15;
	v60 =	vmov s18;
	v41 =	vand.u32 $0xFFFFFFFE, v59  }
0x187: {  	v29 =	vld.idx.msk [tilespmem:v29+s15+$0x0], $0xffff;
	s4 =	sadd.s32 $0x4, s10;
	s5 =	sadd.s32 $0x5, s10;
	v52 =	vmov s20;
	v25 =	vadd.f32 v25, v18;
	v41 =	vbroadcast v41, $0x0  }
0x188: {  	v34 =	vld.idx.msk [tilespmem:v34+s15+$0x0], $0xffff;
	s18 =	sadd.s32 $0xA, s10;
	v50 =	vmov s4;
	v51 =	vmov s5;
	v47 =	vand.u32 $0xFFFFFFF1, v47  }
0x189: {  	v57 =	vld.idx.msk [tilespmem:v28+s15+$0x0], $0xffff;
	v55 =	vmov s18;
	v48 =	vand.u32 $0xFFFFFFF2, v48;
	v47 =	vbroadcast v47, $0x0  }
0x18a: {  	v33 =	vld.idx.msk [tilespmem:v33+s15+$0x0], $0xffff;
	s5 =	sadd.s32 $0x9, s10;
	v49 =	vand.u32 $0xFFFFFFF3, v49;
	v63 =	vand.u32 $0xFFFFFFF7, v52;
	v48 =	vbroadcast v48, $0x0  }
0x18b: {  	s4 =	sadd.s32 $0xD, s10;
	v59 =	vld.idx.msk [tilespmem:v23+s15+$0x0], $0xffff;
	v54 =	vmov s5;
	v50 =	vand.u32 $0xFFFFFFF4, v50;
	v49 =	vbroadcast v49, $0x0  }
0x18c: {  	v51 =	vand.u32 $0xFFFFFFF5, v51;
	v61 =	vmov s4;
	v35 =	vbroadcast v63, $0x0;
	v45 =	vld.idx.msk [tilespmem:v45+s15+$0x0], $0xffff  }
0x18d: {  	[tilespmem:s30+$0x170] =	vst v21;
	v27 =	vadd.f32 v27, v16;
	v50 =	vbroadcast v50, $0x0;
	v21 =	vand.u32 $0xFFFFFFF9, v54;
	v30 =	vld.idx.msk [tilespmem:v41+s12+$0x0], $0xffff  }
0x18e: {  	[tilespmem:s13+$0x270] =	vst v25;
	v62 =	vbroadcast v51, $0x0;
	v52 =	vbroadcast v21, $0x0;
	v21 =	vand.u32 $0xFFFFFFFA, v55;
	v51 =	vld.idx.msk [tilespmem:v15+s15+$0x0], $0xffff  }
0x18f: {  	v28 =	vor.u32 s9, v14;
	[tilespmem:s13+$0xFFFFFC70] =	vst v27;
	v27 =	vand.u32 $0xFFFFFFFD, v61;
	v25 =	vbroadcast v21, $0x0;
	v15 =	vld.idx.msk [tilespmem:v47+s12+$0x0], $0xffff  }
0x190: {  	v21 =	vadd.f32 v22, v19;
	v27 =	vbroadcast v27, $0x0;
	v41 =	vand.u32 $0xFFFFFFF6, v60;
	v18 =	vld.idx.msk [tilespmem:v48+s12+$0x0], $0xffff  }
0x191: {  	s20 =	sadd.s32 $0xB, s10;
	[tilespmem:s13+$0x1F0] =	vst v20;
	v20 =	vadd.f32 v24, v17;
	v17 =	vld.idx.msk [tilespmem:v49+s12+$0x0], $0xffff;
	v41 =	vbroadcast v41, $0x0  }
0x192: {  	s29 =	sadd.s32 $0x8, s10;
	v56 =	vmov s20;
	[tilespmem:s13+$0x3F0] =	vst v21;
	v21 =	vld.idx.msk [tilespmem:v35+s12+$0x0], $0xffff;
	v23 =	vadd.f32 v45, v30  }
0x193: {  	[tilespmem:s30+$0x70] =	vst v44;
	v53 =	vmov s29;
	s5 =	sadd.s32 $0x800, s30;
	v24 =	vand.u32 $0xFFFFFFFB, v56;
	v16 =	vld.idx.msk [tilespmem:v50+s12+$0x0], $0xffff  }
0x194: {  	v54 =	vbroadcast v24, $0x0;
	v19 =	vld.idx.msk [tilespmem:v62+s12+$0x0], $0xffff;
	v62 =	vor.u32 s22, v14;
	v24 =	vadd.f32 v32, v15;
	[tilespmem:s5+$0x300] =	vst v23  }
0x195: {  	[tilespmem:s30+$0xF0] =	vst v43;
	v23 =	vand.u32 $0xFFFFFFF8, v53;
	v26 =	vld.idx.msk [tilespmem:v28+s15+$0x0], $0xffff  }
0x196: {  	s29 =	sadd.s32 $0xC, s10;
	v63 =	vor.u32 s24, v14;
	v27 =	vld.idx.msk [tilespmem:v27+s12+$0x0], $0xffff;
	[tilespmem:s5+$0xFFFFFC80] =	vst v24;
	v24 =	vadd.f32 v42, v18;
	v23 =	vbroadcast v23, $0x0  }
0x197: {  	v58 =	vmov s29;
	[tilespmem:s13+$0x2F0] =	vst v20;
	v56 =	vadd.f32 v38, v17;
	v20 =	vld.idx.msk [tilespmem:v41+s12+$0x0], $0xffff;
	v28 =	vmov s10  }
0x198: {  	v45 =	vadd.f32 v46, v21;
	v53 =	vor.u32 s9, v11;
	v28 =	vand.u32 $0xFFFFFFF0, v28;
	[tilespmem:s5+$0xFFFFFD00] =	vst v24;
	v24 =	vld.idx.msk [tilespmem:v25+s12+$0x0], $0xffff  }
0x199: {  	v22 =	vand.u32 $0xFFFFFFFC, v58;
	v61 =	vadd.f32 v37, v19;
	[tilespmem:s5+$0xFFFFFD80] =	vst v56;
	v37 =	vld.idx.msk [tilespmem:v62+s15+$0x0], $0xffff;
	v28 =	vbroadcast v28, $0x0  }
0x19a: {  	v55 =	vbroadcast v22, $0x0;
	[tilespmem:s5+$0xFFFFFF80] =	vst v45;
	v25 =	vld.idx.msk [tilespmem:v54+s12+$0x0], $0xffff;
	v26 =	vadd.f32 v26, v30  }
0x19b: {  	[tilespmem:s5+$0xFFFFFE80] =	vst v61;
	v62 =	vadd.f32 v59, v27;
	v54 =	vld.idx.msk [tilespmem:v63+s15+$0x0], $0xffff  }
0x19c: {  	v39 =	vadd.f32 v39, v20;
	v22 =	vld.idx.msk [tilespmem:v23+s12+$0x0], $0xffff;
	[tilespmem:s5+$0x310] =	vst v26  }
0x19d: {  	s13 =	sadd.s32 $0xF, s10;
	v50 =	vor.u32 s23, v14;
	[tilespmem:s5+$0x280] =	vst v62;
	v34 =	vadd.f32 v34, v24;
	v58 =	vld.idx.msk [tilespmem:v53+s15+$0x0], $0xffff  }
0x19e: {  	v60 =	vmov s13;
	v23 =	vld.idx.msk [tilespmem:v52+s12+$0x0], $0xffff;
	[tilespmem:s5+$0xFFFFFF00] =	vst v39;
	v26 =	vadd.f32 v40, v16  }
0x19f: {  	v48 =	vor.u32 s19, v14;
	v56 =	vadd.f32 v57, v25;
	v28 =	vld.idx.msk [tilespmem:v28+s12+$0x0], $0xffff;
	[tilespmem:s5+$0x100] =	vst v34  }
0x1a0: {  	v47 =	vor.u32 s9, v13;
	v35 =	vadd.f32 v54, v18;
	[tilespmem:s5+$0xFFFFFE00] =	vst v26;
	v26 =	vld.idx.msk [tilespmem:v55+s12+$0x0], $0xffff  }
0x1a1: {  	v53 =	vor.u32 s16, v14;
	[tilespmem:s5+$0x180] =	vst v56;
	v46 =	vadd.f32 v36, v22  }
0x1a2: {  	v57 =	vor.u32 s8, v14;
	[tilespmem:s5+$0xFFFFFD10] =	vst v35;
	v42 =	vld.idx.msk [tilespmem:v50+s15+$0x0], $0xffff;
	v52 =	vadd.f32 v58, v30  }
0x1a3: {  	v55 =	vor.u32 s21, v14;
	v49 =	vadd.f32 v29, v23;
	v29 =	vld.idx.msk [tilespmem:v60+s12+$0x0], $0xffff;
	[tilespmem:s5+$0x0] =	vst v46  }
0x1a4: {  	v61 =	vor.u32 s14, v14;
	v60 =	vld.idx.msk [tilespmem:v48+s15+$0x0], $0xffff;
	v31 =	vadd.f32 v31, v28;
	[tilespmem:s5+$0x320] =	vst v52  }
0x1a5: {  	v63 =	vor.u32 s7, v14;
	[tilespmem:s5+$0x80] =	vst v49;
	v33 =	vadd.f32 v33, v26;
	v58 =	vld.idx.msk [tilespmem:v47+s15+$0x0], $0xffff  }
0x1a6: {  	v45 =	vld.idx.msk [tilespmem:v53+s15+$0x0], $0xffff;
	v46 =	vor.u32 s11, v14;
	[tilespmem:s5+$0xFFFFFC00] =	vst v31;
	v31 =	vadd.f32 v37, v15  }
0x1a7: {  	v50 =	vor.u32 s3, v14;
	v32 =	vld.idx.msk [tilespmem:v57+s15+$0x0], $0xffff;
	v42 =	vadd.f32 v42, v16;
	[tilespmem:s5+$0x200] =	vst v33  }
0x1a8: {  	v49 =	vor.u32 s9, v12;
	v48 =	vld.idx.msk [tilespmem:v55+s15+$0x0], $0xffff;
	v47 =	vadd.f32 v51, v29;
	[tilespmem:s5+$0xFFFFFC90] =	vst v31  }
0x1a9: {  	v51 =	vor.u32 s6, v14;
	v52 =	vadd.f32 v60, v17;
	v31 =	vld.idx.msk [tilespmem:v61+s15+$0x0], $0xffff;
	[tilespmem:s5+$0xFFFFFE10] =	vst v42  }
0x1aa: {  	v54 =	vor.u32 s2, v14;
	v53 =	vld.idx.msk [tilespmem:v63+s15+$0x0], $0xffff;
	[tilespmem:s5+$0x380] =	vst v47;
	v34 =	vadd.f32 v58, v30  }
0x1ab: {  	v55 =	vor.u32 s31, v14;
	v38 =	vld.idx.msk [tilespmem:v46+s15+$0x0], $0xffff;
	[tilespmem:s5+$0xFFFFFD90] =	vst v52;
	v33 =	vadd.f32 v45, v19  }
0x1ac: {  	v41 =	vld.idx.msk [tilespmem:v50+s15+$0x0], $0xffff;
	v14 =	vor.u32 s0, v14;
	[tilespmem:s5+$0x330] =	vst v34  }
0x1ad: {  	v57 =	vor.u32 s22, v11;
	v37 =	vadd.f32 v48, v20;
	[tilespmem:s5+$0xFFFFFE90] =	vst v33;
	v56 =	vld.idx.msk [tilespmem:v49+s15+$0x0], $0xffff  }
0x1ae: {  	v59 =	vor.u32 s19, v11;
	v31 =	vadd.f32 v31, v22;
	v39 =	vld.idx.msk [tilespmem:v51+s15+$0x0], $0xffff  }
0x1af: {  	v63 =	vor.u32 s23, v11;
	v32 =	vadd.f32 v32, v21;
	[tilespmem:s5+$0xFFFFFF10] =	vst v37;
	v60 =	vld.idx.msk [tilespmem:v54+s15+$0x0], $0xffff  }
0x1b0: {  	v47 =	vor.u32 s21, v11;
	v34 =	vld.idx.msk [tilespmem:v55+s15+$0x0], $0xffff;
	[tilespmem:s5+$0x10] =	vst v31;
	v31 =	vadd.f32 v38, v24  }
0x1b1: {  	v50 =	vor.u32 s14, v11;
	v61 =	vadd.f32 v53, v23;
	[tilespmem:s5+$0xFFFFFF90] =	vst v32;
	v14 =	vld.idx.msk [tilespmem:v14+s15+$0x0], $0xffff  }
0x1b2: {  	v58 =	vor.u32 s24, v11;
	v45 =	vld.idx.msk [tilespmem:v57+s15+$0x0], $0xffff;
	[tilespmem:s5+$0x110] =	vst v31;
	v31 =	vadd.f32 v41, v25  }
0x1b3: {  	v52 =	vor.u32 s11, v11;
	[tilespmem:s5+$0x90] =	vst v61;
	v48 =	vld.idx.msk [tilespmem:v59+s15+$0x0], $0xffff;
	v44 =	vadd.f32 v56, v30  }
0x1b4: {  	v46 =	vor.u32 s16, v11;
	v38 =	vld.idx.msk [tilespmem:v63+s15+$0x0], $0xffff;
	[tilespmem:s5+$0x190] =	vst v31;
	v39 =	vadd.f32 v39, v26  }
0x1b5: {  	v49 =	vor.u32 s8, v11;
	v54 =	vld.idx.msk [tilespmem:v47+s15+$0x0], $0xffff;
	v31 =	vadd.f32 v60, v27;
	[tilespmem:s5+$0x340] =	vst v44  }
0x1b6: {  	v62 =	vor.u32 s9, v10;
	v57 =	vld.idx.msk [tilespmem:v50+s15+$0x0], $0xffff;
	v34 =	vadd.f32 v34, v28;
	[tilespmem:s5+$0x210] =	vst v39  }
0x1b7: {  	v51 =	vor.u32 s7, v11;
	v33 =	vld.idx.msk [tilespmem:v58+s15+$0x0], $0xffff;
	v14 =	vadd.f32 v14, v29;
	[tilespmem:s5+$0x290] =	vst v31  }
0x1b8: {  	v55 =	vor.u32 s3, v11;
	v40 =	vld.idx.msk [tilespmem:v52+s15+$0x0], $0xffff;
	v53 =	vadd.f32 v45, v15;
	[tilespmem:s5+$0xFFFFFC10] =	vst v34  }
0x1b9: {  	v58 =	vor.u32 s6, v11;
	v32 =	vadd.f32 v48, v17;
	v31 =	vld.idx.msk [tilespmem:v46+s15+$0x0], $0xffff;
	[tilespmem:s5+$0x390] =	vst v14  }
0x1ba: {  	v61 =	vor.u32 s2, v11;
	v45 =	vadd.f32 v54, v20;
	v14 =	vld.idx.msk [tilespmem:v49+s15+$0x0], $0xffff;
	[tilespmem:s5+$0xFFFFFCA0] =	vst v53  }
0x1bb: {  	v63 =	vor.u32 s31, v11;
	v48 =	vadd.f32 v57, v22;
	[tilespmem:s5+$0xFFFFFDA0] =	vst v32;
	v36 =	vld.idx.msk [tilespmem:v62+s15+$0x0], $0xffff  }
0x1bc: {  	v11 =	vor.u32 s0, v11;
	v60 =	vld.idx.msk [tilespmem:v51+s15+$0x0], $0xffff;
	v33 =	vadd.f32 v33, v18;
	[tilespmem:s5+$0xFFFFFF20] =	vst v45  }
0x1bd: {  	v57 =	vor.u32 s21, v13;
	v44 =	vld.idx.msk [tilespmem:v55+s15+$0x0], $0xffff;
	v62 =	vadd.f32 v38, v16;
	[tilespmem:s5+$0x20] =	vst v48  }
0x1be: {  	v56 =	vor.u32 s9, v9;
	v47 =	vld.idx.msk [tilespmem:v58+s15+$0x0], $0xffff;
	[tilespmem:s5+$0xFFFFFD20] =	vst v33;
	v31 =	vadd.f32 v31, v19  }
0x1bf: {  	v46 =	vor.u32 s22, v13;
	v39 =	vld.idx.msk [tilespmem:v61+s15+$0x0], $0xffff;
	[tilespmem:s5+$0xFFFFFE20] =	vst v62;
	v14 =	vadd.f32 v14, v21  }
0x1c0: {  	v50 =	vld.idx.msk [tilespmem:v63+s15+$0x0], $0xffff;
	v59 =	vadd.f32 v36, v30;
	[tilespmem:s5+$0xFFFFFEA0] =	vst v31;
	v31 =	vor.u32 s24, v13  }
0x1c1: {  	v49 =	vor.u32 s19, v13;
	v11 =	vld.idx.msk [tilespmem:v11+s15+$0x0], $0xffff;
	[tilespmem:s5+$0xFFFFFFA0] =	vst v14;
	v14 =	vadd.f32 v60, v23  }
0x1c2: {  	v51 =	vor.u32 s23, v13;
	v52 =	vadd.f32 v40, v24;
	v62 =	vld.idx.msk [tilespmem:v57+s15+$0x0], $0xffff;
	[tilespmem:s5+$0x350] =	vst v59  }
0x1c3: {  	v61 =	vor.u32 s11, v13;
	v37 =	vld.idx.msk [tilespmem:v56+s15+$0x0], $0xffff;
	[tilespmem:s5+$0xA0] =	vst v14;
	v14 =	vadd.f32 v44, v25  }
0x1c4: {  	v55 =	vor.u32 s16, v13;
	[tilespmem:s5+$0x120] =	vst v52;
	v54 =	vld.idx.msk [tilespmem:v46+s15+$0x0], $0xffff;
	v39 =	vadd.f32 v39, v27  }
0x1c5: {  	v58 =	vor.u32 s8, v13;
	[tilespmem:s5+$0x1A0] =	vst v14;
	v14 =	vadd.f32 v47, v26;
	v31 =	vld.idx.msk [tilespmem:v31+s15+$0x0], $0xffff  }
0x1c6: {  	v53 =	vor.u32 s9, v8;
	v34 =	vld.idx.msk [tilespmem:v49+s15+$0x0], $0xffff;
	v36 =	vadd.f32 v50, v28;
	[tilespmem:s5+$0x2A0] =	vst v39  }
0x1c7: {  	v11 =	vadd.f32 v11, v29;
	v59 =	vld.idx.msk [tilespmem:v51+s15+$0x0], $0xffff;
	[tilespmem:s5+$0x220] =	vst v14;
	v14 =	vor.u32 s7, v13  }
0x1c8: {  	v48 =	vor.u32 s31, v13;
	v49 =	vld.idx.msk [tilespmem:v61+s15+$0x0], $0xffff;
	[tilespmem:s5+$0xFFFFFC20] =	vst v36;
	v56 =	vadd.f32 v37, v30  }
0x1c9: {  	v60 =	vor.u32 s14, v13;
	v35 =	vld.idx.msk [tilespmem:v55+s15+$0x0], $0xffff;
	[tilespmem:s5+$0x3A0] =	vst v11;
	v36 =	vadd.f32 v62, v20  }
0x1ca: {  	v63 =	vor.u32 s3, v13;
	v11 =	vld.idx.msk [tilespmem:v58+s15+$0x0], $0xffff;
	[tilespmem:s5+$0x360] =	vst v56;
	v31 =	vadd.f32 v31, v18  }
0x1cb: {  	v44 =	vor.u32 s6, v13;
	v33 =	vadd.f32 v54, v15;
	[tilespmem:s5+$0xFFFFFF30] =	vst v36;
	v40 =	vld.idx.msk [tilespmem:v53+s15+$0x0], $0xffff  }
0x1cc: {  	v47 =	vor.u32 s2, v13;
	v14 =	vld.idx.msk [tilespmem:v14+s15+$0x0], $0xffff;
	[tilespmem:s5+$0xFFFFFD30] =	vst v31;
	v31 =	vadd.f32 v59, v16  }
0x1cd: {  	v50 =	vor.u32 s22, v12;
	v32 =	vld.idx.msk [tilespmem:v48+s15+$0x0], $0xffff;
	v45 =	vadd.f32 v34, v17;
	[tilespmem:s5+$0xFFFFFCB0] =	vst v33  }
0x1ce: {  	v46 =	vld.idx.msk [tilespmem:v60+s15+$0x0], $0xffff;
	v13 =	vor.u32 s0, v13;
	[tilespmem:s5+$0xFFFFFE30] =	vst v31;
	v31 =	vadd.f32 v35, v19  }
0x1cf: {  	[tilespmem:s5+$0xFFFFFDB0] =	vst v45;
	v11 =	vadd.f32 v11, v21;
	v37 =	vld.idx.msk [tilespmem:v63+s15+$0x0], $0xffff  }
0x1d0: {  	v51 =	vld.idx.msk [tilespmem:v44+s15+$0x0], $0xffff;
	v30 =	vadd.f32 v40, v30;
	[tilespmem:s5+$0xFFFFFEB0] =	vst v31;
	v31 =	vor.u32 s19, v12  }
0x1d1: {  	v33 =	vadd.f32 v49, v24;
	[tilespmem:s5+$0xFFFFFFB0] =	vst v11;
	v38 =	vld.idx.msk [tilespmem:v47+s15+$0x0], $0xffff;
	v11 =	vadd.f32 v14, v23;
	v14 =	vor.u32 s16, v12  }
0x1d2: {  	v53 =	vld.idx.msk [tilespmem:v50+s15+$0x0], $0xffff;
	[tilespmem:s5+$0x370] =	vst v30;
	v30 =	vor.u32 s24, v12  }
0x1d3: {  	v43 =	vor.u32 s31, v12;
	v54 =	vor.u32 s21, v12;
	[tilespmem:s5+$0x130] =	vst v33;
	v32 =	vadd.f32 v32, v28;
	v13 =	vld.idx.msk [tilespmem:v13+s15+$0x0], $0xffff  }
0x1d4: {  	v42 =	vor.u32 s2, v12;
	v55 =	vor.u32 s8, v12;
	[tilespmem:s5+$0xB0] =	vst v11;
	v11 =	vadd.f32 v37, v25  }
0x1d5: {  	v52 =	vor.u32 s23, v12;
	v57 =	vor.u32 s14, v12;
	[tilespmem:s5+$0xFFFFFC30] =	vst v32;
	v34 =	vadd.f32 v46, v22;
	v31 =	vld.idx.msk [tilespmem:v31+s15+$0x0], $0xffff  }
0x1d6: {  	v58 =	vor.u32 s7, v12;
	v60 =	vor.u32 s3, v12;
	[tilespmem:s5+$0x1B0] =	vst v11;
	v11 =	vadd.f32 v38, v27;
	v14 =	vld.idx.msk [tilespmem:v14+s15+$0x0], $0xffff  }
0x1d7: {  	v63 =	vor.u32 s6, v12;
	[tilespmem:s5+$0x30] =	vst v34;
	v56 =	vadd.f32 v51, v26;
	v59 =	vor.u32 s11, v12;
	v30 =	vld.idx.msk [tilespmem:v30+s15+$0x0], $0xffff  }
0x1d8: {  	v61 =	vadd.f32 v53, v15;
	v12 =	vor.u32 s0, v12;
	[tilespmem:s5+$0x2B0] =	vst v11;
	v11 =	vadd.f32 v13, v29;
	v13 =	vld.idx.msk [tilespmem:v54+s15+$0x0], $0xffff  }
0x1d9: {  	v62 =	vld.idx.msk [tilespmem:v55+s15+$0x0], $0xffff;
	[tilespmem:s5+$0x230] =	vst v56  }
0x1da: {  	v36 =	vld.idx.msk [tilespmem:v52+s15+$0x0], $0xffff;
	[tilespmem:s5+$0xFFFFFCC0] =	vst v61;
	v31 =	vadd.f32 v31, v17  }
0x1db: {  	[tilespmem:s5+$0x3B0] =	vst v11;
	v11 =	vld.idx.msk [tilespmem:v57+s15+$0x0], $0xffff;
	v14 =	vadd.f32 v14, v19  }
0x1dc: {  	v38 =	vld.idx.msk [tilespmem:v58+s15+$0x0], $0xffff;
	v30 =	vadd.f32 v30, v18;
	[tilespmem:s5+$0xFFFFFDC0] =	vst v31  }
0x1dd: {  	v12 =	vld.idx.msk [tilespmem:v12+s15+$0x0], $0xffff;
	v13 =	vadd.f32 v13, v20;
	[tilespmem:s5+$0xFFFFFEC0] =	vst v14  }
0x1de: {  	v33 =	vld.idx.msk [tilespmem:v59+s15+$0x0], $0xffff;
	v14 =	vadd.f32 v62, v21;
	[tilespmem:s5+$0xFFFFFD40] =	vst v30  }
0x1df: {  	v51 =	vor.u32 s14, v10;
	v30 =	vadd.f32 v36, v16;
	[tilespmem:s5+$0xFFFFFF40] =	vst v13  }
0x1e0: {  	v35 =	vld.idx.msk [tilespmem:v60+s15+$0x0], $0xffff;
	v31 =	vor.u32 s22, v10;
	v11 =	vadd.f32 v11, v22;
	[tilespmem:s5+$0xFFFFFFC0] =	vst v14  }
0x1e1: {  	v44 =	vld.idx.msk [tilespmem:v63+s15+$0x0], $0xffff;
	v53 =	vor.u32 s11, v10;
	v14 =	vadd.f32 v38, v23;
	[tilespmem:s5+$0xFFFFFE40] =	vst v30  }
0x1e2: {  	v48 =	vor.u32 s16, v10;
	v45 =	vor.u32 s19, v10;
	v46 =	vld.idx.msk [tilespmem:v42+s15+$0x0], $0xffff;
	v12 =	vadd.f32 v12, v29;
	[tilespmem:s5+$0x40] =	vst v11  }
0x1e3: {  	v49 =	vor.u32 s21, v10;
	v47 =	vor.u32 s23, v10;
	v13 =	vld.idx.msk [tilespmem:v43+s15+$0x0], $0xffff;
	v11 =	vadd.f32 v33, v24;
	[tilespmem:s5+$0xC0] =	vst v14  }
0x1e4: {  	v55 =	vor.u32 s6, v10;
	v30 =	vor.u32 s24, v10;
	[tilespmem:s5+$0x3C0] =	vst v12;
	v12 =	vld.idx.msk [tilespmem:v51+s15+$0x0], $0xffff  }
0x1e5: {  	v50 =	vor.u32 s8, v10;
	v56 =	vor.u32 s2, v10;
	v14 =	vadd.f32 v35, v25;
	v31 =	vld.idx.msk [tilespmem:v31+s15+$0x0], $0xffff;
	[tilespmem:s5+$0x140] =	vst v11  }
0x1e6: {  	v52 =	vor.u32 s7, v10;
	v54 =	vor.u32 s3, v10;
	v11 =	vadd.f32 v44, v26;
	v58 =	vld.idx.msk [tilespmem:v53+s15+$0x0], $0xffff  }
0x1e7: {  	v57 =	vor.u32 s31, v10;
	v34 =	vld.idx.msk [tilespmem:v45+s15+$0x0], $0xffff;
	v10 =	vor.u32 s0, v10;
	[tilespmem:s5+$0x1C0] =	vst v14;
	v14 =	vadd.f32 v46, v27  }
0x1e8: {  	v13 =	vadd.f32 v13, v28;
	[tilespmem:s5+$0x240] =	vst v11;
	v11 =	vld.idx.msk [tilespmem:v48+s15+$0x0], $0xffff  }
0x1e9: {  	v30 =	vld.idx.msk [tilespmem:v30+s15+$0x0], $0xffff;
	[tilespmem:s5+$0x2C0] =	vst v14;
	v12 =	vadd.f32 v12, v22  }
0x1ea: {  	v14 =	vld.idx.msk [tilespmem:v49+s15+$0x0], $0xffff;
	[tilespmem:s5+$0xFFFFFC40] =	vst v13;
	v13 =	vadd.f32 v31, v15  }
0x1eb: {  	v35 =	vld.idx.msk [tilespmem:v55+s15+$0x0], $0xffff;
	[tilespmem:s5+$0x50] =	vst v12;
	v12 =	vadd.f32 v58, v24  }
0x1ec: {  	v10 =	vld.idx.msk [tilespmem:v10+s15+$0x0], $0xffff;
	[tilespmem:s5+$0xFFFFFCD0] =	vst v13;
	v13 =	vadd.f32 v34, v17  }
0x1ed: {  	v32 =	vld.idx.msk [tilespmem:v47+s15+$0x0], $0xffff;
	v11 =	vadd.f32 v11, v19;
	[tilespmem:s5+$0x150] =	vst v12  }
0x1ee: {  	v31 =	vld.idx.msk [tilespmem:v50+s15+$0x0], $0xffff;
	v30 =	vadd.f32 v30, v18;
	[tilespmem:s5+$0xFFFFFDD0] =	vst v13  }
0x1ef: {  	v60 =	vor.u32 s16, v9;
	v14 =	vadd.f32 v14, v20;
	[tilespmem:s5+$0xFFFFFED0] =	vst v11  }
0x1f0: {  	v63 =	vor.u32 s14, v9;
	v37 =	vld.idx.msk [tilespmem:v52+s15+$0x0], $0xffff;
	v12 =	vadd.f32 v35, v26;
	[tilespmem:s5+$0xFFFFFD50] =	vst v30  }
0x1f1: {  	v10 =	vadd.f32 v10, v29;
	[tilespmem:s5+$0xFFFFFF50] =	vst v14  }
0x1f2: {  	v41 =	vor.u32 s11, v9;
	v33 =	vld.idx.msk [tilespmem:v54+s15+$0x0], $0xffff;
	v30 =	vadd.f32 v32, v16;
	[tilespmem:s5+$0x250] =	vst v12  }
0x1f3: {  	v13 =	vor.u32 s22, v9;
	v11 =	vadd.f32 v31, v21;
	v14 =	vld.idx.msk [tilespmem:v57+s15+$0x0], $0xffff;
	[tilespmem:s5+$0x3D0] =	vst v10  }
0x1f4: {  	v43 =	vor.u32 s6, v9;
	v12 =	vld.idx.msk [tilespmem:v60+s15+$0x0], $0xffff;
	[tilespmem:s5+$0xFFFFFE50] =	vst v30  }
0x1f5: {  	v10 =	vld.idx.msk [tilespmem:v63+s15+$0x0], $0xffff;
	v30 =	vor.u32 s24, v9;
	[tilespmem:s5+$0xFFFFFFD0] =	vst v11;
	v11 =	vadd.f32 v37, v23  }
0x1f6: {  	v36 =	vld.idx.msk [tilespmem:v56+s15+$0x0], $0xffff;
	v31 =	vor.u32 s19, v9  }
0x1f7: {  	v59 =	vor.u32 s23, v9;
	v45 =	vld.idx.msk [tilespmem:v41+s15+$0x0], $0xffff;
	[tilespmem:s5+$0xD0] =	vst v11;
	v11 =	vadd.f32 v33, v25  }
0x1f8: {  	v62 =	vor.u32 s8, v9;
	v13 =	vld.idx.msk [tilespmem:v13+s15+$0x0], $0xffff;
	v14 =	vadd.f32 v14, v28  }
0x1f9: {  	v61 =	vor.u32 s21, v9;
	v33 =	vld.idx.msk [tilespmem:v43+s15+$0x0], $0xffff;
	v12 =	vadd.f32 v12, v19;
	[tilespmem:s5+$0x1D0] =	vst v11  }
0x1fa: {  	v40 =	vor.u32 s7, v9;
	v10 =	vadd.f32 v10, v22;
	v30 =	vld.idx.msk [tilespmem:v30+s15+$0x0], $0xffff;
	[tilespmem:s5+$0xFFFFFC50] =	vst v14  }
0x1fb: {  	v31 =	vld.idx.msk [tilespmem:v31+s15+$0x0], $0xffff;
	v11 =	vadd.f32 v36, v27;
	[tilespmem:s5+$0xFFFFFEE0] =	vst v12  }
0x1fc: {  	v42 =	vor.u32 s3, v9;
	v34 =	vld.idx.msk [tilespmem:v59+s15+$0x0], $0xffff;
	[tilespmem:s5+$0x60] =	vst v10;
	v10 =	vadd.f32 v45, v24  }
0x1fd: {  	v14 =	vld.idx.msk [tilespmem:v62+s15+$0x0], $0xffff;
	[tilespmem:s5+$0x2D0] =	vst v11;
	v13 =	vadd.f32 v13, v15  }
0x1fe: {  	v44 =	vor.u32 s2, v9;
	v11 =	vld.idx.msk [tilespmem:v61+s15+$0x0], $0xffff;
	[tilespmem:s5+$0x160] =	vst v10;
	v10 =	vadd.f32 v33, v26  }
0x1ff: {  	v46 =	vor.u32 s16, v8;
	v36 =	vld.idx.msk [tilespmem:v40+s15+$0x0], $0xffff;
	[tilespmem:s5+$0xFFFFFCE0] =	vst v13;
	v30 =	vadd.f32 v30, v18  }
0x200: {  	v13 =	vadd.f32 v31, v17;
	v31 =	vor.u32 s31, v9;
	[tilespmem:s5+$0x260] =	vst v10  }
0x201: {  	v32 =	vld.idx.msk [tilespmem:v42+s15+$0x0], $0xffff;
	v9 =	vor.u32 s0, v9;
	[tilespmem:s5+$0xFFFFFD60] =	vst v30;
	v30 =	vadd.f32 v34, v16  }
0x202: {  	v12 =	vadd.f32 v14, v21;
	[tilespmem:s5+$0xFFFFFDE0] =	vst v13;
	v13 =	vor.u32 s22, v8  }
0x203: {  	v35 =	vld.idx.msk [tilespmem:v44+s15+$0x0], $0xffff;
	v11 =	vadd.f32 v11, v20;
	[tilespmem:s5+$0xFFFFFE60] =	vst v30;
	v30 =	vor.u32 s24, v8  }
0x204: {  	v10 =	vld.idx.msk [tilespmem:v46+s15+$0x0], $0xffff;
	v14 =	vor.u32 s19, v8;
	[tilespmem:s5+$0xFFFFFFE0] =	vst v12;
	v12 =	vadd.f32 v36, v23  }
0x205: {  	v47 =	vor.u32 s21, v8;
	[tilespmem:s5+$0xFFFFFF60] =	vst v11;
	v11 =	vld.idx.msk [tilespmem:v31+s15+$0x0], $0xffff  }
0x206: {  	v31 =	vor.u32 s23, v8;
	v9 =	vld.idx.msk [tilespmem:v9+s15+$0x0], $0xffff;
	[tilespmem:s5+$0xE0] =	vst v12;
	v12 =	vadd.f32 v32, v25  }
0x207: {  	v48 =	vor.u32 s8, v8;
	v13 =	vld.idx.msk [tilespmem:v13+s15+$0x0], $0xffff  }
0x208: {  	v49 =	vor.u32 s14, v8;
	[tilespmem:s5+$0x1E0] =	vst v12;
	v12 =	vadd.f32 v35, v27;
	v30 =	vld.idx.msk [tilespmem:v30+s15+$0x0], $0xffff  }
0x209: {  	v50 =	vor.u32 s7, v8;
	v10 =	vadd.f32 v10, v19;
	v14 =	vld.idx.msk [tilespmem:v14+s15+$0x0], $0xffff  }
0x20a: {  	v51 =	vor.u32 s11, v8;
	[tilespmem:s5+$0x2E0] =	vst v12;
	v12 =	vld.idx.msk [tilespmem:v47+s15+$0x0], $0xffff;
	v11 =	vadd.f32 v11, v28  }
0x20b: {  	v52 =	vor.u32 s3, v8;
	[tilespmem:s5+$0xFFFFFEF0] =	vst v10;
	v31 =	vld.idx.msk [tilespmem:v31+s15+$0x0], $0xffff;
	v9 =	vadd.f32 v9, v29  }
0x20c: {  	[tilespmem:s5+$0xFFFFFC60] =	vst v11;
	v11 =	vadd.f32 v13, v15;
	v13 =	vld.idx.msk [tilespmem:v48+s15+$0x0], $0xffff;
	v15 =	vor.u32 s6, v8  }
0x20d: {  	[tilespmem:s5+$0x3E0] =	vst v9;
	v9 =	vld.idx.msk [tilespmem:v49+s15+$0x0], $0xffff;
	v18 =	vadd.f32 v30, v18;
	v30 =	vor.u32 s2, v8  }
0x20e: {  	[tilespmem:s5+$0xFFFFFCF0] =	vst v11;
	v11 =	vadd.f32 v14, v17;
	v17 =	vld.idx.msk [tilespmem:v50+s15+$0x0], $0xffff  }
0x20f: {  	v12 =	vadd.f32 v12, v20;
	[tilespmem:s5+$0xFFFFFD70] =	vst v18;
	v18 =	vld.idx.msk [tilespmem:v51+s15+$0x0], $0xffff  }
0x210: {  	v14 =	vor.u32 s31, v8;
	v16 =	vadd.f32 v31, v16;
	[tilespmem:s5+$0xFFFFFDF0] =	vst v11;
	v11 =	vld.idx.msk [tilespmem:v52+s15+$0x0], $0xffff  }
0x211: {  	v8 =	vor.u32 s0, v8;
	[tilespmem:s5+$0xFFFFFF70] =	vst v12;
	v15 =	vld.idx.msk [tilespmem:v15+s15+$0x0], $0xffff;
	v10 =	vadd.f32 v13, v21  }
0x212: {  	[tilespmem:s5+$0xFFFFFE70] =	vst v16;
	v9 =	vadd.f32 v9, v22;
	v13 =	vld.idx.msk [tilespmem:v30+s15+$0x0], $0xffff  }
0x213: {  	[tilespmem:s5+$0xFFFFFFF0] =	vst v10;
	v10 =	vadd.f32 v17, v23  }
0x214: {  	[tilespmem:s5+$0x70] =	vst v9;
	v9 =	vadd.f32 v18, v24  }
0x215: {  	v12 =	vld.idx.msk [tilespmem:v14+s15+$0x0], $0xffff;
	[tilespmem:s5+$0xF0] =	vst v10;
	v10 =	vadd.f32 v11, v25  }
0x216: {  	v8 =	vld.idx.msk [tilespmem:v8+s15+$0x0], $0xffff;
	[tilespmem:s5+$0x170] =	vst v9;
	v9 =	vadd.f32 v15, v26  }
0x217: {  	[tilespmem:s5+$0x1F0] =	vst v10;
	v10 =	vadd.f32 v13, v27  }
0x218: {  	[tilespmem:s5+$0x270] =	vst v9  }
0x219: {  	[tilespmem:s5+$0x2F0] =	vst v10  }
0x21a: {  	s14 =	sshll.u32 s26, $0x13;
	v11 =	vadd.f32 v12, v28;
	s16 =	rddreg [dreg:$0x5]  }
0x21b: {  	p1 =	seq.s32 s26, $0x63;
	v8 =	vadd.f32 v8, v29;
	s0 =	sor.u32 s16, s14  }
0x21c: {  	s20 =	simm.s32 $0x8000;
	s18 =	rddreg [dreg:$0x2];
	[tilespmem:s5+$0xFFFFFC70] =	vst v11;
	s0 =	sshrl.u32 s0, $0x3  }
0x21d: {  	s21 =	simm.s32 $0x11600;
	s19 =	simm.s32 $0x400;
	[tilespmem:s5+$0x3F0] =	vst v8;
	s0 =	sadd.s32 s18, s0  }
0x21e: {  	[hbm4b:s0+s19] =	stream.strided.scatter [tilespmem:s21], [sflag:$0x3], $0x2000, s20, s19, $0x38;
	[tilespmem:$0x15700] =	vst v63  }
0x21f: {  	v8 =	vld @!p1 [tilespmem:s28+$0x100];
	_ =	sdelay $0x4  }
0x220: {  	v9 =	vshrl.u32 @!p1 v8, $0x1  }
0x221: {  	v8 =	vand.u32 @!p1 $0x7F, v8;
	v9 =	vand.u32 @!p1 $0x7FFFFF80, v9  }
0x222: {  	v8 =	vor.u32 @!p1 v8, v9  }
0x223: {  	[tilespmem:$0x15600] =	vst @!p1 v8  }
0x224: {  	v8 =	vld @!p1 [tilespmem:s28+$0x110];
	_ =	sdelay $0x4  }
0x225: {  	v9 =	vshrl.u32 @!p1 v8, $0x1  }
0x226: {  	v8 =	vand.u32 @!p1 $0x7F, v8;
	v9 =	vand.u32 @!p1 $0x7FFFFF80, v9  }
0x227: {  	v8 =	vor.u32 @!p1 v8, v9  }
0x228: {  	[tilespmem:$0x15610] =	vst @!p1 v8  }
0x229: {  	v8 =	vld @!p1 [tilespmem:s28+$0x120];
	_ =	sdelay $0x4  }
0x22a: {  	v9 =	vshrl.u32 @!p1 v8, $0x1  }
0x22b: {  	v8 =	vand.u32 @!p1 $0x7F, v8;
	v9 =	vand.u32 @!p1 $0x7FFFFF80, v9  }
0x22c: {  	v8 =	vor.u32 @!p1 v8, v9  }
0x22d: {  	[tilespmem:$0x15620] =	vst @!p1 v8  }
0x22e: {  	v8 =	vld @!p1 [tilespmem:s28+$0x130];
	_ =	sdelay $0x4  }
0x22f: {  	v9 =	vshrl.u32 @!p1 v8, $0x1  }
0x230: {  	v8 =	vand.u32 @!p1 $0x7F, v8;
	v9 =	vand.u32 @!p1 $0x7FFFFF80, v9  }
0x231: {  	v8 =	vor.u32 @!p1 v8, v9  }
0x232: {  	[tilespmem:$0x15630] =	vst @!p1 v8  }
0x233: {  	v8 =	vld @!p1 [tilespmem:s28+$0x140];
	_ =	sdelay $0x4  }
0x234: {  	v9 =	vshrl.u32 @!p1 v8, $0x1  }
0x235: {  	v8 =	vand.u32 @!p1 $0x7F, v8;
	v9 =	vand.u32 @!p1 $0x7FFFFF80, v9  }
0x236: {  	v8 =	vor.u32 @!p1 v8, v9  }
0x237: {  	[tilespmem:$0x15640] =	vst @!p1 v8  }
0x238: {  	v8 =	vld @!p1 [tilespmem:s28+$0x150];
	_ =	sdelay $0x4  }
0x239: {  	v9 =	vshrl.u32 @!p1 v8, $0x1  }
0x23a: {  	v8 =	vand.u32 @!p1 $0x7F, v8;
	v9 =	vand.u32 @!p1 $0x7FFFFF80, v9  }
0x23b: {  	v8 =	vor.u32 @!p1 v8, v9  }
0x23c: {  	[tilespmem:$0x15650] =	vst @!p1 v8  }
0x23d: {  	v8 =	vld @!p1 [tilespmem:s28+$0x160];
	_ =	sdelay $0x4  }
0x23e: {  	v9 =	vshrl.u32 @!p1 v8, $0x1  }
0x23f: {  	v8 =	vand.u32 @!p1 $0x7F, v8;
	v9 =	vand.u32 @!p1 $0x7FFFFF80, v9  }
0x240: {  	v8 =	vor.u32 @!p1 v8, v9  }
0x241: {  	[tilespmem:$0x15660] =	vst @!p1 v8  }
0x242: {  	v8 =	vld @!p1 [tilespmem:s28+$0x170];
	_ =	sdelay $0x4  }
0x243: {  	v9 =	vshrl.u32 @!p1 v8, $0x1  }
0x244: {  	v8 =	vand.u32 @!p1 $0x7F, v8;
	v9 =	vand.u32 @!p1 $0x7FFFFF80, v9  }
0x245: {  	s1 =	simm.s32 @!p1 $0x15600;
	s23 =	simm.s32 $0x2;
	s3 =	rddreg [dreg:$0x4];
	v8 =	vor.u32 @!p1 v8, v9  }
0x246: {  	s2 =	simm.s32 @!p1 $0x9600;
	s22 =	rddreg [dreg:$0xb];
	s0 =	simm.s32 @!p1 $0x80;
	[tilespmem:$0x15670] =	vst @!p1 v8  }
0x247: {  	[tilespmem:s2], [sflag:$0x1] =	stream.indirect.gather @!p1 [hbm4b:s3+s0], $0x80, s1, s0, $0xb8;
	[tilespmem:$0x15700] =	vst v63  }
0x248: {  	s0 =	sor.u32 $0x1, s22;
	_ =	swait.ge [sflag:s23], $0x4000  }
0x249: {  	[dreg:$0xa] =	wrdreg s0;
	s0 =	sshll.u32 s0, $0x7;
	[sflag:s23] =	ssyncset.done $0x0  }
0x24a: {  	s0 =	sand.u32 $0x3FFFFF80, s0;
	[sflag:s23] =	ssyncadd.s32 $0xFFFFC000  }
0x24b: {  	v8 =	vld [tilespmem:s0+$0x0]  }
0x24c: {  	s10 =	sadd.s32 $0x0, s25;
	v13 =	vld [tilespmem:s0+$0x10]  }
0x24d: {  	s24 =	sadd.s32 $0x4E, s10;
	v14 =	vld [tilespmem:s0+$0x20]  }
0x24e: {  	v23 =	vmov s24;
	s5 =	sadd.s32 $0x41, s10;
	v12 =	vld [tilespmem:s0+$0x30]  }
0x24f: {  	v23 =	vand.u32 $0xFFFFFFFE, v23;
	v29 =	vmov s5;
	v11 =	vld [tilespmem:s0+$0x40]  }
0x250: {  	v23 =	vbroadcast v23, $0x0;
	v29 =	vand.u32 $0xFFFFFFF1, v29;
	v10 =	vld [tilespmem:s0+$0x50];
	v8 =	vshrl.u32 v8, $0x1  }
0x251: {  	v56 =	vbroadcast v29, $0x0;
	v9 =	vld [tilespmem:s0+$0x60];
	v8 =	vand.u32 $0x40, v8  }
0x252: {  	s22 =	simm.s32 $0x0;
	v15 =	vor.u32 v0, v8;
	v8 =	vld [tilespmem:s0+$0x70];
	s0 =	simm.s32 @!p0 $0x4  }
0x253: {  	s16 =	simm.s32 $0x1;
	v16 =	vor.u32 s22, v15;
	_ =	swait.ge @!p0 [sflag:s0], $0x2000  }
0x254: {  	s13 =	simm.s32 $0x2;
	s18 =	sadd.s32 $0x42, s10;
	v17 =	vor.u32 s16, v15;
	[sflag:s0] =	ssyncset.done @!p0 $0x0  }
0x255: {  	s14 =	simm.s32 $0x3;
	v30 =	vmov s18;
	v18 =	vor.u32 s13, v15;
	[sflag:s0] =	ssyncadd.s32 @!p0 $0xFFFFE000  }
0x256: {  	s6 =	simm.s32 $0x4;
	v30 =	vand.u32 $0xFFFFFFF2, v30;
	v19 =	vor.u32 s14, v15;
	v31 =	vld.idx.msk [tilespmem:v23+s12+$0x0], $0xffff  }
0x257: {  	v57 =	vbroadcast v30, $0x0;
	s3 =	simm.s32 $0x5;
	v20 =	vor.u32 s6, v15;
	v30 =	vld.idx.msk [tilespmem:v56+s12+$0x0], $0xffff  }
0x258: {  	s1 =	simm.s32 $0x7;
	v21 =	vor.u32 s3, v15;
	v22 =	vld.idx.msk [tilespmem:v16+s17+$0x0], $0xffff  }
0x259: {  	s9 =	simm.s32 $0xE;
	v24 =	vor.u32 s1, v15;
	v17 =	vld.idx.msk [tilespmem:v17+s17+$0x0], $0xffff  }
0x25a: {  	s23 =	simm.s32 $0x8;
	v25 =	vor.u32 s9, v15;
	v18 =	vld.idx.msk [tilespmem:v18+s17+$0x0], $0xffff  }
0x25b: {  	s11 =	simm.s32 $0xB;
	v26 =	vor.u32 s23, v15;
	v19 =	vld.idx.msk [tilespmem:v19+s17+$0x0], $0xffff  }
0x25c: {  	s29 =	sadd.s32 $0x40, s10;
	s2 =	simm.s32 $0xD;
	v27 =	vor.u32 s11, v15;
	v20 =	vld.idx.msk [tilespmem:v20+s17+$0x0], $0xffff  }
0x25d: {  	v28 =	vmov s29;
	v13 =	vshrl.u32 v13, $0x1;
	s0 =	simm.s32 $0x6;
	v23 =	vor.u32 s2, v15;
	v32 =	vld.idx.msk [tilespmem:v21+s17+$0x0], $0xffff  }
0x25e: {  	s7 =	simm.s32 $0xC;
	v14 =	vshrl.u32 v14, $0x1;
	v13 =	vand.u32 $0x40, v13;
	v16 =	vor.u32 s0, v15;
	v34 =	vld.idx.msk [tilespmem:v24+s17+$0x0], $0xffff  }
0x25f: {  	s19 =	simm.s32 $0x9;
	v24 =	vand.u32 $0x40, v14;
	v25 =	vld.idx.msk [tilespmem:v25+s17+$0x0], $0xffff;
	v14 =	vor.u32 v1, v13;
	v13 =	vor.u32 s7, v15  }
0x260: {  	v28 =	vand.u32 $0xFFFFFFF0, v28;
	s21 =	simm.s32 $0xF;
	v21 =	vor.u32 s19, v15;
	v35 =	vld.idx.msk [tilespmem:v26+s17+$0x0], $0xffff  }
0x261: {  	s24 =	sadd.s32 $0x44, s10;
	v28 =	vbroadcast v28, $0x0;
	s20 =	sadd.s32 $0x43, s10;
	v26 =	vor.u32 s21, v15;
	v40 =	vld.idx.msk [tilespmem:v27+s17+$0x0], $0xffff  }
0x262: {  	v54 =	vmov s24;
	v53 =	vmov s20;
	s20 =	sadd.s32 $0x46, s10;
	v44 =	vld.idx.msk [tilespmem:v23+s17+$0x0], $0xffff  }
0x263: {  	s8 =	simm.s32 $0xA;
	v29 =	vand.u32 $0xFFFFFFF4, v54;
	v55 =	vmov s20;
	v33 =	vld.idx.msk [tilespmem:v16+s17+$0x0], $0xffff  }
0x264: {  	s29 =	sadd.s32 $0x45, s10;
	v27 =	vor.u32 s9, v14;
	v16 =	vor.u32 s8, v15;
	v43 =	vld.idx.msk [tilespmem:v13+s17+$0x0], $0xffff;
	v13 =	vand.u32 $0xFFFFFFF3, v53  }
0x265: {  	v38 =	vld.idx.msk [tilespmem:v21+s17+$0x0], $0xffff;
	v21 =	vmov s29;
	v23 =	vadd.f32 v25, v31;
	v58 =	vbroadcast v13, $0x0  }
0x266: {  	v59 =	vld.idx.msk [tilespmem:v26+s17+$0x0], $0xffff;
	v13 =	vand.u32 $0xFFFFFFF5, v21;
	v21 =	vbroadcast v29, $0x0;
	v29 =	vand.u32 $0xFFFFFFF6, v55  }
0x267: {  	s30 =	simm.s32 $0x13A00;
	s24 =	sadd.s32 $0x47, s10;
	v60 =	vbroadcast v13, $0x0;
	v63 =	vbroadcast v29, $0x0;
	v29 =	vld.idx.msk [tilespmem:v28+s12+$0x0], $0xffff  }
0x268: {  	v25 =	vmov s24;
	s29 =	sadd.s32 $0x48, s10;
	s24 =	sadd.s32 $0x4C, s10;
	v17 =	vadd.f32 v17, v30;
	[tilespmem:s30+$0x300] =	vst v23;
	v28 =	vld.idx.msk [tilespmem:v57+s12+$0x0], $0xffff  }
0x269: {  	s18 =	sadd.s32 $0x4F, s10;
	v26 =	vmov s29;
	v25 =	vand.u32 $0xFFFFFFF7, v25;
	v53 =	vmov s24;
	v61 =	vld.idx.msk [tilespmem:v27+s17+$0x0], $0xffff  }
0x26a: {  	s5 =	sadd.s32 $0x49, s10;
	v52 =	vbroadcast v25, $0x0;
	v25 =	vand.u32 $0xFFFFFFF8, v26;
	v39 =	vld.idx.msk [tilespmem:v16+s17+$0x0], $0xffff;
	v16 =	vmov s18;
	s18 =	sadd.s32 $0x4A, s10  }
0x26b: {  	s20 =	sadd.s32 $0x4B, s10;
	v23 =	vmov s5;
	v55 =	vbroadcast v25, $0x0;
	v62 =	vmov s18;
	v27 =	vld.idx.msk [tilespmem:v58+s12+$0x0], $0xffff  }
0x26c: {  	v13 =	vor.u32 v2, v24;
	v24 =	vmov s20;
	v25 =	vand.u32 $0xFFFFFFFA, v62;
	v26 =	vld.idx.msk [tilespmem:v21+s12+$0x0], $0xffff  }
0x26d: {  	v23 =	vand.u32 $0xFFFFFFF9, v23;
	v62 =	vor.u32 s22, v14;
	v58 =	vbroadcast v25, $0x0;
	v25 =	vld.idx.msk [tilespmem:v60+s12+$0x0], $0xffff  }
0x26e: {  	v57 =	vbroadcast v23, $0x0;
	v23 =	vand.u32 $0xFFFFFFFB, v24;
	v24 =	vld.idx.msk [tilespmem:v63+s12+$0x0], $0xffff;
	v63 =	vor.u32 s16, v14  }
0x26f: {  	v42 =	vand.u32 $0xFFFFFFFC, v53;
	v60 =	vbroadcast v23, $0x0;
	v23 =	vadd.f32 v22, v29;
	v16 =	vld.idx.msk [tilespmem:v16+s12+$0x0], $0xffff  }
0x270: {  	[tilespmem:s30+$0xFFFFFC80] =	vst v17;
	v42 =	vbroadcast v42, $0x0;
	v18 =	vadd.f32 v18, v28;
	v22 =	vld.idx.msk [tilespmem:v52+s12+$0x0], $0xffff  }
0x271: {  	[tilespmem:s30+$0xFFFFFC00] =	vst v23;
	v23 =	vld.idx.msk [tilespmem:v55+s12+$0x0], $0xffff;
	v17 =	vadd.f32 v19, v27  }
0x272: {  	v56 =	vor.u32 s9, v13;
	[tilespmem:s30+$0xFFFFFD00] =	vst v18;
	v18 =	vadd.f32 v20, v26;
	v36 =	vld.idx.msk [tilespmem:v62+s17+$0x0], $0xffff  }
0x273: {  	v12 =	vshrl.u32 v12, $0x1;
	v51 =	vor.u32 s14, v14;
	v48 =	vadd.f32 v33, v24;
	v55 =	vld.idx.msk [tilespmem:v63+s17+$0x0], $0xffff;
	[tilespmem:s30+$0xFFFFFD80] =	vst v17  }
0x274: {  	v50 =	vor.u32 s13, v14;
	v20 =	vld.idx.msk [tilespmem:v58+s12+$0x0], $0xffff;
	[tilespmem:s30+$0xFFFFFE00] =	vst v18;
	v21 =	vadd.f32 v59, v16;
	v59 =	vadd.f32 v61, v31  }
0x275: {  	v12 =	vand.u32 $0x40, v12;
	s29 =	sadd.s32 $0x4D, s10;
	v19 =	vld.idx.msk [tilespmem:v60+s12+$0x0], $0xffff;
	[tilespmem:s30+$0xFFFFFF00] =	vst v48  }
0x276: {  	v54 =	vmov s29;
	v34 =	vadd.f32 v34, v22;
	v63 =	vor.u32 s23, v14;
	v18 =	vld.idx.msk [tilespmem:v42+s12+$0x0], $0xffff;
	[tilespmem:s30+$0x310] =	vst v59  }
0x277: {  	v53 =	vor.u32 s6, v14;
	v17 =	vadd.f32 v32, v25;
	[tilespmem:s30+$0x380] =	vst v21;
	v21 =	vand.u32 $0xFFFFFFFD, v54;
	v37 =	vld.idx.msk [tilespmem:v56+s17+$0x0], $0xffff  }
0x278: {  	[tilespmem:s30+$0xFFFFFF80] =	vst v34;
	v62 =	vld.idx.msk [tilespmem:v51+s17+$0x0], $0xffff;
	v54 =	vadd.f32 v35, v23;
	v61 =	vbroadcast v21, $0x0;
	v56 =	vor.u32 s3, v14  }
0x279: {  	v12 =	vor.u32 v3, v12;
	[tilespmem:s30+$0xFFFFFE80] =	vst v17;
	v59 =	vld.idx.msk [tilespmem:v50+s17+$0x0], $0xffff;
	v36 =	vadd.f32 v36, v29  }
0x27a: {  	v49 =	vor.u32 s9, v12;
	v21 =	vld.idx.msk [tilespmem:v57+s12+$0x0], $0xffff;
	v35 =	vadd.f32 v55, v30;
	[tilespmem:s30+$0x0] =	vst v54  }
0x27b: {  	v51 =	vor.u32 s8, v14;
	v58 =	vadd.f32 v39, v20;
	[tilespmem:s30+$0xFFFFFC10] =	vst v36;
	v55 =	vld.idx.msk [tilespmem:v63+s17+$0x0], $0xffff  }
0x27c: {  	v60 =	vor.u32 s1, v14;
	[tilespmem:s30+$0xFFFFFC90] =	vst v35;
	v52 =	vadd.f32 v37, v31;
	v37 =	vld.idx.msk [tilespmem:v53+s17+$0x0], $0xffff  }
0x27d: {  	v57 =	vor.u32 s0, v14;
	v47 =	vadd.f32 v43, v18;
	[tilespmem:s30+$0x100] =	vst v58;
	v41 =	vld.idx.msk [tilespmem:v56+s17+$0x0], $0xffff  }
0x27e: {  	v11 =	vshrl.u32 v11, $0x1;
	v48 =	vor.u32 s19, v14;
	v54 =	vadd.f32 v59, v28;
	v17 =	vld.idx.msk [tilespmem:v61+s12+$0x0], $0xffff;
	[tilespmem:s30+$0x320] =	vst v52  }
0x27f: {  	v11 =	vand.u32 $0x40, v11;
	[tilespmem:s30+$0x200] =	vst v47;
	v59 =	vor.u32 s21, v14;
	v38 =	vadd.f32 v38, v21;
	v33 =	vld.idx.msk [tilespmem:v49+s17+$0x0], $0xffff  }
0x280: {  	v53 =	vor.u32 s11, v14;
	v61 =	vadd.f32 v40, v19;
	v40 =	vadd.f32 v62, v27;
	[tilespmem:s30+$0xFFFFFD10] =	vst v54;
	v62 =	vld.idx.msk [tilespmem:v51+s17+$0x0], $0xffff  }
0x281: {  	v11 =	vor.u32 v4, v11;
	[tilespmem:s30+$0x80] =	vst v38;
	v52 =	vld.idx.msk [tilespmem:v60+s17+$0x0], $0xffff;
	v60 =	vor.u32 s22, v13  }
0x282: {  	v50 =	vor.u32 s9, v11;
	v32 =	vld.idx.msk [tilespmem:v57+s17+$0x0], $0xffff;
	v51 =	vadd.f32 v55, v23;
	[tilespmem:s30+$0x180] =	vst v61  }
0x283: {  	v56 =	vor.u32 s7, v14;
	v43 =	vld.idx.msk [tilespmem:v48+s17+$0x0], $0xffff;
	[tilespmem:s30+$0xFFFFFD90] =	vst v40;
	v58 =	vadd.f32 v37, v26  }
0x284: {  	v57 =	vor.u32 s2, v14;
	v35 =	vld.idx.msk [tilespmem:v59+s17+$0x0], $0xffff;
	[tilespmem:s30+$0x10] =	vst v51;
	v33 =	vadd.f32 v33, v31  }
0x285: {  	v63 =	vor.u32 s16, v13;
	v48 =	vld.idx.msk [tilespmem:v53+s17+$0x0], $0xffff;
	v49 =	vadd.f32 v44, v17;
	[tilespmem:s30+$0xFFFFFE10] =	vst v58  }
0x286: {  	v61 =	vadd.f32 v41, v25;
	v37 =	vld.idx.msk [tilespmem:v60+s17+$0x0], $0xffff;
	v60 =	vadd.f32 v62, v20;
	v62 =	vor.u32 s1, v13;
	[tilespmem:s30+$0x330] =	vst v33  }
0x287: {  	v32 =	vadd.f32 v32, v24;
	[tilespmem:s30+$0x280] =	vst v49;
	v49 =	vor.u32 s13, v13;
	v34 =	vld.idx.msk [tilespmem:v50+s17+$0x0], $0xffff  }
0x288: {  	v10 =	vshrl.u32 v10, $0x1;
	v54 =	vor.u32 s14, v13;
	[tilespmem:s30+$0xFFFFFE90] =	vst v61;
	v36 =	vadd.f32 v52, v22;
	v50 =	vld.idx.msk [tilespmem:v56+s17+$0x0], $0xffff  }
0x289: {  	v10 =	vand.u32 $0x40, v10;
	[tilespmem:s30+$0xFFFFFF10] =	vst v32;
	v52 =	vld.idx.msk [tilespmem:v57+s17+$0x0], $0xffff;
	v56 =	vor.u32 s6, v13  }
0x28a: {  	v10 =	vor.u32 v5, v10;
	v58 =	vld.idx.msk [tilespmem:v63+s17+$0x0], $0xffff;
	v61 =	vor.u32 s0, v13;
	v55 =	vadd.f32 v43, v21;
	[tilespmem:s30+$0xFFFFFF90] =	vst v36  }
0x28b: {  	v53 =	vor.u32 s9, v10;
	[tilespmem:s30+$0x110] =	vst v60;
	v35 =	vadd.f32 v35, v16;
	v32 =	vld.idx.msk [tilespmem:v62+s17+$0x0], $0xffff  }
0x28c: {  	v59 =	vor.u32 s3, v13;
	[tilespmem:s30+$0x90] =	vst v55;
	v33 =	vadd.f32 v48, v19;
	v38 =	vld.idx.msk [tilespmem:v49+s17+$0x0], $0xffff  }
0x28d: {  	[tilespmem:s30+$0x390] =	vst v35;
	v49 =	vld.idx.msk [tilespmem:v54+s17+$0x0], $0xffff;
	v57 =	vadd.f32 v34, v31;
	v63 =	vadd.f32 v50, v18;
	v50 =	vor.u32 s23, v13  }
0x28e: {  	[tilespmem:s30+$0x190] =	vst v33;
	v51 =	vadd.f32 v52, v17;
	v52 =	vld.idx.msk [tilespmem:v56+s17+$0x0], $0xffff;
	v56 =	vor.u32 s8, v13  }
0x28f: {  	v54 =	vadd.f32 v37, v29;
	[tilespmem:s30+$0x340] =	vst v57;
	v57 =	vadd.f32 v58, v30;
	v58 =	vld.idx.msk [tilespmem:v61+s17+$0x0], $0xffff;
	v61 =	vor.u32 s11, v13  }
0x290: {  	[tilespmem:s30+$0x210] =	vst v63;
	v63 =	vor.u32 s7, v13;
	v48 =	vld.idx.msk [tilespmem:v53+s17+$0x0], $0xffff  }
0x291: {  	v9 =	vshrl.u32 v9, $0x1;
	v55 =	vld.idx.msk [tilespmem:v59+s17+$0x0], $0xffff;
	[tilespmem:s30+$0xFFFFFC20] =	vst v54;
	v32 =	vadd.f32 v32, v22;
	v53 =	vor.u32 s19, v13  }
0x292: {  	v9 =	vand.u32 $0x40, v9;
	[tilespmem:s30+$0x290] =	vst v51;
	v51 =	vor.u32 s21, v13;
	v62 =	vld.idx.msk [tilespmem:v50+s17+$0x0], $0xffff  }
0x293: {  	v60 =	vadd.f32 v38, v28;
	[tilespmem:s30+$0xFFFFFFA0] =	vst v32;
	v39 =	vadd.f32 v52, v26;
	v44 =	vld.idx.msk [tilespmem:v56+s17+$0x0], $0xffff;
	v52 =	vor.u32 s22, v12  }
0x294: {  	v9 =	vor.u32 v6, v9;
	[tilespmem:s30+$0xFFFFFCA0] =	vst v57;
	v56 =	vor.u32 s13, v12;
	v36 =	vld.idx.msk [tilespmem:v61+s17+$0x0], $0xffff  }
0x295: {  	v59 =	vor.u32 s9, v9;
	[tilespmem:s30+$0xFFFFFD20] =	vst v60;
	v57 =	vld.idx.msk [tilespmem:v63+s17+$0x0], $0xffff;
	v40 =	vadd.f32 v48, v31  }
0x296: {  	v50 =	vor.u32 s2, v13;
	[tilespmem:s30+$0xFFFFFE20] =	vst v39;
	v34 =	vadd.f32 v58, v24;
	v48 =	vadd.f32 v49, v27;
	v49 =	vld.idx.msk [tilespmem:v53+s17+$0x0], $0xffff  }
0x297: {  	v53 =	vadd.f32 v55, v25;
	v55 =	vor.u32 s16, v12;
	[tilespmem:s30+$0x350] =	vst v40;
	v40 =	vld.idx.msk [tilespmem:v51+s17+$0x0], $0xffff  }
0x298: {  	[tilespmem:s30+$0xFFFFFF20] =	vst v34;
	v33 =	vadd.f32 v62, v23;
	v62 =	vld.idx.msk [tilespmem:v52+s17+$0x0], $0xffff;
	v52 =	vor.u32 s0, v12  }
0x299: {  	[tilespmem:s30+$0xFFFFFDA0] =	vst v48;
	v51 =	vld.idx.msk [tilespmem:v56+s17+$0x0], $0xffff;
	v56 =	vor.u32 s23, v12  }
0x29a: {  	v8 =	vshrl.u32 v8, $0x1;
	v58 =	vor.u32 s14, v12;
	[tilespmem:s30+$0xFFFFFEA0] =	vst v53;
	v48 =	vadd.f32 v44, v20;
	v54 =	vld.idx.msk [tilespmem:v59+s17+$0x0], $0xffff  }
0x29b: {  	v8 =	vand.u32 $0x40, v8;
	v63 =	vor.u32 s6, v12;
	v59 =	vld.idx.msk [tilespmem:v50+s17+$0x0], $0xffff;
	[tilespmem:s30+$0x20] =	vst v33;
	v53 =	vadd.f32 v36, v19  }
0x29c: {  	[tilespmem:s30+$0x120] =	vst v48;
	v35 =	vadd.f32 v57, v18;
	v60 =	vadd.f32 v49, v21;
	v41 =	vld.idx.msk [tilespmem:v55+s17+$0x0], $0xffff;
	v49 =	vor.u32 s3, v12  }
0x29d: {  	v8 =	vor.u32 v7, v8;
	v55 =	vor.u32 s1, v12;
	[tilespmem:s30+$0x1A0] =	vst v53;
	v39 =	vld.idx.msk [tilespmem:v52+s17+$0x0], $0xffff  }
0x29e: {  	v61 =	vor.u32 s9, v8;
	[tilespmem:s30+$0x220] =	vst v35;
	v62 =	vadd.f32 v62, v29;
	v32 =	vld.idx.msk [tilespmem:v56+s17+$0x0], $0xffff  }
0x29f: {  	v53 =	vor.u32 s7, v12;
	[tilespmem:s30+$0xA0] =	vst v60;
	v51 =	vadd.f32 v51, v28;
	v50 =	vadd.f32 v54, v31;
	v54 =	vld.idx.msk [tilespmem:v58+s17+$0x0], $0xffff  }
0x2a0: {  	v60 =	vor.u32 s19, v12;
	v57 =	vadd.f32 v59, v17;
	v59 =	vld.idx.msk [tilespmem:v63+s17+$0x0], $0xffff;
	[tilespmem:s30+$0xFFFFFC30] =	vst v62  }
0x2a1: {  	v48 =	vor.u32 s8, v12;
	[tilespmem:s30+$0xFFFFFD30] =	vst v51;
	v63 =	vld.idx.msk [tilespmem:v49+s17+$0x0], $0xffff  }
0x2a2: {  	[tilespmem:s30+$0x360] =	vst v50;
	v49 =	vadd.f32 v41, v30;
	v52 =	vld.idx.msk [tilespmem:v55+s17+$0x0], $0xffff;
	v55 =	vor.u32 s2, v12  }
0x2a3: {  	[tilespmem:s30+$0x2A0] =	vst v57;
	v50 =	vor.u32 s11, v12;
	v58 =	vld.idx.msk [tilespmem:v61+s17+$0x0], $0xffff;
	v61 =	vadd.f32 v40, v16  }
0x2a4: {  	v57 =	vor.u32 s21, v12;
	v38 =	vld.idx.msk [tilespmem:v53+s17+$0x0], $0xffff;
	[tilespmem:s30+$0xFFFFFCB0] =	vst v49;
	v62 =	vadd.f32 v39, v24  }
0x2a5: {  	v56 =	vld.idx.msk [tilespmem:v60+s17+$0x0], $0xffff;
	v32 =	vadd.f32 v32, v23;
	[tilespmem:s30+$0x3A0] =	vst v61;
	v61 =	vor.u32 s16, v11  }
0x2a6: {  	v60 =	vld.idx.msk [tilespmem:v48+s17+$0x0], $0xffff;
	v54 =	vadd.f32 v54, v27;
	[tilespmem:s30+$0xFFFFFF30] =	vst v62;
	v43 =	vadd.f32 v63, v25;
	v63 =	vor.u32 s14, v11  }
0x2a7: {  	v51 =	vor.u32 s3, v11;
	v59 =	vadd.f32 v59, v26;
	[tilespmem:s30+$0x30] =	vst v32;
	v36 =	vld.idx.msk [tilespmem:v55+s17+$0x0], $0xffff  }
0x2a8: {  	[tilespmem:s30+$0xFFFFFDB0] =	vst v54;
	v41 =	vld.idx.msk [tilespmem:v50+s17+$0x0], $0xffff;
	v55 =	vor.u32 s1, v11;
	v31 =	vadd.f32 v58, v31  }
0x2a9: {  	[tilespmem:s30+$0xFFFFFE30] =	vst v59;
	v49 =	vld.idx.msk [tilespmem:v57+s17+$0x0], $0xffff;
	v58 =	vor.u32 s22, v11  }
0x2aa: {  	v37 =	vadd.f32 v52, v22;
	[tilespmem:s30+$0x370] =	vst v31;
	v31 =	vor.u32 s13, v11;
	v52 =	vld.idx.msk [tilespmem:v61+s17+$0x0], $0xffff  }
0x2ab: {  	v48 =	vor.u32 s6, v11;
	[tilespmem:s30+$0xFFFFFEB0] =	vst v43;
	v35 =	vadd.f32 v56, v21;
	v39 =	vld.idx.msk [tilespmem:v63+s17+$0x0], $0xffff  }
0x2ac: {  	v59 =	vor.u32 s19, v11;
	[tilespmem:s30+$0xFFFFFFB0] =	vst v37;
	v54 =	vadd.f32 v60, v20;
	v60 =	vadd.f32 v36, v17;
	v36 =	vld.idx.msk [tilespmem:v51+s17+$0x0], $0xffff  }
0x2ad: {  	v61 =	vor.u32 s8, v11;
	[tilespmem:s30+$0xB0] =	vst v35;
	v56 =	vadd.f32 v41, v19;
	v51 =	vld.idx.msk [tilespmem:v55+s17+$0x0], $0xffff  }
0x2ae: {  	v53 =	vor.u32 s0, v11;
	[tilespmem:s30+$0x130] =	vst v54;
	v50 =	vld.idx.msk [tilespmem:v58+s17+$0x0], $0xffff  }
0x2af: {  	v62 =	vadd.f32 v49, v16;
	[tilespmem:s30+$0x1B0] =	vst v56;
	v31 =	vld.idx.msk [tilespmem:v31+s17+$0x0], $0xffff  }
0x2b0: {  	v57 =	vor.u32 s23, v11;
	v58 =	vadd.f32 v38, v18;
	v38 =	vld.idx.msk [tilespmem:v48+s17+$0x0], $0xffff;
	[tilespmem:s30+$0x2B0] =	vst v60  }
0x2b1: {  	v54 =	vor.u32 s2, v11;
	[tilespmem:s30+$0x3B0] =	vst v62;
	v56 =	vld.idx.msk [tilespmem:v59+s17+$0x0], $0xffff;
	v55 =	vadd.f32 v39, v27  }
0x2b2: {  	v49 =	vor.u32 s11, v11;
	[tilespmem:s30+$0x230] =	vst v58;
	v59 =	vld.idx.msk [tilespmem:v61+s17+$0x0], $0xffff;
	v61 =	vadd.f32 v36, v25  }
0x2b3: {  	v48 =	vld.idx.msk [tilespmem:v53+s17+$0x0], $0xffff;
	v60 =	vor.u32 s16, v10;
	v63 =	vadd.f32 v50, v29;
	[tilespmem:s30+$0xFFFFFDC0] =	vst v55  }
0x2b4: {  	v50 =	vadd.f32 v52, v30;
	v52 =	vor.u32 s7, v11;
	[tilespmem:s30+$0xFFFFFEC0] =	vst v61;
	v31 =	vadd.f32 v31, v28  }
0x2b5: {  	v53 =	vld.idx.msk [tilespmem:v57+s17+$0x0], $0xffff;
	v58 =	vor.u32 s22, v10;
	[tilespmem:s30+$0xFFFFFC40] =	vst v63  }
0x2b6: {  	v57 =	vor.u32 s21, v11;
	v33 =	vld.idx.msk [tilespmem:v54+s17+$0x0], $0xffff;
	[tilespmem:s30+$0xFFFFFD40] =	vst v31;
	v31 =	vadd.f32 v38, v26  }
0x2b7: {  	v62 =	vld.idx.msk [tilespmem:v49+s17+$0x0], $0xffff;
	v49 =	vor.u32 s14, v10;
	v55 =	vadd.f32 v56, v21;
	[tilespmem:s30+$0xFFFFFCC0] =	vst v50  }
0x2b8: {  	v63 =	vor.u32 s13, v10;
	v56 =	vld.idx.msk [tilespmem:v60+s17+$0x0], $0xffff;
	[tilespmem:s30+$0xFFFFFE40] =	vst v31;
	v31 =	vadd.f32 v48, v24  }
0x2b9: {  	v54 =	vor.u32 s3, v10;
	v50 =	vadd.f32 v51, v22;
	[tilespmem:s30+$0xC0] =	vst v55;
	v48 =	vld.idx.msk [tilespmem:v52+s17+$0x0], $0xffff  }
0x2ba: {  	v51 =	vor.u32 s6, v10;
	[tilespmem:s30+$0xFFFFFF40] =	vst v31;
	v31 =	vadd.f32 v53, v23;
	v53 =	vld.idx.msk [tilespmem:v58+s17+$0x0], $0xffff  }
0x2bb: {  	v33 =	vadd.f32 v33, v17;
	[tilespmem:s30+$0xFFFFFFC0] =	vst v50;
	v52 =	vld.idx.msk [tilespmem:v57+s17+$0x0], $0xffff;
	v57 =	vor.u32 s0, v10  }
0x2bc: {  	v60 =	vadd.f32 v62, v19;
	v61 =	vld.idx.msk [tilespmem:v49+s17+$0x0], $0xffff;
	v62 =	vor.u32 s23, v10;
	[tilespmem:s30+$0x40] =	vst v31;
	v31 =	vadd.f32 v59, v20  }
0x2bd: {  	[tilespmem:s30+$0x2C0] =	vst v33;
	v58 =	vld.idx.msk [tilespmem:v63+s17+$0x0], $0xffff;
	v59 =	vor.u32 s1, v10  }
0x2be: {  	v49 =	vld.idx.msk [tilespmem:v54+s17+$0x0], $0xffff;
	v50 =	vor.u32 s8, v10;
	[tilespmem:s30+$0x140] =	vst v31;
	v31 =	vadd.f32 v48, v18  }
0x2bf: {  	[tilespmem:s30+$0x1C0] =	vst v60;
	v63 =	vld.idx.msk [tilespmem:v51+s17+$0x0], $0xffff;
	v48 =	vor.u32 s19, v10;
	v51 =	vadd.f32 v53, v29  }
0x2c0: {  	v55 =	vor.u32 s7, v10;
	v40 =	vld.idx.msk [tilespmem:v57+s17+$0x0], $0xffff;
	[tilespmem:s30+$0x240] =	vst v31;
	v31 =	vadd.f32 v52, v16  }
0x2c1: {  	v53 =	vadd.f32 v56, v30;
	v56 =	vld.idx.msk [tilespmem:v62+s17+$0x0], $0xffff;
	v52 =	vor.u32 s11, v10;
	[tilespmem:s30+$0xFFFFFC50] =	vst v51  }
0x2c2: {  	v57 =	vor.u32 s2, v10;
	v54 =	vld.idx.msk [tilespmem:v59+s17+$0x0], $0xffff;
	[tilespmem:s30+$0x3C0] =	vst v31;
	v31 =	vadd.f32 v58, v28  }
0x2c3: {  	v60 =	vor.u32 s21, v10;
	v62 =	vld.idx.msk [tilespmem:v50+s17+$0x0], $0xffff;
	[tilespmem:s30+$0xFFFFFCD0] =	vst v53;
	v58 =	vadd.f32 v61, v27  }
0x2c4: {  	v61 =	vor.u32 s22, v9;
	v59 =	vld.idx.msk [tilespmem:v48+s17+$0x0], $0xffff;
	[tilespmem:s30+$0xFFFFFD50] =	vst v31;
	v31 =	vadd.f32 v63, v26  }
0x2c5: {  	v50 =	vor.u32 s13, v9;
	v51 =	vld.idx.msk [tilespmem:v55+s17+$0x0], $0xffff;
	v48 =	vadd.f32 v49, v25;
	[tilespmem:s30+$0xFFFFFDD0] =	vst v58  }
0x2c6: {  	v63 =	vor.u32 s16, v9;
	v49 =	vld.idx.msk [tilespmem:v52+s17+$0x0], $0xffff;
	[tilespmem:s30+$0xFFFFFE50] =	vst v31;
	v31 =	vadd.f32 v40, v24  }
0x2c7: {  	v38 =	vld.idx.msk [tilespmem:v57+s17+$0x0], $0xffff;
	v52 =	vor.u32 s14, v9;
	[tilespmem:s30+$0xFFFFFED0] =	vst v48;
	v53 =	vadd.f32 v54, v22  }
0x2c8: {  	v57 =	vor.u32 s3, v9;
	v55 =	vld.idx.msk [tilespmem:v60+s17+$0x0], $0xffff;
	[tilespmem:s30+$0xFFFFFF50] =	vst v31;
	v31 =	vadd.f32 v56, v23  }
0x2c9: {  	v54 =	vor.u32 s6, v9;
	v56 =	vld.idx.msk [tilespmem:v61+s17+$0x0], $0xffff;
	[tilespmem:s30+$0xFFFFFFD0] =	vst v53;
	v58 =	vadd.f32 v59, v21  }
0x2ca: {  	v61 =	vld.idx.msk [tilespmem:v50+s17+$0x0], $0xffff;
	v50 =	vor.u32 s19, v9;
	[tilespmem:s30+$0x50] =	vst v31;
	v31 =	vadd.f32 v62, v20  }
0x2cb: {  	v60 =	vor.u32 s0, v9;
	v59 =	vld.idx.msk [tilespmem:v63+s17+$0x0], $0xffff;
	[tilespmem:s30+$0xD0] =	vst v58;
	v63 =	vadd.f32 v49, v19  }
0x2cc: {  	v62 =	vor.u32 s1, v9;
	v48 =	vld.idx.msk [tilespmem:v52+s17+$0x0], $0xffff;
	[tilespmem:s30+$0x150] =	vst v31;
	v31 =	vadd.f32 v51, v18  }
0x2cd: {  	v53 =	vor.u32 s8, v9;
	v52 =	vld.idx.msk [tilespmem:v57+s17+$0x0], $0xffff;
	[tilespmem:s30+$0x1D0] =	vst v63;
	v51 =	vadd.f32 v38, v17  }
0x2ce: {  	v49 =	vor.u32 s23, v9;
	v39 =	vld.idx.msk [tilespmem:v54+s17+$0x0], $0xffff;
	v54 =	vadd.f32 v56, v29;
	[tilespmem:s30+$0x250] =	vst v31  }
0x2cf: {  	v56 =	vor.u32 s11, v9;
	v63 =	vld.idx.msk [tilespmem:v50+s17+$0x0], $0xffff;
	v31 =	vadd.f32 v55, v16;
	[tilespmem:s30+$0x2D0] =	vst v51  }
0x2d0: {  	v55 =	vld.idx.msk [tilespmem:v60+s17+$0x0], $0xffff;
	v57 =	vadd.f32 v59, v30;
	v51 =	vor.u32 s16, v8;
	[tilespmem:s30+$0xFFFFFC60] =	vst v54  }
0x2d1: {  	v59 =	vor.u32 s7, v9;
	v58 =	vld.idx.msk [tilespmem:v62+s17+$0x0], $0xffff;
	v62 =	vadd.f32 v48, v27;
	[tilespmem:s30+$0x3D0] =	vst v31  }
0x2d2: {  	v50 =	vld.idx.msk [tilespmem:v53+s17+$0x0], $0xffff;
	v48 =	vor.u32 s21, v9;
	v31 =	vadd.f32 v61, v28;
	[tilespmem:s30+$0xFFFFFCE0] =	vst v57  }
0x2d3: {  	v60 =	vld.idx.msk [tilespmem:v49+s17+$0x0], $0xffff;
	v52 =	vadd.f32 v52, v25;
	v61 =	vor.u32 s2, v9;
	[tilespmem:s30+$0xFFFFFDE0] =	vst v62  }
0x2d4: {  	v49 =	vor.u32 s22, v8;
	[tilespmem:s30+$0xFFFFFD60] =	vst v31;
	v31 =	vadd.f32 v39, v26;
	v53 =	vld.idx.msk [tilespmem:v56+s17+$0x0], $0xffff  }
0x2d5: {  	v54 =	vor.u32 s13, v8;
	[tilespmem:s30+$0xFFFFFEE0] =	vst v52;
	v62 =	vadd.f32 v63, v21;
	v63 =	vld.idx.msk [tilespmem:v51+s17+$0x0], $0xffff  }
0x2d6: {  	v56 =	vor.u32 s14, v8;
	[tilespmem:s30+$0xFFFFFE60] =	vst v31;
	v31 =	vadd.f32 v55, v24;
	v55 =	vld.idx.msk [tilespmem:v59+s17+$0x0], $0xffff  }
0x2d7: {  	v57 =	vadd.f32 v58, v22;
	v58 =	vor.u32 s6, v8;
	v59 =	vld.idx.msk [tilespmem:v48+s17+$0x0], $0xffff;
	[tilespmem:s30+$0xE0] =	vst v62  }
0x2d8: {  	v48 =	vor.u32 s0, v8;
	v34 =	vld.idx.msk [tilespmem:v61+s17+$0x0], $0xffff;
	[tilespmem:s30+$0xFFFFFF60] =	vst v31;
	v31 =	vadd.f32 v60, v23  }
0x2d9: {  	v61 =	vor.u32 s3, v8;
	v60 =	vld.idx.msk [tilespmem:v49+s17+$0x0], $0xffff;
	[tilespmem:s30+$0xFFFFFFE0] =	vst v57;
	v51 =	vadd.f32 v53, v19  }
0x2da: {  	v52 =	vor.u32 s23, v8;
	v49 =	vld.idx.msk [tilespmem:v54+s17+$0x0], $0xffff;
	[tilespmem:s30+$0x60] =	vst v31;
	v31 =	vadd.f32 v50, v20  }
0x2db: {  	v41 =	vld.idx.msk [tilespmem:v56+s17+$0x0], $0xffff;
	v50 =	vor.u32 s1, v8;
	v30 =	vadd.f32 v63, v30;
	[tilespmem:s30+$0x1E0] =	vst v51  }
0x2dc: {  	v54 =	vor.u32 s19, v8;
	v53 =	vld.idx.msk [tilespmem:v58+s17+$0x0], $0xffff;
	[tilespmem:s30+$0x160] =	vst v31;
	v31 =	vadd.f32 v55, v18  }
0x2dd: {  	s24 =	simm.s32 $0x17;
	v56 =	vor.u32 s8, v8;
	v57 =	vld.idx.msk [tilespmem:v48+s17+$0x0], $0xffff;
	v55 =	vadd.f32 v34, v17;
	[tilespmem:s30+$0xFFFFFCF0] =	vst v30  }
0x2de: {  	s31 =	simm.s32 $0x10;
	v35 =	vor.u32 s24, v15;
	v58 =	vor.u32 s11, v8;
	v44 =	vld.idx.msk [tilespmem:v61+s17+$0x0], $0xffff;
	v29 =	vadd.f32 v60, v29;
	[tilespmem:s30+$0x260] =	vst v31  }
0x2df: {  	v33 =	vor.u32 s31, v15;
	s16 =	simm.s32 $0x15;
	v61 =	vor.u32 s21, v8;
	v28 =	vadd.f32 v49, v28;
	v60 =	vld.idx.msk [tilespmem:v52+s17+$0x0], $0xffff;
	[tilespmem:s30+$0x2E0] =	vst v55  }
0x2e0: {  	v37 =	vor.u32 s16, v15;
	s22 =	simm.s32 $0x19;
	v31 =	vadd.f32 v59, v16;
	v59 =	vor.u32 s7, v8;
	v43 =	vld.idx.msk [tilespmem:v50+s17+$0x0], $0xffff;
	[tilespmem:s30+$0xFFFFFC70] =	vst v29  }
0x2e1: {  	v32 =	vor.u32 s22, v15;
	s23 =	simm.s32 $0x12;
	s19 =	simm.s32 $0x11;
	v34 =	vld.idx.msk [tilespmem:v54+s17+$0x0], $0xffff;
	v27 =	vadd.f32 v41, v27;
	v29 =	vor.u32 s2, v8;
	[tilespmem:s30+$0xFFFFFD70] =	vst v28  }
0x2e2: {  	v38 =	vor.u32 s23, v15;
	v40 =	vor.u32 s19, v15;
	s11 =	simm.s32 $0x14;
	[tilespmem:s30+$0x3E0] =	vst v31;
	v26 =	vadd.f32 v53, v26;
	v31 =	vld.idx.msk [tilespmem:v56+s17+$0x0], $0xffff  }
0x2e3: {  	s8 =	simm.s32 $0x16;
	s21 =	simm.s32 $0x13;
	v36 =	vor.u32 s11, v15;
	[tilespmem:s30+$0xFFFFFDF0] =	vst v27;
	v63 =	vadd.f32 v57, v24;
	v62 =	vadd.f32 v44, v25;
	v25 =	vld.idx.msk [tilespmem:v58+s17+$0x0], $0xffff  }
0x2e4: {  	s10 =	sadd.s32 $0x10, s25;
	s3 =	simm.s32 $0x1A;
	v30 =	vor.u32 s8, v15;
	v39 =	vor.u32 s21, v15;
	s7 =	simm.s32 $0x18;
	[tilespmem:s30+$0xFFFFFE70] =	vst v26;
	v42 =	vadd.f32 v60, v23;
	v23 =	vld.idx.msk [tilespmem:v61+s17+$0x0], $0xffff  }
0x2e5: {  	s13 =	simm.s32 $0x13A00;
	s14 =	simm.s32 $0x1C;
	s6 =	simm.s32 $0x1B;
	v28 =	vor.u32 s7, v15;
	v27 =	vor.u32 s3, v15;
	[tilespmem:s30+$0xFFFFFF70] =	vst v63;
	v24 =	vld.idx.msk [tilespmem:v59+s17+$0x0], $0xffff;
	v41 =	vadd.f32 v43, v22  }
0x2e6: {  	s0 =	simm.s32 $0x1D;
	s1 =	simm.s32 $0x20;
	s2 =	simm.s32 $0x1F;
	v26 =	vor.u32 s14, v15;
	[tilespmem:s30+$0xFFFFFEF0] =	vst v62;
	v22 =	vld.idx.msk [tilespmem:v29+s17+$0x0], $0xffff;
	v29 =	vor.u32 s6, v15  }
.LBB2_5:
0x2e7: {  	p0 =	slt.u32 s1, $0x30;
	s4 =	sadd.s32 $0x40, s10;
	v33 =	vld.idx.msk [tilespmem:v33+s17+$0x0], $0xffff;
	v43 =	vor.u32 s0, v15;
	s5 =	sadd.s32 $0x4E, s10;
	v44 =	vor.u32 s2, v15;
	[tilespmem:s30+$0xFFFFFFF0] =	vst v41;
	v34 =	vadd.f32 v34, v21  }
0x2e8: {  	s9 =	sadd.s32 $0x42, s10;
	s18 =	sadd.s32 $0x43, s10;
	v31 =	vadd.f32 v31, v20;
	v41 =	vmov s4;
	s4 =	sadd.s32 $0x41, s10;
	v21 =	vld.idx.msk [tilespmem:v40+s17+$0x0], $0xffff;
	v40 =	vmov s5;
	[tilespmem:s30+$0x70] =	vst v42  }
0x2e9: {  	v45 =	vmov s9;
	s5 =	sadd.s32 $0x45, s10;
	s9 =	sadd.s32 $0xE, s31;
	v42 =	vmov s4;
	v20 =	vld.idx.msk [tilespmem:v38+s17+$0x0], $0xffff;
	s4 =	sadd.s32 $0x44, s10;
	v38 =	vand.u32 $0xFFFFFFFE, v40;
	[tilespmem:s30+$0xF0] =	vst v34  }
0x2ea: {  	s20 =	sadd.s32 $0x47, s10;
	s29 =	sadd.s32 $0x48, s10;
	v34 =	vmov s18;
	s18 =	sadd.s32 $0x46, s10;
	v40 =	vor.u32 s9, v15;
	v39 =	vld.idx.msk [tilespmem:v39+s17+$0x0], $0xffff;
	v38 =	vbroadcast v38, $0x0;
	[tilespmem:s30+$0x170] =	vst v31  }
0x2eb: {  	v46 =	vmov s5;
	s5 =	sadd.s32 $0x4A, s10;
	v31 =	vmov s4;
	v47 =	vmov s18;
	s4 =	sadd.s32 $0x49, s10;
	s18 =	sadd.s32 $0x4B, s10;
	v36 =	vld.idx.msk [tilespmem:v36+s17+$0x0], $0xffff  }
0x2ec: {  	v48 =	vmov s20;
	v49 =	vmov s29;
	s20 =	sadd.s32 $0x4D, s10;
	v50 =	vmov s4;
	s4 =	sadd.s32 $0x4C, s10;
	s10 =	sadd.s32 $0x4F, s10;
	v37 =	vld.idx.msk [tilespmem:v37+s17+$0x0], $0xffff  }
0x2ed: {  	v52 =	vmov s18;
	v53 =	vmov s4;
	v51 =	vld.idx.msk [tilespmem:v30+s17+$0x0], $0xffff;
	v30 =	vmov s5  }
0x2ee: {  	v41 =	vand.u32 $0xFFFFFFF0, v41;
	v54 =	vmov s20;
	v42 =	vand.u32 $0xFFFFFFF1, v42;
	v35 =	vld.idx.msk [tilespmem:v35+s17+$0x0], $0xffff  }
0x2ef: {  	v45 =	vand.u32 $0xFFFFFFF2, v45;
	v34 =	vand.u32 $0xFFFFFFF3, v34;
	v55 =	vand.u32 $0xFFFFFFF4, v31;
	v40 =	vld.idx.msk [tilespmem:v40+s17+$0x0], $0xffff  }
0x2f0: {  	v48 =	vand.u32 $0xFFFFFFF7, v48;
	v46 =	vand.u32 $0xFFFFFFF5, v46;
	v47 =	vand.u32 $0xFFFFFFF6, v47;
	v31 =	vld.idx.msk [tilespmem:v38+s12+$0x0], $0xffff  }
0x2f1: {  	v30 =	vand.u32 $0xFFFFFFFA, v30;
	v38 =	vand.u32 $0xFFFFFFF8, v49;
	v49 =	vld.idx.msk [tilespmem:v28+s17+$0x0], $0xffff;
	v28 =	vand.u32 $0xFFFFFFF9, v50  }
0x2f2: {  	v50 =	vand.u32 $0xFFFFFFFB, v52;
	v52 =	vand.u32 $0xFFFFFFFC, v53;
	v53 =	vand.u32 $0xFFFFFFFD, v54;
	v32 =	vld.idx.msk [tilespmem:v32+s17+$0x0], $0xffff  }
0x2f3: {  	v41 =	vbroadcast v41, $0x0;
	v42 =	vbroadcast v42, $0x0;
	v54 =	vld.idx.msk [tilespmem:v27+s17+$0x0], $0xffff;
	v27 =	vmov s10  }
0x2f4: {  	v45 =	vbroadcast v45, $0x0;
	v34 =	vbroadcast v34, $0x0;
	v56 =	vld.idx.msk [tilespmem:v29+s17+$0x0], $0xffff;
	v29 =	vor.u32 s9, v14  }
0x2f5: {  	v19 =	vadd.f32 v25, v19;
	v46 =	vbroadcast v46, $0x0;
	v55 =	vbroadcast v55, $0x0;
	v57 =	vld.idx.msk [tilespmem:v26+s17+$0x0], $0xffff  }
0x2f6: {  	v48 =	vbroadcast v48, $0x0;
	v47 =	vbroadcast v47, $0x0;
	v25 =	vadd.f32 v40, v31;
	v43 =	vld.idx.msk [tilespmem:v43+s17+$0x0], $0xffff  }
0x2f7: {  	v18 =	vadd.f32 v24, v18;
	s30 =	sadd.s32 $0x800, s30;
	v38 =	vbroadcast v38, $0x0;
	v40 =	vbroadcast v28, $0x0;
	v44 =	vld.idx.msk [tilespmem:v44+s17+$0x0], $0xffff;
	[tilespmem:s13+$0x1F0] =	vst v19  }
0x2f8: {  	v17 =	vadd.f32 v22, v17;
	v50 =	vbroadcast v50, $0x0;
	v19 =	vbroadcast v30, $0x0;
	[tilespmem:s30+$0x300] =	vst v25;
	v24 =	vld.idx.msk [tilespmem:v27+s12+$0x0], $0xffff  }
0x2f9: {  	v16 =	vadd.f32 v23, v16;
	v52 =	vbroadcast v52, $0x0;
	v53 =	vbroadcast v53, $0x0;
	v22 =	vld.idx.msk [tilespmem:v29+s17+$0x0], $0xffff;
	[tilespmem:s13+$0x270] =	vst v18  }
0x2fa: {  	v30 =	vld.idx.msk [tilespmem:v41+s12+$0x0], $0xffff;
	[tilespmem:s13+$0x2F0] =	vst v17  }
0x2fb: {  	v29 =	vld.idx.msk [tilespmem:v42+s12+$0x0], $0xffff;
	[tilespmem:s13+$0x3F0] =	vst v16;
	s13 =	smov.u32 s30  }
0x2fc: {  	v28 =	vld.idx.msk [tilespmem:v45+s12+$0x0], $0xffff  }
0x2fd: {  	v17 =	vor.u32 s9, v13;
	v27 =	vld.idx.msk [tilespmem:v34+s12+$0x0], $0xffff  }
0x2fe: {  	v18 =	vadd.f32 v44, v24;
	v16 =	vmov v24;
	v26 =	vld.idx.msk [tilespmem:v55+s12+$0x0], $0xffff  }
0x2ff: {  	v23 =	vadd.f32 v22, v31;
	v25 =	vld.idx.msk [tilespmem:v46+s12+$0x0], $0xffff  }
0x300: {  	v33 =	vadd.f32 v33, v30;
	v24 =	vld.idx.msk [tilespmem:v47+s12+$0x0], $0xffff;
	[tilespmem:s30+$0x380] =	vst v18  }
0x301: {  	v18 =	vadd.f32 v21, v29;
	v22 =	vld.idx.msk [tilespmem:v48+s12+$0x0], $0xffff;
	[tilespmem:s30+$0x310] =	vst v23  }
0x302: {  	v20 =	vadd.f32 v20, v28;
	[tilespmem:s30+$0xFFFFFC00] =	vst v33;
	v33 =	vld.idx.msk [tilespmem:v17+s17+$0x0], $0xffff  }
0x303: {  	v17 =	vadd.f32 v39, v27;
	[tilespmem:s30+$0xFFFFFC80] =	vst v18;
	v23 =	vld.idx.msk [tilespmem:v38+s12+$0x0], $0xffff  }
0x304: {  	v34 =	vor.u32 s31, v14;
	v18 =	vadd.f32 v36, v26;
	[tilespmem:s30+$0xFFFFFD00] =	vst v20;
	v21 =	vld.idx.msk [tilespmem:v40+s12+$0x0], $0xffff  }
0x305: {  	v36 =	vor.u32 s19, v14;
	[tilespmem:s30+$0xFFFFFD80] =	vst v17;
	v17 =	vadd.f32 v37, v25;
	v20 =	vld.idx.msk [tilespmem:v19+s12+$0x0], $0xffff  }
0x306: {  	v38 =	vor.u32 s9, v12;
	v37 =	vadd.f32 v51, v24;
	[tilespmem:s30+$0xFFFFFE00] =	vst v18;
	v19 =	vld.idx.msk [tilespmem:v50+s12+$0x0], $0xffff  }
0x307: {  	v39 =	vor.u32 s23, v14;
	v35 =	vadd.f32 v35, v22;
	[tilespmem:s30+$0xFFFFFE80] =	vst v17;
	v18 =	vld.idx.msk [tilespmem:v52+s12+$0x0], $0xffff  }
0x308: {  	v40 =	vor.u32 s21, v14;
	v33 =	vadd.f32 v33, v31;
	[tilespmem:s30+$0xFFFFFF00] =	vst v37;
	v17 =	vld.idx.msk [tilespmem:v53+s12+$0x0], $0xffff  }
0x309: {  	v37 =	vor.u32 s11, v14;
	v34 =	vld.idx.msk [tilespmem:v34+s17+$0x0], $0xffff;
	[tilespmem:s30+$0xFFFFFF80] =	vst v35;
	v35 =	vadd.f32 v49, v23  }
0x30a: {  	v41 =	vor.u32 s16, v14;
	v32 =	vadd.f32 v32, v21;
	v36 =	vld.idx.msk [tilespmem:v36+s17+$0x0], $0xffff;
	[tilespmem:s30+$0x320] =	vst v33  }
0x30b: {  	v33 =	vor.u32 s8, v14;
	[tilespmem:s30+$0x0] =	vst v35;
	v35 =	vadd.f32 v54, v20;
	v38 =	vld.idx.msk [tilespmem:v38+s17+$0x0], $0xffff  }
0x30c: {  	v42 =	vor.u32 s24, v14;
	v39 =	vld.idx.msk [tilespmem:v39+s17+$0x0], $0xffff;
	[tilespmem:s30+$0x80] =	vst v32;
	v32 =	vadd.f32 v56, v19  }
0x30d: {  	v44 =	vor.u32 s7, v14;
	v40 =	vld.idx.msk [tilespmem:v40+s17+$0x0], $0xffff;
	[tilespmem:s30+$0x100] =	vst v35;
	v35 =	vadd.f32 v57, v18  }
0x30e: {  	v45 =	vor.u32 s22, v14;
	v37 =	vld.idx.msk [tilespmem:v37+s17+$0x0], $0xffff;
	[tilespmem:s30+$0x180] =	vst v32;
	v32 =	vadd.f32 v43, v17  }
0x30f: {  	v34 =	vadd.f32 v34, v30;
	v41 =	vld.idx.msk [tilespmem:v41+s17+$0x0], $0xffff;
	[tilespmem:s30+$0x200] =	vst v35;
	v35 =	vor.u32 s9, v11  }
0x310: {  	v43 =	vor.u32 s3, v14;
	v36 =	vadd.f32 v36, v29;
	v33 =	vld.idx.msk [tilespmem:v33+s17+$0x0], $0xffff;
	[tilespmem:s30+$0x280] =	vst v32  }
0x311: {  	v38 =	vadd.f32 v38, v31;
	[tilespmem:s30+$0xFFFFFC10] =	vst v34;
	v32 =	vld.idx.msk [tilespmem:v42+s17+$0x0], $0xffff;
	v34 =	vor.u32 s6, v14  }
0x312: {  	v42 =	vor.u32 s14, v14;
	[tilespmem:s30+$0xFFFFFC90] =	vst v36;
	v36 =	vadd.f32 v39, v28;
	v39 =	vld.idx.msk [tilespmem:v44+s17+$0x0], $0xffff  }
0x313: {  	v40 =	vadd.f32 v40, v27;
	v44 =	vld.idx.msk [tilespmem:v45+s17+$0x0], $0xffff;
	v45 =	vor.u32 s0, v14;
	[tilespmem:s30+$0x330] =	vst v38  }
0x314: {  	[tilespmem:s30+$0xFFFFFD10] =	vst v36;
	v36 =	vadd.f32 v37, v26;
	v35 =	vld.idx.msk [tilespmem:v35+s17+$0x0], $0xffff;
	v37 =	vor.u32 s2, v14  }
0x315: {  	v38 =	vor.u32 s31, v13;
	[tilespmem:s30+$0xFFFFFD90] =	vst v40;
	v40 =	vadd.f32 v41, v25;
	v41 =	vld.idx.msk [tilespmem:v43+s17+$0x0], $0xffff  }
0x316: {  	v43 =	vor.u32 s19, v13;
	v33 =	vadd.f32 v33, v24;
	[tilespmem:s30+$0xFFFFFE10] =	vst v36;
	v34 =	vld.idx.msk [tilespmem:v34+s17+$0x0], $0xffff  }
0x317: {  	v36 =	vor.u32 s23, v13;
	v32 =	vadd.f32 v32, v22;
	[tilespmem:s30+$0xFFFFFE90] =	vst v40;
	v40 =	vld.idx.msk [tilespmem:v42+s17+$0x0], $0xffff  }
0x318: {  	v42 =	vor.u32 s9, v10;
	[tilespmem:s30+$0xFFFFFF10] =	vst v33;
	v33 =	vadd.f32 v39, v23;
	v39 =	vld.idx.msk [tilespmem:v45+s17+$0x0], $0xffff  }
0x319: {  	v45 =	vor.u32 s21, v13;
	[tilespmem:s30+$0xFFFFFF90] =	vst v32;
	v32 =	vadd.f32 v44, v21;
	v37 =	vld.idx.msk [tilespmem:v37+s17+$0x0], $0xffff  }
0x31a: {  	v44 =	vor.u32 s11, v13;
	v38 =	vld.idx.msk [tilespmem:v38+s17+$0x0], $0xffff;
	[tilespmem:s30+$0x10] =	vst v33;
	v33 =	vadd.f32 v35, v31  }
0x31b: {  	v35 =	vld.idx.msk [tilespmem:v43+s17+$0x0], $0xffff;
	v43 =	vor.u32 s16, v13;
	[tilespmem:s30+$0x90] =	vst v32;
	v32 =	vadd.f32 v41, v20  }
0x31c: {  	v41 =	vor.u32 s8, v13;
	v34 =	vadd.f32 v34, v19;
	v36 =	vld.idx.msk [tilespmem:v36+s17+$0x0], $0xffff;
	[tilespmem:s30+$0x340] =	vst v33  }
0x31d: {  	v33 =	vor.u32 s24, v13;
	[tilespmem:s30+$0x110] =	vst v32;
	v32 =	vadd.f32 v40, v18;
	v40 =	vld.idx.msk [tilespmem:v42+s17+$0x0], $0xffff  }
0x31e: {  	v42 =	vld.idx.msk [tilespmem:v45+s17+$0x0], $0xffff;
	v45 =	vor.u32 s7, v13;
	[tilespmem:s30+$0x190] =	vst v34;
	v34 =	vadd.f32 v39, v17  }
0x31f: {  	v39 =	vld.idx.msk [tilespmem:v44+s17+$0x0], $0xffff;
	v44 =	vor.u32 s22, v13;
	[tilespmem:s30+$0x210] =	vst v32;
	v32 =	vadd.f32 v37, v16  }
0x320: {  	v37 =	vadd.f32 v38, v30;
	v38 =	vld.idx.msk [tilespmem:v43+s17+$0x0], $0xffff;
	v43 =	vor.u32 s3, v13;
	[tilespmem:s30+$0x290] =	vst v34  }
0x321: {  	v34 =	vadd.f32 v35, v29;
	v35 =	vld.idx.msk [tilespmem:v41+s17+$0x0], $0xffff;
	v41 =	vor.u32 s9, v9;
	[tilespmem:s30+$0x390] =	vst v32  }
0x322: {  	v32 =	vadd.f32 v36, v28;
	v36 =	vor.u32 s6, v13;
	[tilespmem:s30+$0xFFFFFC20] =	vst v37;
	v33 =	vld.idx.msk [tilespmem:v33+s17+$0x0], $0xffff  }
0x323: {  	v37 =	vor.u32 s14, v13;
	v40 =	vadd.f32 v40, v31;
	[tilespmem:s30+$0xFFFFFCA0] =	vst v34;
	v34 =	vld.idx.msk [tilespmem:v45+s17+$0x0], $0xffff  }
0x324: {  	[tilespmem:s30+$0xFFFFFD20] =	vst v32;
	v32 =	vadd.f32 v42, v27;
	v42 =	vld.idx.msk [tilespmem:v44+s17+$0x0], $0xffff;
	v44 =	vor.u32 s0, v13  }
0x325: {  	v39 =	vadd.f32 v39, v26;
	v43 =	vld.idx.msk [tilespmem:v43+s17+$0x0], $0xffff;
	[tilespmem:s30+$0x350] =	vst v40;
	v40 =	vor.u32 s2, v13  }
0x326: {  	v45 =	vor.u32 s31, v12;
	[tilespmem:s30+$0xFFFFFDA0] =	vst v32;
	v32 =	vadd.f32 v38, v25;
	v38 =	vld.idx.msk [tilespmem:v41+s17+$0x0], $0xffff  }
0x327: {  	v41 =	vor.u32 s19, v12;
	v35 =	vadd.f32 v35, v24;
	[tilespmem:s30+$0xFFFFFE20] =	vst v39;
	v36 =	vld.idx.msk [tilespmem:v36+s17+$0x0], $0xffff  }
0x328: {  	v39 =	vor.u32 s23, v12;
	[tilespmem:s30+$0xFFFFFEA0] =	vst v32;
	v32 =	vadd.f32 v33, v22;
	v33 =	vld.idx.msk [tilespmem:v37+s17+$0x0], $0xffff  }
0x329: {  	v37 =	vor.u32 s21, v12;
	v34 =	vadd.f32 v34, v23;
	[tilespmem:s30+$0xFFFFFF20] =	vst v35;
	v35 =	vld.idx.msk [tilespmem:v44+s17+$0x0], $0xffff  }
0x32a: {  	[tilespmem:s30+$0xFFFFFFA0] =	vst v32;
	v32 =	vadd.f32 v42, v21;
	v42 =	vor.u32 s9, v8;
	v40 =	vld.idx.msk [tilespmem:v40+s17+$0x0], $0xffff  }
0x32b: {  	v44 =	vld.idx.msk [tilespmem:v45+s17+$0x0], $0xffff;
	v45 =	vor.u32 s11, v12;
	[tilespmem:s30+$0x20] =	vst v34;
	v34 =	vadd.f32 v43, v20  }
0x32c: {  	v43 =	vor.u32 s16, v12;
	v41 =	vld.idx.msk [tilespmem:v41+s17+$0x0], $0xffff;
	[tilespmem:s30+$0xA0] =	vst v32;
	v32 =	vadd.f32 v38, v31  }
0x32d: {  	v38 =	vld.idx.msk [tilespmem:v39+s17+$0x0], $0xffff;
	v39 =	vor.u32 s8, v12;
	[tilespmem:s30+$0x120] =	vst v34;
	v34 =	vadd.f32 v36, v19  }
0x32e: {  	v33 =	vadd.f32 v33, v18;
	v36 =	vld.idx.msk [tilespmem:v37+s17+$0x0], $0xffff;
	v37 =	vor.u32 s24, v12;
	[tilespmem:s30+$0x360] =	vst v32  }
0x32f: {  	v32 =	vor.u32 s7, v12;
	[tilespmem:s30+$0x1A0] =	vst v34;
	v34 =	vadd.f32 v35, v17;
	v35 =	vld.idx.msk [tilespmem:v42+s17+$0x0], $0xffff  }
0x330: {  	v42 =	vld.idx.msk [tilespmem:v45+s17+$0x0], $0xffff;
	v45 =	vor.u32 s22, v12;
	[tilespmem:s30+$0x220] =	vst v33;
	v33 =	vadd.f32 v40, v16  }
0x331: {  	v40 =	vadd.f32 v44, v30;
	v44 =	vor.u32 s3, v12;
	v43 =	vld.idx.msk [tilespmem:v43+s17+$0x0], $0xffff;
	[tilespmem:s30+$0x2A0] =	vst v34  }
0x332: {  	v34 =	vadd.f32 v41, v29;
	v41 =	vor.u32 s6, v12;
	v39 =	vld.idx.msk [tilespmem:v39+s17+$0x0], $0xffff;
	[tilespmem:s30+$0x3A0] =	vst v33  }
0x333: {  	v33 =	vadd.f32 v38, v28;
	v38 =	vor.u32 s14, v12;
	[tilespmem:s30+$0xFFFFFC30] =	vst v40;
	v37 =	vld.idx.msk [tilespmem:v37+s17+$0x0], $0xffff  }
0x334: {  	[tilespmem:s30+$0xFFFFFCB0] =	vst v34;
	v34 =	vadd.f32 v36, v27;
	v32 =	vld.idx.msk [tilespmem:v32+s17+$0x0], $0xffff;
	v36 =	vor.u32 s0, v12  }
0x335: {  	v31 =	vadd.f32 v35, v31;
	v35 =	vor.u32 s2, v12;
	[tilespmem:s30+$0xFFFFFD30] =	vst v33;
	v33 =	vld.idx.msk [tilespmem:v45+s17+$0x0], $0xffff  }
0x336: {  	v40 =	vor.u32 s31, v11;
	[tilespmem:s30+$0xFFFFFDB0] =	vst v34;
	v34 =	vadd.f32 v42, v26;
	v42 =	vld.idx.msk [tilespmem:v44+s17+$0x0], $0xffff  }
0x337: {  	v44 =	vor.u32 s19, v11;
	v43 =	vadd.f32 v43, v25;
	v41 =	vld.idx.msk [tilespmem:v41+s17+$0x0], $0xffff;
	[tilespmem:s30+$0x370] =	vst v31  }
0x338: {  	v31 =	vor.u32 s23, v11;
	[tilespmem:s30+$0xFFFFFE30] =	vst v34;
	v34 =	vadd.f32 v39, v24;
	v38 =	vld.idx.msk [tilespmem:v38+s17+$0x0], $0xffff  }
0x339: {  	v39 =	vor.u32 s21, v11;
	v37 =	vadd.f32 v37, v22;
	[tilespmem:s30+$0xFFFFFEB0] =	vst v43;
	v36 =	vld.idx.msk [tilespmem:v36+s17+$0x0], $0xffff  }
0x33a: {  	v43 =	vor.u32 s11, v11;
	v32 =	vadd.f32 v32, v23;
	[tilespmem:s30+$0xFFFFFF30] =	vst v34;
	v34 =	vld.idx.msk [tilespmem:v35+s17+$0x0], $0xffff  }
0x33b: {  	v33 =	vadd.f32 v33, v21;
	v35 =	vld.idx.msk [tilespmem:v40+s17+$0x0], $0xffff;
	v40 =	vor.u32 s16, v11;
	[tilespmem:s30+$0xFFFFFFB0] =	vst v37  }
0x33c: {  	v37 =	vld.idx.msk [tilespmem:v44+s17+$0x0], $0xffff;
	v44 =	vor.u32 s8, v11;
	[tilespmem:s30+$0x30] =	vst v32;
	v32 =	vadd.f32 v42, v20  }
0x33d: {  	v42 =	vor.u32 s24, v11;
	v31 =	vld.idx.msk [tilespmem:v31+s17+$0x0], $0xffff;
	[tilespmem:s30+$0xB0] =	vst v33;
	v33 =	vadd.f32 v41, v19  }
0x33e: {  	v41 =	vor.u32 s7, v11;
	v39 =	vld.idx.msk [tilespmem:v39+s17+$0x0], $0xffff;
	[tilespmem:s30+$0x130] =	vst v32;
	v32 =	vadd.f32 v38, v18  }
0x33f: {  	v38 =	vld.idx.msk [tilespmem:v43+s17+$0x0], $0xffff;
	v43 =	vor.u32 s22, v11;
	[tilespmem:s30+$0x1B0] =	vst v33;
	v33 =	vadd.f32 v36, v17  }
0x340: {  	v36 =	vld.idx.msk [tilespmem:v40+s17+$0x0], $0xffff;
	v40 =	vor.u32 s3, v11;
	[tilespmem:s30+$0x230] =	vst v32;
	v32 =	vadd.f32 v34, v16  }
0x341: {  	v34 =	vadd.f32 v35, v30;
	v35 =	vld.idx.msk [tilespmem:v44+s17+$0x0], $0xffff;
	v44 =	vor.u32 s6, v11;
	[tilespmem:s30+$0x2B0] =	vst v33  }
0x342: {  	v33 =	vadd.f32 v37, v29;
	v37 =	vld.idx.msk [tilespmem:v42+s17+$0x0], $0xffff;
	v42 =	vor.u32 s14, v11;
	[tilespmem:s30+$0x3B0] =	vst v32  }
0x343: {  	v31 =	vadd.f32 v31, v28;
	[tilespmem:s30+$0xFFFFFC40] =	vst v34;
	v32 =	vld.idx.msk [tilespmem:v41+s17+$0x0], $0xffff;
	v34 =	vor.u32 s0, v11  }
0x344: {  	v41 =	vor.u32 s2, v11;
	[tilespmem:s30+$0xFFFFFCC0] =	vst v33;
	v33 =	vadd.f32 v39, v27;
	v39 =	vld.idx.msk [tilespmem:v43+s17+$0x0], $0xffff  }
0x345: {  	v43 =	vor.u32 s31, v10;
	[tilespmem:s30+$0xFFFFFD40] =	vst v31;
	v31 =	vadd.f32 v38, v26;
	v38 =	vld.idx.msk [tilespmem:v40+s17+$0x0], $0xffff  }
0x346: {  	v40 =	vor.u32 s19, v10;
	[tilespmem:s30+$0xFFFFFDC0] =	vst v33;
	v33 =	vadd.f32 v36, v25;
	v36 =	vld.idx.msk [tilespmem:v44+s17+$0x0], $0xffff  }
0x347: {  	v44 =	vor.u32 s23, v10;
	[tilespmem:s30+$0xFFFFFE40] =	vst v31;
	v31 =	vadd.f32 v35, v24;
	v35 =	vld.idx.msk [tilespmem:v42+s17+$0x0], $0xffff  }
0x348: {  	v42 =	vor.u32 s21, v10;
	[tilespmem:s30+$0xFFFFFEC0] =	vst v33;
	v33 =	vadd.f32 v37, v22;
	v34 =	vld.idx.msk [tilespmem:v34+s17+$0x0], $0xffff  }
0x349: {  	v37 =	vor.u32 s11, v10;
	[tilespmem:s30+$0xFFFFFF40] =	vst v31;
	v31 =	vadd.f32 v32, v23;
	v32 =	vld.idx.msk [tilespmem:v41+s17+$0x0], $0xffff  }
0x34a: {  	v41 =	vld.idx.msk [tilespmem:v43+s17+$0x0], $0xffff;
	v43 =	vor.u32 s16, v10;
	[tilespmem:s30+$0xFFFFFFC0] =	vst v33;
	v33 =	vadd.f32 v39, v21  }
0x34b: {  	v39 =	vld.idx.msk [tilespmem:v40+s17+$0x0], $0xffff;
	v40 =	vor.u32 s8, v10;
	[tilespmem:s30+$0x40] =	vst v31;
	v31 =	vadd.f32 v38, v20  }
0x34c: {  	v38 =	vld.idx.msk [tilespmem:v44+s17+$0x0], $0xffff;
	v44 =	vor.u32 s24, v10;
	[tilespmem:s30+$0xC0] =	vst v33;
	v33 =	vadd.f32 v36, v19  }
0x34d: {  	v36 =	vld.idx.msk [tilespmem:v42+s17+$0x0], $0xffff;
	v42 =	vor.u32 s7, v10;
	[tilespmem:s30+$0x140] =	vst v31;
	v31 =	vadd.f32 v35, v18  }
0x34e: {  	v35 =	vld.idx.msk [tilespmem:v37+s17+$0x0], $0xffff;
	v37 =	vor.u32 s22, v10;
	[tilespmem:s30+$0x1C0] =	vst v33;
	v33 =	vadd.f32 v34, v17  }
0x34f: {  	v34 =	vld.idx.msk [tilespmem:v43+s17+$0x0], $0xffff;
	v43 =	vor.u32 s3, v10;
	[tilespmem:s30+$0x240] =	vst v31;
	v31 =	vadd.f32 v32, v16  }
0x350: {  	v32 =	vadd.f32 v41, v30;
	v41 =	vor.u32 s6, v10;
	v40 =	vld.idx.msk [tilespmem:v40+s17+$0x0], $0xffff;
	[tilespmem:s30+$0x2C0] =	vst v33  }
0x351: {  	v33 =	vadd.f32 v39, v29;
	v39 =	vld.idx.msk [tilespmem:v44+s17+$0x0], $0xffff;
	v44 =	vor.u32 s14, v10;
	[tilespmem:s30+$0x3C0] =	vst v31  }
0x352: {  	v31 =	vadd.f32 v38, v28;
	v38 =	vor.u32 s0, v10;
	[tilespmem:s30+$0xFFFFFC50] =	vst v32;
	v32 =	vld.idx.msk [tilespmem:v42+s17+$0x0], $0xffff  }
0x353: {  	[tilespmem:s30+$0xFFFFFCD0] =	vst v33;
	v33 =	vadd.f32 v36, v27;
	v36 =	vld.idx.msk [tilespmem:v37+s17+$0x0], $0xffff;
	v37 =	vor.u32 s2, v10  }
0x354: {  	v42 =	vor.u32 s31, v9;
	[tilespmem:s30+$0xFFFFFD50] =	vst v31;
	v31 =	vadd.f32 v35, v26;
	v35 =	vld.idx.msk [tilespmem:v43+s17+$0x0], $0xffff  }
0x355: {  	v43 =	vor.u32 s19, v9;
	[tilespmem:s30+$0xFFFFFDD0] =	vst v33;
	v33 =	vadd.f32 v34, v25;
	v34 =	vld.idx.msk [tilespmem:v41+s17+$0x0], $0xffff  }
0x356: {  	v41 =	vor.u32 s23, v9;
	[tilespmem:s30+$0xFFFFFE50] =	vst v31;
	v31 =	vadd.f32 v40, v24;
	v40 =	vld.idx.msk [tilespmem:v44+s17+$0x0], $0xffff  }
0x357: {  	v44 =	vor.u32 s21, v9;
	[tilespmem:s30+$0xFFFFFED0] =	vst v33;
	v33 =	vadd.f32 v39, v22;
	v38 =	vld.idx.msk [tilespmem:v38+s17+$0x0], $0xffff  }
0x358: {  	v39 =	vor.u32 s11, v9;
	[tilespmem:s30+$0xFFFFFF50] =	vst v31;
	v31 =	vadd.f32 v32, v23;
	v32 =	vld.idx.msk [tilespmem:v37+s17+$0x0], $0xffff  }
0x359: {  	v37 =	vld.idx.msk [tilespmem:v42+s17+$0x0], $0xffff;
	v42 =	vor.u32 s16, v9;
	[tilespmem:s30+$0xFFFFFFD0] =	vst v33;
	v33 =	vadd.f32 v36, v21  }
0x35a: {  	v36 =	vld.idx.msk [tilespmem:v43+s17+$0x0], $0xffff;
	v43 =	vor.u32 s8, v9;
	[tilespmem:s30+$0x50] =	vst v31;
	v31 =	vadd.f32 v35, v20  }
0x35b: {  	v35 =	vld.idx.msk [tilespmem:v41+s17+$0x0], $0xffff;
	v41 =	vor.u32 s24, v9;
	[tilespmem:s30+$0xD0] =	vst v33;
	v33 =	vadd.f32 v34, v19  }
0x35c: {  	v34 =	vld.idx.msk [tilespmem:v44+s17+$0x0], $0xffff;
	v44 =	vor.u32 s7, v9;
	[tilespmem:s30+$0x150] =	vst v31;
	v31 =	vadd.f32 v40, v18  }
0x35d: {  	v40 =	vor.u32 s22, v9;
	v39 =	vld.idx.msk [tilespmem:v39+s17+$0x0], $0xffff;
	[tilespmem:s30+$0x1D0] =	vst v33;
	v33 =	vadd.f32 v38, v17  }
0x35e: {  	v38 =	vld.idx.msk [tilespmem:v42+s17+$0x0], $0xffff;
	v42 =	vor.u32 s3, v9;
	[tilespmem:s30+$0x250] =	vst v31;
	v31 =	vadd.f32 v32, v16  }
0x35f: {  	v32 =	vadd.f32 v37, v30;
	v37 =	vld.idx.msk [tilespmem:v43+s17+$0x0], $0xffff;
	v43 =	vor.u32 s6, v9;
	[tilespmem:s30+$0x2D0] =	vst v33  }
0x360: {  	v33 =	vadd.f32 v36, v29;
	v36 =	vld.idx.msk [tilespmem:v41+s17+$0x0], $0xffff;
	v41 =	vor.u32 s14, v9;
	[tilespmem:s30+$0x3D0] =	vst v31  }
0x361: {  	v31 =	vadd.f32 v35, v28;
	v35 =	vor.u32 s0, v9;
	[tilespmem:s30+$0xFFFFFC60] =	vst v32;
	v32 =	vld.idx.msk [tilespmem:v44+s17+$0x0], $0xffff  }
0x362: {  	[tilespmem:s30+$0xFFFFFCE0] =	vst v33;
	v33 =	vadd.f32 v34, v27;
	v34 =	vld.idx.msk [tilespmem:v40+s17+$0x0], $0xffff;
	v40 =	vor.u32 s2, v9  }
0x363: {  	v44 =	vor.u32 s31, v8;
	s31 =	smov.u32 s1;
	[tilespmem:s30+$0xFFFFFD60] =	vst v31;
	v31 =	vadd.f32 v39, v26;
	v39 =	vld.idx.msk [tilespmem:v42+s17+$0x0], $0xffff  }
0x364: {  	v42 =	vor.u32 s19, v8;
	[tilespmem:s30+$0xFFFFFDE0] =	vst v33;
	v33 =	vadd.f32 v38, v25;
	v38 =	vld.idx.msk [tilespmem:v43+s17+$0x0], $0xffff  }
0x365: {  	v43 =	vor.u32 s23, v8;
	[tilespmem:s30+$0xFFFFFE60] =	vst v31;
	v31 =	vadd.f32 v37, v24;
	v37 =	vld.idx.msk [tilespmem:v41+s17+$0x0], $0xffff  }
0x366: {  	v41 =	vor.u32 s21, v8;
	[tilespmem:s30+$0xFFFFFEE0] =	vst v33;
	v33 =	vadd.f32 v36, v22;
	v35 =	vld.idx.msk [tilespmem:v35+s17+$0x0], $0xffff  }
0x367: {  	v36 =	vor.u32 s11, v8;
	[tilespmem:s30+$0xFFFFFF60] =	vst v31;
	v31 =	vadd.f32 v32, v23;
	v32 =	vld.idx.msk [tilespmem:v40+s17+$0x0], $0xffff  }
0x368: {  	v40 =	vld.idx.msk [tilespmem:v44+s17+$0x0], $0xffff;
	v44 =	vor.u32 s16, v8;
	[tilespmem:s30+$0xFFFFFFE0] =	vst v33;
	v33 =	vadd.f32 v34, v21  }
0x369: {  	v34 =	vld.idx.msk [tilespmem:v42+s17+$0x0], $0xffff;
	v42 =	vor.u32 s8, v8;
	[tilespmem:s30+$0x60] =	vst v31;
	v31 =	vadd.f32 v39, v20  }
0x36a: {  	v39 =	vld.idx.msk [tilespmem:v43+s17+$0x0], $0xffff;
	v43 =	vor.u32 s24, v8;
	[tilespmem:s30+$0xE0] =	vst v33;
	v33 =	vadd.f32 v38, v19  }
0x36b: {  	v38 =	vor.u32 s7, v8;
	v41 =	vld.idx.msk [tilespmem:v41+s17+$0x0], $0xffff;
	[tilespmem:s30+$0x160] =	vst v31;
	v31 =	vadd.f32 v37, v18  }
0x36c: {  	v37 =	vld.idx.msk [tilespmem:v36+s17+$0x0], $0xffff;
	v36 =	vor.u32 s22, v8;
	[tilespmem:s30+$0x1E0] =	vst v33;
	v33 =	vadd.f32 v35, v17  }
0x36d: {  	v35 =	vld.idx.msk [tilespmem:v44+s17+$0x0], $0xffff;
	v44 =	vor.u32 s3, v8;
	[tilespmem:s30+$0x260] =	vst v31;
	v31 =	vadd.f32 v32, v16  }
0x36e: {  	v30 =	vadd.f32 v40, v30;
	v32 =	vld.idx.msk [tilespmem:v42+s17+$0x0], $0xffff;
	v42 =	vor.u32 s6, v8;
	[tilespmem:s30+$0x2E0] =	vst v33  }
0x36f: {  	v45 =	vor.u32 s14, v8;
	v33 =	vor.u32 s1, v15;
	v29 =	vadd.f32 v34, v29;
	v43 =	vld.idx.msk [tilespmem:v43+s17+$0x0], $0xffff;
	[tilespmem:s30+$0x3E0] =	vst v31  }
0x370: {  	v47 =	vor.u32 s0, v8;
	v48 =	vor.u32 s2, v8;
	s19 =	sadd.s32 $0x1, s1;
	s23 =	sadd.s32 $0x2, s1;
	v28 =	vadd.f32 v39, v28;
	[tilespmem:s30+$0xFFFFFC70] =	vst v30;
	v46 =	vld.idx.msk [tilespmem:v38+s17+$0x0], $0xffff  }
0x371: {  	s21 =	sadd.s32 $0x3, s1;
	s11 =	sadd.s32 $0x4, s1;
	v40 =	vor.u32 s19, v15;
	v38 =	vor.u32 s23, v15;
	v27 =	vadd.f32 v41, v27;
	[tilespmem:s30+$0xFFFFFCF0] =	vst v29;
	v34 =	vld.idx.msk [tilespmem:v36+s17+$0x0], $0xffff  }
.Ltmp3:
0x372: {  	s16 =	sadd.s32 $0x5, s1;
	s8 =	sadd.s32 $0x6, s1;
	v39 =	vor.u32 s21, v15;
	v36 =	vor.u32 s11, v15;
	v26 =	vadd.f32 v37, v26;
	[tilespmem:s30+$0xFFFFFD70] =	vst v28;
	v31 =	vld.idx.msk [tilespmem:v44+s17+$0x0], $0xffff;
	(pc) =	sbr.rel @p0 .LBB2_5-.Ltmp3, $4  }
0x373: {  	s24 =	sadd.s32 $0x7, s1;
	s7 =	sadd.s32 $0x8, s1;
	v30 =	vor.u32 s8, v15;
	v37 =	vor.u32 s16, v15;
	v29 =	vadd.f32 v35, v25;
	[tilespmem:s30+$0xFFFFFDF0] =	vst v27;
	v25 =	vld.idx.msk [tilespmem:v42+s17+$0x0], $0xffff  }
0x374: {  	s22 =	sadd.s32 $0x9, s1;
	s3 =	sadd.s32 $0xA, s1;
	v35 =	vor.u32 s24, v15;
	v28 =	vor.u32 s7, v15;
	v42 =	vadd.f32 v32, v24;
	[tilespmem:s30+$0xFFFFFE70] =	vst v26;
	v24 =	vld.idx.msk [tilespmem:v45+s17+$0x0], $0xffff  }
0x375: {  	s14 =	sadd.s32 $0xC, s1;
	s0 =	sadd.s32 $0xD, s1;
	s6 =	sadd.s32 $0xB, s1;
	v32 =	vor.u32 s22, v15;
	v27 =	vor.u32 s3, v15;
	v41 =	vadd.f32 v43, v22;
	[tilespmem:s30+$0xFFFFFEF0] =	vst v29;
	v22 =	vld.idx.msk [tilespmem:v47+s17+$0x0], $0xffff  }
0x376: {  	s10 =	sadd.s32 s31, s25;
	s2 =	sadd.s32 $0xF, s31;
	s1 =	sadd.s32 $0x10, s1;
	v26 =	vor.u32 s14, v15;
	v29 =	vor.u32 s6, v15;
	[tilespmem:s30+$0xFFFFFF70] =	vst v42;
	v42 =	vadd.f32 v46, v23;
	v23 =	vld.idx.msk [tilespmem:v48+s17+$0x0], $0xffff  }
0x377: {  	_ =	sdelay $0x3  }
0x378: {  	v33 =	vld.idx.msk [tilespmem:v33+s17+$0x0], $0xffff  }
0x379: {  	v40 =	vld.idx.msk [tilespmem:v40+s17+$0x0], $0xffff  }
0x37a: {  	v38 =	vld.idx.msk [tilespmem:v38+s17+$0x0], $0xffff  }
0x37b: {  	v39 =	vld.idx.msk [tilespmem:v39+s17+$0x0], $0xffff  }
0x37c: {  	v36 =	vld.idx.msk [tilespmem:v36+s17+$0x0], $0xffff  }
0x37d: {  	v37 =	vld.idx.msk [tilespmem:v37+s17+$0x0], $0xffff  }
0x37e: {  	s1 =	sadd.s32 $0x4E, s10;
	s9 =	sadd.s32 $0xE, s31;
	v45 =	vld.idx.msk [tilespmem:v30+s17+$0x0], $0xffff;
	s29 =	sadd.s32 $0x41, s10;
	v63 =	vor.u32 s2, v15  }
0x37f: {  	s20 =	sadd.s32 $0x40, s10;
	v35 =	vld.idx.msk [tilespmem:v35+s17+$0x0], $0xffff;
	v43 =	vmov s1;
	v44 =	vor.u32 s9, v15;
	v47 =	vmov s29;
	s29 =	sadd.s32 $0x46, s10  }
0x380: {  	v55 =	vld.idx.msk [tilespmem:v28+s17+$0x0], $0xffff;
	v46 =	vmov s20;
	v43 =	vand.u32 $0xFFFFFFFE, v43;
	v52 =	vmov s29;
	s29 =	sadd.s32 $0x4F, s10  }
0x381: {  	v59 =	vand.u32 $0xFFFFFFF0, v46;
	v46 =	vld.idx.msk [tilespmem:v27+s17+$0x0], $0xffff;
	v43 =	vbroadcast v43, $0x0;
	v27 =	vmov s29  }
0x382: {  	s4 =	sadd.s32 $0x42, s10;
	s5 =	sadd.s32 $0x43, s10;
	s18 =	sadd.s32 $0x44, s10;
	v62 =	vor.u32 s0, v15;
	v32 =	vld.idx.msk [tilespmem:v32+s17+$0x0], $0xffff;
	v21 =	vadd.f32 v34, v21;
	v20 =	vadd.f32 v31, v20  }
0x383: {  	v57 =	vld.idx.msk [tilespmem:v29+s17+$0x0], $0xffff;
	v48 =	vmov s4;
	v49 =	vmov s5;
	v50 =	vmov s18  }
0x384: {  	s18 =	sadd.s32 $0x49, s10;
	v47 =	vand.u32 $0xFFFFFFF1, v47;
	v61 =	vand.u32 $0xFFFFFFF3, v49;
	v34 =	vbroadcast v59, $0x0;
	v49 =	vld.idx.msk [tilespmem:v63+s17+$0x0], $0xffff  }
0x385: {  	s20 =	sadd.s32 $0x45, s10;
	v28 =	vmov s18;
	v48 =	vand.u32 $0xFFFFFFF2, v48;
	v47 =	vbroadcast v47, $0x0;
	v44 =	vld.idx.msk [tilespmem:v44+s17+$0x0], $0xffff  }
0x386: {  	[tilespmem:s30+$0xFFFFFFF0] =	vst v41;
	v51 =	vmov s20;
	v41 =	vbroadcast v48, $0x0;
	v28 =	vand.u32 $0xFFFFFFF9, v28;
	v15 =	vld.idx.msk [tilespmem:v27+s12+$0x0], $0xffff  }
0x387: {  	s4 =	sadd.s32 $0x47, s10;
	v60 =	vor.u32 s9, v14;
	v28 =	vbroadcast v28, $0x0;
	v63 =	vand.u32 $0xFFFFFFF5, v51;
	v30 =	vld.idx.msk [tilespmem:v43+s12+$0x0], $0xffff  }
0x388: {  	v19 =	vadd.f32 v25, v19;
	v53 =	vmov s4;
	v59 =	vld.idx.msk [tilespmem:v26+s17+$0x0], $0xffff;
	v27 =	vbroadcast v63, $0x0  }
0x389: {  	[tilespmem:s30+$0x70] =	vst v42;
	s20 =	sadd.s32 $0x4A, s10;
	v43 =	vld.idx.msk [tilespmem:v62+s17+$0x0], $0xffff;
	v62 =	vand.u32 $0xFFFFFFF4, v50;
	v50 =	vand.u32 $0xFFFFFFF6, v52;
	v52 =	vand.u32 $0xFFFFFFF7, v53  }
0x38a: {  	[tilespmem:s30+$0xF0] =	vst v21;
	v56 =	vmov s20;
	v53 =	vadd.f32 v24, v18;
	v18 =	vld.idx.msk [tilespmem:v34+s12+$0x0], $0xffff;
	v31 =	vbroadcast v52, $0x0  }
0x38b: {  	[tilespmem:s30+$0x170] =	vst v20;
	v26 =	vbroadcast v61, $0x0;
	v61 =	vadd.f32 v22, v17;
	v17 =	vld.idx.msk [tilespmem:v47+s12+$0x0], $0xffff;
	v29 =	vbroadcast v50, $0x0  }
0x38c: {  	s5 =	sadd.s32 $0x48, s10;
	[tilespmem:s13+$0x1F0] =	vst v19;
	v19 =	vld.idx.msk [tilespmem:v41+s12+$0x0], $0xffff;
	v48 =	vadd.f32 v49, v15;
	v49 =	vand.u32 $0xFFFFFFFA, v56;
	v44 =	vadd.f32 v44, v30  }
0x38d: {  	v54 =	vmov s5;
	s5 =	sadd.s32 $0x4C, s10;
	s18 =	sadd.s32 $0x800, s30;
	[tilespmem:s13+$0x2F0] =	vst v61;
	v63 =	vadd.f32 v23, v16;
	v25 =	vld.idx.msk [tilespmem:v28+s12+$0x0], $0xffff;
	v52 =	vbroadcast v49, $0x0  }
0x38e: {  	v42 =	vmov s5;
	s20 =	sadd.s32 $0x4D, s10;
	v21 =	vld.idx.msk [tilespmem:v27+s12+$0x0], $0xffff;
	[tilespmem:s18+$0x300] =	vst v44;
	v44 =	vbroadcast v62, $0x0;
	v62 =	vand.u32 $0xFFFFFFF8, v54  }
0x38f: {  	[tilespmem:s13+$0x3F0] =	vst v63;
	v54 =	vand.u32 $0xFFFFFFFC, v42;
	v51 =	vld.idx.msk [tilespmem:v60+s17+$0x0], $0xffff;
	v60 =	vmov s20;
	v34 =	vbroadcast v62, $0x0  }
0x390: {  	[tilespmem:s13+$0x270] =	vst v53;
	v53 =	vadd.f32 v33, v18;
	v23 =	vld.idx.msk [tilespmem:v31+s12+$0x0], $0xffff;
	v24 =	vand.u32 $0xFFFFFFFD, v60;
	v60 =	vbroadcast v54, $0x0  }
0x391: {  	v16 =	vld.idx.msk [tilespmem:v26+s12+$0x0], $0xffff;
	v61 =	vadd.f32 v38, v19;
	[tilespmem:s18+$0x380] =	vst v48  }
0x392: {  	s4 =	sadd.s32 $0x4B, s10;
	v47 =	vor.u32 s9, v13;
	v32 =	vadd.f32 v32, v25;
	v22 =	vld.idx.msk [tilespmem:v29+s12+$0x0], $0xffff;
	[tilespmem:s18+$0xFFFFFC00] =	vst v53;
	v62 =	vbroadcast v24, $0x0  }
0x393: {  	v58 =	vmov s4;
	[tilespmem:s18+$0xFFFFFD00] =	vst v61;
	v48 =	vadd.f32 v37, v21;
	v26 =	vld.idx.msk [tilespmem:v52+s12+$0x0], $0xffff  }
0x394: {  	[tilespmem:s18+$0x80] =	vst v32;
	v52 =	vor.u32 s23, v14;
	v20 =	vld.idx.msk [tilespmem:v44+s12+$0x0], $0xffff;
	v50 =	vadd.f32 v51, v30;
	v51 =	vand.u32 $0xFFFFFFFB, v58  }
0x395: {  	v53 =	vor.u32 s21, v14;
	[tilespmem:s18+$0xFFFFFE80] =	vst v48;
	v35 =	vadd.f32 v35, v23;
	v56 =	vbroadcast v51, $0x0;
	v24 =	vld.idx.msk [tilespmem:v34+s12+$0x0], $0xffff  }
0x396: {  	v58 =	vadd.f32 v40, v17;
	[tilespmem:s18+$0x310] =	vst v50;
	v28 =	vld.idx.msk [tilespmem:v60+s12+$0x0], $0xffff  }
0x397: {  	v49 =	vor.u32 s19, v14;
	v40 =	vadd.f32 v39, v16;
	[tilespmem:s18+$0xFFFFFF80] =	vst v35;
	v63 =	vld.idx.msk [tilespmem:v47+s17+$0x0], $0xffff  }
0x398: {  	[tilespmem:s18+$0xFFFFFC80] =	vst v58;
	v50 =	vadd.f32 v45, v22;
	v58 =	vor.u32 s16, v14;
	v29 =	vld.idx.msk [tilespmem:v62+s12+$0x0], $0xffff  }
0x399: {  	[tilespmem:s18+$0xFFFFFD80] =	vst v40;
	v47 =	vor.u32 s31, v14;
	v60 =	vadd.f32 v46, v26;
	v39 =	vld.idx.msk [tilespmem:v52+s17+$0x0], $0xffff  }
0x39a: {  	v48 =	vor.u32 s22, v14;
	v37 =	vld.idx.msk [tilespmem:v53+s17+$0x0], $0xffff;
	[tilespmem:s18+$0xFFFFFF00] =	vst v50;
	v44 =	vadd.f32 v36, v20  }
0x39b: {  	v51 =	vor.u32 s9, v12;
	[tilespmem:s18+$0x100] =	vst v60;
	v54 =	vadd.f32 v55, v24;
	v27 =	vld.idx.msk [tilespmem:v56+s12+$0x0], $0xffff  }
0x39c: {  	v55 =	vor.u32 s11, v14;
	[tilespmem:s18+$0xFFFFFE00] =	vst v44;
	v56 =	vld.idx.msk [tilespmem:v49+s17+$0x0], $0xffff;
	v45 =	vadd.f32 v59, v28  }
0x39d: {  	v61 =	vor.u32 s8, v14;
	v49 =	vld.idx.msk [tilespmem:v58+s17+$0x0], $0xffff;
	v33 =	vadd.f32 v63, v30;
	[tilespmem:s18+$0x0] =	vst v54  }
0x39e: {  	v46 =	vor.u32 s7, v14;
	v34 =	vld.idx.msk [tilespmem:v47+s17+$0x0], $0xffff;
	v47 =	vadd.f32 v43, v29;
	[tilespmem:s18+$0x200] =	vst v45  }
0x39f: {  	v52 =	vor.u32 s3, v14;
	v59 =	vld.idx.msk [tilespmem:v48+s17+$0x0], $0xffff;
	v37 =	vadd.f32 v37, v16;
	[tilespmem:s18+$0x320] =	vst v33  }
0x3a0: {  	v63 =	vor.u32 s24, v14;
	[tilespmem:s18+$0x280] =	vst v47;
	v38 =	vld.idx.msk [tilespmem:v51+s17+$0x0], $0xffff;
	v62 =	vadd.f32 v57, v27  }
0x3a1: {  	[tilespmem:s18+$0xFFFFFD90] =	vst v37;
	v47 =	vor.u32 s19, v13;
	v35 =	vld.idx.msk [tilespmem:v55+s17+$0x0], $0xffff;
	v33 =	vadd.f32 v56, v17  }
0x3a2: {  	v51 =	vld.idx.msk [tilespmem:v61+s17+$0x0], $0xffff;
	v55 =	vor.u32 s6, v14;
	v56 =	vadd.f32 v39, v19;
	[tilespmem:s18+$0x180] =	vst v62  }
0x3a3: {  	v58 =	vor.u32 s14, v14;
	v57 =	vld.idx.msk [tilespmem:v46+s17+$0x0], $0xffff;
	v31 =	vadd.f32 v49, v21;
	[tilespmem:s18+$0xFFFFFC90] =	vst v33  }
0x3a4: {  	v45 =	vor.u32 s31, v13;
	v46 =	vld.idx.msk [tilespmem:v52+s17+$0x0], $0xffff;
	v34 =	vadd.f32 v34, v18;
	[tilespmem:s18+$0xFFFFFD10] =	vst v56  }
0x3a5: {  	v60 =	vor.u32 s0, v14;
	v54 =	vld.idx.msk [tilespmem:v63+s17+$0x0], $0xffff;
	[tilespmem:s18+$0xFFFFFE90] =	vst v31;
	v53 =	vadd.f32 v38, v30  }
0x3a6: {  	v63 =	vor.u32 s2, v14;
	[tilespmem:s18+$0xFFFFFC10] =	vst v34;
	v33 =	vld.idx.msk [tilespmem:v47+s17+$0x0], $0xffff;
	v61 =	vadd.f32 v35, v20  }
0x3a7: {  	v50 =	vor.u32 s9, v11;
	v32 =	vadd.f32 v51, v22;
	v48 =	vld.idx.msk [tilespmem:v55+s17+$0x0], $0xffff;
	[tilespmem:s18+$0x330] =	vst v53  }
0x3a8: {  	v56 =	vor.u32 s21, v13;
	v51 =	vld.idx.msk [tilespmem:v58+s17+$0x0], $0xffff;
	v55 =	vadd.f32 v59, v25;
	[tilespmem:s18+$0xFFFFFE10] =	vst v61  }
0x3a9: {  	v58 =	vld.idx.msk [tilespmem:v45+s17+$0x0], $0xffff;
	v59 =	vor.u32 s11, v13;
	v52 =	vadd.f32 v57, v24;
	[tilespmem:s18+$0xFFFFFF10] =	vst v32  }
0x3aa: {  	v49 =	vadd.f32 v54, v23;
	v53 =	vld.idx.msk [tilespmem:v60+s17+$0x0], $0xffff;
	[tilespmem:s18+$0x90] =	vst v55;
	v61 =	vor.u32 s16, v13  }
0x3ab: {  	v14 =	vld.idx.msk [tilespmem:v63+s17+$0x0], $0xffff;
	v60 =	vadd.f32 v46, v26;
	v63 =	vor.u32 s8, v13;
	[tilespmem:s18+$0x10] =	vst v52  }
0x3ac: {  	v46 =	vor.u32 s24, v13;
	v62 =	vld.idx.msk [tilespmem:v50+s17+$0x0], $0xffff;
	[tilespmem:s18+$0xFFFFFF90] =	vst v49;
	v33 =	vadd.f32 v33, v17  }
0x3ad: {  	v47 =	vor.u32 s7, v13;
	v34 =	vld.idx.msk [tilespmem:v56+s17+$0x0], $0xffff;
	[tilespmem:s18+$0x110] =	vst v60;
	v40 =	vadd.f32 v48, v27  }
0x3ae: {  	v50 =	vor.u32 s23, v13;
	v45 =	vadd.f32 v51, v28;
	v48 =	vld.idx.msk [tilespmem:v59+s17+$0x0], $0xffff;
	[tilespmem:s18+$0xFFFFFCA0] =	vst v33  }
0x3af: {  	v49 =	vor.u32 s22, v13;
	v35 =	vadd.f32 v58, v18;
	[tilespmem:s18+$0x190] =	vst v40;
	v37 =	vld.idx.msk [tilespmem:v61+s17+$0x0], $0xffff  }
0x3b0: {  	v56 =	vor.u32 s14, v13;
	v39 =	vadd.f32 v53, v29;
	[tilespmem:s18+$0x210] =	vst v45;
	v51 =	vld.idx.msk [tilespmem:v63+s17+$0x0], $0xffff  }
0x3b1: {  	v54 =	vor.u32 s9, v10;
	[tilespmem:s18+$0xFFFFFC20] =	vst v35;
	v53 =	vld.idx.msk [tilespmem:v46+s17+$0x0], $0xffff;
	v57 =	vadd.f32 v62, v30  }
0x3b2: {  	v59 =	vor.u32 s0, v13;
	v14 =	vadd.f32 v14, v15;
	v40 =	vld.idx.msk [tilespmem:v47+s17+$0x0], $0xffff;
	[tilespmem:s18+$0x290] =	vst v39  }
0x3b3: {  	v61 =	vor.u32 s2, v13;
	v62 =	vld.idx.msk [tilespmem:v50+s17+$0x0], $0xffff;
	[tilespmem:s18+$0x340] =	vst v57;
	v57 =	vadd.f32 v34, v16  }
0x3b4: {  	v44 =	vor.u32 s19, v12;
	[tilespmem:s18+$0x390] =	vst v14;
	v58 =	vld.idx.msk [tilespmem:v49+s17+$0x0], $0xffff;
	v31 =	vadd.f32 v48, v20  }
0x3b5: {  	v50 =	vor.u32 s3, v13;
	v48 =	vld.idx.msk [tilespmem:v56+s17+$0x0], $0xffff;
	[tilespmem:s18+$0xFFFFFDA0] =	vst v57;
	v14 =	vadd.f32 v51, v22  }
0x3b6: {  	v42 =	vld.idx.msk [tilespmem:v54+s17+$0x0], $0xffff;
	v54 =	vor.u32 s6, v13;
	[tilespmem:s18+$0xFFFFFE20] =	vst v31;
	v46 =	vadd.f32 v53, v23  }
0x3b7: {  	v63 =	vor.u32 s31, v12;
	v36 =	vld.idx.msk [tilespmem:v59+s17+$0x0], $0xffff;
	v49 =	vadd.f32 v40, v24;
	[tilespmem:s18+$0xFFFFFF20] =	vst v14  }
0x3b8: {  	v47 =	vor.u32 s23, v12;
	v13 =	vld.idx.msk [tilespmem:v61+s17+$0x0], $0xffff;
	v32 =	vadd.f32 v62, v19;
	[tilespmem:s18+$0xFFFFFFA0] =	vst v46  }
0x3b9: {  	v59 =	vor.u32 s8, v12;
	v31 =	vld.idx.msk [tilespmem:v44+s17+$0x0], $0xffff;
	v62 =	vadd.f32 v37, v21;
	[tilespmem:s18+$0x20] =	vst v49  }
0x3ba: {  	v60 =	vld.idx.msk [tilespmem:v50+s17+$0x0], $0xffff;
	v50 =	vor.u32 s21, v12;
	v51 =	vadd.f32 v58, v25;
	[tilespmem:s18+$0xFFFFFD20] =	vst v32  }
0x3bb: {  	v61 =	vor.u32 s24, v12;
	[tilespmem:s18+$0xFFFFFEA0] =	vst v62;
	v41 =	vadd.f32 v48, v28;
	v45 =	vld.idx.msk [tilespmem:v54+s17+$0x0], $0xffff  }
0x3bc: {  	v52 =	vor.u32 s9, v9;
	v62 =	vadd.f32 v36, v29;
	v54 =	vld.idx.msk [tilespmem:v63+s17+$0x0], $0xffff;
	[tilespmem:s18+$0xA0] =	vst v51  }
0x3bd: {  	v57 =	vor.u32 s16, v12;
	v55 =	vadd.f32 v42, v30;
	v35 =	vld.idx.msk [tilespmem:v47+s17+$0x0], $0xffff;
	[tilespmem:s18+$0x220] =	vst v41  }
0x3be: {  	v63 =	vor.u32 s7, v12;
	v47 =	vld.idx.msk [tilespmem:v59+s17+$0x0], $0xffff;
	v13 =	vadd.f32 v13, v15;
	[tilespmem:s18+$0x2A0] =	vst v62  }
0x3bf: {  	v46 =	vor.u32 s3, v12;
	v31 =	vadd.f32 v31, v17;
	[tilespmem:s18+$0x350] =	vst v55;
	v53 =	vadd.f32 v60, v26;
	v60 =	vld.idx.msk [tilespmem:v50+s17+$0x0], $0xffff  }
0x3c0: {  	v51 =	vor.u32 s14, v12;
	v50 =	vld.idx.msk [tilespmem:v61+s17+$0x0], $0xffff;
	[tilespmem:s18+$0x3A0] =	vst v13  }
0x3c1: {  	v55 =	vor.u32 s11, v12;
	v38 =	vld.idx.msk [tilespmem:v52+s17+$0x0], $0xffff;
	[tilespmem:s18+$0xFFFFFCB0] =	vst v31;
	v58 =	vadd.f32 v45, v27  }
0x3c2: {  	v44 =	vor.u32 s22, v12;
	[tilespmem:s18+$0x120] =	vst v53;
	v33 =	vadd.f32 v54, v18;
	v45 =	vld.idx.msk [tilespmem:v57+s17+$0x0], $0xffff  }
0x3c3: {  	v48 =	vor.u32 s6, v12;
	v49 =	vadd.f32 v35, v19;
	v53 =	vld.idx.msk [tilespmem:v63+s17+$0x0], $0xffff;
	[tilespmem:s18+$0x1A0] =	vst v58  }
0x3c4: {  	v62 =	vor.u32 s23, v11;
	v59 =	vld.idx.msk [tilespmem:v46+s17+$0x0], $0xffff;
	v13 =	vadd.f32 v47, v22;
	[tilespmem:s18+$0xFFFFFC30] =	vst v33  }
0x3c5: {  	v52 =	vor.u32 s9, v8;
	v63 =	vld.idx.msk [tilespmem:v51+s17+$0x0], $0xffff;
	[tilespmem:s18+$0xFFFFFD30] =	vst v49;
	v41 =	vadd.f32 v50, v23  }
0x3c6: {  	v54 =	vor.u32 s0, v12;
	v37 =	vld.idx.msk [tilespmem:v55+s17+$0x0], $0xffff;
	[tilespmem:s18+$0xFFFFFF30] =	vst v13;
	v56 =	vadd.f32 v38, v30  }
0x3c7: {  	v55 =	vld.idx.msk [tilespmem:v44+s17+$0x0], $0xffff;
	[tilespmem:s18+$0xFFFFFFB0] =	vst v41;
	v14 =	vadd.f32 v45, v21  }
0x3c8: {  	v58 =	vor.u32 s31, v11;
	v61 =	vld.idx.msk [tilespmem:v48+s17+$0x0], $0xffff;
	[tilespmem:s18+$0x360] =	vst v56;
	v43 =	vadd.f32 v53, v24  }
0x3c9: {  	v49 =	vor.u32 s8, v11;
	v31 =	vld.idx.msk [tilespmem:v62+s17+$0x0], $0xffff;
	v48 =	vadd.f32 v59, v26;
	[tilespmem:s18+$0xFFFFFEB0] =	vst v14  }
0x3ca: {  	v42 =	vor.u32 s21, v11;
	v34 =	vld.idx.msk [tilespmem:v52+s17+$0x0], $0xffff;
	v52 =	vadd.f32 v60, v16;
	[tilespmem:s18+$0x30] =	vst v43  }
0x3cb: {  	v56 =	vor.u32 s2, v12;
	v36 =	vld.idx.msk [tilespmem:v54+s17+$0x0], $0xffff;
	v57 =	vadd.f32 v37, v20;
	[tilespmem:s18+$0x130] =	vst v48  }
0x3cc: {  	v44 =	vor.u32 s11, v11;
	v45 =	vadd.f32 v55, v25;
	[tilespmem:s18+$0xFFFFFDB0] =	vst v52  }
0x3cd: {  	v47 =	vor.u32 s16, v11;
	v46 =	vld.idx.msk [tilespmem:v58+s17+$0x0], $0xffff;
	v50 =	vadd.f32 v61, v27;
	[tilespmem:s18+$0xFFFFFE30] =	vst v57  }
0x3ce: {  	v53 =	vor.u32 s7, v11;
	v58 =	vld.idx.msk [tilespmem:v49+s17+$0x0], $0xffff;
	v52 =	vadd.f32 v63, v28;
	[tilespmem:s18+$0xB0] =	vst v45  }
0x3cf: {  	v55 =	vor.u32 s22, v11;
	v31 =	vadd.f32 v31, v19;
	v35 =	vld.idx.msk [tilespmem:v42+s17+$0x0], $0xffff;
	[tilespmem:s18+$0x1B0] =	vst v50  }
0x3d0: {  	v59 =	vor.u32 s6, v11;
	v12 =	vld.idx.msk [tilespmem:v56+s17+$0x0], $0xffff;
	v54 =	vadd.f32 v36, v29;
	[tilespmem:s18+$0x230] =	vst v52  }
0x3d1: {  	v60 =	vor.u32 s19, v11;
	v32 =	vld.idx.msk [tilespmem:v44+s17+$0x0], $0xffff;
	[tilespmem:s18+$0xFFFFFD40] =	vst v31;
	v30 =	vadd.f32 v34, v30  }
0x3d2: {  	v51 =	vor.u32 s24, v11;
	v56 =	vld.idx.msk [tilespmem:v47+s17+$0x0], $0xffff;
	v33 =	vadd.f32 v46, v18;
	[tilespmem:s18+$0x2B0] =	vst v54  }
0x3d3: {  	v61 =	vor.u32 s14, v11;
	v62 =	vld.idx.msk [tilespmem:v53+s17+$0x0], $0xffff;
	v14 =	vadd.f32 v58, v22;
	[tilespmem:s18+$0x370] =	vst v30  }
0x3d4: {  	v63 =	vor.u32 s0, v11;
	v41 =	vld.idx.msk [tilespmem:v55+s17+$0x0], $0xffff;
	[tilespmem:s18+$0xFFFFFC40] =	vst v33;
	v40 =	vadd.f32 v35, v16  }
0x3d5: {  	v57 =	vor.u32 s3, v11;
	v46 =	vld.idx.msk [tilespmem:v59+s17+$0x0], $0xffff;
	[tilespmem:s18+$0xFFFFFF40] =	vst v14;
	v12 =	vadd.f32 v12, v15  }
0x3d6: {  	v44 =	vor.u32 s31, v10;
	v30 =	vld.idx.msk [tilespmem:v60+s17+$0x0], $0xffff;
	v43 =	vadd.f32 v32, v20;
	[tilespmem:s18+$0xFFFFFDC0] =	vst v40  }
0x3d7: {  	v47 =	vor.u32 s23, v10;
	v60 =	vld.idx.msk [tilespmem:v51+s17+$0x0], $0xffff;
	v13 =	vadd.f32 v56, v21;
	[tilespmem:s18+$0x3B0] =	vst v12  }
0x3d8: {  	v49 =	vor.u32 s21, v10;
	v48 =	vld.idx.msk [tilespmem:v61+s17+$0x0], $0xffff;
	v51 =	vadd.f32 v62, v24;
	[tilespmem:s18+$0xFFFFFE40] =	vst v43  }
0x3d9: {  	v42 =	vor.u32 s2, v11;
	v50 =	vld.idx.msk [tilespmem:v63+s17+$0x0], $0xffff;
	[tilespmem:s18+$0xFFFFFEC0] =	vst v13;
	v53 =	vadd.f32 v41, v25  }
0x3da: {  	v52 =	vor.u32 s11, v10;
	v34 =	vld.idx.msk [tilespmem:v57+s17+$0x0], $0xffff;
	[tilespmem:s18+$0x40] =	vst v51;
	v57 =	vadd.f32 v46, v27  }
0x3db: {  	v54 =	vor.u32 s16, v10;
	v32 =	vld.idx.msk [tilespmem:v44+s17+$0x0], $0xffff;
	v30 =	vadd.f32 v30, v17;
	[tilespmem:s18+$0xC0] =	vst v53  }
0x3dc: {  	v56 =	vor.u32 s8, v10;
	v31 =	vld.idx.msk [tilespmem:v47+s17+$0x0], $0xffff;
	v12 =	vadd.f32 v60, v23;
	[tilespmem:s18+$0x1C0] =	vst v57  }
0x3dd: {  	v62 =	vor.u32 s22, v10;
	v13 =	vld.idx.msk [tilespmem:v49+s17+$0x0], $0xffff;
	v59 =	vadd.f32 v48, v28;
	[tilespmem:s18+$0xFFFFFCC0] =	vst v30  }
0x3de: {  	v45 =	vor.u32 s19, v10;
	v11 =	vld.idx.msk [tilespmem:v42+s17+$0x0], $0xffff;
	v61 =	vadd.f32 v50, v29;
	[tilespmem:s18+$0xFFFFFFC0] =	vst v12  }
0x3df: {  	v58 =	vor.u32 s24, v10;
	v33 =	vld.idx.msk [tilespmem:v52+s17+$0x0], $0xffff;
	v55 =	vadd.f32 v34, v26;
	[tilespmem:s18+$0x240] =	vst v59  }
0x3e0: {  	v44 =	vor.u32 s14, v10;
	v63 =	vld.idx.msk [tilespmem:v54+s17+$0x0], $0xffff;
	v32 =	vadd.f32 v32, v18;
	[tilespmem:s18+$0x2C0] =	vst v61  }
0x3e1: {  	v40 =	vor.u32 s3, v10;
	v41 =	vld.idx.msk [tilespmem:v56+s17+$0x0], $0xffff;
	v31 =	vadd.f32 v31, v19;
	[tilespmem:s18+$0x140] =	vst v55  }
0x3e2: {  	v46 =	vor.u32 s0, v10;
	v47 =	vld.idx.msk [tilespmem:v62+s17+$0x0], $0xffff;
	[tilespmem:s18+$0xFFFFFC50] =	vst v32;
	v13 =	vadd.f32 v13, v16  }
0x3e3: {  	v60 =	vor.u32 s7, v10;
	v30 =	vld.idx.msk [tilespmem:v45+s17+$0x0], $0xffff;
	[tilespmem:s18+$0xFFFFFD50] =	vst v31;
	v11 =	vadd.f32 v11, v15  }
0x3e4: {  	v42 =	vor.u32 s6, v10;
	v43 =	vld.idx.msk [tilespmem:v58+s17+$0x0], $0xffff;
	v49 =	vadd.f32 v33, v20;
	[tilespmem:s18+$0xFFFFFDD0] =	vst v13  }
0x3e5: {  	v50 =	vor.u32 s31, v9;
	v36 =	vld.idx.msk [tilespmem:v44+s17+$0x0], $0xffff;
	v51 =	vadd.f32 v63, v21;
	[tilespmem:s18+$0x3C0] =	vst v11  }
0x3e6: {  	v53 =	vor.u32 s23, v9;
	v35 =	vld.idx.msk [tilespmem:v40+s17+$0x0], $0xffff;
	[tilespmem:s18+$0xFFFFFE50] =	vst v49;
	v12 =	vadd.f32 v41, v22  }
0x3e7: {  	v54 =	vor.u32 s21, v9;
	v37 =	vld.idx.msk [tilespmem:v46+s17+$0x0], $0xffff;
	[tilespmem:s18+$0xFFFFFED0] =	vst v51;
	v57 =	vadd.f32 v47, v25  }
0x3e8: {  	v48 =	vor.u32 s2, v10;
	v45 =	vld.idx.msk [tilespmem:v60+s17+$0x0], $0xffff;
	v30 =	vadd.f32 v30, v17;
	[tilespmem:s18+$0xFFFFFF50] =	vst v12  }
0x3e9: {  	v56 =	vor.u32 s11, v9;
	v34 =	vld.idx.msk [tilespmem:v42+s17+$0x0], $0xffff;
	v11 =	vadd.f32 v43, v23;
	[tilespmem:s18+$0xD0] =	vst v57  }
0x3ea: {  	v59 =	vor.u32 s16, v9;
	v58 =	vld.idx.msk [tilespmem:v50+s17+$0x0], $0xffff;
	v40 =	vadd.f32 v36, v28;
	[tilespmem:s18+$0xFFFFFCD0] =	vst v30  }
0x3eb: {  	v61 =	vor.u32 s8, v9;
	v31 =	vld.idx.msk [tilespmem:v53+s17+$0x0], $0xffff;
	v60 =	vadd.f32 v35, v26;
	[tilespmem:s18+$0xFFFFFFD0] =	vst v11  }
0x3ec: {  	v52 =	vor.u32 s19, v9;
	v13 =	vld.idx.msk [tilespmem:v54+s17+$0x0], $0xffff;
	v42 =	vadd.f32 v37, v29;
	[tilespmem:s18+$0x250] =	vst v40  }
0x3ed: {  	v63 =	vor.u32 s24, v9;
	v10 =	vld.idx.msk [tilespmem:v48+s17+$0x0], $0xffff;
	v55 =	vadd.f32 v45, v24;
	[tilespmem:s18+$0x150] =	vst v60  }
0x3ee: {  	v49 =	vor.u32 s14, v9;
	v32 =	vld.idx.msk [tilespmem:v56+s17+$0x0], $0xffff;
	v62 =	vadd.f32 v34, v27;
	[tilespmem:s18+$0x2D0] =	vst v42  }
0x3ef: {  	v41 =	vor.u32 s7, v9;
	v44 =	vld.idx.msk [tilespmem:v59+s17+$0x0], $0xffff;
	v30 =	vadd.f32 v58, v18;
	[tilespmem:s18+$0x50] =	vst v55  }
0x3f0: {  	v43 =	vor.u32 s22, v9;
	v46 =	vld.idx.msk [tilespmem:v61+s17+$0x0], $0xffff;
	v50 =	vadd.f32 v31, v19;
	[tilespmem:s18+$0x1D0] =	vst v62  }
0x3f1: {  	v47 =	vor.u32 s6, v9;
	v14 =	vld.idx.msk [tilespmem:v52+s17+$0x0], $0xffff;
	[tilespmem:s18+$0xFFFFFC60] =	vst v30;
	v13 =	vadd.f32 v13, v16  }
0x3f2: {  	v56 =	vor.u32 s31, v8;
	v48 =	vld.idx.msk [tilespmem:v63+s17+$0x0], $0xffff;
	v10 =	vadd.f32 v10, v15;
	[tilespmem:s18+$0xFFFFFD60] =	vst v50  }
0x3f3: {  	v45 =	vor.u32 s3, v9;
	v34 =	vld.idx.msk [tilespmem:v49+s17+$0x0], $0xffff;
	v55 =	vadd.f32 v32, v20;
	[tilespmem:s18+$0xFFFFFDE0] =	vst v13  }
0x3f4: {  	v58 =	vor.u32 s23, v8;
	v51 =	vld.idx.msk [tilespmem:v41+s17+$0x0], $0xffff;
	v12 =	vadd.f32 v44, v21;
	[tilespmem:s18+$0x3D0] =	vst v10  }
0x3f5: {  	v59 =	vor.u32 s21, v8;
	v53 =	vld.idx.msk [tilespmem:v43+s17+$0x0], $0xffff;
	[tilespmem:s18+$0xFFFFFE60] =	vst v55;
	v11 =	vadd.f32 v46, v22  }
0x3f6: {  	v52 =	vor.u32 s0, v9;
	v35 =	vld.idx.msk [tilespmem:v47+s17+$0x0], $0xffff;
	[tilespmem:s18+$0xFFFFFEE0] =	vst v12;
	v14 =	vadd.f32 v14, v17  }
0x3f7: {  	v54 =	vor.u32 s2, v9;
	v32 =	vld.idx.msk [tilespmem:v56+s17+$0x0], $0xffff;
	v10 =	vadd.f32 v48, v23;
	[tilespmem:s18+$0xFFFFFF60] =	vst v11  }
0x3f8: {  	v61 =	vor.u32 s11, v8;
	v33 =	vld.idx.msk [tilespmem:v45+s17+$0x0], $0xffff;
	v43 =	vadd.f32 v34, v28;
	[tilespmem:s18+$0xFFFFFCE0] =	vst v14  }
0x3f9: {  	v63 =	vor.u32 s16, v8;
	v30 =	vld.idx.msk [tilespmem:v58+s17+$0x0], $0xffff;
	v60 =	vadd.f32 v51, v24;
	[tilespmem:s18+$0xFFFFFFE0] =	vst v10  }
0x3fa: {  	v40 =	vor.u32 s8, v8;
	v12 =	vld.idx.msk [tilespmem:v59+s17+$0x0], $0xffff;
	v62 =	vadd.f32 v53, v25;
	[tilespmem:s18+$0x260] =	vst v43  }
0x3fb: {  	v57 =	vor.u32 s19, v8;
	v36 =	vld.idx.msk [tilespmem:v52+s17+$0x0], $0xffff;
	v41 =	vadd.f32 v35, v27;
	[tilespmem:s18+$0x60] =	vst v60  }
0x3fc: {  	v42 =	vor.u32 s24, v8;
	v9 =	vld.idx.msk [tilespmem:v54+s17+$0x0], $0xffff;
	v18 =	vadd.f32 v32, v18;
	[tilespmem:s18+$0xE0] =	vst v62  }
0x3fd: {  	v44 =	vor.u32 s7, v8;
	v31 =	vld.idx.msk [tilespmem:v61+s17+$0x0], $0xffff;
	v39 =	vadd.f32 v33, v26;
	[tilespmem:s18+$0x1E0] =	vst v41  }
0x3fe: {  	v46 =	vor.u32 s22, v8;
	v14 =	vld.idx.msk [tilespmem:v63+s17+$0x0], $0xffff;
	[tilespmem:s18+$0xFFFFFC70] =	vst v18;
	v52 =	vadd.f32 v30, v19  }
0x3ff: {  	v48 =	vor.u32 s6, v8;
	v49 =	vld.idx.msk [tilespmem:v40+s17+$0x0], $0xffff;
	v12 =	vadd.f32 v12, v16;
	[tilespmem:s18+$0x160] =	vst v39  }
0x400: {  	v47 =	vor.u32 s3, v8;
	v13 =	vld.idx.msk [tilespmem:v57+s17+$0x0], $0xffff;
	v45 =	vadd.f32 v36, v29;
	[tilespmem:s18+$0xFFFFFD70] =	vst v52  }
0x401: {  	v50 =	vor.u32 s14, v8;
	v51 =	vld.idx.msk [tilespmem:v42+s17+$0x0], $0xffff;
	v9 =	vadd.f32 v9, v15;
	[tilespmem:s18+$0xFFFFFDF0] =	vst v12  }
0x402: {  	v54 =	vld.idx.msk [tilespmem:v44+s17+$0x0], $0xffff;
	v56 =	vadd.f32 v31, v20;
	[tilespmem:s18+$0x2E0] =	vst v45  }
0x403: {  	v55 =	vld.idx.msk [tilespmem:v46+s17+$0x0], $0xffff;
	[tilespmem:s18+$0x3E0] =	vst v9;
	v57 =	vadd.f32 v14, v21  }
0x404: {  	v53 =	vor.u32 s0, v8;
	v10 =	vld.idx.msk [tilespmem:v48+s17+$0x0], $0xffff;
	[tilespmem:s18+$0xFFFFFE70] =	vst v56;
	v58 =	vadd.f32 v49, v22  }
0x405: {  	v8 =	vor.u32 s2, v8;
	v11 =	vld.idx.msk [tilespmem:v47+s17+$0x0], $0xffff;
	v13 =	vadd.f32 v13, v17;
	[tilespmem:s18+$0xFFFFFEF0] =	vst v57  }
0x406: {  	v9 =	vld.idx.msk [tilespmem:v50+s17+$0x0], $0xffff;
	v59 =	vadd.f32 v51, v23;
	[tilespmem:s18+$0xFFFFFF70] =	vst v58  }
0x407: {  	[tilespmem:s18+$0xFFFFFCF0] =	vst v13;
	v61 =	vadd.f32 v54, v24  }
0x408: {  	[tilespmem:s18+$0xFFFFFFF0] =	vst v59;
	v62 =	vadd.f32 v55, v25  }
0x409: {  	v60 =	vld.idx.msk [tilespmem:v53+s17+$0x0], $0xffff;
	v10 =	vadd.f32 v10, v27;
	[tilespmem:s18+$0x70] =	vst v61  }
0x40a: {  	v8 =	vld.idx.msk [tilespmem:v8+s17+$0x0], $0xffff;
	v11 =	vadd.f32 v11, v26;
	[tilespmem:s18+$0xF0] =	vst v62  }
0x40b: {  	v9 =	vadd.f32 v9, v28;
	[tilespmem:s18+$0x1F0] =	vst v10  }
0x40c: {  	[tilespmem:s18+$0x170] =	vst v11  }
0x40d: {  	s22 =	rddreg [dreg:$0xa];
	[tilespmem:s18+$0x270] =	vst v9  }
.Ltmp4:
0x40e: {  	v63 =	vadd.f32 v60, v29;
	s0 =	sshll.u32 s22, $0x12;
	s23 =	rddreg [dreg:$0x5];
	(pc) =	sbr.rel @p1 .LBB2_8-.Ltmp4, $4  }
0x40f: {  	v8 =	vadd.f32 v8, v15;
	s0 =	sor.u32 s23, s0  }
0x410: {  	s30 =	simm.s32 $0x8000;
	s24 =	rddreg [dreg:$0x2];
	[tilespmem:s18+$0x2F0] =	vst v63;
	s0 =	sshrl.u32 s0, $0x3  }
0x411: {  	s29 =	simm.s32 $0x400;
	s31 =	simm.s32 $0x13600;
	[tilespmem:s18+$0x3F0] =	vst v8;
	s0 =	sadd.s32 s24, s0  }
0x412: {  	[hbm4b:s0+s29] =	stream.strided.scatter [tilespmem:s31], [sflag:$0x4], $0x2000, s30, s29, $0x38;
	[tilespmem:$0x15700] =	vst v63  }
0x413: {  	v8 =	vld [tilespmem:s28+$0x180];
	_ =	sdelay $0x4  }
0x414: {  	v9 =	vshrl.u32 v8, $0x1  }
0x415: {  	v8 =	vand.u32 $0x7F, v8;
	v9 =	vand.u32 $0x7FFFFF80, v9  }
0x416: {  	v8 =	vor.u32 v8, v9  }
0x417: {  	[tilespmem:$0x15680] =	vst v8  }
0x418: {  	v8 =	vld [tilespmem:s28+$0x190];
	_ =	sdelay $0x4  }
0x419: {  	v57 =	vshrl.u32 v8, $0x1  }
0x41a: {  	v8 =	vand.u32 $0x7F, v8;
	v9 =	vand.u32 $0x7FFFFF80, v57  }
0x41b: {  	v8 =	vor.u32 v8, v9  }
0x41c: {  	[tilespmem:$0x15690] =	vst v8  }
0x41d: {  	v8 =	vld [tilespmem:s28+$0x1A0];
	_ =	sdelay $0x4  }
0x41e: {  	v58 =	vshrl.u32 v8, $0x1  }
0x41f: {  	v8 =	vand.u32 $0x7F, v8;
	v9 =	vand.u32 $0x7FFFFF80, v58  }
0x420: {  	v8 =	vor.u32 v8, v9  }
0x421: {  	[tilespmem:$0x156A0] =	vst v8  }
0x422: {  	v8 =	vld [tilespmem:s28+$0x1B0];
	_ =	sdelay $0x4  }
0x423: {  	v59 =	vshrl.u32 v8, $0x1  }
0x424: {  	v8 =	vand.u32 $0x7F, v8;
	v9 =	vand.u32 $0x7FFFFF80, v59  }
0x425: {  	v8 =	vor.u32 v8, v9  }
0x426: {  	[tilespmem:$0x156B0] =	vst v8  }
0x427: {  	v8 =	vld [tilespmem:s28+$0x1C0];
	_ =	sdelay $0x4  }
0x428: {  	v60 =	vshrl.u32 v8, $0x1  }
0x429: {  	v8 =	vand.u32 $0x7F, v8;
	v9 =	vand.u32 $0x7FFFFF80, v60  }
0x42a: {  	v8 =	vor.u32 v8, v9  }
0x42b: {  	[tilespmem:$0x156C0] =	vst v8  }
0x42c: {  	v8 =	vld [tilespmem:s28+$0x1D0];
	_ =	sdelay $0x4  }
0x42d: {  	v61 =	vshrl.u32 v8, $0x1  }
0x42e: {  	v8 =	vand.u32 $0x7F, v8;
	v9 =	vand.u32 $0x7FFFFF80, v61  }
0x42f: {  	v8 =	vor.u32 v8, v9  }
0x430: {  	[tilespmem:$0x156D0] =	vst v8  }
0x431: {  	v8 =	vld [tilespmem:s28+$0x1E0];
	_ =	sdelay $0x4  }
0x432: {  	v62 =	vshrl.u32 v8, $0x1  }
0x433: {  	v8 =	vand.u32 $0x7F, v8;
	v9 =	vand.u32 $0x7FFFFF80, v62  }
0x434: {  	v8 =	vor.u32 v8, v9  }
0x435: {  	[tilespmem:$0x156E0] =	vst v8  }
0x436: {  	v8 =	vld [tilespmem:s28+$0x1F0];
	_ =	sdelay $0x4  }
.Ltmp5:
0x437: {  	v63 =	vshrl.u32 v8, $0x1;
	(pc) =	sbr.rel .LBB2_2-.Ltmp5, $4  }
0x438: {  	v8 =	vand.u32 $0x7F, v8;
	v9 =	vand.u32 $0x7FFFFF80, v63  }
0x439: {  	s0 =	rddreg [dreg:$0x4];
	s1 =	simm.s32 $0x80;
	v8 =	vor.u32 v8, v9  }
0x43a: {  	s2 =	simm.s32 $0x15680;
	s26 =	sadd.s32 $0x1, s26;
	s25 =	sadd.s32 $0x80, s25;
	[tilespmem:$0x156F0] =	vst v8  }
0x43b: {  	[tilespmem:s17], [sflag:$0x2] =	stream.indirect.gather [hbm4b:s0+s1], $0x80, s2, s1, $0xb8;
	[tilespmem:$0x15700] =	vst v63  }
.LBB2_9:
0x43c: {  	_ =	sfence.sel $0x180000  }
0x43d: {  	[bflag:$0x0] =	sbarrier.arrive $0xFFFF  }
0x43e: {  	_ =	strace $0x90000047  }
0x43f: {  	s0 =	stileid.u32;
	[bflag:$0x2] =	sbarrier.arrive $0xFFFF  }
0x440: {  	p0 =	sne.s32 s0, $0x0;
	s0 =	rddreg [dreg:$0x3]  }
0x441: {  	s0 =	sadd.s32 @!p0 $0x100000, s0  }
0x442: {  	[sflag:s0] =	ssyncadd.tile.s32 @!p0 $0x1;
	_ =	shalt  }
.Lfunc_end2:
_tile_overlayer_lowered:
.L_overlay_start_2:
0x443: {  	(tag) =	ssettag $0x2  }
0x444: {  	s0 =	rddreg [dreg:$0x0];
	s2 =	stileid.u32  }
0x445: {  	s1 =	rddreg [dreg:$0x1];
	p0 =	sne.s32 s2, $0x0  }
0x446: {  	s3 =	rddreg [dreg:$0x2];
	[bflag:$0x3] =	sbarrier.arrive $0xFFFF;
	s2 =	simm.s32 @!p0 $0x1C05  }
0x447: {  	[timem:s3], [sflag:s2] =	dma.local @!p0 [hbm:s0], s1  }
0x448: {  	s0 =	simm.s32 @!p0 $0x5  }
0x449: {  	_ =	swait.ge @!p0 [sflag:s0], s1  }
0x44a: {  	s1 =	ssub.s32 @!p0 $0x0, s1;
	[sflag:s0] =	ssyncset.done @!p0 $0x0  }
0x44b: {  	[sflag:s0] =	ssyncadd.s32 @!p0 s1  }
0x44c: {  	[bflag:$0x3] =	sbarrier.arrive $0xFFFF  }
0x44d: {  	_ =	shalt  }

</sc_bundles>
